<compile_context>
chip_gen: v7x
topology: tpu7x:2x2x1
jax: 0.10.2.dev20260603
libtpu: 0.0.44.dev20260713+nightly
codegen_flags: <defaults>
</compile_context>

<pallas_src>
import functools

import jax
import jax.numpy as jnp
from jax import lax
from jax.experimental import pallas as pl
from jax.experimental.pallas import tpu as pltpu
from jax.experimental.pallas import tpu_sc as plsc

NA = 50000
NR = 6250
EA = 800000
EAR = 50000
ER = 187500
NS = 16
L = 16
CH = 80
ER_P = 2344 * CH
NCA = 6320
NRP = 6256

f32 = jnp.float32
_mesh = plsc.VectorSubcoreMesh(core_axis_name="c", subcore_axis_name="s")
_sc_params = pltpu.CompilerParams(use_tc_tiling_on_sc=False)



def _gate_body(ea_ref, w_ref, o_ref):
    o_ref[...] = jnp.maximum(
        jnp.dot(ea_ref[...], w_ref[...], preferred_element_type=f32), 0.0)


def _gate(edge_attr, W_edge):
    B = 2000
    return pl.pallas_call(
        _gate_body,
        grid=(EA // B,),
        in_specs=[pl.BlockSpec((B, 32), lambda i: (i, 0)),
                  pl.BlockSpec((32, 16), lambda i: (0, 0))],
        out_specs=pl.BlockSpec((B, 16), lambda i: (i, 0)),
        out_shape=jax.ShapeDtypeStruct((EA, 16), f32),
    )(edge_attr, W_edge)


def _upd_body(x_ref, g_ref, w_ref, o_ref):
    x = x_ref[0]
    g = g_ref[0]
    w = w_ref[...]
    a = jnp.dot(g[:, :16], w, preferred_element_type=f32)
    b = jnp.dot(g[:, 16:], w, preferred_element_type=f32)
    o_ref[0] = x + jnp.concatenate([a, b], axis=1)


def _upd(x_st, g_st, w):
    B = 2000
    return pl.pallas_call(
        _upd_body,
        grid=(2, NA // B),
        in_specs=[pl.BlockSpec((1, B, 32), lambda h, i: (h, i, 0)),
                  pl.BlockSpec((1, B, 32), lambda h, i: (h, i, 0)),
                  pl.BlockSpec((16, 16), lambda h, i: (0, 0))],
        out_specs=pl.BlockSpec((1, B, 32), lambda h, i: (h, i, 0)),
        out_shape=jax.ShapeDtypeStruct((2, NA, 32), f32),
    )(x_st, g_st, w)


def _res_body(ragg_ref, rf_ref, wa_ref, wm_ref, rhlo_ref, rhhi_ref, t_ref):
    wa = wa_ref[...]
    wm = wm_ref[...]
    rlo = ragg_ref[0:NR, :]
    rhi = ragg_ref[NRP:NRP + NR, :]
    rf = rf_ref[...]

    def fuse(rc, fc):
        return jnp.dot(jnp.concatenate([rc, fc], axis=1), wa,
                       preferred_element_type=f32)

    f0 = fuse(rlo[:, :16], rf[:, 0:32])
    f1 = fuse(rlo[:, 16:], rf[:, 32:64])
    f2 = fuse(rhi[:, :16], rf[:, 64:96])
    f3 = fuse(rhi[:, 16:], rf[:, 96:128])
    rhlo_ref[...] = jnp.concatenate([f0, f1], axis=1)
    rhhi_ref[...] = jnp.concatenate([f2, f3], axis=1)
    t = jnp.dot(f0, wm, preferred_element_type=f32)
    t_ref[0:NR, :] = t[:, :16]
    t_ref[NR:2 * NR, :] = t[:, 16:]


def _res(ragg, rf2d, W_a2r, W_res_msg):
    return pl.pallas_call(
        _res_body,
        out_shape=(jax.ShapeDtypeStruct((NR, 64), f32),
                   jax.ShapeDtypeStruct((NR, 64), f32),
                   jax.ShapeDtypeStruct((2 * NR, 16), f32)),
    )(ragg, rf2d, W_a2r, W_res_msg)


def _caimp_body(rhlo_ref, rhhi_ref, sagg_ref, ca_ref, wr_ref, o_ref):
    wr = wr_ref[...]
    rhlo = rhlo_ref[...]
    rhhi = rhhi_ref[...]
    sagg = jnp.concatenate([sagg_ref[0:NR, :], sagg_ref[NRP:NRP + NR, :]],
                           axis=1)
    s_new = rhlo[:, :32] + sagg
    calo = ca_ref[0:NR, :]
    cahi = ca_ref[NCA:NCA + NR, :]

    def imp(cac, rc):
        return jnp.dot(jnp.concatenate([cac, rc], axis=1), wr,
                       preferred_element_type=f32)

    i0 = imp(calo[:, :16], s_new)
    i1 = imp(calo[:, 16:], rhlo[:, 32:])
    i2 = imp(cahi[:, :16], rhhi[:, :32])
    i3 = imp(cahi[:, 16:], rhhi[:, 32:])
    o_ref[0:NR, :] = jnp.concatenate([i0, i1], axis=1)
    o_ref[NCA:NCA + NR, :] = jnp.concatenate([i2, i3], axis=1)


def _caimp(rh_lo, rh_hi, sagg, ca_st, W_r2a):
    return pl.pallas_call(
        _caimp_body,
        out_shape=jax.ShapeDtypeStruct((2 * NCA, 32), f32),
    )(rh_lo, rh_hi, sagg, ca_st, W_r2a)


def _final_body(xl_ref, xh_ref, gl_ref, gh_ref, w_ref, o_ref):
    w = w_ref[...]

    def half(x, g):
        a = jnp.dot(g[:, :16], w, preferred_element_type=f32)
        b = jnp.dot(g[:, 16:], w, preferred_element_type=f32)
        return x + jnp.concatenate([a, b], axis=1)

    o_ref[...] = jnp.concatenate([half(xl_ref[...], gl_ref[...]),
                                  half(xh_ref[...], gh_ref[...])], axis=1)


def _final(ah2, agg2, w):
    B = 2000
    lo = lambda i: (i, 0)
    hi = lambda i: (i + NA // B, 0)
    return pl.pallas_call(
        _final_body,
        grid=(NA // B,),
        in_specs=[pl.BlockSpec((B, 32), lo), pl.BlockSpec((B, 32), hi),
                  pl.BlockSpec((B, 32), lo), pl.BlockSpec((B, 32), hi),
                  pl.BlockSpec((16, 16), lambda i: (0, 0))],
        out_specs=pl.BlockSpec((B, 64), lo),
        out_shape=jax.ShapeDtypeStruct((NA, 64), f32),
    )(ah2, ah2, agg2, agg2, w)



def _zero_vmem(zbuf):
    nrows = zbuf.shape[0]

    @pl.loop(0, nrows)
    def _(e):
        zbuf[e, 0:16] = jnp.zeros((16,), f32)
        if zbuf.shape[1] == 32:
            zbuf[e, 16:32] = jnp.zeros((16,), f32)


def _zero_acc(sid, zbuf, acc, nchunks):
    _zero_vmem(zbuf)
    zr = zbuf.shape[0]

    @pl.loop(sid, nchunks, step=NS)
    def _(i):
        pltpu.sync_copy(zbuf, acc.at[pl.ds(i * zr, zr)])


def _edge_pass(cid, sid, tab, gate, src, dst, acc,
               sidx, didx, gatev, rows, sem, nchunks):
    bias = cid * NA

    @pl.loop(sid, nchunks, step=NS)
    def _(k):
        off = k * CH
        pltpu.sync_copy(src.at[pl.ds(off, CH)], sidx)
        pltpu.sync_copy(dst.at[pl.ds(off, CH)], didx)
        pltpu.sync_copy(gate.at[pl.ds(off, CH)], gatev)
        for j in range(CH // L):
            sidx[pl.ds(j * L, L)] = sidx[pl.ds(j * L, L)] + bias
        pltpu.async_copy(tab.at[sidx], rows, sem).wait()

        @pl.loop(0, CH)
        def _(e):
            g = gatev[e, 0:16]
            rows[e, 0:16] = rows[e, 0:16] * g
            rows[e, 16:32] = rows[e, 16:32] * g

        pltpu.sync_copy(rows, acc.at[didx], add=True)


def _acc_writeout(sid, acc, out, nchunks, rows, out_base):
    @pl.loop(sid, nchunks, step=NS)
    def _(i):
        pltpu.sync_copy(acc.at[pl.ds(i * rows, rows)],
                        out.at[pl.ds(out_base + i * rows, rows)])



def _sc_a2a_body(tab, gate, src, dst, out, sidx, didx, gatev, rows, zbuf,
                 acc, sem):
    cid = lax.axis_index("c")
    sid = lax.axis_index("s")
    _zero_acc(sid, zbuf, acc, 250)
    plsc.subcore_barrier()
    _edge_pass(cid, sid, tab, gate, src, dst, acc,
               sidx, didx, gatev, rows, sem, EA // CH)
    plsc.subcore_barrier()
    _acc_writeout(sid, acc, out, 250, 200, cid * NA)


_sc_a2a = pl.kernel(
    _sc_a2a_body,
    out_type=jax.ShapeDtypeStruct((2 * NA, 32), f32),
    mesh=_mesh,
    compiler_params=_sc_params,
    scratch_types=[pltpu.VMEM((CH,), jnp.int32), pltpu.VMEM((CH,), jnp.int32),
                   pltpu.VMEM((CH, 16), f32), pltpu.VMEM((CH, 32), f32),
                   pltpu.VMEM((200, 32), f32),
                   pltpu.VMEM_SHARED((NA, 32), f32),
                   pltpu.SemaphoreType.DMA],
)



def _sc_a2r_body(tab, asrc, adst, out, sidx, didx, rows, zbuf, acc, sem):
    cid = lax.axis_index("c")
    sid = lax.axis_index("s")
    _zero_acc(sid, zbuf, acc, 17)
    plsc.subcore_barrier()
    bias = cid * NA

    @pl.loop(sid, EAR // CH, step=NS)
    def _(k):
        off = k * CH
        pltpu.sync_copy(asrc.at[pl.ds(off, CH)], sidx)
        pltpu.sync_copy(adst.at[pl.ds(off, CH)], didx)
        for j in range(CH // L):
            sidx[pl.ds(j * L, L)] = sidx[pl.ds(j * L, L)] + bias
        pltpu.async_copy(tab.at[sidx], rows, sem).wait()
        pltpu.sync_copy(rows, acc.at[didx], add=True)

    plsc.subcore_barrier()
    _acc_writeout(sid, acc, out, 17, 368, cid * NRP)


_sc_a2r = pl.kernel(
    _sc_a2r_body,
    out_type=jax.ShapeDtypeStruct((2 * NRP, 32), f32),
    mesh=_mesh,
    compiler_params=_sc_params,
    scratch_types=[pltpu.VMEM((CH,), jnp.int32), pltpu.VMEM((CH,), jnp.int32),
                   pltpu.VMEM((CH, 32), f32), pltpu.VMEM((368, 32), f32),
                   pltpu.VMEM_SHARED((NRP, 32), f32),
                   pltpu.SemaphoreType.DMA],
)



def _sc_res_body(t_tab, rsrc, rdst, ah_tab, ca_g, sagg_out, ca_out,
                 sidx, didx, rows16, carows, zbuf, acc, sem):
    cid = lax.axis_index("c")
    sid = lax.axis_index("s")
    _zero_acc(sid, zbuf, acc, 17)
    plsc.subcore_barrier()

    @pl.loop(sid, NCA // CH, step=NS)
    def _(k):
        off = k * CH
        pltpu.sync_copy(ca_g.at[pl.ds(off, CH)], sidx)
        for j in range(CH // L):
            sidx[pl.ds(j * L, L)] = sidx[pl.ds(j * L, L)] + cid * NA
        pltpu.async_copy(ah_tab.at[sidx], carows, sem).wait()
        pltpu.sync_copy(carows, ca_out.at[pl.ds(cid * NCA + off, CH)])

    @pl.loop(sid, ER_P // CH, step=NS)
    def _(k):
        off = k * CH
        pltpu.sync_copy(rsrc.at[pl.ds(off, CH)], sidx)
        pltpu.sync_copy(rdst.at[pl.ds(off, CH)], didx)
        for j in range(CH // L):
            sidx[pl.ds(j * L, L)] = sidx[pl.ds(j * L, L)] + cid * NR

        pltpu.async_copy(t_tab.at[sidx], rows16, sem).wait()

        @pl.loop(0, CH)
        def _(e):
            rows16[e, 0:16] = jnp.maximum(rows16[e, 0:16], 0.0)

        pltpu.sync_copy(rows16, acc.at[didx], add=True)

    plsc.subcore_barrier()
    _acc_writeout(sid, acc, sagg_out, 17, 368, cid * NRP)


_sc_res = pl.kernel(
    _sc_res_body,
    out_type=(jax.ShapeDtypeStruct((2 * NRP, 16), f32),
              jax.ShapeDtypeStruct((2 * NCA, 32), f32)),
    mesh=_mesh,
    compiler_params=_sc_params,
    scratch_types=[pltpu.VMEM((CH,), jnp.int32), pltpu.VMEM((CH,), jnp.int32),
                   pltpu.VMEM((CH, 16), f32), pltpu.VMEM((CH, 32), f32),
                   pltpu.VMEM((368, 16), f32),
                   pltpu.VMEM_SHARED((NRP, 16), f32),
                   pltpu.SemaphoreType.DMA],
)



def _sc_h_body(ah, gate, src, dst, casc, caimp, ah2, agg2,
               sidx, didx, gatev, rows, zbuf, vbuf, acc, sem):
    cid = lax.axis_index("c")
    sid = lax.axis_index("s")
    _zero_acc(sid, zbuf, acc, 250)

    @pl.loop(sid, 250, step=NS)
    def _(i):
        r = cid * NA + i * 200
        pltpu.sync_copy(ah.at[pl.ds(r, 200)], vbuf)
        pltpu.sync_copy(vbuf, ah2.at[pl.ds(r, 200)])

    plsc.subcore_barrier()

    @pl.loop(sid, NCA // CH, step=NS)
    def _(k):
        off = k * CH
        pltpu.sync_copy(casc.at[pl.ds(off, CH)], sidx)
        for j in range(CH // L):
            v = sidx[pl.ds(j * L, L)]
            sidx[pl.ds(j * L, L)] = jnp.where(v < NA, v + cid * NA, 2 * NA)
        pltpu.sync_copy(caimp.at[pl.ds(cid * NCA + off, CH)], rows)
        pltpu.sync_copy(rows, ah2.at[sidx])

    plsc.subcore_barrier()
    _edge_pass(cid, sid, ah2, gate, src, dst, acc,
               sidx, didx, gatev, rows, sem, EA // CH)
    plsc.subcore_barrier()
    _acc_writeout(sid, acc, agg2, 250, 200, cid * NA)


_sc_h = pl.kernel(
    _sc_h_body,
    out_type=(jax.ShapeDtypeStruct((2 * NA + 8, 32), f32),
              jax.ShapeDtypeStruct((2 * NA, 32), f32)),
    mesh=_mesh,
    compiler_params=_sc_params,
    scratch_types=[pltpu.VMEM((CH,), jnp.int32), pltpu.VMEM((CH,), jnp.int32),
                   pltpu.VMEM((CH, 16), f32), pltpu.VMEM((CH, 32), f32),
                   pltpu.VMEM((200, 32), f32), pltpu.VMEM((200, 32), f32),
                   pltpu.VMEM_SHARED((NA, 32), f32),
                   pltpu.SemaphoreType.DMA],
)



def kernel(atom_feats, res_feats, edge_attr, edge_index, a2r_edge_index,
           res_edge_index, ca_idx, W_edge, W_atom_upd, W_a2r, W_res_msg,
           W_r2a, W_out):
    af = atom_feats.reshape(NA, 64)
    af_st = jnp.concatenate([af[:, :32], af[:, 32:]], axis=0)
    src = edge_index[0]
    dst = edge_index[1]
    asrc = a2r_edge_index[0]
    adst = a2r_edge_index[1]
    rsrc = jnp.pad(res_edge_index[0], (0, ER_P - ER))
    rdst = jnp.pad(res_edge_index[1], (0, ER_P - ER), constant_values=NR)
    r_ids = jnp.arange(NR, dtype=jnp.int32)
    win = jnp.full((NA,), -1, jnp.int32).at[ca_idx].max(r_ids)
    ca_sc = jnp.where(win[ca_idx] == r_ids, ca_idx, NA)
    ca_sc_p = jnp.pad(ca_sc, (0, NCA - NR), constant_values=NA)
    ca_g_p = jnp.pad(ca_idx, (0, NCA - NR))
    rf2d = res_feats.reshape(NR, 128)

    gate = _gate(edge_attr, W_edge)
    agg = _sc_a2a(af_st, gate, src, dst)
    ah_st = _upd(af_st.reshape(2, NA, 32), agg.reshape(2, NA, 32),
                 W_atom_upd).reshape(2 * NA, 32)
    ragg = _sc_a2r(ah_st, asrc, adst)
    rh_lo, rh_hi, t_st = _res(ragg, rf2d, W_a2r, W_res_msg)
    t_st_p = jnp.pad(t_st, ((0, 12), (0, 0)))
    sagg, ca_st = _sc_res(t_st_p, rsrc, rdst, ah_st, ca_g_p)
    ca_imp = _caimp(rh_lo, rh_hi, sagg, ca_st, W_r2a)
    ah2, agg2 = _sc_h(ah_st, gate, src, dst, ca_sc_p, ca_imp)
    out2d = _final(ah2, agg2, W_out)
    return out2d.reshape(NA, 4, 16)

# --- scband reference (transcript-rebuilt; emitter-appended) ---
"""Pipeline reference for scband-multiscale-sidechain-encoder-26740466384956 (READ-ONLY COPY).

The authoritative reference and input builder live on the scoring server;
editing this copy changes nothing except your own understanding.
"""

import jax, jax.numpy as jnp
import numpy as np

N_ATOM = 50000
N_RES = 6250
E_ATOM = 800000
E_A2R = 50000
E_RES = 187500
C = 4      # (lmax+1)^2 coefficients for lmax=1
AH = 16    # atom_h_channels
NH = 32    # node_h_channels
EC = 32    # edge_channels


def setup_inputs(seed: int = 0) -> dict:
    key = jax.random.key(seed)
    ks = jax.random.split(key, 14)
    atom_feats = jax.random.normal(ks[0], (N_ATOM, C, AH), jnp.float32)
    res_feats = jax.random.normal(ks[1], (N_RES, C, NH), jnp.float32)
    edge_attr = jax.random.normal(ks[2], (E_ATOM, EC), jnp.float32)
    edge_index = jax.random.randint(ks[3], (2, E_ATOM), 0, N_ATOM, jnp.int32)
    a2r_edge_index = jax.random.randint(ks[4], (2, E_A2R), 0, N_RES, jnp.int32)
    res_edge_index = jax.random.randint(ks[5], (2, E_RES), 0, N_RES, jnp.int32)
    ca_idx = jax.random.randint(ks[6], (N_RES,), 0, N_ATOM, jnp.int32)
    # learned parameters
    W_edge = jax.random.normal(ks[7], (EC, AH), jnp.float32) * 0.1
    W_atom_upd = jax.random.normal(ks[8], (AH, AH), jnp.float32) * 0.1
    W_a2r = jax.random.normal(ks[9], (AH + NH, NH), jnp.float32) * 0.1
    W_res_msg = jax.random.normal(ks[10], (NH, NH), jnp.float32) * 0.1
    W_r2a = jax.random.normal(ks[11], (AH + NH, AH), jnp.float32) * 0.1
    W_out = jax.random.normal(ks[12], (AH, AH), jnp.float32) * 0.1
    return {
        'atom_feats': atom_feats, 'res_feats': res_feats, 'edge_attr': edge_attr,
        'edge_index': edge_index, 'a2r_edge_index': a2r_edge_index,
        'res_edge_index': res_edge_index, 'ca_idx': ca_idx,
        'W_edge': W_edge, 'W_atom_upd': W_atom_upd, 'W_a2r': W_a2r,
        'W_res_msg': W_res_msg, 'W_r2a': W_r2a, 'W_out': W_out,
    }


def reference(atom_feats, res_feats, edge_attr, edge_index, a2r_edge_index,
              res_edge_index, ca_idx, W_edge, W_atom_upd, W_a2r, W_res_msg,
              W_r2a, W_out):
    src, dst = edge_index[0], edge_index[1]
    # --- atom2atom: edge-gated equivariant message passing (TransBlockV2 analogue) ---
    gate = jax.nn.relu(edge_attr @ W_edge)                      # [E, AH]
    msg = atom_feats[src] * gate[:, None, :]                    # gather + gate
    agg = jax.ops.segment_sum(msg, dst, num_segments=N_ATOM)    # scatter-add
    atom_h = atom_feats + jnp.einsum('ncd,de->nce', agg, W_atom_upd)
    # --- atom2res (Atom2Residue): aggregate atoms into residue/CA container ---
    a_src, a_dst = a2r_edge_index[0], a2r_edge_index[1]
    ragg = jax.ops.segment_sum(atom_h[a_src], a_dst, num_segments=N_RES)
    fuse = jnp.concatenate([ragg, res_feats], axis=-1)          # [N_RES, C, AH+NH]
    res_h = jnp.einsum('ncd,de->nce', fuse, W_a2r)              # SO3_LinearV2 analogue
    # --- res2res (Res2Res/IPMP): invariant (l=0) scalar message passing ---
    r_src, r_dst = res_edge_index[0], res_edge_index[1]
    s = res_h[:, 0, :]
    smsg = jax.nn.relu(s[r_src] @ W_res_msg)
    sagg = jax.ops.segment_sum(smsg, r_dst, num_segments=N_RES)
    res_h = res_h.at[:, 0, :].set(s + sagg)
    # --- res2atom (Residue2Atom): impute CA atoms and scatter back ---
    ca_feats = atom_h[ca_idx]                                   # gather CA atoms
    fuse2 = jnp.concatenate([ca_feats, res_h], axis=-1)         # [N_RES, C, AH+NH]
    ca_imp = jnp.einsum('ncd,de->nce', fuse2, W_r2a)
    atom_h2 = atom_h.at[ca_idx].set(ca_imp)                     # scatter-overwrite
    msg2 = atom_h2[src] * gate[:, None, :]
    agg2 = jax.ops.segment_sum(msg2, dst, num_segments=N_ATOM)
    out = atom_h2 + jnp.einsum('ncd,de->nce', agg2, W_out)
    return out

if __name__ == "__main__":
    import jax
    _d = setup_inputs()
    print(jax.jit(kernel)(*tuple(_d.values())))

</pallas_src>

<mosaic_0001>
#map = affine_map<(d0, d1) -> (0, 0)>
#map1 = affine_map<(d0, d1) -> (0)>
module attributes {stable_mosaic.version = 14 : i64} {
  func.func @_sc_h_body(%arg0: i32, %arg1: i32, %arg2: memref<100000x32xf32, #tpu.memory_space<hbm>>, %arg3: memref<800000x16xf32, #tpu.memory_space<hbm>>, %arg4: memref<800000xi32, #tpu.memory_space<hbm>>, %arg5: memref<800000xi32, #tpu.memory_space<hbm>>, %arg6: memref<6320xi32, #tpu.memory_space<hbm>>, %arg7: memref<12640x32xf32, #tpu.memory_space<hbm>>, %arg8: memref<100008x32xf32, #tpu.memory_space<hbm>>, %arg9: memref<100000x32xf32, #tpu.memory_space<hbm>>, %arg10: memref<80xi32, #tpu.memory_space<vmem>>, %arg11: memref<80xi32, #tpu.memory_space<vmem>>, %arg12: memref<80x16xf32, #tpu.memory_space<vmem>>, %arg13: memref<80x32xf32, #tpu.memory_space<vmem>>, %arg14: memref<200x32xf32, #tpu.memory_space<vmem>>, %arg15: memref<200x32xf32, #tpu.memory_space<vmem>>, %arg16: memref<50000x32xf32, #tpu.memory_space<vmem_shared>>, %arg17: memref<!tpu.dma_semaphore, #tpu.memory_space<semaphore_mem>>) attributes {dimension_semantics = [#tpu.dimension_semantics<core_parallel>, #tpu.dimension_semantics<subcore_parallel>], iteration_bounds = array<i64: 2, 16>, scalar_prefetch = 0 : i64, scratch_operands = 8 : i64, tpu.core_type = #tpu.core_type<sc_vector_subcore>, window_params = [{transform_indices = #map}, {transform_indices = #map}, {transform_indices = #map1}, {transform_indices = #map1}, {transform_indices = #map1}, {transform_indices = #map}, {transform_indices = #map}, {transform_indices = #map}]} {
    %scan3A = arith.constant 0 : i32
    %scan3A_0 = arith.constant 200 : i32
    %scan3A_1 = arith.addi %scan3A, %scan3A_0 : i32
    %scan3A_2 = arith.constant 1 : i32
    scf.for %scan3A_95 = %scan3A to %scan3A_1 step %scan3A_2  : i32 {
      %mul3A_96 = arith.constant 1 : i32
      %mul3A_97 = arith.muli %scan3A_95, %mul3A_96 : i32
      %add3A_98 = arith.constant 0 : i32
      %add3A_99 = arith.addi %add3A_98, %mul3A_97 : i32
      %broadcast_in_dim3A = arith.constant 0.000000e+00 : f32
      %broadcast_in_dim3A_100 = vector.broadcast %broadcast_in_dim3A : f32 to vector<16xf32>
      %swap3A = arith.index_cast %add3A_99 : i32 to index
      %swap3A_101 = arith.constant 0 : index
      %swap3A_102 = tpu.vector_load %arg14[%swap3A, %swap3A_101] {strides = array<i32>} : memref<200x32xf32, #tpu.memory_space<vmem>>, vector<1x16xf32>,
      %swap3A_103 = vector.shape_cast %swap3A_102 : vector<1x16xf32> to vector<16xf32>
      %swap3A_104 = vector.shape_cast %broadcast_in_dim3A_100 : vector<16xf32> to vector<1x16xf32>
      tpu.vector_store %arg14[%swap3A, %swap3A_101], %swap3A_104 {strides = array<i32>} : memref<200x32xf32, #tpu.memory_space<vmem>>, vector<1x16xf32>,
      %broadcast_in_dim3A_105 = arith.constant 0.000000e+00 : f32
      %broadcast_in_dim3A_106 = vector.broadcast %broadcast_in_dim3A_105 : f32 to vector<16xf32>
      %swap3A_107 = arith.index_cast %add3A_99 : i32 to index
      %swap3A_108 = arith.constant 16 : index
      %swap3A_109 = tpu.vector_load %arg14[%swap3A_107, %swap3A_108] {strides = array<i32>} : memref<200x32xf32, #tpu.memory_space<vmem>>, vector<1x16xf32>,
      %swap3A_110 = vector.shape_cast %swap3A_109 : vector<1x16xf32> to vector<16xf32>
      %swap3A_111 = vector.shape_cast %broadcast_in_dim3A_106 : vector<16xf32> to vector<1x16xf32>
      tpu.vector_store %arg14[%swap3A_107, %swap3A_108], %swap3A_111 {strides = array<i32>} : memref<200x32xf32, #tpu.memory_space<vmem>>, vector<1x16xf32>,
    }
    %scan3A_3 = arith.constant 200 : i32
    %sub3A = arith.constant 250 : i32
    %sub3A_4 = arith.subi %sub3A, %arg1 : i32
    %sub3A_5 = arith.constant 16 : i32
    %sub3A_6 = arith.constant 1 : i32
    %sub3A_7 = arith.subi %sub3A_5, %sub3A_6 : i32
    %add3A = arith.addi %sub3A_4, %sub3A_7 : i32
    %div3A = arith.constant 16 : i32
    %div3A_8 = arith.divsi %add3A, %div3A : i32
    %while3A = arith.constant 16 : i32
    %while3A_9 = arith.constant 0 : i32
    %while3A_10 = arith.subi %div3A_8, %while3A_9 : i32
    %while3A_11 = arith.addi %while3A_9, %while3A_10 : i32
    %while3A_12 = arith.constant 1 : i32
    %while3A_13 = arith.divsi %while3A_10, %while3A_12 : i32
    %while3A_14 = arith.muli %while3A_13, %while3A_12 : i32
    %while3A_15 = arith.addi %while3A_9, %while3A_14 : i32
    %while3A_16 = arith.constant 1 : i32
    scf.for %while3A_95 = %while3A_9 to %while3A_15 step %while3A_16  : i32 {
      %mul3A_96 = arith.muli %while3A_95, %while3A : i32
      %add3A_97 = arith.addi %arg1, %mul3A_96 : i32
      %mul3A_98 = arith.constant 200 : i32
      %mul3A_99 = arith.muli %add3A_97, %mul3A_98 : i32
      "tpu.region"() ({
        %run_scoped3A = tpu.sem_alloc : memref<!tpu.dma_semaphore, #tpu.memory_space<semaphore_mem>>
        %dma_start3A = arith.constant 0 : i32
        %dma_start3A_100 = tpu.memref_slice %arg16[%mul3A_99, %dma_start3A] : memref<50000x32xf32, #tpu.memory_space<vmem_shared>> -> memref<200x32xf32, #tpu.memory_space<vmem_shared>>
        %dma_start3A_101 = arith.constant 0 : i32
        %dma_start3A_102 = tpu.memref_slice %arg16[%mul3A_99, %dma_start3A_101] : memref<50000x32xf32, #tpu.memory_space<vmem_shared>> -> memref<200x32xf32, #tpu.memory_space<vmem_shared>>
        tpu.enqueue_dma source(%arg14 : memref<200x32xf32, #tpu.memory_space<vmem>>) target(%dma_start3A_102 : memref<200x32xf32, #tpu.memory_space<vmem_shared>>) target_semaphore(%run_scoped3A : memref<!tpu.dma_semaphore, #tpu.memory_space<semaphore_mem>>)
        %dma_wait3A = arith.constant 0 : i32
        %dma_wait3A_103 = tpu.memref_slice %arg16[%mul3A_99, %dma_wait3A] : memref<50000x32xf32, #tpu.memory_space<vmem_shared>> -> memref<200x32xf32, #tpu.memory_space<vmem_shared>>
        %dma_wait3A_104 = arith.constant 0 : i32
        %dma_wait3A_105 = tpu.memref_slice %arg16[%mul3A_99, %dma_wait3A_104] : memref<50000x32xf32, #tpu.memory_space<vmem_shared>> -> memref<200x32xf32, #tpu.memory_space<vmem_shared>>
        tpu.wait_dma2 semaphore(%run_scoped3A : memref<!tpu.dma_semaphore, #tpu.memory_space<semaphore_mem>>) src(%arg14 : memref<200x32xf32, #tpu.memory_space<vmem>>) dst(%dma_wait3A_105 : memref<200x32xf32, #tpu.memory_space<vmem_shared>>)
        tpu.yield
      }) : () -> ()
    }
    %while3A_17 = arith.constant 1 : i32
    scf.for %while3A_95 = %while3A_15 to %while3A_11 step %while3A_17  : i32 {
      %mul3A_96 = arith.muli %while3A_95, %while3A : i32
      %add3A_97 = arith.addi %arg1, %mul3A_96 : i32
      %mul3A_98 = arith.constant 200 : i32
      %mul3A_99 = arith.muli %add3A_97, %mul3A_98 : i32
      "tpu.region"() ({
        %run_scoped3A = tpu.sem_alloc : memref<!tpu.dma_semaphore, #tpu.memory_space<semaphore_mem>>
        %dma_start3A = arith.constant 0 : i32
        %dma_start3A_100 = tpu.memref_slice %arg16[%mul3A_99, %dma_start3A] : memref<50000x32xf32, #tpu.memory_space<vmem_shared>> -> memref<200x32xf32, #tpu.memory_space<vmem_shared>>
        %dma_start3A_101 = arith.constant 0 : i32
        %dma_start3A_102 = tpu.memref_slice %arg16[%mul3A_99, %dma_start3A_101] : memref<50000x32xf32, #tpu.memory_space<vmem_shared>> -> memref<200x32xf32, #tpu.memory_space<vmem_shared>>
        tpu.enqueue_dma source(%arg14 : memref<200x32xf32, #tpu.memory_space<vmem>>) target(%dma_start3A_102 : memref<200x32xf32, #tpu.memory_space<vmem_shared>>) target_semaphore(%run_scoped3A : memref<!tpu.dma_semaphore, #tpu.memory_space<semaphore_mem>>)
        %dma_wait3A = arith.constant 0 : i32
        %dma_wait3A_103 = tpu.memref_slice %arg16[%mul3A_99, %dma_wait3A] : memref<50000x32xf32, #tpu.memory_space<vmem_shared>> -> memref<200x32xf32, #tpu.memory_space<vmem_shared>>
        %dma_wait3A_104 = arith.constant 0 : i32
        %dma_wait3A_105 = tpu.memref_slice %arg16[%mul3A_99, %dma_wait3A_104] : memref<50000x32xf32, #tpu.memory_space<vmem_shared>> -> memref<200x32xf32, #tpu.memory_space<vmem_shared>>
        tpu.wait_dma2 semaphore(%run_scoped3A : memref<!tpu.dma_semaphore, #tpu.memory_space<semaphore_mem>>) src(%arg14 : memref<200x32xf32, #tpu.memory_space<vmem>>) dst(%dma_wait3A_105 : memref<200x32xf32, #tpu.memory_space<vmem_shared>>)
        tpu.yield
      }) : () -> ()
    }
    %sub3A_18 = arith.constant 250 : i32
    %sub3A_19 = arith.subi %sub3A_18, %arg1 : i32
    %sub3A_20 = arith.constant 16 : i32
    %sub3A_21 = arith.constant 1 : i32
    %sub3A_22 = arith.subi %sub3A_20, %sub3A_21 : i32
    %add3A_23 = arith.addi %sub3A_19, %sub3A_22 : i32
    %div3A_24 = arith.constant 16 : i32
    %div3A_25 = arith.divsi %add3A_23, %div3A_24 : i32
    %while3A_26 = arith.constant 16 : i32
    %while3A_27 = arith.constant 0 : i32
    %while3A_28 = arith.subi %div3A_25, %while3A_27 : i32
    %while3A_29 = arith.addi %while3A_27, %while3A_28 : i32
    %while3A_30 = arith.constant 1 : i32
    %while3A_31 = arith.divsi %while3A_28, %while3A_30 : i32
    %while3A_32 = arith.muli %while3A_31, %while3A_30 : i32
    %while3A_33 = arith.addi %while3A_27, %while3A_32 : i32
    %while3A_34 = arith.constant 1 : i32
    scf.for %while3A_95 = %while3A_27 to %while3A_33 step %while3A_34  : i32 {
      %mul3A_96 = arith.muli %while3A_95, %while3A_26 : i32
      %add3A_97 = arith.addi %arg1, %mul3A_96 : i32
      %mul3A_98 = arith.constant 50000 : i32
      %mul3A_99 = arith.muli %arg0, %mul3A_98 : i32
      %mul3A_100 = arith.constant 200 : i32
      %mul3A_101 = arith.muli %add3A_97, %mul3A_100 : i32
      %add3A_102 = arith.addi %mul3A_99, %mul3A_101 : i32
      "tpu.region"() ({
        %run_scoped3A = tpu.sem_alloc : memref<!tpu.dma_semaphore, #tpu.memory_space<semaphore_mem>>
        %dma_start3A = arith.constant 0 : i32
        %dma_start3A_103 = tpu.memref_slice %arg2[%add3A_102, %dma_start3A] : memref<100000x32xf32, #tpu.memory_space<hbm>> -> memref<200x32xf32, #tpu.memory_space<hbm>>
        %dma_start3A_104 = arith.constant 0 : i32
        %dma_start3A_105 = tpu.memref_slice %arg2[%add3A_102, %dma_start3A_104] : memref<100000x32xf32, #tpu.memory_space<hbm>> -> memref<200x32xf32, #tpu.memory_space<hbm>>
        tpu.enqueue_dma source(%dma_start3A_105 : memref<200x32xf32, #tpu.memory_space<hbm>>) target(%arg15 : memref<200x32xf32, #tpu.memory_space<vmem>>) target_semaphore(%run_scoped3A : memref<!tpu.dma_semaphore, #tpu.memory_space<semaphore_mem>>)
        %dma_wait3A = arith.constant 0 : i32
        %dma_wait3A_106 = tpu.memref_slice %arg2[%add3A_102, %dma_wait3A] : memref<100000x32xf32, #tpu.memory_space<hbm>> -> memref<200x32xf32, #tpu.memory_space<hbm>>
        %dma_wait3A_107 = arith.constant 0 : i32
        %dma_wait3A_108 = tpu.memref_slice %arg2[%add3A_102, %dma_wait3A_107] : memref<100000x32xf32, #tpu.memory_space<hbm>> -> memref<200x32xf32, #tpu.memory_space<hbm>>
        tpu.wait_dma2 semaphore(%run_scoped3A : memref<!tpu.dma_semaphore, #tpu.memory_space<semaphore_mem>>) src(%dma_wait3A_108 : memref<200x32xf32, #tpu.memory_space<hbm>>) dst(%arg15 : memref<200x32xf32, #tpu.memory_space<vmem>>)
        tpu.yield
      }) : () -> ()
      "tpu.region"() ({
        %run_scoped3A = tpu.sem_alloc : memref<!tpu.dma_semaphore, #tpu.memory_space<semaphore_mem>>
        %dma_start3A = arith.constant 0 : i32
        %dma_start3A_103 = tpu.memref_slice %arg8[%add3A_102, %dma_start3A] : memref<100008x32xf32, #tpu.memory_space<hbm>> -> memref<200x32xf32, #tpu.memory_space<hbm>>
        %dma_start3A_104 = arith.constant 0 : i32
        %dma_start3A_105 = tpu.memref_slice %arg8[%add3A_102, %dma_start3A_104] : memref<100008x32xf32, #tpu.memory_space<hbm>> -> memref<200x32xf32, #tpu.memory_space<hbm>>
        tpu.enqueue_dma source(%arg15 : memref<200x32xf32, #tpu.memory_space<vmem>>) target(%dma_start3A_105 : memref<200x32xf32, #tpu.memory_space<hbm>>) target_semaphore(%run_scoped3A : memref<!tpu.dma_semaphore, #tpu.memory_space<semaphore_mem>>)
        %dma_wait3A = arith.constant 0 : i32
        %dma_wait3A_106 = tpu.memref_slice %arg8[%add3A_102, %dma_wait3A] : memref<100008x32xf32, #tpu.memory_space<hbm>> -> memref<200x32xf32, #tpu.memory_space<hbm>>
        %dma_wait3A_107 = arith.constant 0 : i32
        %dma_wait3A_108 = tpu.memref_slice %arg8[%add3A_102, %dma_wait3A_107] : memref<100008x32xf32, #tpu.memory_space<hbm>> -> memref<200x32xf32, #tpu.memory_space<hbm>>
        tpu.wait_dma2 semaphore(%run_scoped3A : memref<!tpu.dma_semaphore, #tpu.memory_space<semaphore_mem>>) src(%arg15 : memref<200x32xf32, #tpu.memory_space<vmem>>) dst(%dma_wait3A_108 : memref<200x32xf32, #tpu.memory_space<hbm>>)
        tpu.yield
      }) : () -> ()
    }
    %while3A_35 = arith.constant 1 : i32
    scf.for %while3A_95 = %while3A_33 to %while3A_29 step %while3A_35  : i32 {
      %mul3A_96 = arith.muli %while3A_95, %while3A_26 : i32
      %add3A_97 = arith.addi %arg1, %mul3A_96 : i32
      %mul3A_98 = arith.constant 50000 : i32
      %mul3A_99 = arith.muli %arg0, %mul3A_98 : i32
      %mul3A_100 = arith.constant 200 : i32
      %mul3A_101 = arith.muli %add3A_97, %mul3A_100 : i32
      %add3A_102 = arith.addi %mul3A_99, %mul3A_101 : i32
      "tpu.region"() ({
        %run_scoped3A = tpu.sem_alloc : memref<!tpu.dma_semaphore, #tpu.memory_space<semaphore_mem>>
        %dma_start3A = arith.constant 0 : i32
        %dma_start3A_103 = tpu.memref_slice %arg2[%add3A_102, %dma_start3A] : memref<100000x32xf32, #tpu.memory_space<hbm>> -> memref<200x32xf32, #tpu.memory_space<hbm>>
        %dma_start3A_104 = arith.constant 0 : i32
        %dma_start3A_105 = tpu.memref_slice %arg2[%add3A_102, %dma_start3A_104] : memref<100000x32xf32, #tpu.memory_space<hbm>> -> memref<200x32xf32, #tpu.memory_space<hbm>>
        tpu.enqueue_dma source(%dma_start3A_105 : memref<200x32xf32, #tpu.memory_space<hbm>>) target(%arg15 : memref<200x32xf32, #tpu.memory_space<vmem>>) target_semaphore(%run_scoped3A : memref<!tpu.dma_semaphore, #tpu.memory_space<semaphore_mem>>)
        %dma_wait3A = arith.constant 0 : i32
        %dma_wait3A_106 = tpu.memref_slice %arg2[%add3A_102, %dma_wait3A] : memref<100000x32xf32, #tpu.memory_space<hbm>> -> memref<200x32xf32, #tpu.memory_space<hbm>>
        %dma_wait3A_107 = arith.constant 0 : i32
        %dma_wait3A_108 = tpu.memref_slice %arg2[%add3A_102, %dma_wait3A_107] : memref<100000x32xf32, #tpu.memory_space<hbm>> -> memref<200x32xf32, #tpu.memory_space<hbm>>
        tpu.wait_dma2 semaphore(%run_scoped3A : memref<!tpu.dma_semaphore, #tpu.memory_space<semaphore_mem>>) src(%dma_wait3A_108 : memref<200x32xf32, #tpu.memory_space<hbm>>) dst(%arg15 : memref<200x32xf32, #tpu.memory_space<vmem>>)
        tpu.yield
      }) : () -> ()
      "tpu.region"() ({
        %run_scoped3A = tpu.sem_alloc : memref<!tpu.dma_semaphore, #tpu.memory_space<semaphore_mem>>
        %dma_start3A = arith.constant 0 : i32
        %dma_start3A_103 = tpu.memref_slice %arg8[%add3A_102, %dma_start3A] : memref<100008x32xf32, #tpu.memory_space<hbm>> -> memref<200x32xf32, #tpu.memory_space<hbm>>
        %dma_start3A_104 = arith.constant 0 : i32
        %dma_start3A_105 = tpu.memref_slice %arg8[%add3A_102, %dma_start3A_104] : memref<100008x32xf32, #tpu.memory_space<hbm>> -> memref<200x32xf32, #tpu.memory_space<hbm>>
        tpu.enqueue_dma source(%arg15 : memref<200x32xf32, #tpu.memory_space<vmem>>) target(%dma_start3A_105 : memref<200x32xf32, #tpu.memory_space<hbm>>) target_semaphore(%run_scoped3A : memref<!tpu.dma_semaphore, #tpu.memory_space<semaphore_mem>>)
        %dma_wait3A = arith.constant 0 : i32
        %dma_wait3A_106 = tpu.memref_slice %arg8[%add3A_102, %dma_wait3A] : memref<100008x32xf32, #tpu.memory_space<hbm>> -> memref<200x32xf32, #tpu.memory_space<hbm>>
        %dma_wait3A_107 = arith.constant 0 : i32
        %dma_wait3A_108 = tpu.memref_slice %arg8[%add3A_102, %dma_wait3A_107] : memref<100008x32xf32, #tpu.memory_space<hbm>> -> memref<200x32xf32, #tpu.memory_space<hbm>>
        tpu.wait_dma2 semaphore(%run_scoped3A : memref<!tpu.dma_semaphore, #tpu.memory_space<semaphore_mem>>) src(%arg15 : memref<200x32xf32, #tpu.memory_space<vmem>>) dst(%dma_wait3A_108 : memref<200x32xf32, #tpu.memory_space<hbm>>)
        tpu.yield
      }) : () -> ()
    }
    %barrier3A = arith.constant 0 : index
    tpu.barrier barrier_id(%barrier3A)
    %sub3A_36 = arith.constant 79 : i32
    %sub3A_37 = arith.subi %sub3A_36, %arg1 : i32
    %sub3A_38 = arith.constant 16 : i32
    %sub3A_39 = arith.constant 1 : i32
    %sub3A_40 = arith.subi %sub3A_38, %sub3A_39 : i32
    %add3A_41 = arith.addi %sub3A_37, %sub3A_40 : i32
    %div3A_42 = arith.constant 16 : i32
    %div3A_43 = arith.divsi %add3A_41, %div3A_42 : i32
    %while3A_44 = arith.constant 16 : i32
    %while3A_45 = arith.constant 0 : i32
    %while3A_46 = arith.subi %div3A_43, %while3A_45 : i32
    %while3A_47 = arith.addi %while3A_45, %while3A_46 : i32
    %while3A_48 = arith.constant 1 : i32
    %while3A_49 = arith.divsi %while3A_46, %while3A_48 : i32
    %while3A_50 = arith.muli %while3A_49, %while3A_48 : i32
    %while3A_51 = arith.addi %while3A_45, %while3A_50 : i32
    %while3A_52 = arith.constant 1 : i32
    scf.for %while3A_95 = %while3A_45 to %while3A_51 step %while3A_52  : i32 {
      %mul3A_96 = arith.muli %while3A_95, %while3A_44 : i32
      %add3A_97 = arith.addi %arg1, %mul3A_96 : i32
      %mul3A_98 = arith.constant 80 : i32
      %mul3A_99 = arith.muli %add3A_97, %mul3A_98 : i32
      "tpu.region"() ({
        %run_scoped3A = tpu.sem_alloc : memref<!tpu.dma_semaphore, #tpu.memory_space<semaphore_mem>>
        %dma_start3A = tpu.memref_slice %arg6[%mul3A_99] : memref<6320xi32, #tpu.memory_space<hbm>> -> memref<80xi32, #tpu.memory_space<hbm>>
        %dma_start3A_182 = tpu.memref_slice %arg6[%mul3A_99] : memref<6320xi32, #tpu.memory_space<hbm>> -> memref<80xi32, #tpu.memory_space<hbm>>
        tpu.enqueue_dma source(%dma_start3A_182 : memref<80xi32, #tpu.memory_space<hbm>>) target(%arg10 : memref<80xi32, #tpu.memory_space<vmem>>) target_semaphore(%run_scoped3A : memref<!tpu.dma_semaphore, #tpu.memory_space<semaphore_mem>>)
        %dma_wait3A = tpu.memref_slice %arg6[%mul3A_99] : memref<6320xi32, #tpu.memory_space<hbm>> -> memref<80xi32, #tpu.memory_space<hbm>>
        %dma_wait3A_183 = tpu.memref_slice %arg6[%mul3A_99] : memref<6320xi32, #tpu.memory_space<hbm>> -> memref<80xi32, #tpu.memory_space<hbm>>
        tpu.wait_dma2 semaphore(%run_scoped3A : memref<!tpu.dma_semaphore, #tpu.memory_space<semaphore_mem>>) src(%dma_wait3A_183 : memref<80xi32, #tpu.memory_space<hbm>>) dst(%arg10 : memref<80xi32, #tpu.memory_space<vmem>>)
        tpu.yield
      }) : () -> ()
      %get3A = arith.constant 0 : index
      %get3A_100 = tpu.vector_load %arg10[%get3A] {strides = array<i32>} : memref<80xi32, #tpu.memory_space<vmem>>, vector<16xi32>,
      %get3A_101 = vector.shape_cast %get3A_100 : vector<16xi32> to vector<16xi32>
      %lt3A = arith.constant 50000 : i32
      %lt3A_102 = vector.broadcast %lt3A : i32 to vector<16xi32>
      %lt3A_103 = arith.cmpi slt, %get3A_101, %lt3A_102 : vector<16xi32>
      %mul3A_104 = arith.constant 50000 : i32
      %mul3A_105 = arith.muli %arg0, %mul3A_104 : i32
      %add3A_106 = vector.broadcast %mul3A_105 : i32 to vector<16xi32>
      %add3A_107 = arith.addi %get3A_101, %add3A_106 : vector<16xi32>
      %jit3A = arith.constant 100000 : i32
      %broadcast_in_dim3A = vector.broadcast %jit3A : i32 to vector<16xi32>
      %select_n3A = arith.select %lt3A_103, %add3A_107, %broadcast_in_dim3A : vector<16xi1>, vector<16xi32>
      %swap3A = arith.constant 0 : index
      %swap3A_108 = tpu.vector_load %arg10[%swap3A] {strides = array<i32>} : memref<80xi32, #tpu.memory_space<vmem>>, vector<16xi32>,
      %swap3A_109 = vector.shape_cast %swap3A_108 : vector<16xi32> to vector<16xi32>
      %swap3A_110 = vector.shape_cast %select_n3A : vector<16xi32> to vector<16xi32>
      tpu.vector_store %arg10[%swap3A], %swap3A_110 {strides = array<i32>} : memref<80xi32, #tpu.memory_space<vmem>>, vector<16xi32>,
      %get3A_111 = arith.constant 16 : index
      %get3A_112 = tpu.vector_load %arg10[%get3A_111] {strides = array<i32>} : memref<80xi32, #tpu.memory_space<vmem>>, vector<16xi32>,
      %get3A_113 = vector.shape_cast %get3A_112 : vector<16xi32> to vector<16xi32>
      %lt3A_114 = arith.constant 50000 : i32
      %lt3A_115 = vector.broadcast %lt3A_114 : i32 to vector<16xi32>
      %lt3A_116 = arith.cmpi slt, %get3A_113, %lt3A_115 : vector<16xi32>
      %mul3A_117 = arith.constant 50000 : i32
      %mul3A_118 = arith.muli %arg0, %mul3A_117 : i32
      %add3A_119 = vector.broadcast %mul3A_118 : i32 to vector<16xi32>
      %add3A_120 = arith.addi %get3A_113, %add3A_119 : vector<16xi32>
      %jit3A_121 = arith.constant 100000 : i32
      %broadcast_in_dim3A_122 = vector.broadcast %jit3A_121 : i32 to vector<16xi32>
      %select_n3A_123 = arith.select %lt3A_116, %add3A_120, %broadcast_in_dim3A_122 : vector<16xi1>, vector<16xi32>
      %swap3A_124 = arith.constant 16 : index
      %swap3A_125 = tpu.vector_load %arg10[%swap3A_124] {strides = array<i32>} : memref<80xi32, #tpu.memory_space<vmem>>, vector<16xi32>,
      %swap3A_126 = vector.shape_cast %swap3A_125 : vector<16xi32> to vector<16xi32>
      %swap3A_127 = vector.shape_cast %select_n3A_123 : vector<16xi32> to vector<16xi32>
      tpu.vector_store %arg10[%swap3A_124], %swap3A_127 {strides = array<i32>} : memref<80xi32, #tpu.memory_space<vmem>>, vector<16xi32>,
      %get3A_128 = arith.constant 32 : index
      %get3A_129 = tpu.vector_load %arg10[%get3A_128] {strides = array<i32>} : memref<80xi32, #tpu.memory_space<vmem>>, vector<16xi32>,
      %get3A_130 = vector.shape_cast %get3A_129 : vector<16xi32> to vector<16xi32>
      %lt3A_131 = arith.constant 50000 : i32
      %lt3A_132 = vector.broadcast %lt3A_131 : i32 to vector<16xi32>
      %lt3A_133 = arith.cmpi slt, %get3A_130, %lt3A_132 : vector<16xi32>
      %mul3A_134 = arith.constant 50000 : i32
      %mul3A_135 = arith.muli %arg0, %mul3A_134 : i32
      %add3A_136 = vector.broadcast %mul3A_135 : i32 to vector<16xi32>
      %add3A_137 = arith.addi %get3A_130, %add3A_136 : vector<16xi32>
      %jit3A_138 = arith.constant 100000 : i32
      %broadcast_in_dim3A_139 = vector.broadcast %jit3A_138 : i32 to vector<16xi32>
      %select_n3A_140 = arith.select %lt3A_133, %add3A_137, %broadcast_in_dim3A_139 : vector<16xi1>, vector<16xi32>
      %swap3A_141 = arith.constant 32 : index
      %swap3A_142 = tpu.vector_load %arg10[%swap3A_141] {strides = array<i32>} : memref<80xi32, #tpu.memory_space<vmem>>, vector<16xi32>,
      %swap3A_143 = vector.shape_cast %swap3A_142 : vector<16xi32> to vector<16xi32>
      %swap3A_144 = vector.shape_cast %select_n3A_140 : vector<16xi32> to vector<16xi32>
      tpu.vector_store %arg10[%swap3A_141], %swap3A_144 {strides = array<i32>} : memref<80xi32, #tpu.memory_space<vmem>>, vector<16xi32>,
      %get3A_145 = arith.constant 48 : index
      %get3A_146 = tpu.vector_load %arg10[%get3A_145] {strides = array<i32>} : memref<80xi32, #tpu.memory_space<vmem>>, vector<16xi32>,
      %get3A_147 = vector.shape_cast %get3A_146 : vector<16xi32> to vector<16xi32>
      %lt3A_148 = arith.constant 50000 : i32
      %lt3A_149 = vector.broadcast %lt3A_148 : i32 to vector<16xi32>
      %lt3A_150 = arith.cmpi slt, %get3A_147, %lt3A_149 : vector<16xi32>
      %mul3A_151 = arith.constant 50000 : i32
      %mul3A_152 = arith.muli %arg0, %mul3A_151 : i32
      %add3A_153 = vector.broadcast %mul3A_152 : i32 to vector<16xi32>
      %add3A_154 = arith.addi %get3A_147, %add3A_153 : vector<16xi32>
      %jit3A_155 = arith.constant 100000 : i32
      %broadcast_in_dim3A_156 = vector.broadcast %jit3A_155 : i32 to vector<16xi32>
      %select_n3A_157 = arith.select %lt3A_150, %add3A_154, %broadcast_in_dim3A_156 : vector<16xi1>, vector<16xi32>
      %swap3A_158 = arith.constant 48 : index
      %swap3A_159 = tpu.vector_load %arg10[%swap3A_158] {strides = array<i32>} : memref<80xi32, #tpu.memory_space<vmem>>, vector<16xi32>,
      %swap3A_160 = vector.shape_cast %swap3A_159 : vector<16xi32> to vector<16xi32>
      %swap3A_161 = vector.shape_cast %select_n3A_157 : vector<16xi32> to vector<16xi32>
      tpu.vector_store %arg10[%swap3A_158], %swap3A_161 {strides = array<i32>} : memref<80xi32, #tpu.memory_space<vmem>>, vector<16xi32>,
      %get3A_162 = arith.constant 64 : index
      %get3A_163 = tpu.vector_load %arg10[%get3A_162] {strides = array<i32>} : memref<80xi32, #tpu.memory_space<vmem>>, vector<16xi32>,
      %get3A_164 = vector.shape_cast %get3A_163 : vector<16xi32> to vector<16xi32>
      %lt3A_165 = arith.constant 50000 : i32
      %lt3A_166 = vector.broadcast %lt3A_165 : i32 to vector<16xi32>
      %lt3A_167 = arith.cmpi slt, %get3A_164, %lt3A_166 : vector<16xi32>
      %mul3A_168 = arith.constant 50000 : i32
      %mul3A_169 = arith.muli %arg0, %mul3A_168 : i32
      %add3A_170 = vector.broadcast %mul3A_169 : i32 to vector<16xi32>
      %add3A_171 = arith.addi %get3A_164, %add3A_170 : vector<16xi32>
      %jit3A_172 = arith.constant 100000 : i32
      %broadcast_in_dim3A_173 = vector.broadcast %jit3A_172 : i32 to vector<16xi32>
      %select_n3A_174 = arith.select %lt3A_167, %add3A_171, %broadcast_in_dim3A_173 : vector<16xi1>, vector<16xi32>
      %swap3A_175 = arith.constant 64 : index
      %swap3A_176 = tpu.vector_load %arg10[%swap3A_175] {strides = array<i32>} : memref<80xi32, #tpu.memory_space<vmem>>, vector<16xi32>,
      %swap3A_177 = vector.shape_cast %swap3A_176 : vector<16xi32> to vector<16xi32>
      %swap3A_178 = vector.shape_cast %select_n3A_174 : vector<16xi32> to vector<16xi32>
      tpu.vector_store %arg10[%swap3A_175], %swap3A_178 {strides = array<i32>} : memref<80xi32, #tpu.memory_space<vmem>>, vector<16xi32>,
      %mul3A_179 = arith.constant 6320 : i32
      %mul3A_180 = arith.muli %arg0, %mul3A_179 : i32
      %add3A_181 = arith.addi %mul3A_180, %mul3A_99 : i32
      "tpu.region"() ({
        %run_scoped3A = tpu.sem_alloc : memref<!tpu.dma_semaphore, #tpu.memory_space<semaphore_mem>>
        %dma_start3A = arith.constant 0 : i32
        %dma_start3A_182 = tpu.memref_slice %arg7[%add3A_181, %dma_start3A] : memref<12640x32xf32, #tpu.memory_space<hbm>> -> memref<80x32xf32, #tpu.memory_space<hbm>>
        %dma_start3A_183 = arith.constant 0 : i32
        %dma_start3A_184 = tpu.memref_slice %arg7[%add3A_181, %dma_start3A_183] : memref<12640x32xf32, #tpu.memory_space<hbm>> -> memref<80x32xf32, #tpu.memory_space<hbm>>
        tpu.enqueue_dma source(%dma_start3A_184 : memref<80x32xf32, #tpu.memory_space<hbm>>) target(%arg13 : memref<80x32xf32, #tpu.memory_space<vmem>>) target_semaphore(%run_scoped3A : memref<!tpu.dma_semaphore, #tpu.memory_space<semaphore_mem>>)
        %dma_wait3A = arith.constant 0 : i32
        %dma_wait3A_185 = tpu.memref_slice %arg7[%add3A_181, %dma_wait3A] : memref<12640x32xf32, #tpu.memory_space<hbm>> -> memref<80x32xf32, #tpu.memory_space<hbm>>
        %dma_wait3A_186 = arith.constant 0 : i32
        %dma_wait3A_187 = tpu.memref_slice %arg7[%add3A_181, %dma_wait3A_186] : memref<12640x32xf32, #tpu.memory_space<hbm>> -> memref<80x32xf32, #tpu.memory_space<hbm>>
        tpu.wait_dma2 semaphore(%run_scoped3A : memref<!tpu.dma_semaphore, #tpu.memory_space<semaphore_mem>>) src(%dma_wait3A_187 : memref<80x32xf32, #tpu.memory_space<hbm>>) dst(%arg13 : memref<80x32xf32, #tpu.memory_space<vmem>>)
        tpu.yield
      }) : () -> ()
      "tpu.region"() ({
        %run_scoped3A = tpu.sem_alloc : memref<!tpu.dma_semaphore, #tpu.memory_space<semaphore_mem>>
        %dma_start3A = arith.constant 0 : i32
        %dma_start3A_182 = arith.constant 0 : i32
        %dma_start3A_183 = tpu.memref_slice %arg8[%dma_start3A, %dma_start3A_182] : memref<100008x32xf32, #tpu.memory_space<hbm>> -> memref<100008x32xf32, #tpu.memory_space<hbm>>
        tpu.enqueue_indirect_dma source(%arg13 : memref<80x32xf32, #tpu.memory_space<vmem>>) target(%dma_start3A_183 : memref<100008x32xf32, #tpu.memory_space<hbm>>) offsets(%arg10 : memref<80xi32, #tpu.memory_space<vmem>>) semaphore(%run_scoped3A : memref<!tpu.dma_semaphore, #tpu.memory_space<semaphore_mem>>)
        %dma_wait3A = arith.constant 0 : i32
        %dma_wait3A_184 = arith.constant 0 : i32
        %dma_wait3A_185 = tpu.memref_slice %arg8[%dma_wait3A, %dma_wait3A_184] : memref<100008x32xf32, #tpu.memory_space<hbm>> -> memref<100008x32xf32, #tpu.memory_space<hbm>>
        tpu.wait_indirect_dma semaphore(%run_scoped3A : memref<!tpu.dma_semaphore, #tpu.memory_space<semaphore_mem>>) src(%arg13 : memref<80x32xf32, #tpu.memory_space<vmem>>) dst(%dma_wait3A_185 : memref<100008x32xf32, #tpu.memory_space<hbm>>)
        tpu.yield
      }) : () -> ()
    }
    %while3A_53 = arith.constant 1 : i32
    scf.for %while3A_95 = %while3A_51 to %while3A_47 step %while3A_53  : i32 {
      %mul3A_96 = arith.muli %while3A_95, %while3A_44 : i32
      %add3A_97 = arith.addi %arg1, %mul3A_96 : i32
      %mul3A_98 = arith.constant 80 : i32
      %mul3A_99 = arith.muli %add3A_97, %mul3A_98 : i32
      "tpu.region"() ({
        %run_scoped3A = tpu.sem_alloc : memref<!tpu.dma_semaphore, #tpu.memory_space<semaphore_mem>>
        %dma_start3A = tpu.memref_slice %arg6[%mul3A_99] : memref<6320xi32, #tpu.memory_space<hbm>> -> memref<80xi32, #tpu.memory_space<hbm>>
        %dma_start3A_182 = tpu.memref_slice %arg6[%mul3A_99] : memref<6320xi32, #tpu.memory_space<hbm>> -> memref<80xi32, #tpu.memory_space<hbm>>
        tpu.enqueue_dma source(%dma_start3A_182 : memref<80xi32, #tpu.memory_space<hbm>>) target(%arg10 : memref<80xi32, #tpu.memory_space<vmem>>) target_semaphore(%run_scoped3A : memref<!tpu.dma_semaphore, #tpu.memory_space<semaphore_mem>>)
        %dma_wait3A = tpu.memref_slice %arg6[%mul3A_99] : memref<6320xi32, #tpu.memory_space<hbm>> -> memref<80xi32, #tpu.memory_space<hbm>>
        %dma_wait3A_183 = tpu.memref_slice %arg6[%mul3A_99] : memref<6320xi32, #tpu.memory_space<hbm>> -> memref<80xi32, #tpu.memory_space<hbm>>
        tpu.wait_dma2 semaphore(%run_scoped3A : memref<!tpu.dma_semaphore, #tpu.memory_space<semaphore_mem>>) src(%dma_wait3A_183 : memref<80xi32, #tpu.memory_space<hbm>>) dst(%arg10 : memref<80xi32, #tpu.memory_space<vmem>>)
        tpu.yield
      }) : () -> ()
      %get3A = arith.constant 0 : index
      %get3A_100 = tpu.vector_load %arg10[%get3A] {strides = array<i32>} : memref<80xi32, #tpu.memory_space<vmem>>, vector<16xi32>,
      %get3A_101 = vector.shape_cast %get3A_100 : vector<16xi32> to vector<16xi32>
      %lt3A = arith.constant 50000 : i32
      %lt3A_102 = vector.broadcast %lt3A : i32 to vector<16xi32>
      %lt3A_103 = arith.cmpi slt, %get3A_101, %lt3A_102 : vector<16xi32>
      %mul3A_104 = arith.constant 50000 : i32
      %mul3A_105 = arith.muli %arg0, %mul3A_104 : i32
      %add3A_106 = vector.broadcast %mul3A_105 : i32 to vector<16xi32>
      %add3A_107 = arith.addi %get3A_101, %add3A_106 : vector<16xi32>
      %jit3A = arith.constant 100000 : i32
      %broadcast_in_dim3A = vector.broadcast %jit3A : i32 to vector<16xi32>
      %select_n3A = arith.select %lt3A_103, %add3A_107, %broadcast_in_dim3A : vector<16xi1>, vector<16xi32>
      %swap3A = arith.constant 0 : index
      %swap3A_108 = tpu.vector_load %arg10[%swap3A] {strides = array<i32>} : memref<80xi32, #tpu.memory_space<vmem>>, vector<16xi32>,
      %swap3A_109 = vector.shape_cast %swap3A_108 : vector<16xi32> to vector<16xi32>
      %swap3A_110 = vector.shape_cast %select_n3A : vector<16xi32> to vector<16xi32>
      tpu.vector_store %arg10[%swap3A], %swap3A_110 {strides = array<i32>} : memref<80xi32, #tpu.memory_space<vmem>>, vector<16xi32>,
      %get3A_111 = arith.constant 16 : index
      %get3A_112 = tpu.vector_load %arg10[%get3A_111] {strides = array<i32>} : memref<80xi32, #tpu.memory_space<vmem>>, vector<16xi32>,
      %get3A_113 = vector.shape_cast %get3A_112 : vector<16xi32> to vector<16xi32>
      %lt3A_114 = arith.constant 50000 : i32
      %lt3A_115 = vector.broadcast %lt3A_114 : i32 to vector<16xi32>
      %lt3A_116 = arith.cmpi slt, %get3A_113, %lt3A_115 : vector<16xi32>
      %mul3A_117 = arith.constant 50000 : i32
      %mul3A_118 = arith.muli %arg0, %mul3A_117 : i32
      %add3A_119 = vector.broadcast %mul3A_118 : i32 to vector<16xi32>
      %add3A_120 = arith.addi %get3A_113, %add3A_119 : vector<16xi32>
      %jit3A_121 = arith.constant 100000 : i32
      %broadcast_in_dim3A_122 = vector.broadcast %jit3A_121 : i32 to vector<16xi32>
      %select_n3A_123 = arith.select %lt3A_116, %add3A_120, %broadcast_in_dim3A_122 : vector<16xi1>, vector<16xi32>
      %swap3A_124 = arith.constant 16 : index
      %swap3A_125 = tpu.vector_load %arg10[%swap3A_124] {strides = array<i32>} : memref<80xi32, #tpu.memory_space<vmem>>, vector<16xi32>,
      %swap3A_126 = vector.shape_cast %swap3A_125 : vector<16xi32> to vector<16xi32>
      %swap3A_127 = vector.shape_cast %select_n3A_123 : vector<16xi32> to vector<16xi32>
      tpu.vector_store %arg10[%swap3A_124], %swap3A_127 {strides = array<i32>} : memref<80xi32, #tpu.memory_space<vmem>>, vector<16xi32>,
      %get3A_128 = arith.constant 32 : index
      %get3A_129 = tpu.vector_load %arg10[%get3A_128] {strides = array<i32>} : memref<80xi32, #tpu.memory_space<vmem>>, vector<16xi32>,
      %get3A_130 = vector.shape_cast %get3A_129 : vector<16xi32> to vector<16xi32>
      %lt3A_131 = arith.constant 50000 : i32
      %lt3A_132 = vector.broadcast %lt3A_131 : i32 to vector<16xi32>
      %lt3A_133 = arith.cmpi slt, %get3A_130, %lt3A_132 : vector<16xi32>
      %mul3A_134 = arith.constant 50000 : i32
      %mul3A_135 = arith.muli %arg0, %mul3A_134 : i32
      %add3A_136 = vector.broadcast %mul3A_135 : i32 to vector<16xi32>
      %add3A_137 = arith.addi %get3A_130, %add3A_136 : vector<16xi32>
      %jit3A_138 = arith.constant 100000 : i32
      %broadcast_in_dim3A_139 = vector.broadcast %jit3A_138 : i32 to vector<16xi32>
      %select_n3A_140 = arith.select %lt3A_133, %add3A_137, %broadcast_in_dim3A_139 : vector<16xi1>, vector<16xi32>
      %swap3A_141 = arith.constant 32 : index
      %swap3A_142 = tpu.vector_load %arg10[%swap3A_141] {strides = array<i32>} : memref<80xi32, #tpu.memory_space<vmem>>, vector<16xi32>,
      %swap3A_143 = vector.shape_cast %swap3A_142 : vector<16xi32> to vector<16xi32>
      %swap3A_144 = vector.shape_cast %select_n3A_140 : vector<16xi32> to vector<16xi32>
      tpu.vector_store %arg10[%swap3A_141], %swap3A_144 {strides = array<i32>} : memref<80xi32, #tpu.memory_space<vmem>>, vector<16xi32>,
      %get3A_145 = arith.constant 48 : index
      %get3A_146 = tpu.vector_load %arg10[%get3A_145] {strides = array<i32>} : memref<80xi32, #tpu.memory_space<vmem>>, vector<16xi32>,
      %get3A_147 = vector.shape_cast %get3A_146 : vector<16xi32> to vector<16xi32>
      %lt3A_148 = arith.constant 50000 : i32
      %lt3A_149 = vector.broadcast %lt3A_148 : i32 to vector<16xi32>
      %lt3A_150 = arith.cmpi slt, %get3A_147, %lt3A_149 : vector<16xi32>
      %mul3A_151 = arith.constant 50000 : i32
      %mul3A_152 = arith.muli %arg0, %mul3A_151 : i32
      %add3A_153 = vector.broadcast %mul3A_152 : i32 to vector<16xi32>
      %add3A_154 = arith.addi %get3A_147, %add3A_153 : vector<16xi32>
      %jit3A_155 = arith.constant 100000 : i32
      %broadcast_in_dim3A_156 = vector.broadcast %jit3A_155 : i32 to vector<16xi32>
      %select_n3A_157 = arith.select %lt3A_150, %add3A_154, %broadcast_in_dim3A_156 : vector<16xi1>, vector<16xi32>
      %swap3A_158 = arith.constant 48 : index
      %swap3A_159 = tpu.vector_load %arg10[%swap3A_158] {strides = array<i32>} : memref<80xi32, #tpu.memory_space<vmem>>, vector<16xi32>,
      %swap3A_160 = vector.shape_cast %swap3A_159 : vector<16xi32> to vector<16xi32>
      %swap3A_161 = vector.shape_cast %select_n3A_157 : vector<16xi32> to vector<16xi32>
      tpu.vector_store %arg10[%swap3A_158], %swap3A_161 {strides = array<i32>} : memref<80xi32, #tpu.memory_space<vmem>>, vector<16xi32>,
      %get3A_162 = arith.constant 64 : index
      %get3A_163 = tpu.vector_load %arg10[%get3A_162] {strides = array<i32>} : memref<80xi32, #tpu.memory_space<vmem>>, vector<16xi32>,
      %get3A_164 = vector.shape_cast %get3A_163 : vector<16xi32> to vector<16xi32>
      %lt3A_165 = arith.constant 50000 : i32
      %lt3A_166 = vector.broadcast %lt3A_165 : i32 to vector<16xi32>
      %lt3A_167 = arith.cmpi slt, %get3A_164, %lt3A_166 : vector<16xi32>
      %mul3A_168 = arith.constant 50000 : i32
      %mul3A_169 = arith.muli %arg0, %mul3A_168 : i32
      %add3A_170 = vector.broadcast %mul3A_169 : i32 to vector<16xi32>
      %add3A_171 = arith.addi %get3A_164, %add3A_170 : vector<16xi32>
      %jit3A_172 = arith.constant 100000 : i32
      %broadcast_in_dim3A_173 = vector.broadcast %jit3A_172 : i32 to vector<16xi32>
      %select_n3A_174 = arith.select %lt3A_167, %add3A_171, %broadcast_in_dim3A_173 : vector<16xi1>, vector<16xi32>
      %swap3A_175 = arith.constant 64 : index
      %swap3A_176 = tpu.vector_load %arg10[%swap3A_175] {strides = array<i32>} : memref<80xi32, #tpu.memory_space<vmem>>, vector<16xi32>,
      %swap3A_177 = vector.shape_cast %swap3A_176 : vector<16xi32> to vector<16xi32>
      %swap3A_178 = vector.shape_cast %select_n3A_174 : vector<16xi32> to vector<16xi32>
      tpu.vector_store %arg10[%swap3A_175], %swap3A_178 {strides = array<i32>} : memref<80xi32, #tpu.memory_space<vmem>>, vector<16xi32>,
      %mul3A_179 = arith.constant 6320 : i32
      %mul3A_180 = arith.muli %arg0, %mul3A_179 : i32
      %add3A_181 = arith.addi %mul3A_180, %mul3A_99 : i32
      "tpu.region"() ({
        %run_scoped3A = tpu.sem_alloc : memref<!tpu.dma_semaphore, #tpu.memory_space<semaphore_mem>>
        %dma_start3A = arith.constant 0 : i32
        %dma_start3A_182 = tpu.memref_slice %arg7[%add3A_181, %dma_start3A] : memref<12640x32xf32, #tpu.memory_space<hbm>> -> memref<80x32xf32, #tpu.memory_space<hbm>>
        %dma_start3A_183 = arith.constant 0 : i32
        %dma_start3A_184 = tpu.memref_slice %arg7[%add3A_181, %dma_start3A_183] : memref<12640x32xf32, #tpu.memory_space<hbm>> -> memref<80x32xf32, #tpu.memory_space<hbm>>
        tpu.enqueue_dma source(%dma_start3A_184 : memref<80x32xf32, #tpu.memory_space<hbm>>) target(%arg13 : memref<80x32xf32, #tpu.memory_space<vmem>>) target_semaphore(%run_scoped3A : memref<!tpu.dma_semaphore, #tpu.memory_space<semaphore_mem>>)
        %dma_wait3A = arith.constant 0 : i32
        %dma_wait3A_185 = tpu.memref_slice %arg7[%add3A_181, %dma_wait3A] : memref<12640x32xf32, #tpu.memory_space<hbm>> -> memref<80x32xf32, #tpu.memory_space<hbm>>
        %dma_wait3A_186 = arith.constant 0 : i32
        %dma_wait3A_187 = tpu.memref_slice %arg7[%add3A_181, %dma_wait3A_186] : memref<12640x32xf32, #tpu.memory_space<hbm>> -> memref<80x32xf32, #tpu.memory_space<hbm>>
        tpu.wait_dma2 semaphore(%run_scoped3A : memref<!tpu.dma_semaphore, #tpu.memory_space<semaphore_mem>>) src(%dma_wait3A_187 : memref<80x32xf32, #tpu.memory_space<hbm>>) dst(%arg13 : memref<80x32xf32, #tpu.memory_space<vmem>>)
        tpu.yield
      }) : () -> ()
      "tpu.region"() ({
        %run_scoped3A = tpu.sem_alloc : memref<!tpu.dma_semaphore, #tpu.memory_space<semaphore_mem>>
        %dma_start3A = arith.constant 0 : i32
        %dma_start3A_182 = arith.constant 0 : i32
        %dma_start3A_183 = tpu.memref_slice %arg8[%dma_start3A, %dma_start3A_182] : memref<100008x32xf32, #tpu.memory_space<hbm>> -> memref<100008x32xf32, #tpu.memory_space<hbm>>
        tpu.enqueue_indirect_dma source(%arg13 : memref<80x32xf32, #tpu.memory_space<vmem>>) target(%dma_start3A_183 : memref<100008x32xf32, #tpu.memory_space<hbm>>) offsets(%arg10 : memref<80xi32, #tpu.memory_space<vmem>>) semaphore(%run_scoped3A : memref<!tpu.dma_semaphore, #tpu.memory_space<semaphore_mem>>)
        %dma_wait3A = arith.constant 0 : i32
        %dma_wait3A_184 = arith.constant 0 : i32
        %dma_wait3A_185 = tpu.memref_slice %arg8[%dma_wait3A, %dma_wait3A_184] : memref<100008x32xf32, #tpu.memory_space<hbm>> -> memref<100008x32xf32, #tpu.memory_space<hbm>>
        tpu.wait_indirect_dma semaphore(%run_scoped3A : memref<!tpu.dma_semaphore, #tpu.memory_space<semaphore_mem>>) src(%arg13 : memref<80x32xf32, #tpu.memory_space<vmem>>) dst(%dma_wait3A_185 : memref<100008x32xf32, #tpu.memory_space<hbm>>)
        tpu.yield
      }) : () -> ()
    }
    %barrier3A_54 = arith.constant 0 : index
    tpu.barrier barrier_id(%barrier3A_54)
    %mul3A = arith.constant 50000 : i32
    %mul3A_55 = arith.muli %arg0, %mul3A : i32
    %sub3A_56 = arith.constant 10000 : i32
    %sub3A_57 = arith.subi %sub3A_56, %arg1 : i32
    %sub3A_58 = arith.constant 16 : i32
    %sub3A_59 = arith.constant 1 : i32
    %sub3A_60 = arith.subi %sub3A_58, %sub3A_59 : i32
    %add3A_61 = arith.addi %sub3A_57, %sub3A_60 : i32
    %div3A_62 = arith.constant 16 : i32
    %div3A_63 = arith.divsi %add3A_61, %div3A_62 : i32
    %while3A_64 = arith.constant 16 : i32
    %while3A_65 = arith.constant 0 : i32
    %while3A_66 = arith.subi %div3A_63, %while3A_65 : i32
    %while3A_67 = arith.addi %while3A_65, %while3A_66 : i32
    %while3A_68 = arith.constant 1 : i32
    %while3A_69 = arith.divsi %while3A_66, %while3A_68 : i32
    %while3A_70 = arith.muli %while3A_69, %while3A_68 : i32
    %while3A_71 = arith.addi %while3A_65, %while3A_70 : i32
    %while3A_72 = arith.constant 1 : i32
    scf.for %while3A_95 = %while3A_65 to %while3A_71 step %while3A_72  : i32 {
      %mul3A_96 = arith.muli %while3A_95, %while3A_64 : i32
      %add3A_97 = arith.addi %arg1, %mul3A_96 : i32
      %mul3A_98 = arith.constant 80 : i32
      %mul3A_99 = arith.muli %add3A_97, %mul3A_98 : i32
      "tpu.region"() ({
        %run_scoped3A = tpu.sem_alloc : memref<!tpu.dma_semaphore, #tpu.memory_space<semaphore_mem>>
        %dma_start3A_152 = tpu.memref_slice %arg4[%mul3A_99] : memref<800000xi32, #tpu.memory_space<hbm>> -> memref<80xi32, #tpu.memory_space<hbm>>
        %dma_start3A_153 = tpu.memref_slice %arg4[%mul3A_99] : memref<800000xi32, #tpu.memory_space<hbm>> -> memref<80xi32, #tpu.memory_space<hbm>>
        tpu.enqueue_dma source(%dma_start3A_153 : memref<80xi32, #tpu.memory_space<hbm>>) target(%arg10 : memref<80xi32, #tpu.memory_space<vmem>>) target_semaphore(%run_scoped3A : memref<!tpu.dma_semaphore, #tpu.memory_space<semaphore_mem>>)
        %dma_wait3A_154 = tpu.memref_slice %arg4[%mul3A_99] : memref<800000xi32, #tpu.memory_space<hbm>> -> memref<80xi32, #tpu.memory_space<hbm>>
        %dma_wait3A_155 = tpu.memref_slice %arg4[%mul3A_99] : memref<800000xi32, #tpu.memory_space<hbm>> -> memref<80xi32, #tpu.memory_space<hbm>>
        tpu.wait_dma2 semaphore(%run_scoped3A : memref<!tpu.dma_semaphore, #tpu.memory_space<semaphore_mem>>) src(%dma_wait3A_155 : memref<80xi32, #tpu.memory_space<hbm>>) dst(%arg10 : memref<80xi32, #tpu.memory_space<vmem>>)
        tpu.yield
      }) : () -> ()
      "tpu.region"() ({
        %run_scoped3A = tpu.sem_alloc : memref<!tpu.dma_semaphore, #tpu.memory_space<semaphore_mem>>
        %dma_start3A_152 = tpu.memref_slice %arg5[%mul3A_99] : memref<800000xi32, #tpu.memory_space<hbm>> -> memref<80xi32, #tpu.memory_space<hbm>>
        %dma_start3A_153 = tpu.memref_slice %arg5[%mul3A_99] : memref<800000xi32, #tpu.memory_space<hbm>> -> memref<80xi32, #tpu.memory_space<hbm>>
        tpu.enqueue_dma source(%dma_start3A_153 : memref<80xi32, #tpu.memory_space<hbm>>) target(%arg11 : memref<80xi32, #tpu.memory_space<vmem>>) target_semaphore(%run_scoped3A : memref<!tpu.dma_semaphore, #tpu.memory_space<semaphore_mem>>)
        %dma_wait3A_154 = tpu.memref_slice %arg5[%mul3A_99] : memref<800000xi32, #tpu.memory_space<hbm>> -> memref<80xi32, #tpu.memory_space<hbm>>
        %dma_wait3A_155 = tpu.memref_slice %arg5[%mul3A_99] : memref<800000xi32, #tpu.memory_space<hbm>> -> memref<80xi32, #tpu.memory_space<hbm>>
        tpu.wait_dma2 semaphore(%run_scoped3A : memref<!tpu.dma_semaphore, #tpu.memory_space<semaphore_mem>>) src(%dma_wait3A_155 : memref<80xi32, #tpu.memory_space<hbm>>) dst(%arg11 : memref<80xi32, #tpu.memory_space<vmem>>)
        tpu.yield
      }) : () -> ()
      "tpu.region"() ({
        %run_scoped3A = tpu.sem_alloc : memref<!tpu.dma_semaphore, #tpu.memory_space<semaphore_mem>>
        %dma_start3A_152 = arith.constant 0 : i32
        %dma_start3A_153 = tpu.memref_slice %arg3[%mul3A_99, %dma_start3A_152] : memref<800000x16xf32, #tpu.memory_space<hbm>> -> memref<80x16xf32, #tpu.memory_space<hbm>>
        %dma_start3A_154 = arith.constant 0 : i32
        %dma_start3A_155 = tpu.memref_slice %arg3[%mul3A_99, %dma_start3A_154] : memref<800000x16xf32, #tpu.memory_space<hbm>> -> memref<80x16xf32, #tpu.memory_space<hbm>>
        tpu.enqueue_dma source(%dma_start3A_155 : memref<80x16xf32, #tpu.memory_space<hbm>>) target(%arg12 : memref<80x16xf32, #tpu.memory_space<vmem>>) target_semaphore(%run_scoped3A : memref<!tpu.dma_semaphore, #tpu.memory_space<semaphore_mem>>)
        %dma_wait3A_156 = arith.constant 0 : i32
        %dma_wait3A_157 = tpu.memref_slice %arg3[%mul3A_99, %dma_wait3A_156] : memref<800000x16xf32, #tpu.memory_space<hbm>> -> memref<80x16xf32, #tpu.memory_space<hbm>>
        %dma_wait3A_158 = arith.constant 0 : i32
        %dma_wait3A_159 = tpu.memref_slice %arg3[%mul3A_99, %dma_wait3A_158] : memref<800000x16xf32, #tpu.memory_space<hbm>> -> memref<80x16xf32, #tpu.memory_space<hbm>>
        tpu.wait_dma2 semaphore(%run_scoped3A : memref<!tpu.dma_semaphore, #tpu.memory_space<semaphore_mem>>) src(%dma_wait3A_159 : memref<80x16xf32, #tpu.memory_space<hbm>>) dst(%arg12 : memref<80x16xf32, #tpu.memory_space<vmem>>)
        tpu.yield
      }) : () -> ()
      %get3A = arith.constant 0 : index
      %get3A_100 = tpu.vector_load %arg10[%get3A] {strides = array<i32>} : memref<80xi32, #tpu.memory_space<vmem>>, vector<16xi32>,
      %get3A_101 = vector.shape_cast %get3A_100 : vector<16xi32> to vector<16xi32>
      %add3A_102 = vector.broadcast %mul3A_55 : i32 to vector<16xi32>
      %add3A_103 = arith.addi %get3A_101, %add3A_102 : vector<16xi32>
      %swap3A = arith.constant 0 : index
      %swap3A_104 = tpu.vector_load %arg10[%swap3A] {strides = array<i32>} : memref<80xi32, #tpu.memory_space<vmem>>, vector<16xi32>,
      %swap3A_105 = vector.shape_cast %swap3A_104 : vector<16xi32> to vector<16xi32>
      %swap3A_106 = vector.shape_cast %add3A_103 : vector<16xi32> to vector<16xi32>
      tpu.vector_store %arg10[%swap3A], %swap3A_106 {strides = array<i32>} : memref<80xi32, #tpu.memory_space<vmem>>, vector<16xi32>,
      %get3A_107 = arith.constant 16 : index
      %get3A_108 = tpu.vector_load %arg10[%get3A_107] {strides = array<i32>} : memref<80xi32, #tpu.memory_space<vmem>>, vector<16xi32>,
      %get3A_109 = vector.shape_cast %get3A_108 : vector<16xi32> to vector<16xi32>
      %add3A_110 = vector.broadcast %mul3A_55 : i32 to vector<16xi32>
      %add3A_111 = arith.addi %get3A_109, %add3A_110 : vector<16xi32>
      %swap3A_112 = arith.constant 16 : index
      %swap3A_113 = tpu.vector_load %arg10[%swap3A_112] {strides = array<i32>} : memref<80xi32, #tpu.memory_space<vmem>>, vector<16xi32>,
      %swap3A_114 = vector.shape_cast %swap3A_113 : vector<16xi32> to vector<16xi32>
      %swap3A_115 = vector.shape_cast %add3A_111 : vector<16xi32> to vector<16xi32>
      tpu.vector_store %arg10[%swap3A_112], %swap3A_115 {strides = array<i32>} : memref<80xi32, #tpu.memory_space<vmem>>, vector<16xi32>,
      %get3A_116 = arith.constant 32 : index
      %get3A_117 = tpu.vector_load %arg10[%get3A_116] {strides = array<i32>} : memref<80xi32, #tpu.memory_space<vmem>>, vector<16xi32>,
      %get3A_118 = vector.shape_cast %get3A_117 : vector<16xi32> to vector<16xi32>
      %add3A_119 = vector.broadcast %mul3A_55 : i32 to vector<16xi32>
      %add3A_120 = arith.addi %get3A_118, %add3A_119 : vector<16xi32>
      %swap3A_121 = arith.constant 32 : index
      %swap3A_122 = tpu.vector_load %arg10[%swap3A_121] {strides = array<i32>} : memref<80xi32, #tpu.memory_space<vmem>>, vector<16xi32>,
      %swap3A_123 = vector.shape_cast %swap3A_122 : vector<16xi32> to vector<16xi32>
      %swap3A_124 = vector.shape_cast %add3A_120 : vector<16xi32> to vector<16xi32>
      tpu.vector_store %arg10[%swap3A_121], %swap3A_124 {strides = array<i32>} : memref<80xi32, #tpu.memory_space<vmem>>, vector<16xi32>,
      %get3A_125 = arith.constant 48 : index
      %get3A_126 = tpu.vector_load %arg10[%get3A_125] {strides = array<i32>} : memref<80xi32, #tpu.memory_space<vmem>>, vector<16xi32>,
      %get3A_127 = vector.shape_cast %get3A_126 : vector<16xi32> to vector<16xi32>
      %add3A_128 = vector.broadcast %mul3A_55 : i32 to vector<16xi32>
      %add3A_129 = arith.addi %get3A_127, %add3A_128 : vector<16xi32>
      %swap3A_130 = arith.constant 48 : index
      %swap3A_131 = tpu.vector_load %arg10[%swap3A_130] {strides = array<i32>} : memref<80xi32, #tpu.memory_space<vmem>>, vector<16xi32>,
      %swap3A_132 = vector.shape_cast %swap3A_131 : vector<16xi32> to vector<16xi32>
      %swap3A_133 = vector.shape_cast %add3A_129 : vector<16xi32> to vector<16xi32>
      tpu.vector_store %arg10[%swap3A_130], %swap3A_133 {strides = array<i32>} : memref<80xi32, #tpu.memory_space<vmem>>, vector<16xi32>,
      %get3A_134 = arith.constant 64 : index
      %get3A_135 = tpu.vector_load %arg10[%get3A_134] {strides = array<i32>} : memref<80xi32, #tpu.memory_space<vmem>>, vector<16xi32>,
      %get3A_136 = vector.shape_cast %get3A_135 : vector<16xi32> to vector<16xi32>
      %add3A_137 = vector.broadcast %mul3A_55 : i32 to vector<16xi32>
      %add3A_138 = arith.addi %get3A_136, %add3A_137 : vector<16xi32>
      %swap3A_139 = arith.constant 64 : index
      %swap3A_140 = tpu.vector_load %arg10[%swap3A_139] {strides = array<i32>} : memref<80xi32, #tpu.memory_space<vmem>>, vector<16xi32>,
      %swap3A_141 = vector.shape_cast %swap3A_140 : vector<16xi32> to vector<16xi32>
      %swap3A_142 = vector.shape_cast %add3A_138 : vector<16xi32> to vector<16xi32>
      tpu.vector_store %arg10[%swap3A_139], %swap3A_142 {strides = array<i32>} : memref<80xi32, #tpu.memory_space<vmem>>, vector<16xi32>,
      %dma_start3A = arith.constant 0 : i32
      %dma_start3A_143 = arith.constant 0 : i32
      %dma_start3A_144 = tpu.memref_slice %arg8[%dma_start3A, %dma_start3A_143] : memref<100008x32xf32, #tpu.memory_space<hbm>> -> memref<100008x32xf32, #tpu.memory_space<hbm>>
      tpu.enqueue_indirect_dma source(%dma_start3A_144 : memref<100008x32xf32, #tpu.memory_space<hbm>>) target(%arg13 : memref<80x32xf32, #tpu.memory_space<vmem>>) offsets(%arg10 : memref<80xi32, #tpu.memory_space<vmem>>) semaphore(%arg17 : memref<!tpu.dma_semaphore, #tpu.memory_space<semaphore_mem>>)
      %dma_wait3A = arith.constant 0 : i32
      %dma_wait3A_145 = arith.constant 0 : i32
      %dma_wait3A_146 = tpu.memref_slice %arg8[%dma_wait3A, %dma_wait3A_145] : memref<100008x32xf32, #tpu.memory_space<hbm>> -> memref<100008x32xf32, #tpu.memory_space<hbm>>
      tpu.wait_indirect_dma semaphore(%arg17 : memref<!tpu.dma_semaphore, #tpu.memory_space<semaphore_mem>>) src(%dma_wait3A_146 : memref<100008x32xf32, #tpu.memory_space<hbm>>) dst(%arg13 : memref<80x32xf32, #tpu.memory_space<vmem>>)
      %scan3A_147 = arith.constant 0 : i32
      %scan3A_148 = arith.constant 80 : i32
      %scan3A_149 = arith.addi %scan3A_147, %scan3A_148 : i32
      %scan3A_150 = arith.constant 1 : i32
      scf.for %scan3A_152 = %scan3A_147 to %scan3A_149 step %scan3A_150  : i32 {
        %mul3A_153 = arith.constant 1 : i32
        %mul3A_154 = arith.muli %scan3A_152, %mul3A_153 : i32
        %add3A_155 = arith.constant 0 : i32
        %add3A_156 = arith.addi %add3A_155, %mul3A_154 : i32
        %get3A_157 = arith.index_cast %add3A_156 : i32 to index
        %get3A_158 = arith.constant 0 : index
        %get3A_159 = tpu.vector_load %arg12[%get3A_157, %get3A_158] {strides = array<i32>} : memref<80x16xf32, #tpu.memory_space<vmem>>, vector<1x16xf32>,
        %get3A_160 = vector.shape_cast %get3A_159 : vector<1x16xf32> to vector<16xf32>
        %get3A_161 = arith.index_cast %add3A_156 : i32 to index
        %get3A_162 = arith.constant 0 : index
        %get3A_163 = tpu.vector_load %arg13[%get3A_161, %get3A_162] {strides = array<i32>} : memref<80x32xf32, #tpu.memory_space<vmem>>, vector<1x16xf32>,
        %get3A_164 = vector.shape_cast %get3A_163 : vector<1x16xf32> to vector<16xf32>
        %mul3A_165 = arith.mulf %get3A_164, %get3A_160 : vector<16xf32>
        %swap3A_166 = arith.index_cast %add3A_156 : i32 to index
        %swap3A_167 = arith.constant 0 : index
        %swap3A_168 = tpu.vector_load %arg13[%swap3A_166, %swap3A_167] {strides = array<i32>} : memref<80x32xf32, #tpu.memory_space<vmem>>, vector<1x16xf32>,
        %swap3A_169 = vector.shape_cast %swap3A_168 : vector<1x16xf32> to vector<16xf32>
        %swap3A_170 = vector.shape_cast %mul3A_165 : vector<16xf32> to vector<1x16xf32>
        tpu.vector_store %arg13[%swap3A_166, %swap3A_167], %swap3A_170 {strides = array<i32>} : memref<80x32xf32, #tpu.memory_space<vmem>>, vector<1x16xf32>,
        %get3A_171 = arith.index_cast %add3A_156 : i32 to index
        %get3A_172 = arith.constant 16 : index
        %get3A_173 = tpu.vector_load %arg13[%get3A_171, %get3A_172] {strides = array<i32>} : memref<80x32xf32, #tpu.memory_space<vmem>>, vector<1x16xf32>,
        %get3A_174 = vector.shape_cast %get3A_173 : vector<1x16xf32> to vector<16xf32>
        %mul3A_175 = arith.mulf %get3A_174, %get3A_160 : vector<16xf32>
        %swap3A_176 = arith.index_cast %add3A_156 : i32 to index
        %swap3A_177 = arith.constant 16 : index
        %swap3A_178 = tpu.vector_load %arg13[%swap3A_176, %swap3A_177] {strides = array<i32>} : memref<80x32xf32, #tpu.memory_space<vmem>>, vector<1x16xf32>,
        %swap3A_179 = vector.shape_cast %swap3A_178 : vector<1x16xf32> to vector<16xf32>
        %swap3A_180 = vector.shape_cast %mul3A_175 : vector<16xf32> to vector<1x16xf32>
        tpu.vector_store %arg13[%swap3A_176, %swap3A_177], %swap3A_180 {strides = array<i32>} : memref<80x32xf32, #tpu.memory_space<vmem>>, vector<1x16xf32>,
      }
      %scan3A_151 = arith.constant 80 : i32
      "tpu.region"() ({
        %run_scoped3A = tpu.sem_alloc : memref<!tpu.dma_semaphore, #tpu.memory_space<semaphore_mem>>
        %dma_start3A_152 = arith.constant 0 : i32
        %dma_start3A_153 = arith.constant 0 : i32
        %dma_start3A_154 = tpu.memref_slice %arg16[%dma_start3A_152, %dma_start3A_153] : memref<50000x32xf32, #tpu.memory_space<vmem_shared>> -> memref<50000x32xf32, #tpu.memory_space<vmem_shared>>
        tpu.enqueue_indirect_dma source(%arg13 : memref<80x32xf32, #tpu.memory_space<vmem>>) target(%dma_start3A_154 : memref<50000x32xf32, #tpu.memory_space<vmem_shared>>) offsets(%arg11 : memref<80xi32, #tpu.memory_space<vmem>>) semaphore(%run_scoped3A : memref<!tpu.dma_semaphore, #tpu.memory_space<semaphore_mem>>) {add = true}
        %dma_wait3A_155 = arith.constant 0 : i32
        %dma_wait3A_156 = arith.constant 0 : i32
        %dma_wait3A_157 = tpu.memref_slice %arg16[%dma_wait3A_155, %dma_wait3A_156] : memref<50000x32xf32, #tpu.memory_space<vmem_shared>> -> memref<50000x32xf32, #tpu.memory_space<vmem_shared>>
        tpu.wait_indirect_dma semaphore(%run_scoped3A : memref<!tpu.dma_semaphore, #tpu.memory_space<semaphore_mem>>) src(%arg13 : memref<80x32xf32, #tpu.memory_space<vmem>>) dst(%dma_wait3A_157 : memref<50000x32xf32, #tpu.memory_space<vmem_shared>>)
        tpu.yield
      }) : () -> ()
    }
    %while3A_73 = arith.constant 1 : i32
    scf.for %while3A_95 = %while3A_71 to %while3A_67 step %while3A_73  : i32 {
      %mul3A_96 = arith.muli %while3A_95, %while3A_64 : i32
      %add3A_97 = arith.addi %arg1, %mul3A_96 : i32
      %mul3A_98 = arith.constant 80 : i32
      %mul3A_99 = arith.muli %add3A_97, %mul3A_98 : i32
      "tpu.region"() ({
        %run_scoped3A = tpu.sem_alloc : memref<!tpu.dma_semaphore, #tpu.memory_space<semaphore_mem>>
        %dma_start3A_152 = tpu.memref_slice %arg4[%mul3A_99] : memref<800000xi32, #tpu.memory_space<hbm>> -> memref<80xi32, #tpu.memory_space<hbm>>
        %dma_start3A_153 = tpu.memref_slice %arg4[%mul3A_99] : memref<800000xi32, #tpu.memory_space<hbm>> -> memref<80xi32, #tpu.memory_space<hbm>>
        tpu.enqueue_dma source(%dma_start3A_153 : memref<80xi32, #tpu.memory_space<hbm>>) target(%arg10 : memref<80xi32, #tpu.memory_space<vmem>>) target_semaphore(%run_scoped3A : memref<!tpu.dma_semaphore, #tpu.memory_space<semaphore_mem>>)
        %dma_wait3A_154 = tpu.memref_slice %arg4[%mul3A_99] : memref<800000xi32, #tpu.memory_space<hbm>> -> memref<80xi32, #tpu.memory_space<hbm>>
        %dma_wait3A_155 = tpu.memref_slice %arg4[%mul3A_99] : memref<800000xi32, #tpu.memory_space<hbm>> -> memref<80xi32, #tpu.memory_space<hbm>>
        tpu.wait_dma2 semaphore(%run_scoped3A : memref<!tpu.dma_semaphore, #tpu.memory_space<semaphore_mem>>) src(%dma_wait3A_155 : memref<80xi32, #tpu.memory_space<hbm>>) dst(%arg10 : memref<80xi32, #tpu.memory_space<vmem>>)
        tpu.yield
      }) : () -> ()
      "tpu.region"() ({
        %run_scoped3A = tpu.sem_alloc : memref<!tpu.dma_semaphore, #tpu.memory_space<semaphore_mem>>
        %dma_start3A_152 = tpu.memref_slice %arg5[%mul3A_99] : memref<800000xi32, #tpu.memory_space<hbm>> -> memref<80xi32, #tpu.memory_space<hbm>>
        %dma_start3A_153 = tpu.memref_slice %arg5[%mul3A_99] : memref<800000xi32, #tpu.memory_space<hbm>> -> memref<80xi32, #tpu.memory_space<hbm>>
        tpu.enqueue_dma source(%dma_start3A_153 : memref<80xi32, #tpu.memory_space<hbm>>) target(%arg11 : memref<80xi32, #tpu.memory_space<vmem>>) target_semaphore(%run_scoped3A : memref<!tpu.dma_semaphore, #tpu.memory_space<semaphore_mem>>)
        %dma_wait3A_154 = tpu.memref_slice %arg5[%mul3A_99] : memref<800000xi32, #tpu.memory_space<hbm>> -> memref<80xi32, #tpu.memory_space<hbm>>
        %dma_wait3A_155 = tpu.memref_slice %arg5[%mul3A_99] : memref<800000xi32, #tpu.memory_space<hbm>> -> memref<80xi32, #tpu.memory_space<hbm>>
        tpu.wait_dma2 semaphore(%run_scoped3A : memref<!tpu.dma_semaphore, #tpu.memory_space<semaphore_mem>>) src(%dma_wait3A_155 : memref<80xi32, #tpu.memory_space<hbm>>) dst(%arg11 : memref<80xi32, #tpu.memory_space<vmem>>)
        tpu.yield
      }) : () -> ()
      "tpu.region"() ({
        %run_scoped3A = tpu.sem_alloc : memref<!tpu.dma_semaphore, #tpu.memory_space<semaphore_mem>>
        %dma_start3A_152 = arith.constant 0 : i32
        %dma_start3A_153 = tpu.memref_slice %arg3[%mul3A_99, %dma_start3A_152] : memref<800000x16xf32, #tpu.memory_space<hbm>> -> memref<80x16xf32, #tpu.memory_space<hbm>>
        %dma_start3A_154 = arith.constant 0 : i32
        %dma_start3A_155 = tpu.memref_slice %arg3[%mul3A_99, %dma_start3A_154] : memref<800000x16xf32, #tpu.memory_space<hbm>> -> memref<80x16xf32, #tpu.memory_space<hbm>>
        tpu.enqueue_dma source(%dma_start3A_155 : memref<80x16xf32, #tpu.memory_space<hbm>>) target(%arg12 : memref<80x16xf32, #tpu.memory_space<vmem>>) target_semaphore(%run_scoped3A : memref<!tpu.dma_semaphore, #tpu.memory_space<semaphore_mem>>)
        %dma_wait3A_156 = arith.constant 0 : i32
        %dma_wait3A_157 = tpu.memref_slice %arg3[%mul3A_99, %dma_wait3A_156] : memref<800000x16xf32, #tpu.memory_space<hbm>> -> memref<80x16xf32, #tpu.memory_space<hbm>>
        %dma_wait3A_158 = arith.constant 0 : i32
        %dma_wait3A_159 = tpu.memref_slice %arg3[%mul3A_99, %dma_wait3A_158] : memref<800000x16xf32, #tpu.memory_space<hbm>> -> memref<80x16xf32, #tpu.memory_space<hbm>>
        tpu.wait_dma2 semaphore(%run_scoped3A : memref<!tpu.dma_semaphore, #tpu.memory_space<semaphore_mem>>) src(%dma_wait3A_159 : memref<80x16xf32, #tpu.memory_space<hbm>>) dst(%arg12 : memref<80x16xf32, #tpu.memory_space<vmem>>)
        tpu.yield
      }) : () -> ()
      %get3A = arith.constant 0 : index
      %get3A_100 = tpu.vector_load %arg10[%get3A] {strides = array<i32>} : memref<80xi32, #tpu.memory_space<vmem>>, vector<16xi32>,
      %get3A_101 = vector.shape_cast %get3A_100 : vector<16xi32> to vector<16xi32>
      %add3A_102 = vector.broadcast %mul3A_55 : i32 to vector<16xi32>
      %add3A_103 = arith.addi %get3A_101, %add3A_102 : vector<16xi32>
      %swap3A = arith.constant 0 : index
      %swap3A_104 = tpu.vector_load %arg10[%swap3A] {strides = array<i32>} : memref<80xi32, #tpu.memory_space<vmem>>, vector<16xi32>,
      %swap3A_105 = vector.shape_cast %swap3A_104 : vector<16xi32> to vector<16xi32>
      %swap3A_106 = vector.shape_cast %add3A_103 : vector<16xi32> to vector<16xi32>
      tpu.vector_store %arg10[%swap3A], %swap3A_106 {strides = array<i32>} : memref<80xi32, #tpu.memory_space<vmem>>, vector<16xi32>,
      %get3A_107 = arith.constant 16 : index
      %get3A_108 = tpu.vector_load %arg10[%get3A_107] {strides = array<i32>} : memref<80xi32, #tpu.memory_space<vmem>>, vector<16xi32>,
      %get3A_109 = vector.shape_cast %get3A_108 : vector<16xi32> to vector<16xi32>
      %add3A_110 = vector.broadcast %mul3A_55 : i32 to vector<16xi32>
      %add3A_111 = arith.addi %get3A_109, %add3A_110 : vector<16xi32>
      %swap3A_112 = arith.constant 16 : index
      %swap3A_113 = tpu.vector_load %arg10[%swap3A_112] {strides = array<i32>} : memref<80xi32, #tpu.memory_space<vmem>>, vector<16xi32>,
      %swap3A_114 = vector.shape_cast %swap3A_113 : vector<16xi32> to vector<16xi32>
      %swap3A_115 = vector.shape_cast %add3A_111 : vector<16xi32> to vector<16xi32>
      tpu.vector_store %arg10[%swap3A_112], %swap3A_115 {strides = array<i32>} : memref<80xi32, #tpu.memory_space<vmem>>, vector<16xi32>,
      %get3A_116 = arith.constant 32 : index
      %get3A_117 = tpu.vector_load %arg10[%get3A_116] {strides = array<i32>} : memref<80xi32, #tpu.memory_space<vmem>>, vector<16xi32>,
      %get3A_118 = vector.shape_cast %get3A_117 : vector<16xi32> to vector<16xi32>
      %add3A_119 = vector.broadcast %mul3A_55 : i32 to vector<16xi32>
      %add3A_120 = arith.addi %get3A_118, %add3A_119 : vector<16xi32>
      %swap3A_121 = arith.constant 32 : index
      %swap3A_122 = tpu.vector_load %arg10[%swap3A_121] {strides = array<i32>} : memref<80xi32, #tpu.memory_space<vmem>>, vector<16xi32>,
      %swap3A_123 = vector.shape_cast %swap3A_122 : vector<16xi32> to vector<16xi32>
      %swap3A_124 = vector.shape_cast %add3A_120 : vector<16xi32> to vector<16xi32>
      tpu.vector_store %arg10[%swap3A_121], %swap3A_124 {strides = array<i32>} : memref<80xi32, #tpu.memory_space<vmem>>, vector<16xi32>,
      %get3A_125 = arith.constant 48 : index
      %get3A_126 = tpu.vector_load %arg10[%get3A_125] {strides = array<i32>} : memref<80xi32, #tpu.memory_space<vmem>>, vector<16xi32>,
      %get3A_127 = vector.shape_cast %get3A_126 : vector<16xi32> to vector<16xi32>
      %add3A_128 = vector.broadcast %mul3A_55 : i32 to vector<16xi32>
      %add3A_129 = arith.addi %get3A_127, %add3A_128 : vector<16xi32>
      %swap3A_130 = arith.constant 48 : index
      %swap3A_131 = tpu.vector_load %arg10[%swap3A_130] {strides = array<i32>} : memref<80xi32, #tpu.memory_space<vmem>>, vector<16xi32>,
      %swap3A_132 = vector.shape_cast %swap3A_131 : vector<16xi32> to vector<16xi32>
      %swap3A_133 = vector.shape_cast %add3A_129 : vector<16xi32> to vector<16xi32>
      tpu.vector_store %arg10[%swap3A_130], %swap3A_133 {strides = array<i32>} : memref<80xi32, #tpu.memory_space<vmem>>, vector<16xi32>,
      %get3A_134 = arith.constant 64 : index
      %get3A_135 = tpu.vector_load %arg10[%get3A_134] {strides = array<i32>} : memref<80xi32, #tpu.memory_space<vmem>>, vector<16xi32>,
      %get3A_136 = vector.shape_cast %get3A_135 : vector<16xi32> to vector<16xi32>
      %add3A_137 = vector.broadcast %mul3A_55 : i32 to vector<16xi32>
      %add3A_138 = arith.addi %get3A_136, %add3A_137 : vector<16xi32>
      %swap3A_139 = arith.constant 64 : index
      %swap3A_140 = tpu.vector_load %arg10[%swap3A_139] {strides = array<i32>} : memref<80xi32, #tpu.memory_space<vmem>>, vector<16xi32>,
      %swap3A_141 = vector.shape_cast %swap3A_140 : vector<16xi32> to vector<16xi32>
      %swap3A_142 = vector.shape_cast %add3A_138 : vector<16xi32> to vector<16xi32>
      tpu.vector_store %arg10[%swap3A_139], %swap3A_142 {strides = array<i32>} : memref<80xi32, #tpu.memory_space<vmem>>, vector<16xi32>,
      %dma_start3A = arith.constant 0 : i32
      %dma_start3A_143 = arith.constant 0 : i32
      %dma_start3A_144 = tpu.memref_slice %arg8[%dma_start3A, %dma_start3A_143] : memref<100008x32xf32, #tpu.memory_space<hbm>> -> memref<100008x32xf32, #tpu.memory_space<hbm>>
      tpu.enqueue_indirect_dma source(%dma_start3A_144 : memref<100008x32xf32, #tpu.memory_space<hbm>>) target(%arg13 : memref<80x32xf32, #tpu.memory_space<vmem>>) offsets(%arg10 : memref<80xi32, #tpu.memory_space<vmem>>) semaphore(%arg17 : memref<!tpu.dma_semaphore, #tpu.memory_space<semaphore_mem>>)
      %dma_wait3A = arith.constant 0 : i32
      %dma_wait3A_145 = arith.constant 0 : i32
      %dma_wait3A_146 = tpu.memref_slice %arg8[%dma_wait3A, %dma_wait3A_145] : memref<100008x32xf32, #tpu.memory_space<hbm>> -> memref<100008x32xf32, #tpu.memory_space<hbm>>
      tpu.wait_indirect_dma semaphore(%arg17 : memref<!tpu.dma_semaphore, #tpu.memory_space<semaphore_mem>>) src(%dma_wait3A_146 : memref<100008x32xf32, #tpu.memory_space<hbm>>) dst(%arg13 : memref<80x32xf32, #tpu.memory_space<vmem>>)
      %scan3A_147 = arith.constant 0 : i32
      %scan3A_148 = arith.constant 80 : i32
      %scan3A_149 = arith.addi %scan3A_147, %scan3A_148 : i32
      %scan3A_150 = arith.constant 1 : i32
      scf.for %scan3A_152 = %scan3A_147 to %scan3A_149 step %scan3A_150  : i32 {
        %mul3A_153 = arith.constant 1 : i32
        %mul3A_154 = arith.muli %scan3A_152, %mul3A_153 : i32
        %add3A_155 = arith.constant 0 : i32
        %add3A_156 = arith.addi %add3A_155, %mul3A_154 : i32
        %get3A_157 = arith.index_cast %add3A_156 : i32 to index
        %get3A_158 = arith.constant 0 : index
        %get3A_159 = tpu.vector_load %arg12[%get3A_157, %get3A_158] {strides = array<i32>} : memref<80x16xf32, #tpu.memory_space<vmem>>, vector<1x16xf32>,
        %get3A_160 = vector.shape_cast %get3A_159 : vector<1x16xf32> to vector<16xf32>
        %get3A_161 = arith.index_cast %add3A_156 : i32 to index
        %get3A_162 = arith.constant 0 : index
        %get3A_163 = tpu.vector_load %arg13[%get3A_161, %get3A_162] {strides = array<i32>} : memref<80x32xf32, #tpu.memory_space<vmem>>, vector<1x16xf32>,
        %get3A_164 = vector.shape_cast %get3A_163 : vector<1x16xf32> to vector<16xf32>
        %mul3A_165 = arith.mulf %get3A_164, %get3A_160 : vector<16xf32>
        %swap3A_166 = arith.index_cast %add3A_156 : i32 to index
        %swap3A_167 = arith.constant 0 : index
        %swap3A_168 = tpu.vector_load %arg13[%swap3A_166, %swap3A_167] {strides = array<i32>} : memref<80x32xf32, #tpu.memory_space<vmem>>, vector<1x16xf32>,
        %swap3A_169 = vector.shape_cast %swap3A_168 : vector<1x16xf32> to vector<16xf32>
        %swap3A_170 = vector.shape_cast %mul3A_165 : vector<16xf32> to vector<1x16xf32>
        tpu.vector_store %arg13[%swap3A_166, %swap3A_167], %swap3A_170 {strides = array<i32>} : memref<80x32xf32, #tpu.memory_space<vmem>>, vector<1x16xf32>,
        %get3A_171 = arith.index_cast %add3A_156 : i32 to index
        %get3A_172 = arith.constant 16 : index
        %get3A_173 = tpu.vector_load %arg13[%get3A_171, %get3A_172] {strides = array<i32>} : memref<80x32xf32, #tpu.memory_space<vmem>>, vector<1x16xf32>,
        %get3A_174 = vector.shape_cast %get3A_173 : vector<1x16xf32> to vector<16xf32>
        %mul3A_175 = arith.mulf %get3A_174, %get3A_160 : vector<16xf32>
        %swap3A_176 = arith.index_cast %add3A_156 : i32 to index
        %swap3A_177 = arith.constant 16 : index
        %swap3A_178 = tpu.vector_load %arg13[%swap3A_176, %swap3A_177] {strides = array<i32>} : memref<80x32xf32, #tpu.memory_space<vmem>>, vector<1x16xf32>,
        %swap3A_179 = vector.shape_cast %swap3A_178 : vector<1x16xf32> to vector<16xf32>
        %swap3A_180 = vector.shape_cast %mul3A_175 : vector<16xf32> to vector<1x16xf32>
        tpu.vector_store %arg13[%swap3A_176, %swap3A_177], %swap3A_180 {strides = array<i32>} : memref<80x32xf32, #tpu.memory_space<vmem>>, vector<1x16xf32>,
      }
      %scan3A_151 = arith.constant 80 : i32
      "tpu.region"() ({
        %run_scoped3A = tpu.sem_alloc : memref<!tpu.dma_semaphore, #tpu.memory_space<semaphore_mem>>
        %dma_start3A_152 = arith.constant 0 : i32
        %dma_start3A_153 = arith.constant 0 : i32
        %dma_start3A_154 = tpu.memref_slice %arg16[%dma_start3A_152, %dma_start3A_153] : memref<50000x32xf32, #tpu.memory_space<vmem_shared>> -> memref<50000x32xf32, #tpu.memory_space<vmem_shared>>
        tpu.enqueue_indirect_dma source(%arg13 : memref<80x32xf32, #tpu.memory_space<vmem>>) target(%dma_start3A_154 : memref<50000x32xf32, #tpu.memory_space<vmem_shared>>) offsets(%arg11 : memref<80xi32, #tpu.memory_space<vmem>>) semaphore(%run_scoped3A : memref<!tpu.dma_semaphore, #tpu.memory_space<semaphore_mem>>) {add = true}
        %dma_wait3A_155 = arith.constant 0 : i32
        %dma_wait3A_156 = arith.constant 0 : i32
        %dma_wait3A_157 = tpu.memref_slice %arg16[%dma_wait3A_155, %dma_wait3A_156] : memref<50000x32xf32, #tpu.memory_space<vmem_shared>> -> memref<50000x32xf32, #tpu.memory_space<vmem_shared>>
        tpu.wait_indirect_dma semaphore(%run_scoped3A : memref<!tpu.dma_semaphore, #tpu.memory_space<semaphore_mem>>) src(%arg13 : memref<80x32xf32, #tpu.memory_space<vmem>>) dst(%dma_wait3A_157 : memref<50000x32xf32, #tpu.memory_space<vmem_shared>>)
        tpu.yield
      }) : () -> ()
    }
    %barrier3A_74 = arith.constant 0 : index
    tpu.barrier barrier_id(%barrier3A_74)
    %mul3A_75 = arith.constant 50000 : i32
    %mul3A_76 = arith.muli %arg0, %mul3A_75 : i32
    %sub3A_77 = arith.constant 250 : i32
    %sub3A_78 = arith.subi %sub3A_77, %arg1 : i32
    %sub3A_79 = arith.constant 16 : i32
    %sub3A_80 = arith.constant 1 : i32
    %sub3A_81 = arith.subi %sub3A_79, %sub3A_80 : i32
    %add3A_82 = arith.addi %sub3A_78, %sub3A_81 : i32
    %div3A_83 = arith.constant 16 : i32
    %div3A_84 = arith.divsi %add3A_82, %div3A_83 : i32
    %while3A_85 = arith.constant 16 : i32
    %while3A_86 = arith.constant 0 : i32
    %while3A_87 = arith.subi %div3A_84, %while3A_86 : i32
    %while3A_88 = arith.addi %while3A_86, %while3A_87 : i32
    %while3A_89 = arith.constant 1 : i32
    %while3A_90 = arith.divsi %while3A_87, %while3A_89 : i32
    %while3A_91 = arith.muli %while3A_90, %while3A_89 : i32
    %while3A_92 = arith.addi %while3A_86, %while3A_91 : i32
    %while3A_93 = arith.constant 1 : i32
    scf.for %while3A_95 = %while3A_86 to %while3A_92 step %while3A_93  : i32 {
      %mul3A_96 = arith.muli %while3A_95, %while3A_85 : i32
      %add3A_97 = arith.addi %arg1, %mul3A_96 : i32
      %mul3A_98 = arith.constant 200 : i32
      %mul3A_99 = arith.muli %add3A_97, %mul3A_98 : i32
      %mul3A_100 = arith.constant 200 : i32
      %mul3A_101 = arith.muli %add3A_97, %mul3A_100 : i32
      %add3A_102 = arith.addi %mul3A_76, %mul3A_101 : i32
      "tpu.region"() ({
        %run_scoped3A = tpu.sem_alloc : memref<!tpu.dma_semaphore, #tpu.memory_space<semaphore_mem>>
        %dma_start3A = arith.constant 0 : i32
        %dma_start3A_103 = tpu.memref_slice %arg9[%add3A_102, %dma_start3A] : memref<100000x32xf32, #tpu.memory_space<hbm>> -> memref<200x32xf32, #tpu.memory_space<hbm>>
        %dma_start3A_104 = arith.constant 0 : i32
        %dma_start3A_105 = tpu.memref_slice %arg16[%mul3A_99, %dma_start3A_104] : memref<50000x32xf32, #tpu.memory_space<vmem_shared>> -> memref<200x32xf32, #tpu.memory_space<vmem_shared>>
        tpu.enqueue_dma source(%dma_start3A_105 : memref<200x32xf32, #tpu.memory_space<vmem_shared>>) target(%dma_start3A_103 : memref<200x32xf32, #tpu.memory_space<hbm>>) target_semaphore(%run_scoped3A : memref<!tpu.dma_semaphore, #tpu.memory_space<semaphore_mem>>)
        %dma_wait3A = arith.constant 0 : i32
        %dma_wait3A_106 = tpu.memref_slice %arg9[%add3A_102, %dma_wait3A] : memref<100000x32xf32, #tpu.memory_space<hbm>> -> memref<200x32xf32, #tpu.memory_space<hbm>>
        %dma_wait3A_107 = arith.constant 0 : i32
        %dma_wait3A_108 = tpu.memref_slice %arg16[%mul3A_99, %dma_wait3A_107] : memref<50000x32xf32, #tpu.memory_space<vmem_shared>> -> memref<200x32xf32, #tpu.memory_space<vmem_shared>>
        tpu.wait_dma2 semaphore(%run_scoped3A : memref<!tpu.dma_semaphore, #tpu.memory_space<semaphore_mem>>) src(%dma_wait3A_108 : memref<200x32xf32, #tpu.memory_space<vmem_shared>>) dst(%dma_wait3A_106 : memref<200x32xf32, #tpu.memory_space<hbm>>)
        tpu.yield
      }) : () -> ()
    }
    %while3A_94 = arith.constant 1 : i32
    scf.for %while3A_95 = %while3A_92 to %while3A_88 step %while3A_94  : i32 {
      %mul3A_96 = arith.muli %while3A_95, %while3A_85 : i32
      %add3A_97 = arith.addi %arg1, %mul3A_96 : i32
      %mul3A_98 = arith.constant 200 : i32
      %mul3A_99 = arith.muli %add3A_97, %mul3A_98 : i32
      %mul3A_100 = arith.constant 200 : i32
      %mul3A_101 = arith.muli %add3A_97, %mul3A_100 : i32
      %add3A_102 = arith.addi %mul3A_76, %mul3A_101 : i32
      "tpu.region"() ({
        %run_scoped3A = tpu.sem_alloc : memref<!tpu.dma_semaphore, #tpu.memory_space<semaphore_mem>>
        %dma_start3A = arith.constant 0 : i32
        %dma_start3A_103 = tpu.memref_slice %arg9[%add3A_102, %dma_start3A] : memref<100000x32xf32, #tpu.memory_space<hbm>> -> memref<200x32xf32, #tpu.memory_space<hbm>>
        %dma_start3A_104 = arith.constant 0 : i32
        %dma_start3A_105 = tpu.memref_slice %arg16[%mul3A_99, %dma_start3A_104] : memref<50000x32xf32, #tpu.memory_space<vmem_shared>> -> memref<200x32xf32, #tpu.memory_space<vmem_shared>>
        tpu.enqueue_dma source(%dma_start3A_105 : memref<200x32xf32, #tpu.memory_space<vmem_shared>>) target(%dma_start3A_103 : memref<200x32xf32, #tpu.memory_space<hbm>>) target_semaphore(%run_scoped3A : memref<!tpu.dma_semaphore, #tpu.memory_space<semaphore_mem>>)
        %dma_wait3A = arith.constant 0 : i32
        %dma_wait3A_106 = tpu.memref_slice %arg9[%add3A_102, %dma_wait3A] : memref<100000x32xf32, #tpu.memory_space<hbm>> -> memref<200x32xf32, #tpu.memory_space<hbm>>
        %dma_wait3A_107 = arith.constant 0 : i32
        %dma_wait3A_108 = tpu.memref_slice %arg16[%mul3A_99, %dma_wait3A_107] : memref<50000x32xf32, #tpu.memory_space<vmem_shared>> -> memref<200x32xf32, #tpu.memory_space<vmem_shared>>
        tpu.wait_dma2 semaphore(%run_scoped3A : memref<!tpu.dma_semaphore, #tpu.memory_space<semaphore_mem>>) src(%dma_wait3A_108 : memref<200x32xf32, #tpu.memory_space<vmem_shared>>) dst(%dma_wait3A_106 : memref<200x32xf32, #tpu.memory_space<hbm>>)
        tpu.yield
      }) : () -> ()
    }
    return
  }
}

#map = affine_map<(d0, d1) -> (0, 0)>
#map1 = affine_map<(d0, d1) -> (0)>
module attributes {stable_mosaic.version = 14 : i64} {
  func.func @_sc_res_body(%arg0: i32, %arg1: i32, %arg2: memref<12512x16xf32, #tpu.memory_space<hbm>>, %arg3: memref<187520xi32, #tpu.memory_space<hbm>>, %arg4: memref<187520xi32, #tpu.memory_space<hbm>>, %arg5: memref<100000x32xf32, #tpu.memory_space<hbm>>, %arg6: memref<6320xi32, #tpu.memory_space<hbm>>, %arg7: memref<12512x16xf32, #tpu.memory_space<hbm>>, %arg8: memref<12640x32xf32, #tpu.memory_space<hbm>>, %arg9: memref<80xi32, #tpu.memory_space<vmem>>, %arg10: memref<80xi32, #tpu.memory_space<vmem>>, %arg11: memref<80x16xf32, #tpu.memory_space<vmem>>, %arg12: memref<80x32xf32, #tpu.memory_space<vmem>>, %arg13: memref<368x16xf32, #tpu.memory_space<vmem>>, %arg14: memref<6256x16xf32, #tpu.memory_space<vmem_shared>>, %arg15: memref<!tpu.dma_semaphore, #tpu.memory_space<semaphore_mem>>) attributes {dimension_semantics = [#tpu.dimension_semantics<core_parallel>, #tpu.dimension_semantics<subcore_parallel>], iteration_bounds = array<i64: 2, 16>, scalar_prefetch = 0 : i64, scratch_operands = 7 : i64, tpu.core_type = #tpu.core_type<sc_vector_subcore>, window_params = [{transform_indices = #map}, {transform_indices = #map1}, {transform_indices = #map1}, {transform_indices = #map}, {transform_indices = #map1}, {transform_indices = #map}, {transform_indices = #map}]} {
    %scan3A = arith.constant 0 : i32
    %scan3A_0 = arith.constant 368 : i32
    %scan3A_1 = arith.addi %scan3A, %scan3A_0 : i32
    %scan3A_2 = arith.constant 1 : i32
    scf.for %scan3A_74 = %scan3A to %scan3A_1 step %scan3A_2  : i32 {
      %mul3A_75 = arith.constant 1 : i32
      %mul3A_76 = arith.muli %scan3A_74, %mul3A_75 : i32
      %add3A_77 = arith.constant 0 : i32
      %add3A_78 = arith.addi %add3A_77, %mul3A_76 : i32
      %broadcast_in_dim3A = arith.constant 0.000000e+00 : f32
      %broadcast_in_dim3A_79 = vector.broadcast %broadcast_in_dim3A : f32 to vector<16xf32>
      %swap3A = arith.index_cast %add3A_78 : i32 to index
      %swap3A_80 = arith.constant 0 : index
      %swap3A_81 = tpu.vector_load %arg13[%swap3A, %swap3A_80] {strides = array<i32>} : memref<368x16xf32, #tpu.memory_space<vmem>>, vector<1x16xf32>,
      %swap3A_82 = vector.shape_cast %swap3A_81 : vector<1x16xf32> to vector<16xf32>
      %swap3A_83 = vector.shape_cast %broadcast_in_dim3A_79 : vector<16xf32> to vector<1x16xf32>
      tpu.vector_store %arg13[%swap3A, %swap3A_80], %swap3A_83 {strides = array<i32>} : memref<368x16xf32, #tpu.memory_space<vmem>>, vector<1x16xf32>,
    }
    %scan3A_3 = arith.constant 368 : i32
    %sub3A = arith.constant 17 : i32
    %sub3A_4 = arith.subi %sub3A, %arg1 : i32
    %sub3A_5 = arith.constant 16 : i32
    %sub3A_6 = arith.constant 1 : i32
    %sub3A_7 = arith.subi %sub3A_5, %sub3A_6 : i32
    %add3A = arith.addi %sub3A_4, %sub3A_7 : i32
    %div3A = arith.constant 16 : i32
    %div3A_8 = arith.divsi %add3A, %div3A : i32
    %while3A = arith.constant 16 : i32
    %while3A_9 = arith.constant 0 : i32
    %while3A_10 = arith.subi %div3A_8, %while3A_9 : i32
    %while3A_11 = arith.addi %while3A_9, %while3A_10 : i32
    %while3A_12 = arith.constant 1 : i32
    %while3A_13 = arith.divsi %while3A_10, %while3A_12 : i32
    %while3A_14 = arith.muli %while3A_13, %while3A_12 : i32
    %while3A_15 = arith.addi %while3A_9, %while3A_14 : i32
    %while3A_16 = arith.constant 1 : i32
    scf.for %while3A_74 = %while3A_9 to %while3A_15 step %while3A_16  : i32 {
      %mul3A_75 = arith.muli %while3A_74, %while3A : i32
      %add3A_76 = arith.addi %arg1, %mul3A_75 : i32
      %mul3A_77 = arith.constant 368 : i32
      %mul3A_78 = arith.muli %add3A_76, %mul3A_77 : i32
      "tpu.region"() ({
        %run_scoped3A = tpu.sem_alloc : memref<!tpu.dma_semaphore, #tpu.memory_space<semaphore_mem>>
        %dma_start3A = arith.constant 0 : i32
        %dma_start3A_79 = tpu.memref_slice %arg14[%mul3A_78, %dma_start3A] : memref<6256x16xf32, #tpu.memory_space<vmem_shared>> -> memref<368x16xf32, #tpu.memory_space<vmem_shared>>
        %dma_start3A_80 = arith.constant 0 : i32
        %dma_start3A_81 = tpu.memref_slice %arg14[%mul3A_78, %dma_start3A_80] : memref<6256x16xf32, #tpu.memory_space<vmem_shared>> -> memref<368x16xf32, #tpu.memory_space<vmem_shared>>
        tpu.enqueue_dma source(%arg13 : memref<368x16xf32, #tpu.memory_space<vmem>>) target(%dma_start3A_81 : memref<368x16xf32, #tpu.memory_space<vmem_shared>>) target_semaphore(%run_scoped3A : memref<!tpu.dma_semaphore, #tpu.memory_space<semaphore_mem>>)
        %dma_wait3A = arith.constant 0 : i32
        %dma_wait3A_82 = tpu.memref_slice %arg14[%mul3A_78, %dma_wait3A] : memref<6256x16xf32, #tpu.memory_space<vmem_shared>> -> memref<368x16xf32, #tpu.memory_space<vmem_shared>>
        %dma_wait3A_83 = arith.constant 0 : i32
        %dma_wait3A_84 = tpu.memref_slice %arg14[%mul3A_78, %dma_wait3A_83] : memref<6256x16xf32, #tpu.memory_space<vmem_shared>> -> memref<368x16xf32, #tpu.memory_space<vmem_shared>>
        tpu.wait_dma2 semaphore(%run_scoped3A : memref<!tpu.dma_semaphore, #tpu.memory_space<semaphore_mem>>) src(%arg13 : memref<368x16xf32, #tpu.memory_space<vmem>>) dst(%dma_wait3A_84 : memref<368x16xf32, #tpu.memory_space<vmem_shared>>)
        tpu.yield
      }) : () -> ()
    }
    %while3A_17 = arith.constant 1 : i32
    scf.for %while3A_74 = %while3A_15 to %while3A_11 step %while3A_17  : i32 {
      %mul3A_75 = arith.muli %while3A_74, %while3A : i32
      %add3A_76 = arith.addi %arg1, %mul3A_75 : i32
      %mul3A_77 = arith.constant 368 : i32
      %mul3A_78 = arith.muli %add3A_76, %mul3A_77 : i32
      "tpu.region"() ({
        %run_scoped3A = tpu.sem_alloc : memref<!tpu.dma_semaphore, #tpu.memory_space<semaphore_mem>>
        %dma_start3A = arith.constant 0 : i32
        %dma_start3A_79 = tpu.memref_slice %arg14[%mul3A_78, %dma_start3A] : memref<6256x16xf32, #tpu.memory_space<vmem_shared>> -> memref<368x16xf32, #tpu.memory_space<vmem_shared>>
        %dma_start3A_80 = arith.constant 0 : i32
        %dma_start3A_81 = tpu.memref_slice %arg14[%mul3A_78, %dma_start3A_80] : memref<6256x16xf32, #tpu.memory_space<vmem_shared>> -> memref<368x16xf32, #tpu.memory_space<vmem_shared>>
        tpu.enqueue_dma source(%arg13 : memref<368x16xf32, #tpu.memory_space<vmem>>) target(%dma_start3A_81 : memref<368x16xf32, #tpu.memory_space<vmem_shared>>) target_semaphore(%run_scoped3A : memref<!tpu.dma_semaphore, #tpu.memory_space<semaphore_mem>>)
        %dma_wait3A = arith.constant 0 : i32
        %dma_wait3A_82 = tpu.memref_slice %arg14[%mul3A_78, %dma_wait3A] : memref<6256x16xf32, #tpu.memory_space<vmem_shared>> -> memref<368x16xf32, #tpu.memory_space<vmem_shared>>
        %dma_wait3A_83 = arith.constant 0 : i32
        %dma_wait3A_84 = tpu.memref_slice %arg14[%mul3A_78, %dma_wait3A_83] : memref<6256x16xf32, #tpu.memory_space<vmem_shared>> -> memref<368x16xf32, #tpu.memory_space<vmem_shared>>
        tpu.wait_dma2 semaphore(%run_scoped3A : memref<!tpu.dma_semaphore, #tpu.memory_space<semaphore_mem>>) src(%arg13 : memref<368x16xf32, #tpu.memory_space<vmem>>) dst(%dma_wait3A_84 : memref<368x16xf32, #tpu.memory_space<vmem_shared>>)
        tpu.yield
      }) : () -> ()
    }
    %barrier3A = arith.constant 0 : index
    tpu.barrier barrier_id(%barrier3A)
    %sub3A_18 = arith.constant 79 : i32
    %sub3A_19 = arith.subi %sub3A_18, %arg1 : i32
    %sub3A_20 = arith.constant 16 : i32
    %sub3A_21 = arith.constant 1 : i32
    %sub3A_22 = arith.subi %sub3A_20, %sub3A_21 : i32
    %add3A_23 = arith.addi %sub3A_19, %sub3A_22 : i32
    %div3A_24 = arith.constant 16 : i32
    %div3A_25 = arith.divsi %add3A_23, %div3A_24 : i32
    %while3A_26 = arith.constant 16 : i32
    %while3A_27 = arith.constant 0 : i32
    %while3A_28 = arith.subi %div3A_25, %while3A_27 : i32
    %while3A_29 = arith.addi %while3A_27, %while3A_28 : i32
    %while3A_30 = arith.constant 1 : i32
    %while3A_31 = arith.divsi %while3A_28, %while3A_30 : i32
    %while3A_32 = arith.muli %while3A_31, %while3A_30 : i32
    %while3A_33 = arith.addi %while3A_27, %while3A_32 : i32
    %while3A_34 = arith.constant 1 : i32
    scf.for %while3A_74 = %while3A_27 to %while3A_33 step %while3A_34  : i32 {
      %mul3A_75 = arith.muli %while3A_74, %while3A_26 : i32
      %add3A_76 = arith.addi %arg1, %mul3A_75 : i32
      %mul3A_77 = arith.constant 80 : i32
      %mul3A_78 = arith.muli %add3A_76, %mul3A_77 : i32
      "tpu.region"() ({
        %run_scoped3A = tpu.sem_alloc : memref<!tpu.dma_semaphore, #tpu.memory_space<semaphore_mem>>
        %dma_start3A_139 = tpu.memref_slice %arg6[%mul3A_78] : memref<6320xi32, #tpu.memory_space<hbm>> -> memref<80xi32, #tpu.memory_space<hbm>>
        %dma_start3A_140 = tpu.memref_slice %arg6[%mul3A_78] : memref<6320xi32, #tpu.memory_space<hbm>> -> memref<80xi32, #tpu.memory_space<hbm>>
        tpu.enqueue_dma source(%dma_start3A_140 : memref<80xi32, #tpu.memory_space<hbm>>) target(%arg9 : memref<80xi32, #tpu.memory_space<vmem>>) target_semaphore(%run_scoped3A : memref<!tpu.dma_semaphore, #tpu.memory_space<semaphore_mem>>)
        %dma_wait3A_141 = tpu.memref_slice %arg6[%mul3A_78] : memref<6320xi32, #tpu.memory_space<hbm>> -> memref<80xi32, #tpu.memory_space<hbm>>
        %dma_wait3A_142 = tpu.memref_slice %arg6[%mul3A_78] : memref<6320xi32, #tpu.memory_space<hbm>> -> memref<80xi32, #tpu.memory_space<hbm>>
        tpu.wait_dma2 semaphore(%run_scoped3A : memref<!tpu.dma_semaphore, #tpu.memory_space<semaphore_mem>>) src(%dma_wait3A_142 : memref<80xi32, #tpu.memory_space<hbm>>) dst(%arg9 : memref<80xi32, #tpu.memory_space<vmem>>)
        tpu.yield
      }) : () -> ()
      %get3A = arith.constant 0 : index
      %get3A_79 = tpu.vector_load %arg9[%get3A] {strides = array<i32>} : memref<80xi32, #tpu.memory_space<vmem>>, vector<16xi32>,
      %get3A_80 = vector.shape_cast %get3A_79 : vector<16xi32> to vector<16xi32>
      %mul3A_81 = arith.constant 50000 : i32
      %mul3A_82 = arith.muli %arg0, %mul3A_81 : i32
      %add3A_83 = vector.broadcast %mul3A_82 : i32 to vector<16xi32>
      %add3A_84 = arith.addi %get3A_80, %add3A_83 : vector<16xi32>
      %swap3A = arith.constant 0 : index
      %swap3A_85 = tpu.vector_load %arg9[%swap3A] {strides = array<i32>} : memref<80xi32, #tpu.memory_space<vmem>>, vector<16xi32>,
      %swap3A_86 = vector.shape_cast %swap3A_85 : vector<16xi32> to vector<16xi32>
      %swap3A_87 = vector.shape_cast %add3A_84 : vector<16xi32> to vector<16xi32>
      tpu.vector_store %arg9[%swap3A], %swap3A_87 {strides = array<i32>} : memref<80xi32, #tpu.memory_space<vmem>>, vector<16xi32>,
      %get3A_88 = arith.constant 16 : index
      %get3A_89 = tpu.vector_load %arg9[%get3A_88] {strides = array<i32>} : memref<80xi32, #tpu.memory_space<vmem>>, vector<16xi32>,
      %get3A_90 = vector.shape_cast %get3A_89 : vector<16xi32> to vector<16xi32>
      %mul3A_91 = arith.constant 50000 : i32
      %mul3A_92 = arith.muli %arg0, %mul3A_91 : i32
      %add3A_93 = vector.broadcast %mul3A_92 : i32 to vector<16xi32>
      %add3A_94 = arith.addi %get3A_90, %add3A_93 : vector<16xi32>
      %swap3A_95 = arith.constant 16 : index
      %swap3A_96 = tpu.vector_load %arg9[%swap3A_95] {strides = array<i32>} : memref<80xi32, #tpu.memory_space<vmem>>, vector<16xi32>,
      %swap3A_97 = vector.shape_cast %swap3A_96 : vector<16xi32> to vector<16xi32>
      %swap3A_98 = vector.shape_cast %add3A_94 : vector<16xi32> to vector<16xi32>
      tpu.vector_store %arg9[%swap3A_95], %swap3A_98 {strides = array<i32>} : memref<80xi32, #tpu.memory_space<vmem>>, vector<16xi32>,
      %get3A_99 = arith.constant 32 : index
      %get3A_100 = tpu.vector_load %arg9[%get3A_99] {strides = array<i32>} : memref<80xi32, #tpu.memory_space<vmem>>, vector<16xi32>,
      %get3A_101 = vector.shape_cast %get3A_100 : vector<16xi32> to vector<16xi32>
      %mul3A_102 = arith.constant 50000 : i32
      %mul3A_103 = arith.muli %arg0, %mul3A_102 : i32
      %add3A_104 = vector.broadcast %mul3A_103 : i32 to vector<16xi32>
      %add3A_105 = arith.addi %get3A_101, %add3A_104 : vector<16xi32>
      %swap3A_106 = arith.constant 32 : index
      %swap3A_107 = tpu.vector_load %arg9[%swap3A_106] {strides = array<i32>} : memref<80xi32, #tpu.memory_space<vmem>>, vector<16xi32>,
      %swap3A_108 = vector.shape_cast %swap3A_107 : vector<16xi32> to vector<16xi32>
      %swap3A_109 = vector.shape_cast %add3A_105 : vector<16xi32> to vector<16xi32>
      tpu.vector_store %arg9[%swap3A_106], %swap3A_109 {strides = array<i32>} : memref<80xi32, #tpu.memory_space<vmem>>, vector<16xi32>,
      %get3A_110 = arith.constant 48 : index
      %get3A_111 = tpu.vector_load %arg9[%get3A_110] {strides = array<i32>} : memref<80xi32, #tpu.memory_space<vmem>>, vector<16xi32>,
      %get3A_112 = vector.shape_cast %get3A_111 : vector<16xi32> to vector<16xi32>
      %mul3A_113 = arith.constant 50000 : i32
      %mul3A_114 = arith.muli %arg0, %mul3A_113 : i32
      %add3A_115 = vector.broadcast %mul3A_114 : i32 to vector<16xi32>
      %add3A_116 = arith.addi %get3A_112, %add3A_115 : vector<16xi32>
      %swap3A_117 = arith.constant 48 : index
      %swap3A_118 = tpu.vector_load %arg9[%swap3A_117] {strides = array<i32>} : memref<80xi32, #tpu.memory_space<vmem>>, vector<16xi32>,
      %swap3A_119 = vector.shape_cast %swap3A_118 : vector<16xi32> to vector<16xi32>
      %swap3A_120 = vector.shape_cast %add3A_116 : vector<16xi32> to vector<16xi32>
      tpu.vector_store %arg9[%swap3A_117], %swap3A_120 {strides = array<i32>} : memref<80xi32, #tpu.memory_space<vmem>>, vector<16xi32>,
      %get3A_121 = arith.constant 64 : index
      %get3A_122 = tpu.vector_load %arg9[%get3A_121] {strides = array<i32>} : memref<80xi32, #tpu.memory_space<vmem>>, vector<16xi32>,
      %get3A_123 = vector.shape_cast %get3A_122 : vector<16xi32> to vector<16xi32>
      %mul3A_124 = arith.constant 50000 : i32
      %mul3A_125 = arith.muli %arg0, %mul3A_124 : i32
      %add3A_126 = vector.broadcast %mul3A_125 : i32 to vector<16xi32>
      %add3A_127 = arith.addi %get3A_123, %add3A_126 : vector<16xi32>
      %swap3A_128 = arith.constant 64 : index
      %swap3A_129 = tpu.vector_load %arg9[%swap3A_128] {strides = array<i32>} : memref<80xi32, #tpu.memory_space<vmem>>, vector<16xi32>,
      %swap3A_130 = vector.shape_cast %swap3A_129 : vector<16xi32> to vector<16xi32>
      %swap3A_131 = vector.shape_cast %add3A_127 : vector<16xi32> to vector<16xi32>
      tpu.vector_store %arg9[%swap3A_128], %swap3A_131 {strides = array<i32>} : memref<80xi32, #tpu.memory_space<vmem>>, vector<16xi32>,
      %dma_start3A = arith.constant 0 : i32
      %dma_start3A_132 = arith.constant 0 : i32
      %dma_start3A_133 = tpu.memref_slice %arg5[%dma_start3A, %dma_start3A_132] : memref<100000x32xf32, #tpu.memory_space<hbm>> -> memref<100000x32xf32, #tpu.memory_space<hbm>>
      tpu.enqueue_indirect_dma source(%dma_start3A_133 : memref<100000x32xf32, #tpu.memory_space<hbm>>) target(%arg12 : memref<80x32xf32, #tpu.memory_space<vmem>>) offsets(%arg9 : memref<80xi32, #tpu.memory_space<vmem>>) semaphore(%arg15 : memref<!tpu.dma_semaphore, #tpu.memory_space<semaphore_mem>>)
      %dma_wait3A = arith.constant 0 : i32
      %dma_wait3A_134 = arith.constant 0 : i32
      %dma_wait3A_135 = tpu.memref_slice %arg5[%dma_wait3A, %dma_wait3A_134] : memref<100000x32xf32, #tpu.memory_space<hbm>> -> memref<100000x32xf32, #tpu.memory_space<hbm>>
      tpu.wait_indirect_dma semaphore(%arg15 : memref<!tpu.dma_semaphore, #tpu.memory_space<semaphore_mem>>) src(%dma_wait3A_135 : memref<100000x32xf32, #tpu.memory_space<hbm>>) dst(%arg12 : memref<80x32xf32, #tpu.memory_space<vmem>>)
      %mul3A_136 = arith.constant 6320 : i32
      %mul3A_137 = arith.muli %arg0, %mul3A_136 : i32
      %add3A_138 = arith.addi %mul3A_137, %mul3A_78 : i32
      "tpu.region"() ({
        %run_scoped3A = tpu.sem_alloc : memref<!tpu.dma_semaphore, #tpu.memory_space<semaphore_mem>>
        %dma_start3A_139 = arith.constant 0 : i32
        %dma_start3A_140 = tpu.memref_slice %arg8[%add3A_138, %dma_start3A_139] : memref<12640x32xf32, #tpu.memory_space<hbm>> -> memref<80x32xf32, #tpu.memory_space<hbm>>
        %dma_start3A_141 = arith.constant 0 : i32
        %dma_start3A_142 = tpu.memref_slice %arg8[%add3A_138, %dma_start3A_141] : memref<12640x32xf32, #tpu.memory_space<hbm>> -> memref<80x32xf32, #tpu.memory_space<hbm>>
        tpu.enqueue_dma source(%arg12 : memref<80x32xf32, #tpu.memory_space<vmem>>) target(%dma_start3A_142 : memref<80x32xf32, #tpu.memory_space<hbm>>) target_semaphore(%run_scoped3A : memref<!tpu.dma_semaphore, #tpu.memory_space<semaphore_mem>>)
        %dma_wait3A_143 = arith.constant 0 : i32
        %dma_wait3A_144 = tpu.memref_slice %arg8[%add3A_138, %dma_wait3A_143] : memref<12640x32xf32, #tpu.memory_space<hbm>> -> memref<80x32xf32, #tpu.memory_space<hbm>>
        %dma_wait3A_145 = arith.constant 0 : i32
        %dma_wait3A_146 = tpu.memref_slice %arg8[%add3A_138, %dma_wait3A_145] : memref<12640x32xf32, #tpu.memory_space<hbm>> -> memref<80x32xf32, #tpu.memory_space<hbm>>
        tpu.wait_dma2 semaphore(%run_scoped3A : memref<!tpu.dma_semaphore, #tpu.memory_space<semaphore_mem>>) src(%arg12 : memref<80x32xf32, #tpu.memory_space<vmem>>) dst(%dma_wait3A_146 : memref<80x32xf32, #tpu.memory_space<hbm>>)
        tpu.yield
      }) : () -> ()
    }
    %while3A_35 = arith.constant 1 : i32
    scf.for %while3A_74 = %while3A_33 to %while3A_29 step %while3A_35  : i32 {
      %mul3A_75 = arith.muli %while3A_74, %while3A_26 : i32
      %add3A_76 = arith.addi %arg1, %mul3A_75 : i32
      %mul3A_77 = arith.constant 80 : i32
      %mul3A_78 = arith.muli %add3A_76, %mul3A_77 : i32
      "tpu.region"() ({
        %run_scoped3A = tpu.sem_alloc : memref<!tpu.dma_semaphore, #tpu.memory_space<semaphore_mem>>
        %dma_start3A_139 = tpu.memref_slice %arg6[%mul3A_78] : memref<6320xi32, #tpu.memory_space<hbm>> -> memref<80xi32, #tpu.memory_space<hbm>>
        %dma_start3A_140 = tpu.memref_slice %arg6[%mul3A_78] : memref<6320xi32, #tpu.memory_space<hbm>> -> memref<80xi32, #tpu.memory_space<hbm>>
        tpu.enqueue_dma source(%dma_start3A_140 : memref<80xi32, #tpu.memory_space<hbm>>) target(%arg9 : memref<80xi32, #tpu.memory_space<vmem>>) target_semaphore(%run_scoped3A : memref<!tpu.dma_semaphore, #tpu.memory_space<semaphore_mem>>)
        %dma_wait3A_141 = tpu.memref_slice %arg6[%mul3A_78] : memref<6320xi32, #tpu.memory_space<hbm>> -> memref<80xi32, #tpu.memory_space<hbm>>
        %dma_wait3A_142 = tpu.memref_slice %arg6[%mul3A_78] : memref<6320xi32, #tpu.memory_space<hbm>> -> memref<80xi32, #tpu.memory_space<hbm>>
        tpu.wait_dma2 semaphore(%run_scoped3A : memref<!tpu.dma_semaphore, #tpu.memory_space<semaphore_mem>>) src(%dma_wait3A_142 : memref<80xi32, #tpu.memory_space<hbm>>) dst(%arg9 : memref<80xi32, #tpu.memory_space<vmem>>)
        tpu.yield
      }) : () -> ()
      %get3A = arith.constant 0 : index
      %get3A_79 = tpu.vector_load %arg9[%get3A] {strides = array<i32>} : memref<80xi32, #tpu.memory_space<vmem>>, vector<16xi32>,
      %get3A_80 = vector.shape_cast %get3A_79 : vector<16xi32> to vector<16xi32>
      %mul3A_81 = arith.constant 50000 : i32
      %mul3A_82 = arith.muli %arg0, %mul3A_81 : i32
      %add3A_83 = vector.broadcast %mul3A_82 : i32 to vector<16xi32>
      %add3A_84 = arith.addi %get3A_80, %add3A_83 : vector<16xi32>
      %swap3A = arith.constant 0 : index
      %swap3A_85 = tpu.vector_load %arg9[%swap3A] {strides = array<i32>} : memref<80xi32, #tpu.memory_space<vmem>>, vector<16xi32>,
      %swap3A_86 = vector.shape_cast %swap3A_85 : vector<16xi32> to vector<16xi32>
      %swap3A_87 = vector.shape_cast %add3A_84 : vector<16xi32> to vector<16xi32>
      tpu.vector_store %arg9[%swap3A], %swap3A_87 {strides = array<i32>} : memref<80xi32, #tpu.memory_space<vmem>>, vector<16xi32>,
      %get3A_88 = arith.constant 16 : index
      %get3A_89 = tpu.vector_load %arg9[%get3A_88] {strides = array<i32>} : memref<80xi32, #tpu.memory_space<vmem>>, vector<16xi32>,
      %get3A_90 = vector.shape_cast %get3A_89 : vector<16xi32> to vector<16xi32>
      %mul3A_91 = arith.constant 50000 : i32
      %mul3A_92 = arith.muli %arg0, %mul3A_91 : i32
      %add3A_93 = vector.broadcast %mul3A_92 : i32 to vector<16xi32>
      %add3A_94 = arith.addi %get3A_90, %add3A_93 : vector<16xi32>
      %swap3A_95 = arith.constant 16 : index
      %swap3A_96 = tpu.vector_load %arg9[%swap3A_95] {strides = array<i32>} : memref<80xi32, #tpu.memory_space<vmem>>, vector<16xi32>,
      %swap3A_97 = vector.shape_cast %swap3A_96 : vector<16xi32> to vector<16xi32>
      %swap3A_98 = vector.shape_cast %add3A_94 : vector<16xi32> to vector<16xi32>
      tpu.vector_store %arg9[%swap3A_95], %swap3A_98 {strides = array<i32>} : memref<80xi32, #tpu.memory_space<vmem>>, vector<16xi32>,
      %get3A_99 = arith.constant 32 : index
      %get3A_100 = tpu.vector_load %arg9[%get3A_99] {strides = array<i32>} : memref<80xi32, #tpu.memory_space<vmem>>, vector<16xi32>,
      %get3A_101 = vector.shape_cast %get3A_100 : vector<16xi32> to vector<16xi32>
      %mul3A_102 = arith.constant 50000 : i32
      %mul3A_103 = arith.muli %arg0, %mul3A_102 : i32
      %add3A_104 = vector.broadcast %mul3A_103 : i32 to vector<16xi32>
      %add3A_105 = arith.addi %get3A_101, %add3A_104 : vector<16xi32>
      %swap3A_106 = arith.constant 32 : index
      %swap3A_107 = tpu.vector_load %arg9[%swap3A_106] {strides = array<i32>} : memref<80xi32, #tpu.memory_space<vmem>>, vector<16xi32>,
      %swap3A_108 = vector.shape_cast %swap3A_107 : vector<16xi32> to vector<16xi32>
      %swap3A_109 = vector.shape_cast %add3A_105 : vector<16xi32> to vector<16xi32>
      tpu.vector_store %arg9[%swap3A_106], %swap3A_109 {strides = array<i32>} : memref<80xi32, #tpu.memory_space<vmem>>, vector<16xi32>,
      %get3A_110 = arith.constant 48 : index
      %get3A_111 = tpu.vector_load %arg9[%get3A_110] {strides = array<i32>} : memref<80xi32, #tpu.memory_space<vmem>>, vector<16xi32>,
      %get3A_112 = vector.shape_cast %get3A_111 : vector<16xi32> to vector<16xi32>
      %mul3A_113 = arith.constant 50000 : i32
      %mul3A_114 = arith.muli %arg0, %mul3A_113 : i32
      %add3A_115 = vector.broadcast %mul3A_114 : i32 to vector<16xi32>
      %add3A_116 = arith.addi %get3A_112, %add3A_115 : vector<16xi32>
      %swap3A_117 = arith.constant 48 : index
      %swap3A_118 = tpu.vector_load %arg9[%swap3A_117] {strides = array<i32>} : memref<80xi32, #tpu.memory_space<vmem>>, vector<16xi32>,
      %swap3A_119 = vector.shape_cast %swap3A_118 : vector<16xi32> to vector<16xi32>
      %swap3A_120 = vector.shape_cast %add3A_116 : vector<16xi32> to vector<16xi32>
      tpu.vector_store %arg9[%swap3A_117], %swap3A_120 {strides = array<i32>} : memref<80xi32, #tpu.memory_space<vmem>>, vector<16xi32>,
      %get3A_121 = arith.constant 64 : index
      %get3A_122 = tpu.vector_load %arg9[%get3A_121] {strides = array<i32>} : memref<80xi32, #tpu.memory_space<vmem>>, vector<16xi32>,
      %get3A_123 = vector.shape_cast %get3A_122 : vector<16xi32> to vector<16xi32>
      %mul3A_124 = arith.constant 50000 : i32
      %mul3A_125 = arith.muli %arg0, %mul3A_124 : i32
      %add3A_126 = vector.broadcast %mul3A_125 : i32 to vector<16xi32>
      %add3A_127 = arith.addi %get3A_123, %add3A_126 : vector<16xi32>
      %swap3A_128 = arith.constant 64 : index
      %swap3A_129 = tpu.vector_load %arg9[%swap3A_128] {strides = array<i32>} : memref<80xi32, #tpu.memory_space<vmem>>, vector<16xi32>,
      %swap3A_130 = vector.shape_cast %swap3A_129 : vector<16xi32> to vector<16xi32>
      %swap3A_131 = vector.shape_cast %add3A_127 : vector<16xi32> to vector<16xi32>
      tpu.vector_store %arg9[%swap3A_128], %swap3A_131 {strides = array<i32>} : memref<80xi32, #tpu.memory_space<vmem>>, vector<16xi32>,
      %dma_start3A = arith.constant 0 : i32
      %dma_start3A_132 = arith.constant 0 : i32
      %dma_start3A_133 = tpu.memref_slice %arg5[%dma_start3A, %dma_start3A_132] : memref<100000x32xf32, #tpu.memory_space<hbm>> -> memref<100000x32xf32, #tpu.memory_space<hbm>>
      tpu.enqueue_indirect_dma source(%dma_start3A_133 : memref<100000x32xf32, #tpu.memory_space<hbm>>) target(%arg12 : memref<80x32xf32, #tpu.memory_space<vmem>>) offsets(%arg9 : memref<80xi32, #tpu.memory_space<vmem>>) semaphore(%arg15 : memref<!tpu.dma_semaphore, #tpu.memory_space<semaphore_mem>>)
      %dma_wait3A = arith.constant 0 : i32
      %dma_wait3A_134 = arith.constant 0 : i32
      %dma_wait3A_135 = tpu.memref_slice %arg5[%dma_wait3A, %dma_wait3A_134] : memref<100000x32xf32, #tpu.memory_space<hbm>> -> memref<100000x32xf32, #tpu.memory_space<hbm>>
      tpu.wait_indirect_dma semaphore(%arg15 : memref<!tpu.dma_semaphore, #tpu.memory_space<semaphore_mem>>) src(%dma_wait3A_135 : memref<100000x32xf32, #tpu.memory_space<hbm>>) dst(%arg12 : memref<80x32xf32, #tpu.memory_space<vmem>>)
      %mul3A_136 = arith.constant 6320 : i32
      %mul3A_137 = arith.muli %arg0, %mul3A_136 : i32
      %add3A_138 = arith.addi %mul3A_137, %mul3A_78 : i32
      "tpu.region"() ({
        %run_scoped3A = tpu.sem_alloc : memref<!tpu.dma_semaphore, #tpu.memory_space<semaphore_mem>>
        %dma_start3A_139 = arith.constant 0 : i32
        %dma_start3A_140 = tpu.memref_slice %arg8[%add3A_138, %dma_start3A_139] : memref<12640x32xf32, #tpu.memory_space<hbm>> -> memref<80x32xf32, #tpu.memory_space<hbm>>
        %dma_start3A_141 = arith.constant 0 : i32
        %dma_start3A_142 = tpu.memref_slice %arg8[%add3A_138, %dma_start3A_141] : memref<12640x32xf32, #tpu.memory_space<hbm>> -> memref<80x32xf32, #tpu.memory_space<hbm>>
        tpu.enqueue_dma source(%arg12 : memref<80x32xf32, #tpu.memory_space<vmem>>) target(%dma_start3A_142 : memref<80x32xf32, #tpu.memory_space<hbm>>) target_semaphore(%run_scoped3A : memref<!tpu.dma_semaphore, #tpu.memory_space<semaphore_mem>>)
        %dma_wait3A_143 = arith.constant 0 : i32
        %dma_wait3A_144 = tpu.memref_slice %arg8[%add3A_138, %dma_wait3A_143] : memref<12640x32xf32, #tpu.memory_space<hbm>> -> memref<80x32xf32, #tpu.memory_space<hbm>>
        %dma_wait3A_145 = arith.constant 0 : i32
        %dma_wait3A_146 = tpu.memref_slice %arg8[%add3A_138, %dma_wait3A_145] : memref<12640x32xf32, #tpu.memory_space<hbm>> -> memref<80x32xf32, #tpu.memory_space<hbm>>
        tpu.wait_dma2 semaphore(%run_scoped3A : memref<!tpu.dma_semaphore, #tpu.memory_space<semaphore_mem>>) src(%arg12 : memref<80x32xf32, #tpu.memory_space<vmem>>) dst(%dma_wait3A_146 : memref<80x32xf32, #tpu.memory_space<hbm>>)
        tpu.yield
      }) : () -> ()
    }
    %sub3A_36 = arith.constant 2344 : i32
    %sub3A_37 = arith.subi %sub3A_36, %arg1 : i32
    %sub3A_38 = arith.constant 16 : i32
    %sub3A_39 = arith.constant 1 : i32
    %sub3A_40 = arith.subi %sub3A_38, %sub3A_39 : i32
    %add3A_41 = arith.addi %sub3A_37, %sub3A_40 : i32
    %div3A_42 = arith.constant 16 : i32
    %div3A_43 = arith.divsi %add3A_41, %div3A_42 : i32
    %while3A_44 = arith.constant 16 : i32
    %while3A_45 = arith.constant 0 : i32
    %while3A_46 = arith.subi %div3A_43, %while3A_45 : i32
    %while3A_47 = arith.addi %while3A_45, %while3A_46 : i32
    %while3A_48 = arith.constant 1 : i32
    %while3A_49 = arith.divsi %while3A_46, %while3A_48 : i32
    %while3A_50 = arith.muli %while3A_49, %while3A_48 : i32
    %while3A_51 = arith.addi %while3A_45, %while3A_50 : i32
    %while3A_52 = arith.constant 1 : i32
    scf.for %while3A_74 = %while3A_45 to %while3A_51 step %while3A_52  : i32 {
      %mul3A_75 = arith.muli %while3A_74, %while3A_44 : i32
      %add3A_76 = arith.addi %arg1, %mul3A_75 : i32
      %mul3A_77 = arith.constant 80 : i32
      %mul3A_78 = arith.muli %add3A_76, %mul3A_77 : i32
      "tpu.region"() ({
        %run_scoped3A = tpu.sem_alloc : memref<!tpu.dma_semaphore, #tpu.memory_space<semaphore_mem>>
        %dma_start3A_141 = tpu.memref_slice %arg3[%mul3A_78] : memref<187520xi32, #tpu.memory_space<hbm>> -> memref<80xi32, #tpu.memory_space<hbm>>
        %dma_start3A_142 = tpu.memref_slice %arg3[%mul3A_78] : memref<187520xi32, #tpu.memory_space<hbm>> -> memref<80xi32, #tpu.memory_space<hbm>>
        tpu.enqueue_dma source(%dma_start3A_142 : memref<80xi32, #tpu.memory_space<hbm>>) target(%arg9 : memref<80xi32, #tpu.memory_space<vmem>>) target_semaphore(%run_scoped3A : memref<!tpu.dma_semaphore, #tpu.memory_space<semaphore_mem>>)
        %dma_wait3A_143 = tpu.memref_slice %arg3[%mul3A_78] : memref<187520xi32, #tpu.memory_space<hbm>> -> memref<80xi32, #tpu.memory_space<hbm>>
        %dma_wait3A_144 = tpu.memref_slice %arg3[%mul3A_78] : memref<187520xi32, #tpu.memory_space<hbm>> -> memref<80xi32, #tpu.memory_space<hbm>>
        tpu.wait_dma2 semaphore(%run_scoped3A : memref<!tpu.dma_semaphore, #tpu.memory_space<semaphore_mem>>) src(%dma_wait3A_144 : memref<80xi32, #tpu.memory_space<hbm>>) dst(%arg9 : memref<80xi32, #tpu.memory_space<vmem>>)
        tpu.yield
      }) : () -> ()
      "tpu.region"() ({
        %run_scoped3A = tpu.sem_alloc : memref<!tpu.dma_semaphore, #tpu.memory_space<semaphore_mem>>
        %dma_start3A_141 = tpu.memref_slice %arg4[%mul3A_78] : memref<187520xi32, #tpu.memory_space<hbm>> -> memref<80xi32, #tpu.memory_space<hbm>>
        %dma_start3A_142 = tpu.memref_slice %arg4[%mul3A_78] : memref<187520xi32, #tpu.memory_space<hbm>> -> memref<80xi32, #tpu.memory_space<hbm>>
        tpu.enqueue_dma source(%dma_start3A_142 : memref<80xi32, #tpu.memory_space<hbm>>) target(%arg10 : memref<80xi32, #tpu.memory_space<vmem>>) target_semaphore(%run_scoped3A : memref<!tpu.dma_semaphore, #tpu.memory_space<semaphore_mem>>)
        %dma_wait3A_143 = tpu.memref_slice %arg4[%mul3A_78] : memref<187520xi32, #tpu.memory_space<hbm>> -> memref<80xi32, #tpu.memory_space<hbm>>
        %dma_wait3A_144 = tpu.memref_slice %arg4[%mul3A_78] : memref<187520xi32, #tpu.memory_space<hbm>> -> memref<80xi32, #tpu.memory_space<hbm>>
        tpu.wait_dma2 semaphore(%run_scoped3A : memref<!tpu.dma_semaphore, #tpu.memory_space<semaphore_mem>>) src(%dma_wait3A_144 : memref<80xi32, #tpu.memory_space<hbm>>) dst(%arg10 : memref<80xi32, #tpu.memory_space<vmem>>)
        tpu.yield
      }) : () -> ()
      %get3A = arith.constant 0 : index
      %get3A_79 = tpu.vector_load %arg9[%get3A] {strides = array<i32>} : memref<80xi32, #tpu.memory_space<vmem>>, vector<16xi32>,
      %get3A_80 = vector.shape_cast %get3A_79 : vector<16xi32> to vector<16xi32>
      %mul3A_81 = arith.constant 6250 : i32
      %mul3A_82 = arith.muli %arg0, %mul3A_81 : i32
      %add3A_83 = vector.broadcast %mul3A_82 : i32 to vector<16xi32>
      %add3A_84 = arith.addi %get3A_80, %add3A_83 : vector<16xi32>
      %swap3A = arith.constant 0 : index
      %swap3A_85 = tpu.vector_load %arg9[%swap3A] {strides = array<i32>} : memref<80xi32, #tpu.memory_space<vmem>>, vector<16xi32>,
      %swap3A_86 = vector.shape_cast %swap3A_85 : vector<16xi32> to vector<16xi32>
      %swap3A_87 = vector.shape_cast %add3A_84 : vector<16xi32> to vector<16xi32>
      tpu.vector_store %arg9[%swap3A], %swap3A_87 {strides = array<i32>} : memref<80xi32, #tpu.memory_space<vmem>>, vector<16xi32>,
      %get3A_88 = arith.constant 16 : index
      %get3A_89 = tpu.vector_load %arg9[%get3A_88] {strides = array<i32>} : memref<80xi32, #tpu.memory_space<vmem>>, vector<16xi32>,
      %get3A_90 = vector.shape_cast %get3A_89 : vector<16xi32> to vector<16xi32>
      %mul3A_91 = arith.constant 6250 : i32
      %mul3A_92 = arith.muli %arg0, %mul3A_91 : i32
      %add3A_93 = vector.broadcast %mul3A_92 : i32 to vector<16xi32>
      %add3A_94 = arith.addi %get3A_90, %add3A_93 : vector<16xi32>
      %swap3A_95 = arith.constant 16 : index
      %swap3A_96 = tpu.vector_load %arg9[%swap3A_95] {strides = array<i32>} : memref<80xi32, #tpu.memory_space<vmem>>, vector<16xi32>,
      %swap3A_97 = vector.shape_cast %swap3A_96 : vector<16xi32> to vector<16xi32>
      %swap3A_98 = vector.shape_cast %add3A_94 : vector<16xi32> to vector<16xi32>
      tpu.vector_store %arg9[%swap3A_95], %swap3A_98 {strides = array<i32>} : memref<80xi32, #tpu.memory_space<vmem>>, vector<16xi32>,
      %get3A_99 = arith.constant 32 : index
      %get3A_100 = tpu.vector_load %arg9[%get3A_99] {strides = array<i32>} : memref<80xi32, #tpu.memory_space<vmem>>, vector<16xi32>,
      %get3A_101 = vector.shape_cast %get3A_100 : vector<16xi32> to vector<16xi32>
      %mul3A_102 = arith.constant 6250 : i32
      %mul3A_103 = arith.muli %arg0, %mul3A_102 : i32
      %add3A_104 = vector.broadcast %mul3A_103 : i32 to vector<16xi32>
      %add3A_105 = arith.addi %get3A_101, %add3A_104 : vector<16xi32>
      %swap3A_106 = arith.constant 32 : index
      %swap3A_107 = tpu.vector_load %arg9[%swap3A_106] {strides = array<i32>} : memref<80xi32, #tpu.memory_space<vmem>>, vector<16xi32>,
      %swap3A_108 = vector.shape_cast %swap3A_107 : vector<16xi32> to vector<16xi32>
      %swap3A_109 = vector.shape_cast %add3A_105 : vector<16xi32> to vector<16xi32>
      tpu.vector_store %arg9[%swap3A_106], %swap3A_109 {strides = array<i32>} : memref<80xi32, #tpu.memory_space<vmem>>, vector<16xi32>,
      %get3A_110 = arith.constant 48 : index
      %get3A_111 = tpu.vector_load %arg9[%get3A_110] {strides = array<i32>} : memref<80xi32, #tpu.memory_space<vmem>>, vector<16xi32>,
      %get3A_112 = vector.shape_cast %get3A_111 : vector<16xi32> to vector<16xi32>
      %mul3A_113 = arith.constant 6250 : i32
      %mul3A_114 = arith.muli %arg0, %mul3A_113 : i32
      %add3A_115 = vector.broadcast %mul3A_114 : i32 to vector<16xi32>
      %add3A_116 = arith.addi %get3A_112, %add3A_115 : vector<16xi32>
      %swap3A_117 = arith.constant 48 : index
      %swap3A_118 = tpu.vector_load %arg9[%swap3A_117] {strides = array<i32>} : memref<80xi32, #tpu.memory_space<vmem>>, vector<16xi32>,
      %swap3A_119 = vector.shape_cast %swap3A_118 : vector<16xi32> to vector<16xi32>
      %swap3A_120 = vector.shape_cast %add3A_116 : vector<16xi32> to vector<16xi32>
      tpu.vector_store %arg9[%swap3A_117], %swap3A_120 {strides = array<i32>} : memref<80xi32, #tpu.memory_space<vmem>>, vector<16xi32>,
      %get3A_121 = arith.constant 64 : index
      %get3A_122 = tpu.vector_load %arg9[%get3A_121] {strides = array<i32>} : memref<80xi32, #tpu.memory_space<vmem>>, vector<16xi32>,
      %get3A_123 = vector.shape_cast %get3A_122 : vector<16xi32> to vector<16xi32>
      %mul3A_124 = arith.constant 6250 : i32
      %mul3A_125 = arith.muli %arg0, %mul3A_124 : i32
      %add3A_126 = vector.broadcast %mul3A_125 : i32 to vector<16xi32>
      %add3A_127 = arith.addi %get3A_123, %add3A_126 : vector<16xi32>
      %swap3A_128 = arith.constant 64 : index
      %swap3A_129 = tpu.vector_load %arg9[%swap3A_128] {strides = array<i32>} : memref<80xi32, #tpu.memory_space<vmem>>, vector<16xi32>,
      %swap3A_130 = vector.shape_cast %swap3A_129 : vector<16xi32> to vector<16xi32>
      %swap3A_131 = vector.shape_cast %add3A_127 : vector<16xi32> to vector<16xi32>
      tpu.vector_store %arg9[%swap3A_128], %swap3A_131 {strides = array<i32>} : memref<80xi32, #tpu.memory_space<vmem>>, vector<16xi32>,
      %dma_start3A = arith.constant 0 : i32
      %dma_start3A_132 = arith.constant 0 : i32
      %dma_start3A_133 = tpu.memref_slice %arg2[%dma_start3A, %dma_start3A_132] : memref<12512x16xf32, #tpu.memory_space<hbm>> -> memref<12512x16xf32, #tpu.memory_space<hbm>>
      tpu.enqueue_indirect_dma source(%dma_start3A_133 : memref<12512x16xf32, #tpu.memory_space<hbm>>) target(%arg11 : memref<80x16xf32, #tpu.memory_space<vmem>>) offsets(%arg9 : memref<80xi32, #tpu.memory_space<vmem>>) semaphore(%arg15 : memref<!tpu.dma_semaphore, #tpu.memory_space<semaphore_mem>>)
      %dma_wait3A = arith.constant 0 : i32
      %dma_wait3A_134 = arith.constant 0 : i32
      %dma_wait3A_135 = tpu.memref_slice %arg2[%dma_wait3A, %dma_wait3A_134] : memref<12512x16xf32, #tpu.memory_space<hbm>> -> memref<12512x16xf32, #tpu.memory_space<hbm>>
      tpu.wait_indirect_dma semaphore(%arg15 : memref<!tpu.dma_semaphore, #tpu.memory_space<semaphore_mem>>) src(%dma_wait3A_135 : memref<12512x16xf32, #tpu.memory_space<hbm>>) dst(%arg11 : memref<80x16xf32, #tpu.memory_space<vmem>>)
      %scan3A_136 = arith.constant 0 : i32
      %scan3A_137 = arith.constant 80 : i32
      %scan3A_138 = arith.addi %scan3A_136, %scan3A_137 : i32
      %scan3A_139 = arith.constant 1 : i32
      scf.for %scan3A_141 = %scan3A_136 to %scan3A_138 step %scan3A_139  : i32 {
        %mul3A_142 = arith.constant 1 : i32
        %mul3A_143 = arith.muli %scan3A_141, %mul3A_142 : i32
        %add3A_144 = arith.constant 0 : i32
        %add3A_145 = arith.addi %add3A_144, %mul3A_143 : i32
        %get3A_146 = arith.index_cast %add3A_145 : i32 to index
        %get3A_147 = arith.constant 0 : index
        %get3A_148 = tpu.vector_load %arg11[%get3A_146, %get3A_147] {strides = array<i32>} : memref<80x16xf32, #tpu.memory_space<vmem>>, vector<1x16xf32>,
        %get3A_149 = vector.shape_cast %get3A_148 : vector<1x16xf32> to vector<16xf32>
        %max3A = arith.constant 0.000000e+00 : f32
        %max3A_150 = vector.broadcast %max3A : f32 to vector<16xf32>
        %max3A_151 = arith.maximumf %get3A_149, %max3A_150 : vector<16xf32>
        %swap3A_152 = arith.index_cast %add3A_145 : i32 to index
        %swap3A_153 = arith.constant 0 : index
        %swap3A_154 = tpu.vector_load %arg11[%swap3A_152, %swap3A_153] {strides = array<i32>} : memref<80x16xf32, #tpu.memory_space<vmem>>, vector<1x16xf32>,
        %swap3A_155 = vector.shape_cast %swap3A_154 : vector<1x16xf32> to vector<16xf32>
        %swap3A_156 = vector.shape_cast %max3A_151 : vector<16xf32> to vector<1x16xf32>
        tpu.vector_store %arg11[%swap3A_152, %swap3A_153], %swap3A_156 {strides = array<i32>} : memref<80x16xf32, #tpu.memory_space<vmem>>, vector<1x16xf32>,
      }
      %scan3A_140 = arith.constant 80 : i32
      "tpu.region"() ({
        %run_scoped3A = tpu.sem_alloc : memref<!tpu.dma_semaphore, #tpu.memory_space<semaphore_mem>>
        %dma_start3A_141 = arith.constant 0 : i32
        %dma_start3A_142 = arith.constant 0 : i32
        %dma_start3A_143 = tpu.memref_slice %arg14[%dma_start3A_141, %dma_start3A_142] : memref<6256x16xf32, #tpu.memory_space<vmem_shared>> -> memref<6256x16xf32, #tpu.memory_space<vmem_shared>>
        tpu.enqueue_indirect_dma source(%arg11 : memref<80x16xf32, #tpu.memory_space<vmem>>) target(%dma_start3A_143 : memref<6256x16xf32, #tpu.memory_space<vmem_shared>>) offsets(%arg10 : memref<80xi32, #tpu.memory_space<vmem>>) semaphore(%run_scoped3A : memref<!tpu.dma_semaphore, #tpu.memory_space<semaphore_mem>>) {add = true}
        %dma_wait3A_144 = arith.constant 0 : i32
        %dma_wait3A_145 = arith.constant 0 : i32
        %dma_wait3A_146 = tpu.memref_slice %arg14[%dma_wait3A_144, %dma_wait3A_145] : memref<6256x16xf32, #tpu.memory_space<vmem_shared>> -> memref<6256x16xf32, #tpu.memory_space<vmem_shared>>
        tpu.wait_indirect_dma semaphore(%run_scoped3A : memref<!tpu.dma_semaphore, #tpu.memory_space<semaphore_mem>>) src(%arg11 : memref<80x16xf32, #tpu.memory_space<vmem>>) dst(%dma_wait3A_146 : memref<6256x16xf32, #tpu.memory_space<vmem_shared>>)
        tpu.yield
      }) : () -> ()
    }
    %while3A_53 = arith.constant 1 : i32
    scf.for %while3A_74 = %while3A_51 to %while3A_47 step %while3A_53  : i32 {
      %mul3A_75 = arith.muli %while3A_74, %while3A_44 : i32
      %add3A_76 = arith.addi %arg1, %mul3A_75 : i32
      %mul3A_77 = arith.constant 80 : i32
      %mul3A_78 = arith.muli %add3A_76, %mul3A_77 : i32
      "tpu.region"() ({
        %run_scoped3A = tpu.sem_alloc : memref<!tpu.dma_semaphore, #tpu.memory_space<semaphore_mem>>
        %dma_start3A_141 = tpu.memref_slice %arg3[%mul3A_78] : memref<187520xi32, #tpu.memory_space<hbm>> -> memref<80xi32, #tpu.memory_space<hbm>>
        %dma_start3A_142 = tpu.memref_slice %arg3[%mul3A_78] : memref<187520xi32, #tpu.memory_space<hbm>> -> memref<80xi32, #tpu.memory_space<hbm>>
        tpu.enqueue_dma source(%dma_start3A_142 : memref<80xi32, #tpu.memory_space<hbm>>) target(%arg9 : memref<80xi32, #tpu.memory_space<vmem>>) target_semaphore(%run_scoped3A : memref<!tpu.dma_semaphore, #tpu.memory_space<semaphore_mem>>)
        %dma_wait3A_143 = tpu.memref_slice %arg3[%mul3A_78] : memref<187520xi32, #tpu.memory_space<hbm>> -> memref<80xi32, #tpu.memory_space<hbm>>
        %dma_wait3A_144 = tpu.memref_slice %arg3[%mul3A_78] : memref<187520xi32, #tpu.memory_space<hbm>> -> memref<80xi32, #tpu.memory_space<hbm>>
        tpu.wait_dma2 semaphore(%run_scoped3A : memref<!tpu.dma_semaphore, #tpu.memory_space<semaphore_mem>>) src(%dma_wait3A_144 : memref<80xi32, #tpu.memory_space<hbm>>) dst(%arg9 : memref<80xi32, #tpu.memory_space<vmem>>)
        tpu.yield
      }) : () -> ()
      "tpu.region"() ({
        %run_scoped3A = tpu.sem_alloc : memref<!tpu.dma_semaphore, #tpu.memory_space<semaphore_mem>>
        %dma_start3A_141 = tpu.memref_slice %arg4[%mul3A_78] : memref<187520xi32, #tpu.memory_space<hbm>> -> memref<80xi32, #tpu.memory_space<hbm>>
        %dma_start3A_142 = tpu.memref_slice %arg4[%mul3A_78] : memref<187520xi32, #tpu.memory_space<hbm>> -> memref<80xi32, #tpu.memory_space<hbm>>
        tpu.enqueue_dma source(%dma_start3A_142 : memref<80xi32, #tpu.memory_space<hbm>>) target(%arg10 : memref<80xi32, #tpu.memory_space<vmem>>) target_semaphore(%run_scoped3A : memref<!tpu.dma_semaphore, #tpu.memory_space<semaphore_mem>>)
        %dma_wait3A_143 = tpu.memref_slice %arg4[%mul3A_78] : memref<187520xi32, #tpu.memory_space<hbm>> -> memref<80xi32, #tpu.memory_space<hbm>>
        %dma_wait3A_144 = tpu.memref_slice %arg4[%mul3A_78] : memref<187520xi32, #tpu.memory_space<hbm>> -> memref<80xi32, #tpu.memory_space<hbm>>
        tpu.wait_dma2 semaphore(%run_scoped3A : memref<!tpu.dma_semaphore, #tpu.memory_space<semaphore_mem>>) src(%dma_wait3A_144 : memref<80xi32, #tpu.memory_space<hbm>>) dst(%arg10 : memref<80xi32, #tpu.memory_space<vmem>>)
        tpu.yield
      }) : () -> ()
      %get3A = arith.constant 0 : index
      %get3A_79 = tpu.vector_load %arg9[%get3A] {strides = array<i32>} : memref<80xi32, #tpu.memory_space<vmem>>, vector<16xi32>,
      %get3A_80 = vector.shape_cast %get3A_79 : vector<16xi32> to vector<16xi32>
      %mul3A_81 = arith.constant 6250 : i32
      %mul3A_82 = arith.muli %arg0, %mul3A_81 : i32
      %add3A_83 = vector.broadcast %mul3A_82 : i32 to vector<16xi32>
      %add3A_84 = arith.addi %get3A_80, %add3A_83 : vector<16xi32>
      %swap3A = arith.constant 0 : index
      %swap3A_85 = tpu.vector_load %arg9[%swap3A] {strides = array<i32>} : memref<80xi32, #tpu.memory_space<vmem>>, vector<16xi32>,
      %swap3A_86 = vector.shape_cast %swap3A_85 : vector<16xi32> to vector<16xi32>
      %swap3A_87 = vector.shape_cast %add3A_84 : vector<16xi32> to vector<16xi32>
      tpu.vector_store %arg9[%swap3A], %swap3A_87 {strides = array<i32>} : memref<80xi32, #tpu.memory_space<vmem>>, vector<16xi32>,
      %get3A_88 = arith.constant 16 : index
      %get3A_89 = tpu.vector_load %arg9[%get3A_88] {strides = array<i32>} : memref<80xi32, #tpu.memory_space<vmem>>, vector<16xi32>,
      %get3A_90 = vector.shape_cast %get3A_89 : vector<16xi32> to vector<16xi32>
      %mul3A_91 = arith.constant 6250 : i32
      %mul3A_92 = arith.muli %arg0, %mul3A_91 : i32
      %add3A_93 = vector.broadcast %mul3A_92 : i32 to vector<16xi32>
      %add3A_94 = arith.addi %get3A_90, %add3A_93 : vector<16xi32>
      %swap3A_95 = arith.constant 16 : index
      %swap3A_96 = tpu.vector_load %arg9[%swap3A_95] {strides = array<i32>} : memref<80xi32, #tpu.memory_space<vmem>>, vector<16xi32>,
      %swap3A_97 = vector.shape_cast %swap3A_96 : vector<16xi32> to vector<16xi32>
      %swap3A_98 = vector.shape_cast %add3A_94 : vector<16xi32> to vector<16xi32>
      tpu.vector_store %arg9[%swap3A_95], %swap3A_98 {strides = array<i32>} : memref<80xi32, #tpu.memory_space<vmem>>, vector<16xi32>,
      %get3A_99 = arith.constant 32 : index
      %get3A_100 = tpu.vector_load %arg9[%get3A_99] {strides = array<i32>} : memref<80xi32, #tpu.memory_space<vmem>>, vector<16xi32>,
      %get3A_101 = vector.shape_cast %get3A_100 : vector<16xi32> to vector<16xi32>
      %mul3A_102 = arith.constant 6250 : i32
      %mul3A_103 = arith.muli %arg0, %mul3A_102 : i32
      %add3A_104 = vector.broadcast %mul3A_103 : i32 to vector<16xi32>
      %add3A_105 = arith.addi %get3A_101, %add3A_104 : vector<16xi32>
      %swap3A_106 = arith.constant 32 : index
      %swap3A_107 = tpu.vector_load %arg9[%swap3A_106] {strides = array<i32>} : memref<80xi32, #tpu.memory_space<vmem>>, vector<16xi32>,
      %swap3A_108 = vector.shape_cast %swap3A_107 : vector<16xi32> to vector<16xi32>
      %swap3A_109 = vector.shape_cast %add3A_105 : vector<16xi32> to vector<16xi32>
      tpu.vector_store %arg9[%swap3A_106], %swap3A_109 {strides = array<i32>} : memref<80xi32, #tpu.memory_space<vmem>>, vector<16xi32>,
      %get3A_110 = arith.constant 48 : index
      %get3A_111 = tpu.vector_load %arg9[%get3A_110] {strides = array<i32>} : memref<80xi32, #tpu.memory_space<vmem>>, vector<16xi32>,
      %get3A_112 = vector.shape_cast %get3A_111 : vector<16xi32> to vector<16xi32>
      %mul3A_113 = arith.constant 6250 : i32
      %mul3A_114 = arith.muli %arg0, %mul3A_113 : i32
      %add3A_115 = vector.broadcast %mul3A_114 : i32 to vector<16xi32>
      %add3A_116 = arith.addi %get3A_112, %add3A_115 : vector<16xi32>
      %swap3A_117 = arith.constant 48 : index
      %swap3A_118 = tpu.vector_load %arg9[%swap3A_117] {strides = array<i32>} : memref<80xi32, #tpu.memory_space<vmem>>, vector<16xi32>,
      %swap3A_119 = vector.shape_cast %swap3A_118 : vector<16xi32> to vector<16xi32>
      %swap3A_120 = vector.shape_cast %add3A_116 : vector<16xi32> to vector<16xi32>
      tpu.vector_store %arg9[%swap3A_117], %swap3A_120 {strides = array<i32>} : memref<80xi32, #tpu.memory_space<vmem>>, vector<16xi32>,
      %get3A_121 = arith.constant 64 : index
      %get3A_122 = tpu.vector_load %arg9[%get3A_121] {strides = array<i32>} : memref<80xi32, #tpu.memory_space<vmem>>, vector<16xi32>,
      %get3A_123 = vector.shape_cast %get3A_122 : vector<16xi32> to vector<16xi32>
      %mul3A_124 = arith.constant 6250 : i32
      %mul3A_125 = arith.muli %arg0, %mul3A_124 : i32
      %add3A_126 = vector.broadcast %mul3A_125 : i32 to vector<16xi32>
      %add3A_127 = arith.addi %get3A_123, %add3A_126 : vector<16xi32>
      %swap3A_128 = arith.constant 64 : index
      %swap3A_129 = tpu.vector_load %arg9[%swap3A_128] {strides = array<i32>} : memref<80xi32, #tpu.memory_space<vmem>>, vector<16xi32>,
      %swap3A_130 = vector.shape_cast %swap3A_129 : vector<16xi32> to vector<16xi32>
      %swap3A_131 = vector.shape_cast %add3A_127 : vector<16xi32> to vector<16xi32>
      tpu.vector_store %arg9[%swap3A_128], %swap3A_131 {strides = array<i32>} : memref<80xi32, #tpu.memory_space<vmem>>, vector<16xi32>,
      %dma_start3A = arith.constant 0 : i32
      %dma_start3A_132 = arith.constant 0 : i32
      %dma_start3A_133 = tpu.memref_slice %arg2[%dma_start3A, %dma_start3A_132] : memref<12512x16xf32, #tpu.memory_space<hbm>> -> memref<12512x16xf32, #tpu.memory_space<hbm>>
      tpu.enqueue_indirect_dma source(%dma_start3A_133 : memref<12512x16xf32, #tpu.memory_space<hbm>>) target(%arg11 : memref<80x16xf32, #tpu.memory_space<vmem>>) offsets(%arg9 : memref<80xi32, #tpu.memory_space<vmem>>) semaphore(%arg15 : memref<!tpu.dma_semaphore, #tpu.memory_space<semaphore_mem>>)
      %dma_wait3A = arith.constant 0 : i32
      %dma_wait3A_134 = arith.constant 0 : i32
      %dma_wait3A_135 = tpu.memref_slice %arg2[%dma_wait3A, %dma_wait3A_134] : memref<12512x16xf32, #tpu.memory_space<hbm>> -> memref<12512x16xf32, #tpu.memory_space<hbm>>
      tpu.wait_indirect_dma semaphore(%arg15 : memref<!tpu.dma_semaphore, #tpu.memory_space<semaphore_mem>>) src(%dma_wait3A_135 : memref<12512x16xf32, #tpu.memory_space<hbm>>) dst(%arg11 : memref<80x16xf32, #tpu.memory_space<vmem>>)
      %scan3A_136 = arith.constant 0 : i32
      %scan3A_137 = arith.constant 80 : i32
      %scan3A_138 = arith.addi %scan3A_136, %scan3A_137 : i32
      %scan3A_139 = arith.constant 1 : i32
      scf.for %scan3A_141 = %scan3A_136 to %scan3A_138 step %scan3A_139  : i32 {
        %mul3A_142 = arith.constant 1 : i32
        %mul3A_143 = arith.muli %scan3A_141, %mul3A_142 : i32
        %add3A_144 = arith.constant 0 : i32
        %add3A_145 = arith.addi %add3A_144, %mul3A_143 : i32
        %get3A_146 = arith.index_cast %add3A_145 : i32 to index
        %get3A_147 = arith.constant 0 : index
        %get3A_148 = tpu.vector_load %arg11[%get3A_146, %get3A_147] {strides = array<i32>} : memref<80x16xf32, #tpu.memory_space<vmem>>, vector<1x16xf32>,
        %get3A_149 = vector.shape_cast %get3A_148 : vector<1x16xf32> to vector<16xf32>
        %max3A = arith.constant 0.000000e+00 : f32
        %max3A_150 = vector.broadcast %max3A : f32 to vector<16xf32>
        %max3A_151 = arith.maximumf %get3A_149, %max3A_150 : vector<16xf32>
        %swap3A_152 = arith.index_cast %add3A_145 : i32 to index
        %swap3A_153 = arith.constant 0 : index
        %swap3A_154 = tpu.vector_load %arg11[%swap3A_152, %swap3A_153] {strides = array<i32>} : memref<80x16xf32, #tpu.memory_space<vmem>>, vector<1x16xf32>,
        %swap3A_155 = vector.shape_cast %swap3A_154 : vector<1x16xf32> to vector<16xf32>
        %swap3A_156 = vector.shape_cast %max3A_151 : vector<16xf32> to vector<1x16xf32>
        tpu.vector_store %arg11[%swap3A_152, %swap3A_153], %swap3A_156 {strides = array<i32>} : memref<80x16xf32, #tpu.memory_space<vmem>>, vector<1x16xf32>,
      }
      %scan3A_140 = arith.constant 80 : i32
      "tpu.region"() ({
        %run_scoped3A = tpu.sem_alloc : memref<!tpu.dma_semaphore, #tpu.memory_space<semaphore_mem>>
        %dma_start3A_141 = arith.constant 0 : i32
        %dma_start3A_142 = arith.constant 0 : i32
        %dma_start3A_143 = tpu.memref_slice %arg14[%dma_start3A_141, %dma_start3A_142] : memref<6256x16xf32, #tpu.memory_space<vmem_shared>> -> memref<6256x16xf32, #tpu.memory_space<vmem_shared>>
        tpu.enqueue_indirect_dma source(%arg11 : memref<80x16xf32, #tpu.memory_space<vmem>>) target(%dma_start3A_143 : memref<6256x16xf32, #tpu.memory_space<vmem_shared>>) offsets(%arg10 : memref<80xi32, #tpu.memory_space<vmem>>) semaphore(%run_scoped3A : memref<!tpu.dma_semaphore, #tpu.memory_space<semaphore_mem>>) {add = true}
        %dma_wait3A_144 = arith.constant 0 : i32
        %dma_wait3A_145 = arith.constant 0 : i32
        %dma_wait3A_146 = tpu.memref_slice %arg14[%dma_wait3A_144, %dma_wait3A_145] : memref<6256x16xf32, #tpu.memory_space<vmem_shared>> -> memref<6256x16xf32, #tpu.memory_space<vmem_shared>>
        tpu.wait_indirect_dma semaphore(%run_scoped3A : memref<!tpu.dma_semaphore, #tpu.memory_space<semaphore_mem>>) src(%arg11 : memref<80x16xf32, #tpu.memory_space<vmem>>) dst(%dma_wait3A_146 : memref<6256x16xf32, #tpu.memory_space<vmem_shared>>)
        tpu.yield
      }) : () -> ()
    }
    %barrier3A_54 = arith.constant 0 : index
    tpu.barrier barrier_id(%barrier3A_54)
    %mul3A = arith.constant 6256 : i32
    %mul3A_55 = arith.muli %arg0, %mul3A : i32
    %sub3A_56 = arith.constant 17 : i32
    %sub3A_57 = arith.subi %sub3A_56, %arg1 : i32
    %sub3A_58 = arith.constant 16 : i32
    %sub3A_59 = arith.constant 1 : i32
    %sub3A_60 = arith.subi %sub3A_58, %sub3A_59 : i32
    %add3A_61 = arith.addi %sub3A_57, %sub3A_60 : i32
    %div3A_62 = arith.constant 16 : i32
    %div3A_63 = arith.divsi %add3A_61, %div3A_62 : i32
    %while3A_64 = arith.constant 16 : i32
    %while3A_65 = arith.constant 0 : i32
    %while3A_66 = arith.subi %div3A_63, %while3A_65 : i32
    %while3A_67 = arith.addi %while3A_65, %while3A_66 : i32
    %while3A_68 = arith.constant 1 : i32
    %while3A_69 = arith.divsi %while3A_66, %while3A_68 : i32
    %while3A_70 = arith.muli %while3A_69, %while3A_68 : i32
    %while3A_71 = arith.addi %while3A_65, %while3A_70 : i32
    %while3A_72 = arith.constant 1 : i32
    scf.for %while3A_74 = %while3A_65 to %while3A_71 step %while3A_72  : i32 {
      %mul3A_75 = arith.muli %while3A_74, %while3A_64 : i32
      %add3A_76 = arith.addi %arg1, %mul3A_75 : i32
      %mul3A_77 = arith.constant 368 : i32
      %mul3A_78 = arith.muli %add3A_76, %mul3A_77 : i32
      %mul3A_79 = arith.constant 368 : i32
      %mul3A_80 = arith.muli %add3A_76, %mul3A_79 : i32
      %add3A_81 = arith.addi %mul3A_55, %mul3A_80 : i32
      "tpu.region"() ({
        %run_scoped3A = tpu.sem_alloc : memref<!tpu.dma_semaphore, #tpu.memory_space<semaphore_mem>>
        %dma_start3A = arith.constant 0 : i32
        %dma_start3A_82 = tpu.memref_slice %arg7[%add3A_81, %dma_start3A] : memref<12512x16xf32, #tpu.memory_space<hbm>> -> memref<368x16xf32, #tpu.memory_space<hbm>>
        %dma_start3A_83 = arith.constant 0 : i32
        %dma_start3A_84 = tpu.memref_slice %arg14[%mul3A_78, %dma_start3A_83] : memref<6256x16xf32, #tpu.memory_space<vmem_shared>> -> memref<368x16xf32, #tpu.memory_space<vmem_shared>>
        tpu.enqueue_dma source(%dma_start3A_84 : memref<368x16xf32, #tpu.memory_space<vmem_shared>>) target(%dma_start3A_82 : memref<368x16xf32, #tpu.memory_space<hbm>>) target_semaphore(%run_scoped3A : memref<!tpu.dma_semaphore, #tpu.memory_space<semaphore_mem>>)
        %dma_wait3A = arith.constant 0 : i32
        %dma_wait3A_85 = tpu.memref_slice %arg7[%add3A_81, %dma_wait3A] : memref<12512x16xf32, #tpu.memory_space<hbm>> -> memref<368x16xf32, #tpu.memory_space<hbm>>
        %dma_wait3A_86 = arith.constant 0 : i32
        %dma_wait3A_87 = tpu.memref_slice %arg14[%mul3A_78, %dma_wait3A_86] : memref<6256x16xf32, #tpu.memory_space<vmem_shared>> -> memref<368x16xf32, #tpu.memory_space<vmem_shared>>
        tpu.wait_dma2 semaphore(%run_scoped3A : memref<!tpu.dma_semaphore, #tpu.memory_space<semaphore_mem>>) src(%dma_wait3A_87 : memref<368x16xf32, #tpu.memory_space<vmem_shared>>) dst(%dma_wait3A_85 : memref<368x16xf32, #tpu.memory_space<hbm>>)
        tpu.yield
      }) : () -> ()
    }
    %while3A_73 = arith.constant 1 : i32
    scf.for %while3A_74 = %while3A_71 to %while3A_67 step %while3A_73  : i32 {
      %mul3A_75 = arith.muli %while3A_74, %while3A_64 : i32
      %add3A_76 = arith.addi %arg1, %mul3A_75 : i32
      %mul3A_77 = arith.constant 368 : i32
      %mul3A_78 = arith.muli %add3A_76, %mul3A_77 : i32
      %mul3A_79 = arith.constant 368 : i32
      %mul3A_80 = arith.muli %add3A_76, %mul3A_79 : i32
      %add3A_81 = arith.addi %mul3A_55, %mul3A_80 : i32
      "tpu.region"() ({
        %run_scoped3A = tpu.sem_alloc : memref<!tpu.dma_semaphore, #tpu.memory_space<semaphore_mem>>
        %dma_start3A = arith.constant 0 : i32
        %dma_start3A_82 = tpu.memref_slice %arg7[%add3A_81, %dma_start3A] : memref<12512x16xf32, #tpu.memory_space<hbm>> -> memref<368x16xf32, #tpu.memory_space<hbm>>
        %dma_start3A_83 = arith.constant 0 : i32
        %dma_start3A_84 = tpu.memref_slice %arg14[%mul3A_78, %dma_start3A_83] : memref<6256x16xf32, #tpu.memory_space<vmem_shared>> -> memref<368x16xf32, #tpu.memory_space<vmem_shared>>
        tpu.enqueue_dma source(%dma_start3A_84 : memref<368x16xf32, #tpu.memory_space<vmem_shared>>) target(%dma_start3A_82 : memref<368x16xf32, #tpu.memory_space<hbm>>) target_semaphore(%run_scoped3A : memref<!tpu.dma_semaphore, #tpu.memory_space<semaphore_mem>>)
        %dma_wait3A = arith.constant 0 : i32
        %dma_wait3A_85 = tpu.memref_slice %arg7[%add3A_81, %dma_wait3A] : memref<12512x16xf32, #tpu.memory_space<hbm>> -> memref<368x16xf32, #tpu.memory_space<hbm>>
        %dma_wait3A_86 = arith.constant 0 : i32
        %dma_wait3A_87 = tpu.memref_slice %arg14[%mul3A_78, %dma_wait3A_86] : memref<6256x16xf32, #tpu.memory_space<vmem_shared>> -> memref<368x16xf32, #tpu.memory_space<vmem_shared>>
        tpu.wait_dma2 semaphore(%run_scoped3A : memref<!tpu.dma_semaphore, #tpu.memory_space<semaphore_mem>>) src(%dma_wait3A_87 : memref<368x16xf32, #tpu.memory_space<vmem_shared>>) dst(%dma_wait3A_85 : memref<368x16xf32, #tpu.memory_space<hbm>>)
        tpu.yield
      }) : () -> ()
    }
    return
  }
}

#map = affine_map<(d0, d1) -> (0, 0)>
#map1 = affine_map<(d0, d1) -> (0)>
module attributes {stable_mosaic.version = 14 : i64} {
  func.func @_sc_a2r_body(%arg0: i32, %arg1: i32, %arg2: memref<100000x32xf32, #tpu.memory_space<hbm>>, %arg3: memref<50000xi32, #tpu.memory_space<hbm>>, %arg4: memref<50000xi32, #tpu.memory_space<hbm>>, %arg5: memref<12512x32xf32, #tpu.memory_space<hbm>>, %arg6: memref<80xi32, #tpu.memory_space<vmem>>, %arg7: memref<80xi32, #tpu.memory_space<vmem>>, %arg8: memref<80x32xf32, #tpu.memory_space<vmem>>, %arg9: memref<368x32xf32, #tpu.memory_space<vmem>>, %arg10: memref<6256x32xf32, #tpu.memory_space<vmem_shared>>, %arg11: memref<!tpu.dma_semaphore, #tpu.memory_space<semaphore_mem>>) attributes {dimension_semantics = [#tpu.dimension_semantics<core_parallel>, #tpu.dimension_semantics<subcore_parallel>], iteration_bounds = array<i64: 2, 16>, scalar_prefetch = 0 : i64, scratch_operands = 6 : i64, tpu.core_type = #tpu.core_type<sc_vector_subcore>, window_params = [{transform_indices = #map}, {transform_indices = #map1}, {transform_indices = #map1}, {transform_indices = #map}]} {
    %scan3A = arith.constant 0 : i32
    %scan3A_0 = arith.constant 368 : i32
    %scan3A_1 = arith.addi %scan3A, %scan3A_0 : i32
    %scan3A_2 = arith.constant 1 : i32
    scf.for %scan3A_58 = %scan3A to %scan3A_1 step %scan3A_2  : i32 {
      %mul3A_59 = arith.constant 1 : i32
      %mul3A_60 = arith.muli %scan3A_58, %mul3A_59 : i32
      %add3A_61 = arith.constant 0 : i32
      %add3A_62 = arith.addi %add3A_61, %mul3A_60 : i32
      %broadcast_in_dim3A = arith.constant 0.000000e+00 : f32
      %broadcast_in_dim3A_63 = vector.broadcast %broadcast_in_dim3A : f32 to vector<16xf32>
      %swap3A = arith.index_cast %add3A_62 : i32 to index
      %swap3A_64 = arith.constant 0 : index
      %swap3A_65 = tpu.vector_load %arg9[%swap3A, %swap3A_64] {strides = array<i32>} : memref<368x32xf32, #tpu.memory_space<vmem>>, vector<1x16xf32>,
      %swap3A_66 = vector.shape_cast %swap3A_65 : vector<1x16xf32> to vector<16xf32>
      %swap3A_67 = vector.shape_cast %broadcast_in_dim3A_63 : vector<16xf32> to vector<1x16xf32>
      tpu.vector_store %arg9[%swap3A, %swap3A_64], %swap3A_67 {strides = array<i32>} : memref<368x32xf32, #tpu.memory_space<vmem>>, vector<1x16xf32>,
      %broadcast_in_dim3A_68 = arith.constant 0.000000e+00 : f32
      %broadcast_in_dim3A_69 = vector.broadcast %broadcast_in_dim3A_68 : f32 to vector<16xf32>
      %swap3A_70 = arith.index_cast %add3A_62 : i32 to index
      %swap3A_71 = arith.constant 16 : index
      %swap3A_72 = tpu.vector_load %arg9[%swap3A_70, %swap3A_71] {strides = array<i32>} : memref<368x32xf32, #tpu.memory_space<vmem>>, vector<1x16xf32>,
      %swap3A_73 = vector.shape_cast %swap3A_72 : vector<1x16xf32> to vector<16xf32>
      %swap3A_74 = vector.shape_cast %broadcast_in_dim3A_69 : vector<16xf32> to vector<1x16xf32>
      tpu.vector_store %arg9[%swap3A_70, %swap3A_71], %swap3A_74 {strides = array<i32>} : memref<368x32xf32, #tpu.memory_space<vmem>>, vector<1x16xf32>,
    }
    %scan3A_3 = arith.constant 368 : i32
    %sub3A = arith.constant 17 : i32
    %sub3A_4 = arith.subi %sub3A, %arg1 : i32
    %sub3A_5 = arith.constant 16 : i32
    %sub3A_6 = arith.constant 1 : i32
    %sub3A_7 = arith.subi %sub3A_5, %sub3A_6 : i32
    %add3A = arith.addi %sub3A_4, %sub3A_7 : i32
    %div3A = arith.constant 16 : i32
    %div3A_8 = arith.divsi %add3A, %div3A : i32
    %while3A = arith.constant 16 : i32
    %while3A_9 = arith.constant 0 : i32
    %while3A_10 = arith.subi %div3A_8, %while3A_9 : i32
    %while3A_11 = arith.addi %while3A_9, %while3A_10 : i32
    %while3A_12 = arith.constant 1 : i32
    %while3A_13 = arith.divsi %while3A_10, %while3A_12 : i32
    %while3A_14 = arith.muli %while3A_13, %while3A_12 : i32
    %while3A_15 = arith.addi %while3A_9, %while3A_14 : i32
    %while3A_16 = arith.constant 1 : i32
    scf.for %while3A_58 = %while3A_9 to %while3A_15 step %while3A_16  : i32 {
      %mul3A_59 = arith.muli %while3A_58, %while3A : i32
      %add3A_60 = arith.addi %arg1, %mul3A_59 : i32
      %mul3A_61 = arith.constant 368 : i32
      %mul3A_62 = arith.muli %add3A_60, %mul3A_61 : i32
      "tpu.region"() ({
        %run_scoped3A = tpu.sem_alloc : memref<!tpu.dma_semaphore, #tpu.memory_space<semaphore_mem>>
        %dma_start3A = arith.constant 0 : i32
        %dma_start3A_63 = tpu.memref_slice %arg10[%mul3A_62, %dma_start3A] : memref<6256x32xf32, #tpu.memory_space<vmem_shared>> -> memref<368x32xf32, #tpu.memory_space<vmem_shared>>
        %dma_start3A_64 = arith.constant 0 : i32
        %dma_start3A_65 = tpu.memref_slice %arg10[%mul3A_62, %dma_start3A_64] : memref<6256x32xf32, #tpu.memory_space<vmem_shared>> -> memref<368x32xf32, #tpu.memory_space<vmem_shared>>
        tpu.enqueue_dma source(%arg9 : memref<368x32xf32, #tpu.memory_space<vmem>>) target(%dma_start3A_65 : memref<368x32xf32, #tpu.memory_space<vmem_shared>>) target_semaphore(%run_scoped3A : memref<!tpu.dma_semaphore, #tpu.memory_space<semaphore_mem>>)
        %dma_wait3A = arith.constant 0 : i32
        %dma_wait3A_66 = tpu.memref_slice %arg10[%mul3A_62, %dma_wait3A] : memref<6256x32xf32, #tpu.memory_space<vmem_shared>> -> memref<368x32xf32, #tpu.memory_space<vmem_shared>>
        %dma_wait3A_67 = arith.constant 0 : i32
        %dma_wait3A_68 = tpu.memref_slice %arg10[%mul3A_62, %dma_wait3A_67] : memref<6256x32xf32, #tpu.memory_space<vmem_shared>> -> memref<368x32xf32, #tpu.memory_space<vmem_shared>>
        tpu.wait_dma2 semaphore(%run_scoped3A : memref<!tpu.dma_semaphore, #tpu.memory_space<semaphore_mem>>) src(%arg9 : memref<368x32xf32, #tpu.memory_space<vmem>>) dst(%dma_wait3A_68 : memref<368x32xf32, #tpu.memory_space<vmem_shared>>)
        tpu.yield
      }) : () -> ()
    }
    %while3A_17 = arith.constant 1 : i32
    scf.for %while3A_58 = %while3A_15 to %while3A_11 step %while3A_17  : i32 {
      %mul3A_59 = arith.muli %while3A_58, %while3A : i32
      %add3A_60 = arith.addi %arg1, %mul3A_59 : i32
      %mul3A_61 = arith.constant 368 : i32
      %mul3A_62 = arith.muli %add3A_60, %mul3A_61 : i32
      "tpu.region"() ({
        %run_scoped3A = tpu.sem_alloc : memref<!tpu.dma_semaphore, #tpu.memory_space<semaphore_mem>>
        %dma_start3A = arith.constant 0 : i32
        %dma_start3A_63 = tpu.memref_slice %arg10[%mul3A_62, %dma_start3A] : memref<6256x32xf32, #tpu.memory_space<vmem_shared>> -> memref<368x32xf32, #tpu.memory_space<vmem_shared>>
        %dma_start3A_64 = arith.constant 0 : i32
        %dma_start3A_65 = tpu.memref_slice %arg10[%mul3A_62, %dma_start3A_64] : memref<6256x32xf32, #tpu.memory_space<vmem_shared>> -> memref<368x32xf32, #tpu.memory_space<vmem_shared>>
        tpu.enqueue_dma source(%arg9 : memref<368x32xf32, #tpu.memory_space<vmem>>) target(%dma_start3A_65 : memref<368x32xf32, #tpu.memory_space<vmem_shared>>) target_semaphore(%run_scoped3A : memref<!tpu.dma_semaphore, #tpu.memory_space<semaphore_mem>>)
        %dma_wait3A = arith.constant 0 : i32
        %dma_wait3A_66 = tpu.memref_slice %arg10[%mul3A_62, %dma_wait3A] : memref<6256x32xf32, #tpu.memory_space<vmem_shared>> -> memref<368x32xf32, #tpu.memory_space<vmem_shared>>
        %dma_wait3A_67 = arith.constant 0 : i32
        %dma_wait3A_68 = tpu.memref_slice %arg10[%mul3A_62, %dma_wait3A_67] : memref<6256x32xf32, #tpu.memory_space<vmem_shared>> -> memref<368x32xf32, #tpu.memory_space<vmem_shared>>
        tpu.wait_dma2 semaphore(%run_scoped3A : memref<!tpu.dma_semaphore, #tpu.memory_space<semaphore_mem>>) src(%arg9 : memref<368x32xf32, #tpu.memory_space<vmem>>) dst(%dma_wait3A_68 : memref<368x32xf32, #tpu.memory_space<vmem_shared>>)
        tpu.yield
      }) : () -> ()
    }
    %barrier3A = arith.constant 0 : index
    tpu.barrier barrier_id(%barrier3A)
    %mul3A = arith.constant 50000 : i32
    %mul3A_18 = arith.muli %arg0, %mul3A : i32
    %sub3A_19 = arith.constant 625 : i32
    %sub3A_20 = arith.subi %sub3A_19, %arg1 : i32
    %sub3A_21 = arith.constant 16 : i32
    %sub3A_22 = arith.constant 1 : i32
    %sub3A_23 = arith.subi %sub3A_21, %sub3A_22 : i32
    %add3A_24 = arith.addi %sub3A_20, %sub3A_23 : i32
    %div3A_25 = arith.constant 16 : i32
    %div3A_26 = arith.divsi %add3A_24, %div3A_25 : i32
    %while3A_27 = arith.constant 16 : i32
    %while3A_28 = arith.constant 0 : i32
    %while3A_29 = arith.subi %div3A_26, %while3A_28 : i32
    %while3A_30 = arith.addi %while3A_28, %while3A_29 : i32
    %while3A_31 = arith.constant 1 : i32
    %while3A_32 = arith.divsi %while3A_29, %while3A_31 : i32
    %while3A_33 = arith.muli %while3A_32, %while3A_31 : i32
    %while3A_34 = arith.addi %while3A_28, %while3A_33 : i32
    %while3A_35 = arith.constant 1 : i32
    scf.for %while3A_58 = %while3A_28 to %while3A_34 step %while3A_35  : i32 {
      %mul3A_59 = arith.muli %while3A_58, %while3A_27 : i32
      %add3A_60 = arith.addi %arg1, %mul3A_59 : i32
      %mul3A_61 = arith.constant 80 : i32
      %mul3A_62 = arith.muli %add3A_60, %mul3A_61 : i32
      "tpu.region"() ({
        %run_scoped3A = tpu.sem_alloc : memref<!tpu.dma_semaphore, #tpu.memory_space<semaphore_mem>>
        %dma_start3A_110 = tpu.memref_slice %arg3[%mul3A_62] : memref<50000xi32, #tpu.memory_space<hbm>> -> memref<80xi32, #tpu.memory_space<hbm>>
        %dma_start3A_111 = tpu.memref_slice %arg3[%mul3A_62] : memref<50000xi32, #tpu.memory_space<hbm>> -> memref<80xi32, #tpu.memory_space<hbm>>
        tpu.enqueue_dma source(%dma_start3A_111 : memref<80xi32, #tpu.memory_space<hbm>>) target(%arg6 : memref<80xi32, #tpu.memory_space<vmem>>) target_semaphore(%run_scoped3A : memref<!tpu.dma_semaphore, #tpu.memory_space<semaphore_mem>>)
        %dma_wait3A_112 = tpu.memref_slice %arg3[%mul3A_62] : memref<50000xi32, #tpu.memory_space<hbm>> -> memref<80xi32, #tpu.memory_space<hbm>>
        %dma_wait3A_113 = tpu.memref_slice %arg3[%mul3A_62] : memref<50000xi32, #tpu.memory_space<hbm>> -> memref<80xi32, #tpu.memory_space<hbm>>
        tpu.wait_dma2 semaphore(%run_scoped3A : memref<!tpu.dma_semaphore, #tpu.memory_space<semaphore_mem>>) src(%dma_wait3A_113 : memref<80xi32, #tpu.memory_space<hbm>>) dst(%arg6 : memref<80xi32, #tpu.memory_space<vmem>>)
        tpu.yield
      }) : () -> ()
      "tpu.region"() ({
        %run_scoped3A = tpu.sem_alloc : memref<!tpu.dma_semaphore, #tpu.memory_space<semaphore_mem>>
        %dma_start3A_110 = tpu.memref_slice %arg4[%mul3A_62] : memref<50000xi32, #tpu.memory_space<hbm>> -> memref<80xi32, #tpu.memory_space<hbm>>
        %dma_start3A_111 = tpu.memref_slice %arg4[%mul3A_62] : memref<50000xi32, #tpu.memory_space<hbm>> -> memref<80xi32, #tpu.memory_space<hbm>>
        tpu.enqueue_dma source(%dma_start3A_111 : memref<80xi32, #tpu.memory_space<hbm>>) target(%arg7 : memref<80xi32, #tpu.memory_space<vmem>>) target_semaphore(%run_scoped3A : memref<!tpu.dma_semaphore, #tpu.memory_space<semaphore_mem>>)
        %dma_wait3A_112 = tpu.memref_slice %arg4[%mul3A_62] : memref<50000xi32, #tpu.memory_space<hbm>> -> memref<80xi32, #tpu.memory_space<hbm>>
        %dma_wait3A_113 = tpu.memref_slice %arg4[%mul3A_62] : memref<50000xi32, #tpu.memory_space<hbm>> -> memref<80xi32, #tpu.memory_space<hbm>>
        tpu.wait_dma2 semaphore(%run_scoped3A : memref<!tpu.dma_semaphore, #tpu.memory_space<semaphore_mem>>) src(%dma_wait3A_113 : memref<80xi32, #tpu.memory_space<hbm>>) dst(%arg7 : memref<80xi32, #tpu.memory_space<vmem>>)
        tpu.yield
      }) : () -> ()
      %get3A = arith.constant 0 : index
      %get3A_63 = tpu.vector_load %arg6[%get3A] {strides = array<i32>} : memref<80xi32, #tpu.memory_space<vmem>>, vector<16xi32>,
      %get3A_64 = vector.shape_cast %get3A_63 : vector<16xi32> to vector<16xi32>
      %add3A_65 = vector.broadcast %mul3A_18 : i32 to vector<16xi32>
      %add3A_66 = arith.addi %get3A_64, %add3A_65 : vector<16xi32>
      %swap3A = arith.constant 0 : index
      %swap3A_67 = tpu.vector_load %arg6[%swap3A] {strides = array<i32>} : memref<80xi32, #tpu.memory_space<vmem>>, vector<16xi32>,
      %swap3A_68 = vector.shape_cast %swap3A_67 : vector<16xi32> to vector<16xi32>
      %swap3A_69 = vector.shape_cast %add3A_66 : vector<16xi32> to vector<16xi32>
      tpu.vector_store %arg6[%swap3A], %swap3A_69 {strides = array<i32>} : memref<80xi32, #tpu.memory_space<vmem>>, vector<16xi32>,
      %get3A_70 = arith.constant 16 : index
      %get3A_71 = tpu.vector_load %arg6[%get3A_70] {strides = array<i32>} : memref<80xi32, #tpu.memory_space<vmem>>, vector<16xi32>,
      %get3A_72 = vector.shape_cast %get3A_71 : vector<16xi32> to vector<16xi32>
      %add3A_73 = vector.broadcast %mul3A_18 : i32 to vector<16xi32>
      %add3A_74 = arith.addi %get3A_72, %add3A_73 : vector<16xi32>
      %swap3A_75 = arith.constant 16 : index
      %swap3A_76 = tpu.vector_load %arg6[%swap3A_75] {strides = array<i32>} : memref<80xi32, #tpu.memory_space<vmem>>, vector<16xi32>,
      %swap3A_77 = vector.shape_cast %swap3A_76 : vector<16xi32> to vector<16xi32>
      %swap3A_78 = vector.shape_cast %add3A_74 : vector<16xi32> to vector<16xi32>
      tpu.vector_store %arg6[%swap3A_75], %swap3A_78 {strides = array<i32>} : memref<80xi32, #tpu.memory_space<vmem>>, vector<16xi32>,
      %get3A_79 = arith.constant 32 : index
      %get3A_80 = tpu.vector_load %arg6[%get3A_79] {strides = array<i32>} : memref<80xi32, #tpu.memory_space<vmem>>, vector<16xi32>,
      %get3A_81 = vector.shape_cast %get3A_80 : vector<16xi32> to vector<16xi32>
      %add3A_82 = vector.broadcast %mul3A_18 : i32 to vector<16xi32>
      %add3A_83 = arith.addi %get3A_81, %add3A_82 : vector<16xi32>
      %swap3A_84 = arith.constant 32 : index
      %swap3A_85 = tpu.vector_load %arg6[%swap3A_84] {strides = array<i32>} : memref<80xi32, #tpu.memory_space<vmem>>, vector<16xi32>,
      %swap3A_86 = vector.shape_cast %swap3A_85 : vector<16xi32> to vector<16xi32>
      %swap3A_87 = vector.shape_cast %add3A_83 : vector<16xi32> to vector<16xi32>
      tpu.vector_store %arg6[%swap3A_84], %swap3A_87 {strides = array<i32>} : memref<80xi32, #tpu.memory_space<vmem>>, vector<16xi32>,
      %get3A_88 = arith.constant 48 : index
      %get3A_89 = tpu.vector_load %arg6[%get3A_88] {strides = array<i32>} : memref<80xi32, #tpu.memory_space<vmem>>, vector<16xi32>,
      %get3A_90 = vector.shape_cast %get3A_89 : vector<16xi32> to vector<16xi32>
      %add3A_91 = vector.broadcast %mul3A_18 : i32 to vector<16xi32>
      %add3A_92 = arith.addi %get3A_90, %add3A_91 : vector<16xi32>
      %swap3A_93 = arith.constant 48 : index
      %swap3A_94 = tpu.vector_load %arg6[%swap3A_93] {strides = array<i32>} : memref<80xi32, #tpu.memory_space<vmem>>, vector<16xi32>,
      %swap3A_95 = vector.shape_cast %swap3A_94 : vector<16xi32> to vector<16xi32>
      %swap3A_96 = vector.shape_cast %add3A_92 : vector<16xi32> to vector<16xi32>
      tpu.vector_store %arg6[%swap3A_93], %swap3A_96 {strides = array<i32>} : memref<80xi32, #tpu.memory_space<vmem>>, vector<16xi32>,
      %get3A_97 = arith.constant 64 : index
      %get3A_98 = tpu.vector_load %arg6[%get3A_97] {strides = array<i32>} : memref<80xi32, #tpu.memory_space<vmem>>, vector<16xi32>,
      %get3A_99 = vector.shape_cast %get3A_98 : vector<16xi32> to vector<16xi32>
      %add3A_100 = vector.broadcast %mul3A_18 : i32 to vector<16xi32>
      %add3A_101 = arith.addi %get3A_99, %add3A_100 : vector<16xi32>
      %swap3A_102 = arith.constant 64 : index
      %swap3A_103 = tpu.vector_load %arg6[%swap3A_102] {strides = array<i32>} : memref<80xi32, #tpu.memory_space<vmem>>, vector<16xi32>,
      %swap3A_104 = vector.shape_cast %swap3A_103 : vector<16xi32> to vector<16xi32>
      %swap3A_105 = vector.shape_cast %add3A_101 : vector<16xi32> to vector<16xi32>
      tpu.vector_store %arg6[%swap3A_102], %swap3A_105 {strides = array<i32>} : memref<80xi32, #tpu.memory_space<vmem>>, vector<16xi32>,
      %dma_start3A = arith.constant 0 : i32
      %dma_start3A_106 = arith.constant 0 : i32
      %dma_start3A_107 = tpu.memref_slice %arg2[%dma_start3A, %dma_start3A_106] : memref<100000x32xf32, #tpu.memory_space<hbm>> -> memref<100000x32xf32, #tpu.memory_space<hbm>>
      tpu.enqueue_indirect_dma source(%dma_start3A_107 : memref<100000x32xf32, #tpu.memory_space<hbm>>) target(%arg8 : memref<80x32xf32, #tpu.memory_space<vmem>>) offsets(%arg6 : memref<80xi32, #tpu.memory_space<vmem>>) semaphore(%arg11 : memref<!tpu.dma_semaphore, #tpu.memory_space<semaphore_mem>>)
      %dma_wait3A = arith.constant 0 : i32
      %dma_wait3A_108 = arith.constant 0 : i32
      %dma_wait3A_109 = tpu.memref_slice %arg2[%dma_wait3A, %dma_wait3A_108] : memref<100000x32xf32, #tpu.memory_space<hbm>> -> memref<100000x32xf32, #tpu.memory_space<hbm>>
      tpu.wait_indirect_dma semaphore(%arg11 : memref<!tpu.dma_semaphore, #tpu.memory_space<semaphore_mem>>) src(%dma_wait3A_109 : memref<100000x32xf32, #tpu.memory_space<hbm>>) dst(%arg8 : memref<80x32xf32, #tpu.memory_space<vmem>>)
      "tpu.region"() ({
        %run_scoped3A = tpu.sem_alloc : memref<!tpu.dma_semaphore, #tpu.memory_space<semaphore_mem>>
        %dma_start3A_110 = arith.constant 0 : i32
        %dma_start3A_111 = arith.constant 0 : i32
        %dma_start3A_112 = tpu.memref_slice %arg10[%dma_start3A_110, %dma_start3A_111] : memref<6256x32xf32, #tpu.memory_space<vmem_shared>> -> memref<6256x32xf32, #tpu.memory_space<vmem_shared>>
        tpu.enqueue_indirect_dma source(%arg8 : memref<80x32xf32, #tpu.memory_space<vmem>>) target(%dma_start3A_112 : memref<6256x32xf32, #tpu.memory_space<vmem_shared>>) offsets(%arg7 : memref<80xi32, #tpu.memory_space<vmem>>) semaphore(%run_scoped3A : memref<!tpu.dma_semaphore, #tpu.memory_space<semaphore_mem>>) {add = true}
        %dma_wait3A_113 = arith.constant 0 : i32
        %dma_wait3A_114 = arith.constant 0 : i32
        %dma_wait3A_115 = tpu.memref_slice %arg10[%dma_wait3A_113, %dma_wait3A_114] : memref<6256x32xf32, #tpu.memory_space<vmem_shared>> -> memref<6256x32xf32, #tpu.memory_space<vmem_shared>>
        tpu.wait_indirect_dma semaphore(%run_scoped3A : memref<!tpu.dma_semaphore, #tpu.memory_space<semaphore_mem>>) src(%arg8 : memref<80x32xf32, #tpu.memory_space<vmem>>) dst(%dma_wait3A_115 : memref<6256x32xf32, #tpu.memory_space<vmem_shared>>)
        tpu.yield
      }) : () -> ()
    }
    %while3A_36 = arith.constant 1 : i32
    scf.for %while3A_58 = %while3A_34 to %while3A_30 step %while3A_36  : i32 {
      %mul3A_59 = arith.muli %while3A_58, %while3A_27 : i32
      %add3A_60 = arith.addi %arg1, %mul3A_59 : i32
      %mul3A_61 = arith.constant 80 : i32
      %mul3A_62 = arith.muli %add3A_60, %mul3A_61 : i32
      "tpu.region"() ({
        %run_scoped3A = tpu.sem_alloc : memref<!tpu.dma_semaphore, #tpu.memory_space<semaphore_mem>>
        %dma_start3A_110 = tpu.memref_slice %arg3[%mul3A_62] : memref<50000xi32, #tpu.memory_space<hbm>> -> memref<80xi32, #tpu.memory_space<hbm>>
        %dma_start3A_111 = tpu.memref_slice %arg3[%mul3A_62] : memref<50000xi32, #tpu.memory_space<hbm>> -> memref<80xi32, #tpu.memory_space<hbm>>
        tpu.enqueue_dma source(%dma_start3A_111 : memref<80xi32, #tpu.memory_space<hbm>>) target(%arg6 : memref<80xi32, #tpu.memory_space<vmem>>) target_semaphore(%run_scoped3A : memref<!tpu.dma_semaphore, #tpu.memory_space<semaphore_mem>>)
        %dma_wait3A_112 = tpu.memref_slice %arg3[%mul3A_62] : memref<50000xi32, #tpu.memory_space<hbm>> -> memref<80xi32, #tpu.memory_space<hbm>>
        %dma_wait3A_113 = tpu.memref_slice %arg3[%mul3A_62] : memref<50000xi32, #tpu.memory_space<hbm>> -> memref<80xi32, #tpu.memory_space<hbm>>
        tpu.wait_dma2 semaphore(%run_scoped3A : memref<!tpu.dma_semaphore, #tpu.memory_space<semaphore_mem>>) src(%dma_wait3A_113 : memref<80xi32, #tpu.memory_space<hbm>>) dst(%arg6 : memref<80xi32, #tpu.memory_space<vmem>>)
        tpu.yield
      }) : () -> ()
      "tpu.region"() ({
        %run_scoped3A = tpu.sem_alloc : memref<!tpu.dma_semaphore, #tpu.memory_space<semaphore_mem>>
        %dma_start3A_110 = tpu.memref_slice %arg4[%mul3A_62] : memref<50000xi32, #tpu.memory_space<hbm>> -> memref<80xi32, #tpu.memory_space<hbm>>
        %dma_start3A_111 = tpu.memref_slice %arg4[%mul3A_62] : memref<50000xi32, #tpu.memory_space<hbm>> -> memref<80xi32, #tpu.memory_space<hbm>>
        tpu.enqueue_dma source(%dma_start3A_111 : memref<80xi32, #tpu.memory_space<hbm>>) target(%arg7 : memref<80xi32, #tpu.memory_space<vmem>>) target_semaphore(%run_scoped3A : memref<!tpu.dma_semaphore, #tpu.memory_space<semaphore_mem>>)
        %dma_wait3A_112 = tpu.memref_slice %arg4[%mul3A_62] : memref<50000xi32, #tpu.memory_space<hbm>> -> memref<80xi32, #tpu.memory_space<hbm>>
        %dma_wait3A_113 = tpu.memref_slice %arg4[%mul3A_62] : memref<50000xi32, #tpu.memory_space<hbm>> -> memref<80xi32, #tpu.memory_space<hbm>>
        tpu.wait_dma2 semaphore(%run_scoped3A : memref<!tpu.dma_semaphore, #tpu.memory_space<semaphore_mem>>) src(%dma_wait3A_113 : memref<80xi32, #tpu.memory_space<hbm>>) dst(%arg7 : memref<80xi32, #tpu.memory_space<vmem>>)
        tpu.yield
      }) : () -> ()
      %get3A = arith.constant 0 : index
      %get3A_63 = tpu.vector_load %arg6[%get3A] {strides = array<i32>} : memref<80xi32, #tpu.memory_space<vmem>>, vector<16xi32>,
      %get3A_64 = vector.shape_cast %get3A_63 : vector<16xi32> to vector<16xi32>
      %add3A_65 = vector.broadcast %mul3A_18 : i32 to vector<16xi32>
      %add3A_66 = arith.addi %get3A_64, %add3A_65 : vector<16xi32>
      %swap3A = arith.constant 0 : index
      %swap3A_67 = tpu.vector_load %arg6[%swap3A] {strides = array<i32>} : memref<80xi32, #tpu.memory_space<vmem>>, vector<16xi32>,
      %swap3A_68 = vector.shape_cast %swap3A_67 : vector<16xi32> to vector<16xi32>
      %swap3A_69 = vector.shape_cast %add3A_66 : vector<16xi32> to vector<16xi32>
      tpu.vector_store %arg6[%swap3A], %swap3A_69 {strides = array<i32>} : memref<80xi32, #tpu.memory_space<vmem>>, vector<16xi32>,
      %get3A_70 = arith.constant 16 : index
      %get3A_71 = tpu.vector_load %arg6[%get3A_70] {strides = array<i32>} : memref<80xi32, #tpu.memory_space<vmem>>, vector<16xi32>,
      %get3A_72 = vector.shape_cast %get3A_71 : vector<16xi32> to vector<16xi32>
      %add3A_73 = vector.broadcast %mul3A_18 : i32 to vector<16xi32>
      %add3A_74 = arith.addi %get3A_72, %add3A_73 : vector<16xi32>
      %swap3A_75 = arith.constant 16 : index
      %swap3A_76 = tpu.vector_load %arg6[%swap3A_75] {strides = array<i32>} : memref<80xi32, #tpu.memory_space<vmem>>, vector<16xi32>,
      %swap3A_77 = vector.shape_cast %swap3A_76 : vector<16xi32> to vector<16xi32>
      %swap3A_78 = vector.shape_cast %add3A_74 : vector<16xi32> to vector<16xi32>
      tpu.vector_store %arg6[%swap3A_75], %swap3A_78 {strides = array<i32>} : memref<80xi32, #tpu.memory_space<vmem>>, vector<16xi32>,
      %get3A_79 = arith.constant 32 : index
      %get3A_80 = tpu.vector_load %arg6[%get3A_79] {strides = array<i32>} : memref<80xi32, #tpu.memory_space<vmem>>, vector<16xi32>,
      %get3A_81 = vector.shape_cast %get3A_80 : vector<16xi32> to vector<16xi32>
      %add3A_82 = vector.broadcast %mul3A_18 : i32 to vector<16xi32>
      %add3A_83 = arith.addi %get3A_81, %add3A_82 : vector<16xi32>
      %swap3A_84 = arith.constant 32 : index
      %swap3A_85 = tpu.vector_load %arg6[%swap3A_84] {strides = array<i32>} : memref<80xi32, #tpu.memory_space<vmem>>, vector<16xi32>,
      %swap3A_86 = vector.shape_cast %swap3A_85 : vector<16xi32> to vector<16xi32>
      %swap3A_87 = vector.shape_cast %add3A_83 : vector<16xi32> to vector<16xi32>
      tpu.vector_store %arg6[%swap3A_84], %swap3A_87 {strides = array<i32>} : memref<80xi32, #tpu.memory_space<vmem>>, vector<16xi32>,
      %get3A_88 = arith.constant 48 : index
      %get3A_89 = tpu.vector_load %arg6[%get3A_88] {strides = array<i32>} : memref<80xi32, #tpu.memory_space<vmem>>, vector<16xi32>,
      %get3A_90 = vector.shape_cast %get3A_89 : vector<16xi32> to vector<16xi32>
      %add3A_91 = vector.broadcast %mul3A_18 : i32 to vector<16xi32>
      %add3A_92 = arith.addi %get3A_90, %add3A_91 : vector<16xi32>
      %swap3A_93 = arith.constant 48 : index
      %swap3A_94 = tpu.vector_load %arg6[%swap3A_93] {strides = array<i32>} : memref<80xi32, #tpu.memory_space<vmem>>, vector<16xi32>,
      %swap3A_95 = vector.shape_cast %swap3A_94 : vector<16xi32> to vector<16xi32>
      %swap3A_96 = vector.shape_cast %add3A_92 : vector<16xi32> to vector<16xi32>
      tpu.vector_store %arg6[%swap3A_93], %swap3A_96 {strides = array<i32>} : memref<80xi32, #tpu.memory_space<vmem>>, vector<16xi32>,
      %get3A_97 = arith.constant 64 : index
      %get3A_98 = tpu.vector_load %arg6[%get3A_97] {strides = array<i32>} : memref<80xi32, #tpu.memory_space<vmem>>, vector<16xi32>,
      %get3A_99 = vector.shape_cast %get3A_98 : vector<16xi32> to vector<16xi32>
      %add3A_100 = vector.broadcast %mul3A_18 : i32 to vector<16xi32>
      %add3A_101 = arith.addi %get3A_99, %add3A_100 : vector<16xi32>
      %swap3A_102 = arith.constant 64 : index
      %swap3A_103 = tpu.vector_load %arg6[%swap3A_102] {strides = array<i32>} : memref<80xi32, #tpu.memory_space<vmem>>, vector<16xi32>,
      %swap3A_104 = vector.shape_cast %swap3A_103 : vector<16xi32> to vector<16xi32>
      %swap3A_105 = vector.shape_cast %add3A_101 : vector<16xi32> to vector<16xi32>
      tpu.vector_store %arg6[%swap3A_102], %swap3A_105 {strides = array<i32>} : memref<80xi32, #tpu.memory_space<vmem>>, vector<16xi32>,
      %dma_start3A = arith.constant 0 : i32
      %dma_start3A_106 = arith.constant 0 : i32
      %dma_start3A_107 = tpu.memref_slice %arg2[%dma_start3A, %dma_start3A_106] : memref<100000x32xf32, #tpu.memory_space<hbm>> -> memref<100000x32xf32, #tpu.memory_space<hbm>>
      tpu.enqueue_indirect_dma source(%dma_start3A_107 : memref<100000x32xf32, #tpu.memory_space<hbm>>) target(%arg8 : memref<80x32xf32, #tpu.memory_space<vmem>>) offsets(%arg6 : memref<80xi32, #tpu.memory_space<vmem>>) semaphore(%arg11 : memref<!tpu.dma_semaphore, #tpu.memory_space<semaphore_mem>>)
      %dma_wait3A = arith.constant 0 : i32
      %dma_wait3A_108 = arith.constant 0 : i32
      %dma_wait3A_109 = tpu.memref_slice %arg2[%dma_wait3A, %dma_wait3A_108] : memref<100000x32xf32, #tpu.memory_space<hbm>> -> memref<100000x32xf32, #tpu.memory_space<hbm>>
      tpu.wait_indirect_dma semaphore(%arg11 : memref<!tpu.dma_semaphore, #tpu.memory_space<semaphore_mem>>) src(%dma_wait3A_109 : memref<100000x32xf32, #tpu.memory_space<hbm>>) dst(%arg8 : memref<80x32xf32, #tpu.memory_space<vmem>>)
      "tpu.region"() ({
        %run_scoped3A = tpu.sem_alloc : memref<!tpu.dma_semaphore, #tpu.memory_space<semaphore_mem>>
        %dma_start3A_110 = arith.constant 0 : i32
        %dma_start3A_111 = arith.constant 0 : i32
        %dma_start3A_112 = tpu.memref_slice %arg10[%dma_start3A_110, %dma_start3A_111] : memref<6256x32xf32, #tpu.memory_space<vmem_shared>> -> memref<6256x32xf32, #tpu.memory_space<vmem_shared>>
        tpu.enqueue_indirect_dma source(%arg8 : memref<80x32xf32, #tpu.memory_space<vmem>>) target(%dma_start3A_112 : memref<6256x32xf32, #tpu.memory_space<vmem_shared>>) offsets(%arg7 : memref<80xi32, #tpu.memory_space<vmem>>) semaphore(%run_scoped3A : memref<!tpu.dma_semaphore, #tpu.memory_space<semaphore_mem>>) {add = true}
        %dma_wait3A_113 = arith.constant 0 : i32
        %dma_wait3A_114 = arith.constant 0 : i32
        %dma_wait3A_115 = tpu.memref_slice %arg10[%dma_wait3A_113, %dma_wait3A_114] : memref<6256x32xf32, #tpu.memory_space<vmem_shared>> -> memref<6256x32xf32, #tpu.memory_space<vmem_shared>>
        tpu.wait_indirect_dma semaphore(%run_scoped3A : memref<!tpu.dma_semaphore, #tpu.memory_space<semaphore_mem>>) src(%arg8 : memref<80x32xf32, #tpu.memory_space<vmem>>) dst(%dma_wait3A_115 : memref<6256x32xf32, #tpu.memory_space<vmem_shared>>)
        tpu.yield
      }) : () -> ()
    }
    %barrier3A_37 = arith.constant 0 : index
    tpu.barrier barrier_id(%barrier3A_37)
    %mul3A_38 = arith.constant 6256 : i32
    %mul3A_39 = arith.muli %arg0, %mul3A_38 : i32
    %sub3A_40 = arith.constant 17 : i32
    %sub3A_41 = arith.subi %sub3A_40, %arg1 : i32
    %sub3A_42 = arith.constant 16 : i32
    %sub3A_43 = arith.constant 1 : i32
    %sub3A_44 = arith.subi %sub3A_42, %sub3A_43 : i32
    %add3A_45 = arith.addi %sub3A_41, %sub3A_44 : i32
    %div3A_46 = arith.constant 16 : i32
    %div3A_47 = arith.divsi %add3A_45, %div3A_46 : i32
    %while3A_48 = arith.constant 16 : i32
    %while3A_49 = arith.constant 0 : i32
    %while3A_50 = arith.subi %div3A_47, %while3A_49 : i32
    %while3A_51 = arith.addi %while3A_49, %while3A_50 : i32
    %while3A_52 = arith.constant 1 : i32
    %while3A_53 = arith.divsi %while3A_50, %while3A_52 : i32
    %while3A_54 = arith.muli %while3A_53, %while3A_52 : i32
    %while3A_55 = arith.addi %while3A_49, %while3A_54 : i32
    %while3A_56 = arith.constant 1 : i32
    scf.for %while3A_58 = %while3A_49 to %while3A_55 step %while3A_56  : i32 {
      %mul3A_59 = arith.muli %while3A_58, %while3A_48 : i32
      %add3A_60 = arith.addi %arg1, %mul3A_59 : i32
      %mul3A_61 = arith.constant 368 : i32
      %mul3A_62 = arith.muli %add3A_60, %mul3A_61 : i32
      %mul3A_63 = arith.constant 368 : i32
      %mul3A_64 = arith.muli %add3A_60, %mul3A_63 : i32
      %add3A_65 = arith.addi %mul3A_39, %mul3A_64 : i32
      "tpu.region"() ({
        %run_scoped3A = tpu.sem_alloc : memref<!tpu.dma_semaphore, #tpu.memory_space<semaphore_mem>>
        %dma_start3A = arith.constant 0 : i32
        %dma_start3A_66 = tpu.memref_slice %arg5[%add3A_65, %dma_start3A] : memref<12512x32xf32, #tpu.memory_space<hbm>> -> memref<368x32xf32, #tpu.memory_space<hbm>>
        %dma_start3A_67 = arith.constant 0 : i32
        %dma_start3A_68 = tpu.memref_slice %arg10[%mul3A_62, %dma_start3A_67] : memref<6256x32xf32, #tpu.memory_space<vmem_shared>> -> memref<368x32xf32, #tpu.memory_space<vmem_shared>>
        tpu.enqueue_dma source(%dma_start3A_68 : memref<368x32xf32, #tpu.memory_space<vmem_shared>>) target(%dma_start3A_66 : memref<368x32xf32, #tpu.memory_space<hbm>>) target_semaphore(%run_scoped3A : memref<!tpu.dma_semaphore, #tpu.memory_space<semaphore_mem>>)
        %dma_wait3A = arith.constant 0 : i32
        %dma_wait3A_69 = tpu.memref_slice %arg5[%add3A_65, %dma_wait3A] : memref<12512x32xf32, #tpu.memory_space<hbm>> -> memref<368x32xf32, #tpu.memory_space<hbm>>
        %dma_wait3A_70 = arith.constant 0 : i32
        %dma_wait3A_71 = tpu.memref_slice %arg10[%mul3A_62, %dma_wait3A_70] : memref<6256x32xf32, #tpu.memory_space<vmem_shared>> -> memref<368x32xf32, #tpu.memory_space<vmem_shared>>
        tpu.wait_dma2 semaphore(%run_scoped3A : memref<!tpu.dma_semaphore, #tpu.memory_space<semaphore_mem>>) src(%dma_wait3A_71 : memref<368x32xf32, #tpu.memory_space<vmem_shared>>) dst(%dma_wait3A_69 : memref<368x32xf32, #tpu.memory_space<hbm>>)
        tpu.yield
      }) : () -> ()
    }
    %while3A_57 = arith.constant 1 : i32
    scf.for %while3A_58 = %while3A_55 to %while3A_51 step %while3A_57  : i32 {
      %mul3A_59 = arith.muli %while3A_58, %while3A_48 : i32
      %add3A_60 = arith.addi %arg1, %mul3A_59 : i32
      %mul3A_61 = arith.constant 368 : i32
      %mul3A_62 = arith.muli %add3A_60, %mul3A_61 : i32
      %mul3A_63 = arith.constant 368 : i32
      %mul3A_64 = arith.muli %add3A_60, %mul3A_63 : i32
      %add3A_65 = arith.addi %mul3A_39, %mul3A_64 : i32
      "tpu.region"() ({
        %run_scoped3A = tpu.sem_alloc : memref<!tpu.dma_semaphore, #tpu.memory_space<semaphore_mem>>
        %dma_start3A = arith.constant 0 : i32
        %dma_start3A_66 = tpu.memref_slice %arg5[%add3A_65, %dma_start3A] : memref<12512x32xf32, #tpu.memory_space<hbm>> -> memref<368x32xf32, #tpu.memory_space<hbm>>
        %dma_start3A_67 = arith.constant 0 : i32
        %dma_start3A_68 = tpu.memref_slice %arg10[%mul3A_62, %dma_start3A_67] : memref<6256x32xf32, #tpu.memory_space<vmem_shared>> -> memref<368x32xf32, #tpu.memory_space<vmem_shared>>
        tpu.enqueue_dma source(%dma_start3A_68 : memref<368x32xf32, #tpu.memory_space<vmem_shared>>) target(%dma_start3A_66 : memref<368x32xf32, #tpu.memory_space<hbm>>) target_semaphore(%run_scoped3A : memref<!tpu.dma_semaphore, #tpu.memory_space<semaphore_mem>>)
        %dma_wait3A = arith.constant 0 : i32
        %dma_wait3A_69 = tpu.memref_slice %arg5[%add3A_65, %dma_wait3A] : memref<12512x32xf32, #tpu.memory_space<hbm>> -> memref<368x32xf32, #tpu.memory_space<hbm>>
        %dma_wait3A_70 = arith.constant 0 : i32
        %dma_wait3A_71 = tpu.memref_slice %arg10[%mul3A_62, %dma_wait3A_70] : memref<6256x32xf32, #tpu.memory_space<vmem_shared>> -> memref<368x32xf32, #tpu.memory_space<vmem_shared>>
        tpu.wait_dma2 semaphore(%run_scoped3A : memref<!tpu.dma_semaphore, #tpu.memory_space<semaphore_mem>>) src(%dma_wait3A_71 : memref<368x32xf32, #tpu.memory_space<vmem_shared>>) dst(%dma_wait3A_69 : memref<368x32xf32, #tpu.memory_space<hbm>>)
        tpu.yield
      }) : () -> ()
    }
    return
  }
}

#map = affine_map<(d0, d1) -> (0, 0)>
#map1 = affine_map<(d0, d1) -> (0)>
module attributes {stable_mosaic.version = 14 : i64} {
  func.func @_sc_a2a_body(%arg0: i32, %arg1: i32, %arg2: memref<100000x32xf32, #tpu.memory_space<hbm>>, %arg3: memref<800000x16xf32, #tpu.memory_space<hbm>>, %arg4: memref<800000xi32, #tpu.memory_space<hbm>>, %arg5: memref<800000xi32, #tpu.memory_space<hbm>>, %arg6: memref<100000x32xf32, #tpu.memory_space<hbm>>, %arg7: memref<80xi32, #tpu.memory_space<vmem>>, %arg8: memref<80xi32, #tpu.memory_space<vmem>>, %arg9: memref<80x16xf32, #tpu.memory_space<vmem>>, %arg10: memref<80x32xf32, #tpu.memory_space<vmem>>, %arg11: memref<200x32xf32, #tpu.memory_space<vmem>>, %arg12: memref<50000x32xf32, #tpu.memory_space<vmem_shared>>, %arg13: memref<!tpu.dma_semaphore, #tpu.memory_space<semaphore_mem>>) attributes {dimension_semantics = [#tpu.dimension_semantics<core_parallel>, #tpu.dimension_semantics<subcore_parallel>], iteration_bounds = array<i64: 2, 16>, scalar_prefetch = 0 : i64, scratch_operands = 7 : i64, tpu.core_type = #tpu.core_type<sc_vector_subcore>, window_params = [{transform_indices = #map}, {transform_indices = #map}, {transform_indices = #map1}, {transform_indices = #map1}, {transform_indices = #map}]} {
    %scan3A = arith.constant 0 : i32
    %scan3A_0 = arith.constant 200 : i32
    %scan3A_1 = arith.addi %scan3A, %scan3A_0 : i32
    %scan3A_2 = arith.constant 1 : i32
    scf.for %scan3A_58 = %scan3A to %scan3A_1 step %scan3A_2  : i32 {
      %mul3A_59 = arith.constant 1 : i32
      %mul3A_60 = arith.muli %scan3A_58, %mul3A_59 : i32
      %add3A_61 = arith.constant 0 : i32
      %add3A_62 = arith.addi %add3A_61, %mul3A_60 : i32
      %broadcast_in_dim3A = arith.constant 0.000000e+00 : f32
      %broadcast_in_dim3A_63 = vector.broadcast %broadcast_in_dim3A : f32 to vector<16xf32>
      %swap3A = arith.index_cast %add3A_62 : i32 to index
      %swap3A_64 = arith.constant 0 : index
      %swap3A_65 = tpu.vector_load %arg11[%swap3A, %swap3A_64] {strides = array<i32>} : memref<200x32xf32, #tpu.memory_space<vmem>>, vector<1x16xf32>,
      %swap3A_66 = vector.shape_cast %swap3A_65 : vector<1x16xf32> to vector<16xf32>
      %swap3A_67 = vector.shape_cast %broadcast_in_dim3A_63 : vector<16xf32> to vector<1x16xf32>
      tpu.vector_store %arg11[%swap3A, %swap3A_64], %swap3A_67 {strides = array<i32>} : memref<200x32xf32, #tpu.memory_space<vmem>>, vector<1x16xf32>,
      %broadcast_in_dim3A_68 = arith.constant 0.000000e+00 : f32
      %broadcast_in_dim3A_69 = vector.broadcast %broadcast_in_dim3A_68 : f32 to vector<16xf32>
      %swap3A_70 = arith.index_cast %add3A_62 : i32 to index
      %swap3A_71 = arith.constant 16 : index
      %swap3A_72 = tpu.vector_load %arg11[%swap3A_70, %swap3A_71] {strides = array<i32>} : memref<200x32xf32, #tpu.memory_space<vmem>>, vector<1x16xf32>,
      %swap3A_73 = vector.shape_cast %swap3A_72 : vector<1x16xf32> to vector<16xf32>
      %swap3A_74 = vector.shape_cast %broadcast_in_dim3A_69 : vector<16xf32> to vector<1x16xf32>
      tpu.vector_store %arg11[%swap3A_70, %swap3A_71], %swap3A_74 {strides = array<i32>} : memref<200x32xf32, #tpu.memory_space<vmem>>, vector<1x16xf32>,
    }
    %scan3A_3 = arith.constant 200 : i32
    %sub3A = arith.constant 250 : i32
    %sub3A_4 = arith.subi %sub3A, %arg1 : i32
    %sub3A_5 = arith.constant 16 : i32
    %sub3A_6 = arith.constant 1 : i32
    %sub3A_7 = arith.subi %sub3A_5, %sub3A_6 : i32
    %add3A = arith.addi %sub3A_4, %sub3A_7 : i32
    %div3A = arith.constant 16 : i32
    %div3A_8 = arith.divsi %add3A, %div3A : i32
    %while3A = arith.constant 16 : i32
    %while3A_9 = arith.constant 0 : i32
    %while3A_10 = arith.subi %div3A_8, %while3A_9 : i32
    %while3A_11 = arith.addi %while3A_9, %while3A_10 : i32
    %while3A_12 = arith.constant 1 : i32
    %while3A_13 = arith.divsi %while3A_10, %while3A_12 : i32
    %while3A_14 = arith.muli %while3A_13, %while3A_12 : i32
    %while3A_15 = arith.addi %while3A_9, %while3A_14 : i32
    %while3A_16 = arith.constant 1 : i32
    scf.for %while3A_58 = %while3A_9 to %while3A_15 step %while3A_16  : i32 {
      %mul3A_59 = arith.muli %while3A_58, %while3A : i32
      %add3A_60 = arith.addi %arg1, %mul3A_59 : i32
      %mul3A_61 = arith.constant 200 : i32
      %mul3A_62 = arith.muli %add3A_60, %mul3A_61 : i32
      "tpu.region"() ({
        %run_scoped3A = tpu.sem_alloc : memref<!tpu.dma_semaphore, #tpu.memory_space<semaphore_mem>>
        %dma_start3A = arith.constant 0 : i32
        %dma_start3A_63 = tpu.memref_slice %arg12[%mul3A_62, %dma_start3A] : memref<50000x32xf32, #tpu.memory_space<vmem_shared>> -> memref<200x32xf32, #tpu.memory_space<vmem_shared>>
        %dma_start3A_64 = arith.constant 0 : i32
        %dma_start3A_65 = tpu.memref_slice %arg12[%mul3A_62, %dma_start3A_64] : memref<50000x32xf32, #tpu.memory_space<vmem_shared>> -> memref<200x32xf32, #tpu.memory_space<vmem_shared>>
        tpu.enqueue_dma source(%arg11 : memref<200x32xf32, #tpu.memory_space<vmem>>) target(%dma_start3A_65 : memref<200x32xf32, #tpu.memory_space<vmem_shared>>) target_semaphore(%run_scoped3A : memref<!tpu.dma_semaphore, #tpu.memory_space<semaphore_mem>>)
        %dma_wait3A = arith.constant 0 : i32
        %dma_wait3A_66 = tpu.memref_slice %arg12[%mul3A_62, %dma_wait3A] : memref<50000x32xf32, #tpu.memory_space<vmem_shared>> -> memref<200x32xf32, #tpu.memory_space<vmem_shared>>
        %dma_wait3A_67 = arith.constant 0 : i32
        %dma_wait3A_68 = tpu.memref_slice %arg12[%mul3A_62, %dma_wait3A_67] : memref<50000x32xf32, #tpu.memory_space<vmem_shared>> -> memref<200x32xf32, #tpu.memory_space<vmem_shared>>
        tpu.wait_dma2 semaphore(%run_scoped3A : memref<!tpu.dma_semaphore, #tpu.memory_space<semaphore_mem>>) src(%arg11 : memref<200x32xf32, #tpu.memory_space<vmem>>) dst(%dma_wait3A_68 : memref<200x32xf32, #tpu.memory_space<vmem_shared>>)
        tpu.yield
      }) : () -> ()
    }
    %while3A_17 = arith.constant 1 : i32
    scf.for %while3A_58 = %while3A_15 to %while3A_11 step %while3A_17  : i32 {
      %mul3A_59 = arith.muli %while3A_58, %while3A : i32
      %add3A_60 = arith.addi %arg1, %mul3A_59 : i32
      %mul3A_61 = arith.constant 200 : i32
      %mul3A_62 = arith.muli %add3A_60, %mul3A_61 : i32
      "tpu.region"() ({
        %run_scoped3A = tpu.sem_alloc : memref<!tpu.dma_semaphore, #tpu.memory_space<semaphore_mem>>
        %dma_start3A = arith.constant 0 : i32
        %dma_start3A_63 = tpu.memref_slice %arg12[%mul3A_62, %dma_start3A] : memref<50000x32xf32, #tpu.memory_space<vmem_shared>> -> memref<200x32xf32, #tpu.memory_space<vmem_shared>>
        %dma_start3A_64 = arith.constant 0 : i32
        %dma_start3A_65 = tpu.memref_slice %arg12[%mul3A_62, %dma_start3A_64] : memref<50000x32xf32, #tpu.memory_space<vmem_shared>> -> memref<200x32xf32, #tpu.memory_space<vmem_shared>>
        tpu.enqueue_dma source(%arg11 : memref<200x32xf32, #tpu.memory_space<vmem>>) target(%dma_start3A_65 : memref<200x32xf32, #tpu.memory_space<vmem_shared>>) target_semaphore(%run_scoped3A : memref<!tpu.dma_semaphore, #tpu.memory_space<semaphore_mem>>)
        %dma_wait3A = arith.constant 0 : i32
        %dma_wait3A_66 = tpu.memref_slice %arg12[%mul3A_62, %dma_wait3A] : memref<50000x32xf32, #tpu.memory_space<vmem_shared>> -> memref<200x32xf32, #tpu.memory_space<vmem_shared>>
        %dma_wait3A_67 = arith.constant 0 : i32
        %dma_wait3A_68 = tpu.memref_slice %arg12[%mul3A_62, %dma_wait3A_67] : memref<50000x32xf32, #tpu.memory_space<vmem_shared>> -> memref<200x32xf32, #tpu.memory_space<vmem_shared>>
        tpu.wait_dma2 semaphore(%run_scoped3A : memref<!tpu.dma_semaphore, #tpu.memory_space<semaphore_mem>>) src(%arg11 : memref<200x32xf32, #tpu.memory_space<vmem>>) dst(%dma_wait3A_68 : memref<200x32xf32, #tpu.memory_space<vmem_shared>>)
        tpu.yield
      }) : () -> ()
    }
    %barrier3A = arith.constant 0 : index
    tpu.barrier barrier_id(%barrier3A)
    %mul3A = arith.constant 50000 : i32
    %mul3A_18 = arith.muli %arg0, %mul3A : i32
    %sub3A_19 = arith.constant 10000 : i32
    %sub3A_20 = arith.subi %sub3A_19, %arg1 : i32
    %sub3A_21 = arith.constant 16 : i32
    %sub3A_22 = arith.constant 1 : i32
    %sub3A_23 = arith.subi %sub3A_21, %sub3A_22 : i32
    %add3A_24 = arith.addi %sub3A_20, %sub3A_23 : i32
    %div3A_25 = arith.constant 16 : i32
    %div3A_26 = arith.divsi %add3A_24, %div3A_25 : i32
    %while3A_27 = arith.constant 16 : i32
    %while3A_28 = arith.constant 0 : i32
    %while3A_29 = arith.subi %div3A_26, %while3A_28 : i32
    %while3A_30 = arith.addi %while3A_28, %while3A_29 : i32
    %while3A_31 = arith.constant 1 : i32
    %while3A_32 = arith.divsi %while3A_29, %while3A_31 : i32
    %while3A_33 = arith.muli %while3A_32, %while3A_31 : i32
    %while3A_34 = arith.addi %while3A_28, %while3A_33 : i32
    %while3A_35 = arith.constant 1 : i32
    scf.for %while3A_58 = %while3A_28 to %while3A_34 step %while3A_35  : i32 {
      %mul3A_59 = arith.muli %while3A_58, %while3A_27 : i32
      %add3A_60 = arith.addi %arg1, %mul3A_59 : i32
      %mul3A_61 = arith.constant 80 : i32
      %mul3A_62 = arith.muli %add3A_60, %mul3A_61 : i32
      "tpu.region"() ({
        %run_scoped3A = tpu.sem_alloc : memref<!tpu.dma_semaphore, #tpu.memory_space<semaphore_mem>>
        %dma_start3A_115 = tpu.memref_slice %arg4[%mul3A_62] : memref<800000xi32, #tpu.memory_space<hbm>> -> memref<80xi32, #tpu.memory_space<hbm>>
        %dma_start3A_116 = tpu.memref_slice %arg4[%mul3A_62] : memref<800000xi32, #tpu.memory_space<hbm>> -> memref<80xi32, #tpu.memory_space<hbm>>
        tpu.enqueue_dma source(%dma_start3A_116 : memref<80xi32, #tpu.memory_space<hbm>>) target(%arg7 : memref<80xi32, #tpu.memory_space<vmem>>) target_semaphore(%run_scoped3A : memref<!tpu.dma_semaphore, #tpu.memory_space<semaphore_mem>>)
        %dma_wait3A_117 = tpu.memref_slice %arg4[%mul3A_62] : memref<800000xi32, #tpu.memory_space<hbm>> -> memref<80xi32, #tpu.memory_space<hbm>>
        %dma_wait3A_118 = tpu.memref_slice %arg4[%mul3A_62] : memref<800000xi32, #tpu.memory_space<hbm>> -> memref<80xi32, #tpu.memory_space<hbm>>
        tpu.wait_dma2 semaphore(%run_scoped3A : memref<!tpu.dma_semaphore, #tpu.memory_space<semaphore_mem>>) src(%dma_wait3A_118 : memref<80xi32, #tpu.memory_space<hbm>>) dst(%arg7 : memref<80xi32, #tpu.memory_space<vmem>>)
        tpu.yield
      }) : () -> ()
      "tpu.region"() ({
        %run_scoped3A = tpu.sem_alloc : memref<!tpu.dma_semaphore, #tpu.memory_space<semaphore_mem>>
        %dma_start3A_115 = tpu.memref_slice %arg5[%mul3A_62] : memref<800000xi32, #tpu.memory_space<hbm>> -> memref<80xi32, #tpu.memory_space<hbm>>
        %dma_start3A_116 = tpu.memref_slice %arg5[%mul3A_62] : memref<800000xi32, #tpu.memory_space<hbm>> -> memref<80xi32, #tpu.memory_space<hbm>>
        tpu.enqueue_dma source(%dma_start3A_116 : memref<80xi32, #tpu.memory_space<hbm>>) target(%arg8 : memref<80xi32, #tpu.memory_space<vmem>>) target_semaphore(%run_scoped3A : memref<!tpu.dma_semaphore, #tpu.memory_space<semaphore_mem>>)
        %dma_wait3A_117 = tpu.memref_slice %arg5[%mul3A_62] : memref<800000xi32, #tpu.memory_space<hbm>> -> memref<80xi32, #tpu.memory_space<hbm>>
        %dma_wait3A_118 = tpu.memref_slice %arg5[%mul3A_62] : memref<800000xi32, #tpu.memory_space<hbm>> -> memref<80xi32, #tpu.memory_space<hbm>>
        tpu.wait_dma2 semaphore(%run_scoped3A : memref<!tpu.dma_semaphore, #tpu.memory_space<semaphore_mem>>) src(%dma_wait3A_118 : memref<80xi32, #tpu.memory_space<hbm>>) dst(%arg8 : memref<80xi32, #tpu.memory_space<vmem>>)
        tpu.yield
      }) : () -> ()
      "tpu.region"() ({
        %run_scoped3A = tpu.sem_alloc : memref<!tpu.dma_semaphore, #tpu.memory_space<semaphore_mem>>
        %dma_start3A_115 = arith.constant 0 : i32
        %dma_start3A_116 = tpu.memref_slice %arg3[%mul3A_62, %dma_start3A_115] : memref<800000x16xf32, #tpu.memory_space<hbm>> -> memref<80x16xf32, #tpu.memory_space<hbm>>
        %dma_start3A_117 = arith.constant 0 : i32
        %dma_start3A_118 = tpu.memref_slice %arg3[%mul3A_62, %dma_start3A_117] : memref<800000x16xf32, #tpu.memory_space<hbm>> -> memref<80x16xf32, #tpu.memory_space<hbm>>
        tpu.enqueue_dma source(%dma_start3A_118 : memref<80x16xf32, #tpu.memory_space<hbm>>) target(%arg9 : memref<80x16xf32, #tpu.memory_space<vmem>>) target_semaphore(%run_scoped3A : memref<!tpu.dma_semaphore, #tpu.memory_space<semaphore_mem>>)
        %dma_wait3A_119 = arith.constant 0 : i32
        %dma_wait3A_120 = tpu.memref_slice %arg3[%mul3A_62, %dma_wait3A_119] : memref<800000x16xf32, #tpu.memory_space<hbm>> -> memref<80x16xf32, #tpu.memory_space<hbm>>
        %dma_wait3A_121 = arith.constant 0 : i32
        %dma_wait3A_122 = tpu.memref_slice %arg3[%mul3A_62, %dma_wait3A_121] : memref<800000x16xf32, #tpu.memory_space<hbm>> -> memref<80x16xf32, #tpu.memory_space<hbm>>
        tpu.wait_dma2 semaphore(%run_scoped3A : memref<!tpu.dma_semaphore, #tpu.memory_space<semaphore_mem>>) src(%dma_wait3A_122 : memref<80x16xf32, #tpu.memory_space<hbm>>) dst(%arg9 : memref<80x16xf32, #tpu.memory_space<vmem>>)
        tpu.yield
      }) : () -> ()
      %get3A = arith.constant 0 : index
      %get3A_63 = tpu.vector_load %arg7[%get3A] {strides = array<i32>} : memref<80xi32, #tpu.memory_space<vmem>>, vector<16xi32>,
      %get3A_64 = vector.shape_cast %get3A_63 : vector<16xi32> to vector<16xi32>
      %add3A_65 = vector.broadcast %mul3A_18 : i32 to vector<16xi32>
      %add3A_66 = arith.addi %get3A_64, %add3A_65 : vector<16xi32>
      %swap3A = arith.constant 0 : index
      %swap3A_67 = tpu.vector_load %arg7[%swap3A] {strides = array<i32>} : memref<80xi32, #tpu.memory_space<vmem>>, vector<16xi32>,
      %swap3A_68 = vector.shape_cast %swap3A_67 : vector<16xi32> to vector<16xi32>
      %swap3A_69 = vector.shape_cast %add3A_66 : vector<16xi32> to vector<16xi32>
      tpu.vector_store %arg7[%swap3A], %swap3A_69 {strides = array<i32>} : memref<80xi32, #tpu.memory_space<vmem>>, vector<16xi32>,
      %get3A_70 = arith.constant 16 : index
      %get3A_71 = tpu.vector_load %arg7[%get3A_70] {strides = array<i32>} : memref<80xi32, #tpu.memory_space<vmem>>, vector<16xi32>,
      %get3A_72 = vector.shape_cast %get3A_71 : vector<16xi32> to vector<16xi32>
      %add3A_73 = vector.broadcast %mul3A_18 : i32 to vector<16xi32>
      %add3A_74 = arith.addi %get3A_72, %add3A_73 : vector<16xi32>
      %swap3A_75 = arith.constant 16 : index
      %swap3A_76 = tpu.vector_load %arg7[%swap3A_75] {strides = array<i32>} : memref<80xi32, #tpu.memory_space<vmem>>, vector<16xi32>,
      %swap3A_77 = vector.shape_cast %swap3A_76 : vector<16xi32> to vector<16xi32>
      %swap3A_78 = vector.shape_cast %add3A_74 : vector<16xi32> to vector<16xi32>
      tpu.vector_store %arg7[%swap3A_75], %swap3A_78 {strides = array<i32>} : memref<80xi32, #tpu.memory_space<vmem>>, vector<16xi32>,
      %get3A_79 = arith.constant 32 : index
      %get3A_80 = tpu.vector_load %arg7[%get3A_79] {strides = array<i32>} : memref<80xi32, #tpu.memory_space<vmem>>, vector<16xi32>,
      %get3A_81 = vector.shape_cast %get3A_80 : vector<16xi32> to vector<16xi32>
      %add3A_82 = vector.broadcast %mul3A_18 : i32 to vector<16xi32>
      %add3A_83 = arith.addi %get3A_81, %add3A_82 : vector<16xi32>
      %swap3A_84 = arith.constant 32 : index
      %swap3A_85 = tpu.vector_load %arg7[%swap3A_84] {strides = array<i32>} : memref<80xi32, #tpu.memory_space<vmem>>, vector<16xi32>,
      %swap3A_86 = vector.shape_cast %swap3A_85 : vector<16xi32> to vector<16xi32>
      %swap3A_87 = vector.shape_cast %add3A_83 : vector<16xi32> to vector<16xi32>
      tpu.vector_store %arg7[%swap3A_84], %swap3A_87 {strides = array<i32>} : memref<80xi32, #tpu.memory_space<vmem>>, vector<16xi32>,
      %get3A_88 = arith.constant 48 : index
      %get3A_89 = tpu.vector_load %arg7[%get3A_88] {strides = array<i32>} : memref<80xi32, #tpu.memory_space<vmem>>, vector<16xi32>,
      %get3A_90 = vector.shape_cast %get3A_89 : vector<16xi32> to vector<16xi32>
      %add3A_91 = vector.broadcast %mul3A_18 : i32 to vector<16xi32>
      %add3A_92 = arith.addi %get3A_90, %add3A_91 : vector<16xi32>
      %swap3A_93 = arith.constant 48 : index
      %swap3A_94 = tpu.vector_load %arg7[%swap3A_93] {strides = array<i32>} : memref<80xi32, #tpu.memory_space<vmem>>, vector<16xi32>,
      %swap3A_95 = vector.shape_cast %swap3A_94 : vector<16xi32> to vector<16xi32>
      %swap3A_96 = vector.shape_cast %add3A_92 : vector<16xi32> to vector<16xi32>
      tpu.vector_store %arg7[%swap3A_93], %swap3A_96 {strides = array<i32>} : memref<80xi32, #tpu.memory_space<vmem>>, vector<16xi32>,
      %get3A_97 = arith.constant 64 : index
      %get3A_98 = tpu.vector_load %arg7[%get3A_97] {strides = array<i32>} : memref<80xi32, #tpu.memory_space<vmem>>, vector<16xi32>,
      %get3A_99 = vector.shape_cast %get3A_98 : vector<16xi32> to vector<16xi32>
      %add3A_100 = vector.broadcast %mul3A_18 : i32 to vector<16xi32>
      %add3A_101 = arith.addi %get3A_99, %add3A_100 : vector<16xi32>
      %swap3A_102 = arith.constant 64 : index
      %swap3A_103 = tpu.vector_load %arg7[%swap3A_102] {strides = array<i32>} : memref<80xi32, #tpu.memory_space<vmem>>, vector<16xi32>,
      %swap3A_104 = vector.shape_cast %swap3A_103 : vector<16xi32> to vector<16xi32>
      %swap3A_105 = vector.shape_cast %add3A_101 : vector<16xi32> to vector<16xi32>
      tpu.vector_store %arg7[%swap3A_102], %swap3A_105 {strides = array<i32>} : memref<80xi32, #tpu.memory_space<vmem>>, vector<16xi32>,
      %dma_start3A = arith.constant 0 : i32
      %dma_start3A_106 = arith.constant 0 : i32
      %dma_start3A_107 = tpu.memref_slice %arg2[%dma_start3A, %dma_start3A_106] : memref<100000x32xf32, #tpu.memory_space<hbm>> -> memref<100000x32xf32, #tpu.memory_space<hbm>>
      tpu.enqueue_indirect_dma source(%dma_start3A_107 : memref<100000x32xf32, #tpu.memory_space<hbm>>) target(%arg10 : memref<80x32xf32, #tpu.memory_space<vmem>>) offsets(%arg7 : memref<80xi32, #tpu.memory_space<vmem>>) semaphore(%arg13 : memref<!tpu.dma_semaphore, #tpu.memory_space<semaphore_mem>>)
      %dma_wait3A = arith.constant 0 : i32
      %dma_wait3A_108 = arith.constant 0 : i32
      %dma_wait3A_109 = tpu.memref_slice %arg2[%dma_wait3A, %dma_wait3A_108] : memref<100000x32xf32, #tpu.memory_space<hbm>> -> memref<100000x32xf32, #tpu.memory_space<hbm>>
      tpu.wait_indirect_dma semaphore(%arg13 : memref<!tpu.dma_semaphore, #tpu.memory_space<semaphore_mem>>) src(%dma_wait3A_109 : memref<100000x32xf32, #tpu.memory_space<hbm>>) dst(%arg10 : memref<80x32xf32, #tpu.memory_space<vmem>>)
      %scan3A_110 = arith.constant 0 : i32
      %scan3A_111 = arith.constant 80 : i32
      %scan3A_112 = arith.addi %scan3A_110, %scan3A_111 : i32
      %scan3A_113 = arith.constant 1 : i32
      scf.for %scan3A_115 = %scan3A_110 to %scan3A_112 step %scan3A_113  : i32 {
        %mul3A_116 = arith.constant 1 : i32
        %mul3A_117 = arith.muli %scan3A_115, %mul3A_116 : i32
        %add3A_118 = arith.constant 0 : i32
        %add3A_119 = arith.addi %add3A_118, %mul3A_117 : i32
        %get3A_120 = arith.index_cast %add3A_119 : i32 to index
        %get3A_121 = arith.constant 0 : index
        %get3A_122 = tpu.vector_load %arg9[%get3A_120, %get3A_121] {strides = array<i32>} : memref<80x16xf32, #tpu.memory_space<vmem>>, vector<1x16xf32>,
        %get3A_123 = vector.shape_cast %get3A_122 : vector<1x16xf32> to vector<16xf32>
        %get3A_124 = arith.index_cast %add3A_119 : i32 to index
        %get3A_125 = arith.constant 0 : index
        %get3A_126 = tpu.vector_load %arg10[%get3A_124, %get3A_125] {strides = array<i32>} : memref<80x32xf32, #tpu.memory_space<vmem>>, vector<1x16xf32>,
        %get3A_127 = vector.shape_cast %get3A_126 : vector<1x16xf32> to vector<16xf32>
        %mul3A_128 = arith.mulf %get3A_127, %get3A_123 : vector<16xf32>
        %swap3A_129 = arith.index_cast %add3A_119 : i32 to index
        %swap3A_130 = arith.constant 0 : index
        %swap3A_131 = tpu.vector_load %arg10[%swap3A_129, %swap3A_130] {strides = array<i32>} : memref<80x32xf32, #tpu.memory_space<vmem>>, vector<1x16xf32>,
        %swap3A_132 = vector.shape_cast %swap3A_131 : vector<1x16xf32> to vector<16xf32>
        %swap3A_133 = vector.shape_cast %mul3A_128 : vector<16xf32> to vector<1x16xf32>
        tpu.vector_store %arg10[%swap3A_129, %swap3A_130], %swap3A_133 {strides = array<i32>} : memref<80x32xf32, #tpu.memory_space<vmem>>, vector<1x16xf32>,
        %get3A_134 = arith.index_cast %add3A_119 : i32 to index
        %get3A_135 = arith.constant 16 : index
        %get3A_136 = tpu.vector_load %arg10[%get3A_134, %get3A_135] {strides = array<i32>} : memref<80x32xf32, #tpu.memory_space<vmem>>, vector<1x16xf32>,
        %get3A_137 = vector.shape_cast %get3A_136 : vector<1x16xf32> to vector<16xf32>
        %mul3A_138 = arith.mulf %get3A_137, %get3A_123 : vector<16xf32>
        %swap3A_139 = arith.index_cast %add3A_119 : i32 to index
        %swap3A_140 = arith.constant 16 : index
        %swap3A_141 = tpu.vector_load %arg10[%swap3A_139, %swap3A_140] {strides = array<i32>} : memref<80x32xf32, #tpu.memory_space<vmem>>, vector<1x16xf32>,
        %swap3A_142 = vector.shape_cast %swap3A_141 : vector<1x16xf32> to vector<16xf32>
        %swap3A_143 = vector.shape_cast %mul3A_138 : vector<16xf32> to vector<1x16xf32>
        tpu.vector_store %arg10[%swap3A_139, %swap3A_140], %swap3A_143 {strides = array<i32>} : memref<80x32xf32, #tpu.memory_space<vmem>>, vector<1x16xf32>,
      }
      %scan3A_114 = arith.constant 80 : i32
      "tpu.region"() ({
        %run_scoped3A = tpu.sem_alloc : memref<!tpu.dma_semaphore, #tpu.memory_space<semaphore_mem>>
        %dma_start3A_115 = arith.constant 0 : i32
        %dma_start3A_116 = arith.constant 0 : i32
        %dma_start3A_117 = tpu.memref_slice %arg12[%dma_start3A_115, %dma_start3A_116] : memref<50000x32xf32, #tpu.memory_space<vmem_shared>> -> memref<50000x32xf32, #tpu.memory_space<vmem_shared>>
        tpu.enqueue_indirect_dma source(%arg10 : memref<80x32xf32, #tpu.memory_space<vmem>>) target(%dma_start3A_117 : memref<50000x32xf32, #tpu.memory_space<vmem_shared>>) offsets(%arg8 : memref<80xi32, #tpu.memory_space<vmem>>) semaphore(%run_scoped3A : memref<!tpu.dma_semaphore, #tpu.memory_space<semaphore_mem>>) {add = true}
        %dma_wait3A_118 = arith.constant 0 : i32
        %dma_wait3A_119 = arith.constant 0 : i32
        %dma_wait3A_120 = tpu.memref_slice %arg12[%dma_wait3A_118, %dma_wait3A_119] : memref<50000x32xf32, #tpu.memory_space<vmem_shared>> -> memref<50000x32xf32, #tpu.memory_space<vmem_shared>>
        tpu.wait_indirect_dma semaphore(%run_scoped3A : memref<!tpu.dma_semaphore, #tpu.memory_space<semaphore_mem>>) src(%arg10 : memref<80x32xf32, #tpu.memory_space<vmem>>) dst(%dma_wait3A_120 : memref<50000x32xf32, #tpu.memory_space<vmem_shared>>)
        tpu.yield
      }) : () -> ()
    }
    %while3A_36 = arith.constant 1 : i32
    scf.for %while3A_58 = %while3A_34 to %while3A_30 step %while3A_36  : i32 {
      %mul3A_59 = arith.muli %while3A_58, %while3A_27 : i32
      %add3A_60 = arith.addi %arg1, %mul3A_59 : i32
      %mul3A_61 = arith.constant 80 : i32
      %mul3A_62 = arith.muli %add3A_60, %mul3A_61 : i32
      "tpu.region"() ({
        %run_scoped3A = tpu.sem_alloc : memref<!tpu.dma_semaphore, #tpu.memory_space<semaphore_mem>>
        %dma_start3A_115 = tpu.memref_slice %arg4[%mul3A_62] : memref<800000xi32, #tpu.memory_space<hbm>> -> memref<80xi32, #tpu.memory_space<hbm>>
        %dma_start3A_116 = tpu.memref_slice %arg4[%mul3A_62] : memref<800000xi32, #tpu.memory_space<hbm>> -> memref<80xi32, #tpu.memory_space<hbm>>
        tpu.enqueue_dma source(%dma_start3A_116 : memref<80xi32, #tpu.memory_space<hbm>>) target(%arg7 : memref<80xi32, #tpu.memory_space<vmem>>) target_semaphore(%run_scoped3A : memref<!tpu.dma_semaphore, #tpu.memory_space<semaphore_mem>>)
        %dma_wait3A_117 = tpu.memref_slice %arg4[%mul3A_62] : memref<800000xi32, #tpu.memory_space<hbm>> -> memref<80xi32, #tpu.memory_space<hbm>>
        %dma_wait3A_118 = tpu.memref_slice %arg4[%mul3A_62] : memref<800000xi32, #tpu.memory_space<hbm>> -> memref<80xi32, #tpu.memory_space<hbm>>
        tpu.wait_dma2 semaphore(%run_scoped3A : memref<!tpu.dma_semaphore, #tpu.memory_space<semaphore_mem>>) src(%dma_wait3A_118 : memref<80xi32, #tpu.memory_space<hbm>>) dst(%arg7 : memref<80xi32, #tpu.memory_space<vmem>>)
        tpu.yield
      }) : () -> ()
      "tpu.region"() ({
        %run_scoped3A = tpu.sem_alloc : memref<!tpu.dma_semaphore, #tpu.memory_space<semaphore_mem>>
        %dma_start3A_115 = tpu.memref_slice %arg5[%mul3A_62] : memref<800000xi32, #tpu.memory_space<hbm>> -> memref<80xi32, #tpu.memory_space<hbm>>
        %dma_start3A_116 = tpu.memref_slice %arg5[%mul3A_62] : memref<800000xi32, #tpu.memory_space<hbm>> -> memref<80xi32, #tpu.memory_space<hbm>>
        tpu.enqueue_dma source(%dma_start3A_116 : memref<80xi32, #tpu.memory_space<hbm>>) target(%arg8 : memref<80xi32, #tpu.memory_space<vmem>>) target_semaphore(%run_scoped3A : memref<!tpu.dma_semaphore, #tpu.memory_space<semaphore_mem>>)
        %dma_wait3A_117 = tpu.memref_slice %arg5[%mul3A_62] : memref<800000xi32, #tpu.memory_space<hbm>> -> memref<80xi32, #tpu.memory_space<hbm>>
        %dma_wait3A_118 = tpu.memref_slice %arg5[%mul3A_62] : memref<800000xi32, #tpu.memory_space<hbm>> -> memref<80xi32, #tpu.memory_space<hbm>>
        tpu.wait_dma2 semaphore(%run_scoped3A : memref<!tpu.dma_semaphore, #tpu.memory_space<semaphore_mem>>) src(%dma_wait3A_118 : memref<80xi32, #tpu.memory_space<hbm>>) dst(%arg8 : memref<80xi32, #tpu.memory_space<vmem>>)
        tpu.yield
      }) : () -> ()
      "tpu.region"() ({
        %run_scoped3A = tpu.sem_alloc : memref<!tpu.dma_semaphore, #tpu.memory_space<semaphore_mem>>
        %dma_start3A_115 = arith.constant 0 : i32
        %dma_start3A_116 = tpu.memref_slice %arg3[%mul3A_62, %dma_start3A_115] : memref<800000x16xf32, #tpu.memory_space<hbm>> -> memref<80x16xf32, #tpu.memory_space<hbm>>
        %dma_start3A_117 = arith.constant 0 : i32
        %dma_start3A_118 = tpu.memref_slice %arg3[%mul3A_62, %dma_start3A_117] : memref<800000x16xf32, #tpu.memory_space<hbm>> -> memref<80x16xf32, #tpu.memory_space<hbm>>
        tpu.enqueue_dma source(%dma_start3A_118 : memref<80x16xf32, #tpu.memory_space<hbm>>) target(%arg9 : memref<80x16xf32, #tpu.memory_space<vmem>>) target_semaphore(%run_scoped3A : memref<!tpu.dma_semaphore, #tpu.memory_space<semaphore_mem>>)
        %dma_wait3A_119 = arith.constant 0 : i32
        %dma_wait3A_120 = tpu.memref_slice %arg3[%mul3A_62, %dma_wait3A_119] : memref<800000x16xf32, #tpu.memory_space<hbm>> -> memref<80x16xf32, #tpu.memory_space<hbm>>
        %dma_wait3A_121 = arith.constant 0 : i32
        %dma_wait3A_122 = tpu.memref_slice %arg3[%mul3A_62, %dma_wait3A_121] : memref<800000x16xf32, #tpu.memory_space<hbm>> -> memref<80x16xf32, #tpu.memory_space<hbm>>
        tpu.wait_dma2 semaphore(%run_scoped3A : memref<!tpu.dma_semaphore, #tpu.memory_space<semaphore_mem>>) src(%dma_wait3A_122 : memref<80x16xf32, #tpu.memory_space<hbm>>) dst(%arg9 : memref<80x16xf32, #tpu.memory_space<vmem>>)
        tpu.yield
      }) : () -> ()
      %get3A = arith.constant 0 : index
      %get3A_63 = tpu.vector_load %arg7[%get3A] {strides = array<i32>} : memref<80xi32, #tpu.memory_space<vmem>>, vector<16xi32>,
      %get3A_64 = vector.shape_cast %get3A_63 : vector<16xi32> to vector<16xi32>
      %add3A_65 = vector.broadcast %mul3A_18 : i32 to vector<16xi32>
      %add3A_66 = arith.addi %get3A_64, %add3A_65 : vector<16xi32>
      %swap3A = arith.constant 0 : index
      %swap3A_67 = tpu.vector_load %arg7[%swap3A] {strides = array<i32>} : memref<80xi32, #tpu.memory_space<vmem>>, vector<16xi32>,
      %swap3A_68 = vector.shape_cast %swap3A_67 : vector<16xi32> to vector<16xi32>
      %swap3A_69 = vector.shape_cast %add3A_66 : vector<16xi32> to vector<16xi32>
      tpu.vector_store %arg7[%swap3A], %swap3A_69 {strides = array<i32>} : memref<80xi32, #tpu.memory_space<vmem>>, vector<16xi32>,
      %get3A_70 = arith.constant 16 : index
      %get3A_71 = tpu.vector_load %arg7[%get3A_70] {strides = array<i32>} : memref<80xi32, #tpu.memory_space<vmem>>, vector<16xi32>,
      %get3A_72 = vector.shape_cast %get3A_71 : vector<16xi32> to vector<16xi32>
      %add3A_73 = vector.broadcast %mul3A_18 : i32 to vector<16xi32>
      %add3A_74 = arith.addi %get3A_72, %add3A_73 : vector<16xi32>
      %swap3A_75 = arith.constant 16 : index
      %swap3A_76 = tpu.vector_load %arg7[%swap3A_75] {strides = array<i32>} : memref<80xi32, #tpu.memory_space<vmem>>, vector<16xi32>,
      %swap3A_77 = vector.shape_cast %swap3A_76 : vector<16xi32> to vector<16xi32>
      %swap3A_78 = vector.shape_cast %add3A_74 : vector<16xi32> to vector<16xi32>
      tpu.vector_store %arg7[%swap3A_75], %swap3A_78 {strides = array<i32>} : memref<80xi32, #tpu.memory_space<vmem>>, vector<16xi32>,
      %get3A_79 = arith.constant 32 : index
      %get3A_80 = tpu.vector_load %arg7[%get3A_79] {strides = array<i32>} : memref<80xi32, #tpu.memory_space<vmem>>, vector<16xi32>,
      %get3A_81 = vector.shape_cast %get3A_80 : vector<16xi32> to vector<16xi32>
      %add3A_82 = vector.broadcast %mul3A_18 : i32 to vector<16xi32>
      %add3A_83 = arith.addi %get3A_81, %add3A_82 : vector<16xi32>
      %swap3A_84 = arith.constant 32 : index
      %swap3A_85 = tpu.vector_load %arg7[%swap3A_84] {strides = array<i32>} : memref<80xi32, #tpu.memory_space<vmem>>, vector<16xi32>,
      %swap3A_86 = vector.shape_cast %swap3A_85 : vector<16xi32> to vector<16xi32>
      %swap3A_87 = vector.shape_cast %add3A_83 : vector<16xi32> to vector<16xi32>
      tpu.vector_store %arg7[%swap3A_84], %swap3A_87 {strides = array<i32>} : memref<80xi32, #tpu.memory_space<vmem>>, vector<16xi32>,
      %get3A_88 = arith.constant 48 : index
      %get3A_89 = tpu.vector_load %arg7[%get3A_88] {strides = array<i32>} : memref<80xi32, #tpu.memory_space<vmem>>, vector<16xi32>,
      %get3A_90 = vector.shape_cast %get3A_89 : vector<16xi32> to vector<16xi32>
      %add3A_91 = vector.broadcast %mul3A_18 : i32 to vector<16xi32>
      %add3A_92 = arith.addi %get3A_90, %add3A_91 : vector<16xi32>
      %swap3A_93 = arith.constant 48 : index
      %swap3A_94 = tpu.vector_load %arg7[%swap3A_93] {strides = array<i32>} : memref<80xi32, #tpu.memory_space<vmem>>, vector<16xi32>,
      %swap3A_95 = vector.shape_cast %swap3A_94 : vector<16xi32> to vector<16xi32>
      %swap3A_96 = vector.shape_cast %add3A_92 : vector<16xi32> to vector<16xi32>
      tpu.vector_store %arg7[%swap3A_93], %swap3A_96 {strides = array<i32>} : memref<80xi32, #tpu.memory_space<vmem>>, vector<16xi32>,
      %get3A_97 = arith.constant 64 : index
      %get3A_98 = tpu.vector_load %arg7[%get3A_97] {strides = array<i32>} : memref<80xi32, #tpu.memory_space<vmem>>, vector<16xi32>,
      %get3A_99 = vector.shape_cast %get3A_98 : vector<16xi32> to vector<16xi32>
      %add3A_100 = vector.broadcast %mul3A_18 : i32 to vector<16xi32>
      %add3A_101 = arith.addi %get3A_99, %add3A_100 : vector<16xi32>
      %swap3A_102 = arith.constant 64 : index
      %swap3A_103 = tpu.vector_load %arg7[%swap3A_102] {strides = array<i32>} : memref<80xi32, #tpu.memory_space<vmem>>, vector<16xi32>,
      %swap3A_104 = vector.shape_cast %swap3A_103 : vector<16xi32> to vector<16xi32>
      %swap3A_105 = vector.shape_cast %add3A_101 : vector<16xi32> to vector<16xi32>
      tpu.vector_store %arg7[%swap3A_102], %swap3A_105 {strides = array<i32>} : memref<80xi32, #tpu.memory_space<vmem>>, vector<16xi32>,
      %dma_start3A = arith.constant 0 : i32
      %dma_start3A_106 = arith.constant 0 : i32
      %dma_start3A_107 = tpu.memref_slice %arg2[%dma_start3A, %dma_start3A_106] : memref<100000x32xf32, #tpu.memory_space<hbm>> -> memref<100000x32xf32, #tpu.memory_space<hbm>>
      tpu.enqueue_indirect_dma source(%dma_start3A_107 : memref<100000x32xf32, #tpu.memory_space<hbm>>) target(%arg10 : memref<80x32xf32, #tpu.memory_space<vmem>>) offsets(%arg7 : memref<80xi32, #tpu.memory_space<vmem>>) semaphore(%arg13 : memref<!tpu.dma_semaphore, #tpu.memory_space<semaphore_mem>>)
      %dma_wait3A = arith.constant 0 : i32
      %dma_wait3A_108 = arith.constant 0 : i32
      %dma_wait3A_109 = tpu.memref_slice %arg2[%dma_wait3A, %dma_wait3A_108] : memref<100000x32xf32, #tpu.memory_space<hbm>> -> memref<100000x32xf32, #tpu.memory_space<hbm>>
      tpu.wait_indirect_dma semaphore(%arg13 : memref<!tpu.dma_semaphore, #tpu.memory_space<semaphore_mem>>) src(%dma_wait3A_109 : memref<100000x32xf32, #tpu.memory_space<hbm>>) dst(%arg10 : memref<80x32xf32, #tpu.memory_space<vmem>>)
      %scan3A_110 = arith.constant 0 : i32
      %scan3A_111 = arith.constant 80 : i32
      %scan3A_112 = arith.addi %scan3A_110, %scan3A_111 : i32
      %scan3A_113 = arith.constant 1 : i32
      scf.for %scan3A_115 = %scan3A_110 to %scan3A_112 step %scan3A_113  : i32 {
        %mul3A_116 = arith.constant 1 : i32
        %mul3A_117 = arith.muli %scan3A_115, %mul3A_116 : i32
        %add3A_118 = arith.constant 0 : i32
        %add3A_119 = arith.addi %add3A_118, %mul3A_117 : i32
        %get3A_120 = arith.index_cast %add3A_119 : i32 to index
        %get3A_121 = arith.constant 0 : index
        %get3A_122 = tpu.vector_load %arg9[%get3A_120, %get3A_121] {strides = array<i32>} : memref<80x16xf32, #tpu.memory_space<vmem>>, vector<1x16xf32>,
        %get3A_123 = vector.shape_cast %get3A_122 : vector<1x16xf32> to vector<16xf32>
        %get3A_124 = arith.index_cast %add3A_119 : i32 to index
        %get3A_125 = arith.constant 0 : index
        %get3A_126 = tpu.vector_load %arg10[%get3A_124, %get3A_125] {strides = array<i32>} : memref<80x32xf32, #tpu.memory_space<vmem>>, vector<1x16xf32>,
        %get3A_127 = vector.shape_cast %get3A_126 : vector<1x16xf32> to vector<16xf32>
        %mul3A_128 = arith.mulf %get3A_127, %get3A_123 : vector<16xf32>
        %swap3A_129 = arith.index_cast %add3A_119 : i32 to index
        %swap3A_130 = arith.constant 0 : index
        %swap3A_131 = tpu.vector_load %arg10[%swap3A_129, %swap3A_130] {strides = array<i32>} : memref<80x32xf32, #tpu.memory_space<vmem>>, vector<1x16xf32>,
        %swap3A_132 = vector.shape_cast %swap3A_131 : vector<1x16xf32> to vector<16xf32>
        %swap3A_133 = vector.shape_cast %mul3A_128 : vector<16xf32> to vector<1x16xf32>
        tpu.vector_store %arg10[%swap3A_129, %swap3A_130], %swap3A_133 {strides = array<i32>} : memref<80x32xf32, #tpu.memory_space<vmem>>, vector<1x16xf32>,
        %get3A_134 = arith.index_cast %add3A_119 : i32 to index
        %get3A_135 = arith.constant 16 : index
        %get3A_136 = tpu.vector_load %arg10[%get3A_134, %get3A_135] {strides = array<i32>} : memref<80x32xf32, #tpu.memory_space<vmem>>, vector<1x16xf32>,
        %get3A_137 = vector.shape_cast %get3A_136 : vector<1x16xf32> to vector<16xf32>
        %mul3A_138 = arith.mulf %get3A_137, %get3A_123 : vector<16xf32>
        %swap3A_139 = arith.index_cast %add3A_119 : i32 to index
        %swap3A_140 = arith.constant 16 : index
        %swap3A_141 = tpu.vector_load %arg10[%swap3A_139, %swap3A_140] {strides = array<i32>} : memref<80x32xf32, #tpu.memory_space<vmem>>, vector<1x16xf32>,
        %swap3A_142 = vector.shape_cast %swap3A_141 : vector<1x16xf32> to vector<16xf32>
        %swap3A_143 = vector.shape_cast %mul3A_138 : vector<16xf32> to vector<1x16xf32>
        tpu.vector_store %arg10[%swap3A_139, %swap3A_140], %swap3A_143 {strides = array<i32>} : memref<80x32xf32, #tpu.memory_space<vmem>>, vector<1x16xf32>,
      }
      %scan3A_114 = arith.constant 80 : i32
      "tpu.region"() ({
        %run_scoped3A = tpu.sem_alloc : memref<!tpu.dma_semaphore, #tpu.memory_space<semaphore_mem>>
        %dma_start3A_115 = arith.constant 0 : i32
        %dma_start3A_116 = arith.constant 0 : i32
        %dma_start3A_117 = tpu.memref_slice %arg12[%dma_start3A_115, %dma_start3A_116] : memref<50000x32xf32, #tpu.memory_space<vmem_shared>> -> memref<50000x32xf32, #tpu.memory_space<vmem_shared>>
        tpu.enqueue_indirect_dma source(%arg10 : memref<80x32xf32, #tpu.memory_space<vmem>>) target(%dma_start3A_117 : memref<50000x32xf32, #tpu.memory_space<vmem_shared>>) offsets(%arg8 : memref<80xi32, #tpu.memory_space<vmem>>) semaphore(%run_scoped3A : memref<!tpu.dma_semaphore, #tpu.memory_space<semaphore_mem>>) {add = true}
        %dma_wait3A_118 = arith.constant 0 : i32
        %dma_wait3A_119 = arith.constant 0 : i32
        %dma_wait3A_120 = tpu.memref_slice %arg12[%dma_wait3A_118, %dma_wait3A_119] : memref<50000x32xf32, #tpu.memory_space<vmem_shared>> -> memref<50000x32xf32, #tpu.memory_space<vmem_shared>>
        tpu.wait_indirect_dma semaphore(%run_scoped3A : memref<!tpu.dma_semaphore, #tpu.memory_space<semaphore_mem>>) src(%arg10 : memref<80x32xf32, #tpu.memory_space<vmem>>) dst(%dma_wait3A_120 : memref<50000x32xf32, #tpu.memory_space<vmem_shared>>)
        tpu.yield
      }) : () -> ()
    }
    %barrier3A_37 = arith.constant 0 : index
    tpu.barrier barrier_id(%barrier3A_37)
    %mul3A_38 = arith.constant 50000 : i32
    %mul3A_39 = arith.muli %arg0, %mul3A_38 : i32
    %sub3A_40 = arith.constant 250 : i32
    %sub3A_41 = arith.subi %sub3A_40, %arg1 : i32
    %sub3A_42 = arith.constant 16 : i32
    %sub3A_43 = arith.constant 1 : i32
    %sub3A_44 = arith.subi %sub3A_42, %sub3A_43 : i32
    %add3A_45 = arith.addi %sub3A_41, %sub3A_44 : i32
    %div3A_46 = arith.constant 16 : i32
    %div3A_47 = arith.divsi %add3A_45, %div3A_46 : i32
    %while3A_48 = arith.constant 16 : i32
    %while3A_49 = arith.constant 0 : i32
    %while3A_50 = arith.subi %div3A_47, %while3A_49 : i32
    %while3A_51 = arith.addi %while3A_49, %while3A_50 : i32
    %while3A_52 = arith.constant 1 : i32
    %while3A_53 = arith.divsi %while3A_50, %while3A_52 : i32
    %while3A_54 = arith.muli %while3A_53, %while3A_52 : i32
    %while3A_55 = arith.addi %while3A_49, %while3A_54 : i32
    %while3A_56 = arith.constant 1 : i32
    scf.for %while3A_58 = %while3A_49 to %while3A_55 step %while3A_56  : i32 {
      %mul3A_59 = arith.muli %while3A_58, %while3A_48 : i32
      %add3A_60 = arith.addi %arg1, %mul3A_59 : i32
      %mul3A_61 = arith.constant 200 : i32
      %mul3A_62 = arith.muli %add3A_60, %mul3A_61 : i32
      %mul3A_63 = arith.constant 200 : i32
      %mul3A_64 = arith.muli %add3A_60, %mul3A_63 : i32
      %add3A_65 = arith.addi %mul3A_39, %mul3A_64 : i32
      "tpu.region"() ({
        %run_scoped3A = tpu.sem_alloc : memref<!tpu.dma_semaphore, #tpu.memory_space<semaphore_mem>>
        %dma_start3A = arith.constant 0 : i32
        %dma_start3A_66 = tpu.memref_slice %arg6[%add3A_65, %dma_start3A] : memref<100000x32xf32, #tpu.memory_space<hbm>> -> memref<200x32xf32, #tpu.memory_space<hbm>>
        %dma_start3A_67 = arith.constant 0 : i32
        %dma_start3A_68 = tpu.memref_slice %arg12[%mul3A_62, %dma_start3A_67] : memref<50000x32xf32, #tpu.memory_space<vmem_shared>> -> memref<200x32xf32, #tpu.memory_space<vmem_shared>>
        tpu.enqueue_dma source(%dma_start3A_68 : memref<200x32xf32, #tpu.memory_space<vmem_shared>>) target(%dma_start3A_66 : memref<200x32xf32, #tpu.memory_space<hbm>>) target_semaphore(%run_scoped3A : memref<!tpu.dma_semaphore, #tpu.memory_space<semaphore_mem>>)
        %dma_wait3A = arith.constant 0 : i32
        %dma_wait3A_69 = tpu.memref_slice %arg6[%add3A_65, %dma_wait3A] : memref<100000x32xf32, #tpu.memory_space<hbm>> -> memref<200x32xf32, #tpu.memory_space<hbm>>
        %dma_wait3A_70 = arith.constant 0 : i32
        %dma_wait3A_71 = tpu.memref_slice %arg12[%mul3A_62, %dma_wait3A_70] : memref<50000x32xf32, #tpu.memory_space<vmem_shared>> -> memref<200x32xf32, #tpu.memory_space<vmem_shared>>
        tpu.wait_dma2 semaphore(%run_scoped3A : memref<!tpu.dma_semaphore, #tpu.memory_space<semaphore_mem>>) src(%dma_wait3A_71 : memref<200x32xf32, #tpu.memory_space<vmem_shared>>) dst(%dma_wait3A_69 : memref<200x32xf32, #tpu.memory_space<hbm>>)
        tpu.yield
      }) : () -> ()
    }
    %while3A_57 = arith.constant 1 : i32
    scf.for %while3A_58 = %while3A_55 to %while3A_51 step %while3A_57  : i32 {
      %mul3A_59 = arith.muli %while3A_58, %while3A_48 : i32
      %add3A_60 = arith.addi %arg1, %mul3A_59 : i32
      %mul3A_61 = arith.constant 200 : i32
      %mul3A_62 = arith.muli %add3A_60, %mul3A_61 : i32
      %mul3A_63 = arith.constant 200 : i32
      %mul3A_64 = arith.muli %add3A_60, %mul3A_63 : i32
      %add3A_65 = arith.addi %mul3A_39, %mul3A_64 : i32
      "tpu.region"() ({
        %run_scoped3A = tpu.sem_alloc : memref<!tpu.dma_semaphore, #tpu.memory_space<semaphore_mem>>
        %dma_start3A = arith.constant 0 : i32
        %dma_start3A_66 = tpu.memref_slice %arg6[%add3A_65, %dma_start3A] : memref<100000x32xf32, #tpu.memory_space<hbm>> -> memref<200x32xf32, #tpu.memory_space<hbm>>
        %dma_start3A_67 = arith.constant 0 : i32
        %dma_start3A_68 = tpu.memref_slice %arg12[%mul3A_62, %dma_start3A_67] : memref<50000x32xf32, #tpu.memory_space<vmem_shared>> -> memref<200x32xf32, #tpu.memory_space<vmem_shared>>
        tpu.enqueue_dma source(%dma_start3A_68 : memref<200x32xf32, #tpu.memory_space<vmem_shared>>) target(%dma_start3A_66 : memref<200x32xf32, #tpu.memory_space<hbm>>) target_semaphore(%run_scoped3A : memref<!tpu.dma_semaphore, #tpu.memory_space<semaphore_mem>>)
        %dma_wait3A = arith.constant 0 : i32
        %dma_wait3A_69 = tpu.memref_slice %arg6[%add3A_65, %dma_wait3A] : memref<100000x32xf32, #tpu.memory_space<hbm>> -> memref<200x32xf32, #tpu.memory_space<hbm>>
        %dma_wait3A_70 = arith.constant 0 : i32
        %dma_wait3A_71 = tpu.memref_slice %arg12[%mul3A_62, %dma_wait3A_70] : memref<50000x32xf32, #tpu.memory_space<vmem_shared>> -> memref<200x32xf32, #tpu.memory_space<vmem_shared>>
        tpu.wait_dma2 semaphore(%run_scoped3A : memref<!tpu.dma_semaphore, #tpu.memory_space<semaphore_mem>>) src(%dma_wait3A_71 : memref<200x32xf32, #tpu.memory_space<vmem_shared>>) dst(%dma_wait3A_69 : memref<200x32xf32, #tpu.memory_space<hbm>>)
        tpu.yield
      }) : () -> ()
    }
    return
  }
}

module attributes {stable_mosaic.version = 14 : i64} {
  func.func @_gate_body(%arg0: i32, %arg1: memref<2000x32xf32, #tpu.memory_space<vmem>>, %arg2: memref<32x16xf32, #tpu.memory_space<vmem>>, %arg3: memref<2000x16xf32, #tpu.memory_space<vmem>>) attributes {dimension_semantics = [#tpu.dimension_semantics<arbitrary>], iteration_bounds = array<i64: 400>, scalar_prefetch = 0 : i64, scratch_operands = 0 : i64, tpu.core_type = #tpu.core_type<tc>, window_params = [{transform_indices = @transform_0, window_bounds = array<i64: 2000, 32>}, {pipeline_mode = #tpu.pipeline_mode<synchronous>, transform_indices = @transform_1, window_bounds = array<i64: 32, 16>}, {transform_indices = @transform_2, window_bounds = array<i64: 2000, 16>}]} {
    %get3A = arith.constant 0 : index
    %get3A_0 = arith.constant 0 : index
    %get3A_1 = vector.load %arg1[%get3A, %get3A_0] : memref<2000x32xf32, #tpu.memory_space<vmem>>, vector<2000x32xf32>
    %get3A_2 = arith.constant 0 : index
    %get3A_3 = arith.constant 0 : index
    %get3A_4 = vector.load %arg2[%get3A_2, %get3A_3] : memref<32x16xf32, #tpu.memory_space<vmem>>, vector<32x16xf32>
    %dot_general3A = arith.constant dense<0.000000e+00> : vector<2000x16xf32>
    %dot_general3A_5 = tpu.matmul %get3A_1, %get3A_4, %dot_general3A {dimension_numbers = #tpu.dot_dimension_numbers<[1], [0], [0], [1], [0, 0, 1, 1], [], []>, transpose_lhs_hint = false} : vector<2000x32xf32>, vector<32x16xf32>, vector<2000x16xf32> -> vector<2000x16xf32>
    %max3A = arith.constant 0.000000e+00 : f32
    %max3A_6 = vector.broadcast %max3A : f32 to vector<2000x16xf32>
    %max3A_7 = arith.maximumf %dot_general3A_5, %max3A_6 : vector<2000x16xf32>
    %swap3A = arith.constant 0 : index
    %swap3A_8 = arith.constant 0 : index
    %swap3A_9 = vector.load %arg3[%swap3A, %swap3A_8] : memref<2000x16xf32, #tpu.memory_space<vmem>>, vector<2000x16xf32>
    tpu.vector_store %arg3[%swap3A, %swap3A_8], %max3A_7 {strides = array<i32>} : memref<2000x16xf32, #tpu.memory_space<vmem>>, vector<2000x16xf32>,
    return
  }
  func.func @transform_0(%arg0: i32) -> (i32, i32) {
    %c0_i32 = arith.constant 0 : i32
    %c0_i32_0 = arith.constant 0 : i32
    return %arg0, %c0_i32 : i32, i32
  }
  func.func @transform_1(%arg0: i32) -> (i32, i32) {
    %c0_i32 = arith.constant 0 : i32
    %c0_i32_0 = arith.constant 0 : i32
    %c0_i32_1 = arith.constant 0 : i32
    return %c0_i32, %c0_i32_0 : i32, i32
  }
  func.func @transform_2(%arg0: i32) -> (i32, i32) {
    %c0_i32 = arith.constant 0 : i32
    %c0_i32_0 = arith.constant 0 : i32
    return %arg0, %c0_i32 : i32, i32
  }
}

module attributes {stable_mosaic.version = 14 : i64} {
  func.func @_upd_body(%arg0: i32, %arg1: i32, %arg2: memref<1x2000x32xf32, #tpu.memory_space<vmem>>, %arg3: memref<1x2000x32xf32, #tpu.memory_space<vmem>>, %arg4: memref<16x16xf32, #tpu.memory_space<vmem>>, %arg5: memref<1x2000x32xf32, #tpu.memory_space<vmem>>) attributes {dimension_semantics = [#tpu.dimension_semantics<arbitrary>, #tpu.dimension_semantics<arbitrary>], iteration_bounds = array<i64: 2, 25>, scalar_prefetch = 0 : i64, scratch_operands = 0 : i64, tpu.core_type = #tpu.core_type<tc>, window_params = [{transform_indices = @transform_0, window_bounds = array<i64: 1, 2000, 32>}, {transform_indices = @transform_1, window_bounds = array<i64: 1, 2000, 32>}, {pipeline_mode = #tpu.pipeline_mode<synchronous>, transform_indices = @transform_2, window_bounds = array<i64: 16, 16>}, {transform_indices = @transform_3, window_bounds = array<i64: 1, 2000, 32>}]} {
    %get3A = arith.constant 0 : index
    %get3A_0 = arith.constant 0 : index
    %get3A_1 = arith.constant 0 : index
    %get3A_2 = vector.load %arg2[%get3A, %get3A_0, %get3A_1] : memref<1x2000x32xf32, #tpu.memory_space<vmem>>, vector<1x2000x32xf32>
    %get3A_3 = vector.shape_cast %get3A_2 : vector<1x2000x32xf32> to vector<2000x32xf32>
    %get3A_4 = arith.constant 0 : index
    %get3A_5 = arith.constant 0 : index
    %get3A_6 = arith.constant 0 : index
    %get3A_7 = vector.load %arg3[%get3A_4, %get3A_5, %get3A_6] : memref<1x2000x32xf32, #tpu.memory_space<vmem>>, vector<1x2000x32xf32>
    %get3A_8 = vector.shape_cast %get3A_7 : vector<1x2000x32xf32> to vector<2000x32xf32>
    %get3A_9 = arith.constant 0 : index
    %get3A_10 = arith.constant 0 : index
    %get3A_11 = vector.load %arg4[%get3A_9, %get3A_10] : memref<16x16xf32, #tpu.memory_space<vmem>>, vector<16x16xf32>
    %slice3A = vector.extract_strided_slice %get3A_8 {offsets = [0, 0], sizes = [2000, 16], strides = [1, 1]} : vector<2000x32xf32> to vector<2000x16xf32>
    %dot_general3A = arith.constant dense<0.000000e+00> : vector<2000x16xf32>
    %dot_general3A_12 = tpu.matmul %slice3A, %get3A_11, %dot_general3A {dimension_numbers = #tpu.dot_dimension_numbers<[1], [0], [0], [1], [0, 0, 1, 1], [], []>, transpose_lhs_hint = false} : vector<2000x16xf32>, vector<16x16xf32>, vector<2000x16xf32> -> vector<2000x16xf32>
    %slice3A_13 = vector.extract_strided_slice %get3A_8 {offsets = [0, 16], sizes = [2000, 16], strides = [1, 1]} : vector<2000x32xf32> to vector<2000x16xf32>
    %dot_general3A_14 = arith.constant dense<0.000000e+00> : vector<2000x16xf32>
    %dot_general3A_15 = tpu.matmul %slice3A_13, %get3A_11, %dot_general3A_14 {dimension_numbers = #tpu.dot_dimension_numbers<[1], [0], [0], [1], [0, 0, 1, 1], [], []>, transpose_lhs_hint = false} : vector<2000x16xf32>, vector<16x16xf32>, vector<2000x16xf32> -> vector<2000x16xf32>
    %concatenate3A = tpu.concatenate %dot_general3A_12, %dot_general3A_15 in 1 : vector<2000x16xf32>, vector<2000x16xf32> -> vector<2000x32xf32>
    %add3A = arith.addf %get3A_3, %concatenate3A : vector<2000x32xf32>
    %swap3A = arith.constant 0 : index
    %swap3A_16 = arith.constant 0 : index
    %swap3A_17 = arith.constant 0 : index
    %swap3A_18 = vector.load %arg5[%swap3A, %swap3A_16, %swap3A_17] : memref<1x2000x32xf32, #tpu.memory_space<vmem>>, vector<1x2000x32xf32>
    %swap3A_19 = vector.shape_cast %swap3A_18 : vector<1x2000x32xf32> to vector<2000x32xf32>
    %swap3A_20 = vector.shape_cast %add3A : vector<2000x32xf32> to vector<1x2000x32xf32>
    tpu.vector_store %arg5[%swap3A, %swap3A_16, %swap3A_17], %swap3A_20 {strides = array<i32>} : memref<1x2000x32xf32, #tpu.memory_space<vmem>>, vector<1x2000x32xf32>,
    return
  }
  func.func @transform_0(%arg0: i32, %arg1: i32) -> (i32, i32, i32) {
    %c0_i32 = arith.constant 0 : i32
    %c0_i32_0 = arith.constant 0 : i32
    return %arg0, %arg1, %c0_i32 : i32, i32, i32
  }
  func.func @transform_1(%arg0: i32, %arg1: i32) -> (i32, i32, i32) {
    %c0_i32 = arith.constant 0 : i32
    %c0_i32_0 = arith.constant 0 : i32
    return %arg0, %arg1, %c0_i32 : i32, i32, i32
  }
  func.func @transform_2(%arg0: i32, %arg1: i32) -> (i32, i32) {
    %c0_i32 = arith.constant 0 : i32
    %c0_i32_0 = arith.constant 0 : i32
    %c0_i32_1 = arith.constant 0 : i32
    return %c0_i32, %c0_i32_0 : i32, i32
  }
  func.func @transform_3(%arg0: i32, %arg1: i32) -> (i32, i32, i32) {
    %c0_i32 = arith.constant 0 : i32
    %c0_i32_0 = arith.constant 0 : i32
    return %arg0, %arg1, %c0_i32 : i32, i32, i32
  }
}

module attributes {stable_mosaic.version = 14 : i64} {
  func.func @_res_body(%arg0: memref<12512x32xf32, #tpu.memory_space<vmem>>, %arg1: memref<6250x128xf32, #tpu.memory_space<vmem>>, %arg2: memref<48x32xf32, #tpu.memory_space<vmem>>, %arg3: memref<32x32xf32, #tpu.memory_space<vmem>>, %arg4: memref<6250x64xf32, #tpu.memory_space<vmem>>, %arg5: memref<6250x64xf32, #tpu.memory_space<vmem>>, %arg6: memref<12500x16xf32, #tpu.memory_space<vmem>>) attributes {dimension_semantics = [], scalar_prefetch = 0 : i64, scratch_operands = 0 : i64, tpu.core_type = #tpu.core_type<tc>} {
    %get3A = arith.constant 0 : index
    %get3A_0 = arith.constant 0 : index
    %get3A_1 = vector.load %arg2[%get3A, %get3A_0] : memref<48x32xf32, #tpu.memory_space<vmem>>, vector<48x32xf32>
    %get3A_2 = arith.constant 0 : index
    %get3A_3 = arith.constant 0 : index
    %get3A_4 = vector.load %arg3[%get3A_2, %get3A_3] : memref<32x32xf32, #tpu.memory_space<vmem>>, vector<32x32xf32>
    %get3A_5 = arith.constant 0 : index
    %get3A_6 = arith.constant 0 : index
    %get3A_7 = vector.load %arg0[%get3A_5, %get3A_6] : memref<12512x32xf32, #tpu.memory_space<vmem>>, vector<6250x32xf32>
    %get3A_8 = arith.constant 6256 : index
    %get3A_9 = arith.constant 0 : index
    %get3A_10 = vector.load %arg0[%get3A_8, %get3A_9] : memref<12512x32xf32, #tpu.memory_space<vmem>>, vector<6250x32xf32>
    %get3A_11 = arith.constant 0 : index
    %get3A_12 = arith.constant 0 : index
    %get3A_13 = vector.load %arg1[%get3A_11, %get3A_12] : memref<6250x128xf32, #tpu.memory_space<vmem>>, vector<6250x128xf32>
    %slice3A = vector.extract_strided_slice %get3A_7 {offsets = [0, 0], sizes = [6250, 16], strides = [1, 1]} : vector<6250x32xf32> to vector<6250x16xf32>
    %slice3A_14 = vector.extract_strided_slice %get3A_13 {offsets = [0, 0], sizes = [6250, 32], strides = [1, 1]} : vector<6250x128xf32> to vector<6250x32xf32>
    %concatenate3A = tpu.concatenate %slice3A, %slice3A_14 in 1 : vector<6250x16xf32>, vector<6250x32xf32> -> vector<6250x48xf32>
    %dot_general3A = arith.constant dense<0.000000e+00> : vector<6250x32xf32>
    %dot_general3A_15 = tpu.matmul %concatenate3A, %get3A_1, %dot_general3A {dimension_numbers = #tpu.dot_dimension_numbers<[1], [0], [0], [1], [0, 0, 1, 1], [], []>, transpose_lhs_hint = false} : vector<6250x48xf32>, vector<48x32xf32>, vector<6250x32xf32> -> vector<6250x32xf32>
    %slice3A_16 = vector.extract_strided_slice %get3A_7 {offsets = [0, 16], sizes = [6250, 16], strides = [1, 1]} : vector<6250x32xf32> to vector<6250x16xf32>
    %slice3A_17 = vector.extract_strided_slice %get3A_13 {offsets = [0, 32], sizes = [6250, 32], strides = [1, 1]} : vector<6250x128xf32> to vector<6250x32xf32>
    %concatenate3A_18 = tpu.concatenate %slice3A_16, %slice3A_17 in 1 : vector<6250x16xf32>, vector<6250x32xf32> -> vector<6250x48xf32>
    %dot_general3A_19 = arith.constant dense<0.000000e+00> : vector<6250x32xf32>
    %dot_general3A_20 = tpu.matmul %concatenate3A_18, %get3A_1, %dot_general3A_19 {dimension_numbers = #tpu.dot_dimension_numbers<[1], [0], [0], [1], [0, 0, 1, 1], [], []>, transpose_lhs_hint = false} : vector<6250x48xf32>, vector<48x32xf32>, vector<6250x32xf32> -> vector<6250x32xf32>
    %slice3A_21 = vector.extract_strided_slice %get3A_10 {offsets = [0, 0], sizes = [6250, 16], strides = [1, 1]} : vector<6250x32xf32> to vector<6250x16xf32>
    %slice3A_22 = vector.extract_strided_slice %get3A_13 {offsets = [0, 64], sizes = [6250, 32], strides = [1, 1]} : vector<6250x128xf32> to vector<6250x32xf32>
    %concatenate3A_23 = tpu.concatenate %slice3A_21, %slice3A_22 in 1 : vector<6250x16xf32>, vector<6250x32xf32> -> vector<6250x48xf32>
    %dot_general3A_24 = arith.constant dense<0.000000e+00> : vector<6250x32xf32>
    %dot_general3A_25 = tpu.matmul %concatenate3A_23, %get3A_1, %dot_general3A_24 {dimension_numbers = #tpu.dot_dimension_numbers<[1], [0], [0], [1], [0, 0, 1, 1], [], []>, transpose_lhs_hint = false} : vector<6250x48xf32>, vector<48x32xf32>, vector<6250x32xf32> -> vector<6250x32xf32>
    %slice3A_26 = vector.extract_strided_slice %get3A_10 {offsets = [0, 16], sizes = [6250, 16], strides = [1, 1]} : vector<6250x32xf32> to vector<6250x16xf32>
    %slice3A_27 = vector.extract_strided_slice %get3A_13 {offsets = [0, 96], sizes = [6250, 32], strides = [1, 1]} : vector<6250x128xf32> to vector<6250x32xf32>
    %concatenate3A_28 = tpu.concatenate %slice3A_26, %slice3A_27 in 1 : vector<6250x16xf32>, vector<6250x32xf32> -> vector<6250x48xf32>
    %dot_general3A_29 = arith.constant dense<0.000000e+00> : vector<6250x32xf32>
    %dot_general3A_30 = tpu.matmul %concatenate3A_28, %get3A_1, %dot_general3A_29 {dimension_numbers = #tpu.dot_dimension_numbers<[1], [0], [0], [1], [0, 0, 1, 1], [], []>, transpose_lhs_hint = false} : vector<6250x48xf32>, vector<48x32xf32>, vector<6250x32xf32> -> vector<6250x32xf32>
    %concatenate3A_31 = tpu.concatenate %dot_general3A_15, %dot_general3A_20 in 1 : vector<6250x32xf32>, vector<6250x32xf32> -> vector<6250x64xf32>
    %swap3A = arith.constant 0 : index
    %swap3A_32 = arith.constant 0 : index
    %swap3A_33 = vector.load %arg4[%swap3A, %swap3A_32] : memref<6250x64xf32, #tpu.memory_space<vmem>>, vector<6250x64xf32>
    tpu.vector_store %arg4[%swap3A, %swap3A_32], %concatenate3A_31 {strides = array<i32>} : memref<6250x64xf32, #tpu.memory_space<vmem>>, vector<6250x64xf32>,
    %concatenate3A_34 = tpu.concatenate %dot_general3A_25, %dot_general3A_30 in 1 : vector<6250x32xf32>, vector<6250x32xf32> -> vector<6250x64xf32>
    %swap3A_35 = arith.constant 0 : index
    %swap3A_36 = arith.constant 0 : index
    %swap3A_37 = vector.load %arg5[%swap3A_35, %swap3A_36] : memref<6250x64xf32, #tpu.memory_space<vmem>>, vector<6250x64xf32>
    tpu.vector_store %arg5[%swap3A_35, %swap3A_36], %concatenate3A_34 {strides = array<i32>} : memref<6250x64xf32, #tpu.memory_space<vmem>>, vector<6250x64xf32>,
    %dot_general3A_38 = arith.constant dense<0.000000e+00> : vector<6250x32xf32>
    %dot_general3A_39 = tpu.matmul %dot_general3A_15, %get3A_4, %dot_general3A_38 {dimension_numbers = #tpu.dot_dimension_numbers<[1], [0], [0], [1], [0, 0, 1, 1], [], []>, transpose_lhs_hint = false} : vector<6250x32xf32>, vector<32x32xf32>, vector<6250x32xf32> -> vector<6250x32xf32>
    %slice3A_40 = vector.extract_strided_slice %dot_general3A_39 {offsets = [0, 0], sizes = [6250, 16], strides = [1, 1]} : vector<6250x32xf32> to vector<6250x16xf32>
    %swap3A_41 = arith.constant 0 : index
    %swap3A_42 = arith.constant 0 : index
    %swap3A_43 = vector.load %arg6[%swap3A_41, %swap3A_42] : memref<12500x16xf32, #tpu.memory_space<vmem>>, vector<6250x16xf32>
    tpu.vector_store %arg6[%swap3A_41, %swap3A_42], %slice3A_40 {strides = array<i32>} : memref<12500x16xf32, #tpu.memory_space<vmem>>, vector<6250x16xf32>,
    %slice3A_44 = vector.extract_strided_slice %dot_general3A_39 {offsets = [0, 16], sizes = [6250, 16], strides = [1, 1]} : vector<6250x32xf32> to vector<6250x16xf32>
    %swap3A_45 = arith.constant 6250 : index
    %swap3A_46 = arith.constant 0 : index
    %swap3A_47 = vector.load %arg6[%swap3A_45, %swap3A_46] : memref<12500x16xf32, #tpu.memory_space<vmem>>, vector<6250x16xf32>
    tpu.vector_store %arg6[%swap3A_45, %swap3A_46], %slice3A_44 {strides = array<i32>} : memref<12500x16xf32, #tpu.memory_space<vmem>>, vector<6250x16xf32>,
    return
  }
}

module attributes {stable_mosaic.version = 14 : i64} {
  func.func @_caimp_body(%arg0: memref<6250x64xf32, #tpu.memory_space<vmem>>, %arg1: memref<6250x64xf32, #tpu.memory_space<vmem>>, %arg2: memref<12512x16xf32, #tpu.memory_space<vmem>>, %arg3: memref<12640x32xf32, #tpu.memory_space<vmem>>, %arg4: memref<48x16xf32, #tpu.memory_space<vmem>>, %arg5: memref<12640x32xf32, #tpu.memory_space<vmem>>) attributes {dimension_semantics = [], scalar_prefetch = 0 : i64, scratch_operands = 0 : i64, tpu.core_type = #tpu.core_type<tc>} {
    %get3A = arith.constant 0 : index
    %get3A_0 = arith.constant 0 : index
    %get3A_1 = vector.load %arg4[%get3A, %get3A_0] : memref<48x16xf32, #tpu.memory_space<vmem>>, vector<48x16xf32>
    %get3A_2 = arith.constant 0 : index
    %get3A_3 = arith.constant 0 : index
    %get3A_4 = vector.load %arg0[%get3A_2, %get3A_3] : memref<6250x64xf32, #tpu.memory_space<vmem>>, vector<6250x64xf32>
    %get3A_5 = arith.constant 0 : index
    %get3A_6 = arith.constant 0 : index
    %get3A_7 = vector.load %arg1[%get3A_5, %get3A_6] : memref<6250x64xf32, #tpu.memory_space<vmem>>, vector<6250x64xf32>
    %get3A_8 = arith.constant 0 : index
    %get3A_9 = arith.constant 0 : index
    %get3A_10 = vector.load %arg2[%get3A_8, %get3A_9] : memref<12512x16xf32, #tpu.memory_space<vmem>>, vector<6250x16xf32>
    %get3A_11 = arith.constant 6256 : index
    %get3A_12 = arith.constant 0 : index
    %get3A_13 = vector.load %arg2[%get3A_11, %get3A_12] : memref<12512x16xf32, #tpu.memory_space<vmem>>, vector<6250x16xf32>
    %concatenate3A = tpu.concatenate %get3A_10, %get3A_13 in 1 : vector<6250x16xf32>, vector<6250x16xf32> -> vector<6250x32xf32>
    %slice3A = vector.extract_strided_slice %get3A_4 {offsets = [0, 0], sizes = [6250, 32], strides = [1, 1]} : vector<6250x64xf32> to vector<6250x32xf32>
    %add3A = arith.addf %slice3A, %concatenate3A : vector<6250x32xf32>
    %get3A_14 = arith.constant 0 : index
    %get3A_15 = arith.constant 0 : index
    %get3A_16 = vector.load %arg3[%get3A_14, %get3A_15] : memref<12640x32xf32, #tpu.memory_space<vmem>>, vector<6250x32xf32>
    %get3A_17 = arith.constant 6320 : index
    %get3A_18 = arith.constant 0 : index
    %get3A_19 = vector.load %arg3[%get3A_17, %get3A_18] : memref<12640x32xf32, #tpu.memory_space<vmem>>, vector<6250x32xf32>
    %slice3A_20 = vector.extract_strided_slice %get3A_16 {offsets = [0, 0], sizes = [6250, 16], strides = [1, 1]} : vector<6250x32xf32> to vector<6250x16xf32>
    %concatenate3A_21 = tpu.concatenate %slice3A_20, %add3A in 1 : vector<6250x16xf32>, vector<6250x32xf32> -> vector<6250x48xf32>
    %dot_general3A = arith.constant dense<0.000000e+00> : vector<6250x16xf32>
    %dot_general3A_22 = tpu.matmul %concatenate3A_21, %get3A_1, %dot_general3A {dimension_numbers = #tpu.dot_dimension_numbers<[1], [0], [0], [1], [0, 0, 1, 1], [], []>, transpose_lhs_hint = false} : vector<6250x48xf32>, vector<48x16xf32>, vector<6250x16xf32> -> vector<6250x16xf32>
    %slice3A_23 = vector.extract_strided_slice %get3A_16 {offsets = [0, 16], sizes = [6250, 16], strides = [1, 1]} : vector<6250x32xf32> to vector<6250x16xf32>
    %slice3A_24 = vector.extract_strided_slice %get3A_4 {offsets = [0, 32], sizes = [6250, 32], strides = [1, 1]} : vector<6250x64xf32> to vector<6250x32xf32>
    %concatenate3A_25 = tpu.concatenate %slice3A_23, %slice3A_24 in 1 : vector<6250x16xf32>, vector<6250x32xf32> -> vector<6250x48xf32>
    %dot_general3A_26 = arith.constant dense<0.000000e+00> : vector<6250x16xf32>
    %dot_general3A_27 = tpu.matmul %concatenate3A_25, %get3A_1, %dot_general3A_26 {dimension_numbers = #tpu.dot_dimension_numbers<[1], [0], [0], [1], [0, 0, 1, 1], [], []>, transpose_lhs_hint = false} : vector<6250x48xf32>, vector<48x16xf32>, vector<6250x16xf32> -> vector<6250x16xf32>
    %slice3A_28 = vector.extract_strided_slice %get3A_19 {offsets = [0, 0], sizes = [6250, 16], strides = [1, 1]} : vector<6250x32xf32> to vector<6250x16xf32>
    %slice3A_29 = vector.extract_strided_slice %get3A_7 {offsets = [0, 0], sizes = [6250, 32], strides = [1, 1]} : vector<6250x64xf32> to vector<6250x32xf32>
    %concatenate3A_30 = tpu.concatenate %slice3A_28, %slice3A_29 in 1 : vector<6250x16xf32>, vector<6250x32xf32> -> vector<6250x48xf32>
    %dot_general3A_31 = arith.constant dense<0.000000e+00> : vector<6250x16xf32>
    %dot_general3A_32 = tpu.matmul %concatenate3A_30, %get3A_1, %dot_general3A_31 {dimension_numbers = #tpu.dot_dimension_numbers<[1], [0], [0], [1], [0, 0, 1, 1], [], []>, transpose_lhs_hint = false} : vector<6250x48xf32>, vector<48x16xf32>, vector<6250x16xf32> -> vector<6250x16xf32>
    %slice3A_33 = vector.extract_strided_slice %get3A_19 {offsets = [0, 16], sizes = [6250, 16], strides = [1, 1]} : vector<6250x32xf32> to vector<6250x16xf32>
    %slice3A_34 = vector.extract_strided_slice %get3A_7 {offsets = [0, 32], sizes = [6250, 32], strides = [1, 1]} : vector<6250x64xf32> to vector<6250x32xf32>
    %concatenate3A_35 = tpu.concatenate %slice3A_33, %slice3A_34 in 1 : vector<6250x16xf32>, vector<6250x32xf32> -> vector<6250x48xf32>
    %dot_general3A_36 = arith.constant dense<0.000000e+00> : vector<6250x16xf32>
    %dot_general3A_37 = tpu.matmul %concatenate3A_35, %get3A_1, %dot_general3A_36 {dimension_numbers = #tpu.dot_dimension_numbers<[1], [0], [0], [1], [0, 0, 1, 1], [], []>, transpose_lhs_hint = false} : vector<6250x48xf32>, vector<48x16xf32>, vector<6250x16xf32> -> vector<6250x16xf32>
    %concatenate3A_38 = tpu.concatenate %dot_general3A_22, %dot_general3A_27 in 1 : vector<6250x16xf32>, vector<6250x16xf32> -> vector<6250x32xf32>
    %swap3A = arith.constant 0 : index
    %swap3A_39 = arith.constant 0 : index
    %swap3A_40 = vector.load %arg5[%swap3A, %swap3A_39] : memref<12640x32xf32, #tpu.memory_space<vmem>>, vector<6250x32xf32>
    tpu.vector_store %arg5[%swap3A, %swap3A_39], %concatenate3A_38 {strides = array<i32>} : memref<12640x32xf32, #tpu.memory_space<vmem>>, vector<6250x32xf32>,
    %concatenate3A_41 = tpu.concatenate %dot_general3A_32, %dot_general3A_37 in 1 : vector<6250x16xf32>, vector<6250x16xf32> -> vector<6250x32xf32>
    %swap3A_42 = arith.constant 6320 : index
    %swap3A_43 = arith.constant 0 : index
    %swap3A_44 = vector.load %arg5[%swap3A_42, %swap3A_43] : memref<12640x32xf32, #tpu.memory_space<vmem>>, vector<6250x32xf32>
    tpu.vector_store %arg5[%swap3A_42, %swap3A_43], %concatenate3A_41 {strides = array<i32>} : memref<12640x32xf32, #tpu.memory_space<vmem>>, vector<6250x32xf32>,
    return
  }
}

module attributes {stable_mosaic.version = 14 : i64} {
  func.func @_final_body(%arg0: i32, %arg1: memref<2000x32xf32, #tpu.memory_space<vmem>>, %arg2: memref<2000x32xf32, #tpu.memory_space<vmem>>, %arg3: memref<2000x32xf32, #tpu.memory_space<vmem>>, %arg4: memref<2000x32xf32, #tpu.memory_space<vmem>>, %arg5: memref<16x16xf32, #tpu.memory_space<vmem>>, %arg6: memref<2000x64xf32, #tpu.memory_space<vmem>>) attributes {dimension_semantics = [#tpu.dimension_semantics<arbitrary>], iteration_bounds = array<i64: 25>, scalar_prefetch = 0 : i64, scratch_operands = 0 : i64, tpu.core_type = #tpu.core_type<tc>, window_params = [{transform_indices = @transform_0, window_bounds = array<i64: 2000, 32>}, {transform_indices = @transform_1, window_bounds = array<i64: 2000, 32>}, {transform_indices = @transform_2, window_bounds = array<i64: 2000, 32>}, {transform_indices = @transform_3, window_bounds = array<i64: 2000, 32>}, {pipeline_mode = #tpu.pipeline_mode<synchronous>, transform_indices = @transform_4, window_bounds = array<i64: 16, 16>}, {transform_indices = @transform_5, window_bounds = array<i64: 2000, 64>}]} {
    %get3A = arith.constant 0 : index
    %get3A_0 = arith.constant 0 : index
    %get3A_1 = vector.load %arg5[%get3A, %get3A_0] : memref<16x16xf32, #tpu.memory_space<vmem>>, vector<16x16xf32>
    %get3A_2 = arith.constant 0 : index
    %get3A_3 = arith.constant 0 : index
    %get3A_4 = vector.load %arg1[%get3A_2, %get3A_3] : memref<2000x32xf32, #tpu.memory_space<vmem>>, vector<2000x32xf32>
    %get3A_5 = arith.constant 0 : index
    %get3A_6 = arith.constant 0 : index
    %get3A_7 = vector.load %arg3[%get3A_5, %get3A_6] : memref<2000x32xf32, #tpu.memory_space<vmem>>, vector<2000x32xf32>
    %slice3A = vector.extract_strided_slice %get3A_7 {offsets = [0, 0], sizes = [2000, 16], strides = [1, 1]} : vector<2000x32xf32> to vector<2000x16xf32>
    %dot_general3A = arith.constant dense<0.000000e+00> : vector<2000x16xf32>
    %dot_general3A_8 = tpu.matmul %slice3A, %get3A_1, %dot_general3A {dimension_numbers = #tpu.dot_dimension_numbers<[1], [0], [0], [1], [0, 0, 1, 1], [], []>, transpose_lhs_hint = false} : vector<2000x16xf32>, vector<16x16xf32>, vector<2000x16xf32> -> vector<2000x16xf32>
    %slice3A_9 = vector.extract_strided_slice %get3A_7 {offsets = [0, 16], sizes = [2000, 16], strides = [1, 1]} : vector<2000x32xf32> to vector<2000x16xf32>
    %dot_general3A_10 = arith.constant dense<0.000000e+00> : vector<2000x16xf32>
    %dot_general3A_11 = tpu.matmul %slice3A_9, %get3A_1, %dot_general3A_10 {dimension_numbers = #tpu.dot_dimension_numbers<[1], [0], [0], [1], [0, 0, 1, 1], [], []>, transpose_lhs_hint = false} : vector<2000x16xf32>, vector<16x16xf32>, vector<2000x16xf32> -> vector<2000x16xf32>
    %concatenate3A = tpu.concatenate %dot_general3A_8, %dot_general3A_11 in 1 : vector<2000x16xf32>, vector<2000x16xf32> -> vector<2000x32xf32>
    %add3A = arith.addf %get3A_4, %concatenate3A : vector<2000x32xf32>
    %get3A_12 = arith.constant 0 : index
    %get3A_13 = arith.constant 0 : index
    %get3A_14 = vector.load %arg2[%get3A_12, %get3A_13] : memref<2000x32xf32, #tpu.memory_space<vmem>>, vector<2000x32xf32>
    %get3A_15 = arith.constant 0 : index
    %get3A_16 = arith.constant 0 : index
    %get3A_17 = vector.load %arg4[%get3A_15, %get3A_16] : memref<2000x32xf32, #tpu.memory_space<vmem>>, vector<2000x32xf32>
    %slice3A_18 = vector.extract_strided_slice %get3A_17 {offsets = [0, 0], sizes = [2000, 16], strides = [1, 1]} : vector<2000x32xf32> to vector<2000x16xf32>
    %dot_general3A_19 = arith.constant dense<0.000000e+00> : vector<2000x16xf32>
    %dot_general3A_20 = tpu.matmul %slice3A_18, %get3A_1, %dot_general3A_19 {dimension_numbers = #tpu.dot_dimension_numbers<[1], [0], [0], [1], [0, 0, 1, 1], [], []>, transpose_lhs_hint = false} : vector<2000x16xf32>, vector<16x16xf32>, vector<2000x16xf32> -> vector<2000x16xf32>
    %slice3A_21 = vector.extract_strided_slice %get3A_17 {offsets = [0, 16], sizes = [2000, 16], strides = [1, 1]} : vector<2000x32xf32> to vector<2000x16xf32>
    %dot_general3A_22 = arith.constant dense<0.000000e+00> : vector<2000x16xf32>
    %dot_general3A_23 = tpu.matmul %slice3A_21, %get3A_1, %dot_general3A_22 {dimension_numbers = #tpu.dot_dimension_numbers<[1], [0], [0], [1], [0, 0, 1, 1], [], []>, transpose_lhs_hint = false} : vector<2000x16xf32>, vector<16x16xf32>, vector<2000x16xf32> -> vector<2000x16xf32>
    %concatenate3A_24 = tpu.concatenate %dot_general3A_20, %dot_general3A_23 in 1 : vector<2000x16xf32>, vector<2000x16xf32> -> vector<2000x32xf32>
    %add3A_25 = arith.addf %get3A_14, %concatenate3A_24 : vector<2000x32xf32>
    %concatenate3A_26 = tpu.concatenate %add3A, %add3A_25 in 1 : vector<2000x32xf32>, vector<2000x32xf32> -> vector<2000x64xf32>
    %swap3A = arith.constant 0 : index
    %swap3A_27 = arith.constant 0 : index
    %swap3A_28 = vector.load %arg6[%swap3A, %swap3A_27] : memref<2000x64xf32, #tpu.memory_space<vmem>>, vector<2000x64xf32>
    tpu.vector_store %arg6[%swap3A, %swap3A_27], %concatenate3A_26 {strides = array<i32>} : memref<2000x64xf32, #tpu.memory_space<vmem>>, vector<2000x64xf32>,
    return
  }
  func.func @transform_0(%arg0: i32) -> (i32, i32) {
    %c0_i32 = arith.constant 0 : i32
    %c0_i32_0 = arith.constant 0 : i32
    return %arg0, %c0_i32 : i32, i32
  }
  func.func @transform_1(%arg0: i32) -> (i32, i32) {
    %add3A = arith.constant 25 : i32
    %add3A_0 = arith.addi %arg0, %add3A : i32
    %c0_i32 = arith.constant 0 : i32
    %c0_i32_1 = arith.constant 0 : i32
    return %add3A_0, %c0_i32 : i32, i32
  }
  func.func @transform_2(%arg0: i32) -> (i32, i32) {
    %c0_i32 = arith.constant 0 : i32
    %c0_i32_0 = arith.constant 0 : i32
    return %arg0, %c0_i32 : i32, i32
  }
  func.func @transform_3(%arg0: i32) -> (i32, i32) {
    %add3A = arith.constant 25 : i32
    %add3A_0 = arith.addi %arg0, %add3A : i32
    %c0_i32 = arith.constant 0 : i32
    %c0_i32_1 = arith.constant 0 : i32
    return %add3A_0, %c0_i32 : i32, i32
  }
  func.func @transform_4(%arg0: i32) -> (i32, i32) {
    %c0_i32 = arith.constant 0 : i32
    %c0_i32_0 = arith.constant 0 : i32
    %c0_i32_1 = arith.constant 0 : i32
    return %c0_i32, %c0_i32_0 : i32, i32
  }
  func.func @transform_5(%arg0: i32) -> (i32, i32) {
    %c0_i32 = arith.constant 0 : i32
    %c0_i32_0 = arith.constant 0 : i32
    return %arg0, %c0_i32 : i32, i32
  }
}

</mosaic_0001>

<sc_bundles>
// kernel: kernel.11.cloned.1.call-start
scs
__scs_entry_jumppad:
0x0: {  	(pc) =	sbr.rel $0x88, $3  }
0x1: {  	(tag) =	ssettag $0x0;
	lr =	simm.s32 $0x1  }
0x2: {  	[smem:$0x3F94] =	sst lr;
	_ =	strace $0xD0000000  }
0x3: {  	_ = 	snop  }
0x4: {  	_ = 	snop  }
0x5: {  	_ = 	snop  }
0x6: {  	_ = 	snop  }
0x7: {  	_ = 	snop  }
__scs_overlays_trampoline_lowered:
0x8: {  	[smem:$0x3FA3] =	sst s0  }
0x9: {  	[smem:$0x3FA4] =	sst s1  }
0xa: {  	[smem:$0x3FA5] =	sst s2  }
0xb: {  	[smem:$0x3FA6] =	sst s3  }
0xc: {  	[smem:$0x3FA7] =	sst s4  }
0xd: {  	[smem:$0x3FA8] =	sst s5  }
0xe: {  	[smem:$0x3FA9] =	sst s6  }
0xf: {  	[smem:$0x3FAA] =	sst s7  }
0x10: {  	[smem:$0x3FAB] =	sst s8  }
0x11: {  	[smem:$0x3FAC] =	sst s9;
	s0 =	simm.s32 @!p0 $0x0  }
0x12: {  	s1 =	sld [smem:$0x3F92];
	s0 =	simm.s32 @p0 $0x1  }
0x13: {  	[smem:$0x3FAD] =	sst s0;
	s0 =	simm.s32 @!p1 $0x0  }
0x14: {  	s2 =	sld [smem:$0x3F91];
	s0 =	simm.s32 @p1 $0x1  }
0x15: {  	[smem:$0x3FAE] =	sst s0;
	s0 =	simm.s32 @!p2 $0x0  }
0x16: {  	s3 =	sld [smem:$0x3FDB];
	s0 =	simm.s32 @p2 $0x1  }
0x17: {  	s4 =	simm.s32 $0x1BF5;
	[smem:$0x3FB0] =	sst s0  }
0x18: {  	s0 =	sld [smem:$0x3F93];
	_ =	swait.ge [sflag:s4], $0x0  }
0x19: {  	s7 =	sld [smem:$0x3F94]  }
0x1a: {  	s8 =	sadd.s32 $0xFFFFE003, lr  }
0x1b: {  	s9 =	sadd.s32 $0xFFFFFEF7, lr;
	s5 =	simm.s32 $0xFFFFFFFF;
	p2 =	slt.u32 s8, $0xFFFFF086  }
0x1c: {  	p1 =	slt.u32 s9, $0xF7A;
	s5 =	simm.s32 @!p2 $0x0  }
0x1d: {  	s5 =	simm.s32 @p1 $0x1;
	p0 =	seq.s32 s7, s2  }
0x1e: {  	s7 =	smul.u32 @!p0 $0xF7A, s2;
	p2 =	seq.s32 @!p0 s5, $0x0  }
0x1f: {  	s9 =	smul.u32 $0xF7A, s1;
	s8 =	simm.s32 @!p0 $0x1BF5;
	p2 =	por !p2, p0  }
0x20: {  	[sflag:s8] =	ssyncset.s32 @!p0 $0xFFFFF086;
	s6 =	sadd.s32 @!p0 s3, s7;
	s7 =	simm.s32 @!p0 $0x108  }
0x21: {  	s3 =	sadd.s32 s3, s9;
	s6 =	sadd.s32 @!p0 $0x88, s6;
	s7 =	simm.s32 @p2 $0x1082  }
0x22: {  	[simem:s7], [sflag:s8] =	dma.local @!p0 [hbm:s6], $0xF7A  }
0x23: {  	s9 =	sor.u32 $0xD0000000, s2;
	s6 =	simm.s32 $0x108;
	_ =	swait.ge @!p0 [sflag:s8], $0x0  }
0x24: {  	s3 =	sadd.s32 $0x88, s3;
	s6 =	simm.s32 @!p1 $0x1082;
	[sflag:s4] =	ssyncset.s32 $0xFFFFF086  }
0x25: {  	[simem:s6], [sflag:s4] =	dma.local [hbm:s3], $0xF7A  }
0x26: {  	[smem:$0x3F94] =	sst s1;
	(tag) =	ssettag s2;
	_ =	strace s9  }
0x27: {  	s1 =	sld [smem:$0x3FA4]  }
0x28: {  	s2 =	sld [smem:$0x3FA5]  }
0x29: {  	s4 =	sld [smem:$0x3FA7]  }
0x2a: {  	p0 =	seq.s32 s5, $0x0;
	s5 =	sld [smem:$0x3FA8]  }
0x2b: {  	s6 =	sld [smem:$0x3FA9]  }
0x2c: {  	s7 =	sld [smem:$0x3FAA]  }
0x2d: {  	s3 =	simm.s32 $0x108;
	s8 =	sld [smem:$0x3FAB]  }
0x2e: {  	s3 =	simm.s32 @!p0 $0x1082;
	s9 =	sld [smem:$0x3FAC]  }
0x2f: {  	lr =	sadd.s32 s0, s3;
	s0 =	sld [smem:$0x3FA3]  }
0x30: {  	s3 =	sld [smem:$0x3FA6]  }
0x31: {  	[smem:$0x3FAF] =	sst s10  }
0x32: {  	s10 =	sld [smem:$0x3FAD];
	_ =	sdelay $0x3  }
0x33: {  	p0 =	seq.s32 s10, $0x1;
	s10 =	sld [smem:$0x3FAF];
	_ =	sdelay $0x3  }
0x34: {  	[smem:$0x3FAF] =	sst s10  }
0x35: {  	s10 =	sld [smem:$0x3FAE];
	_ =	sdelay $0x3  }
0x36: {  	p1 =	seq.s32 s10, $0x1;
	s10 =	sld [smem:$0x3FAF];
	_ =	sdelay $0x3  }
0x37: {  	[smem:$0x3FAF] =	sst s10  }
0x38: {  	s10 =	sld [smem:$0x3FB0]  }
0x39: {  	_ = 	snop;
	(pc) =	sbr.ind lr, $3  }
0x3a: {  	_ = 	snop  }
0x3b: {  	_ = 	snop  }
0x3c: {  	p2 =	seq.s32 s10, $0x1;
	s10 =	sld [smem:$0x3FAF]  }
0x3d: {  	_ =	shalt  }
0x3e: {  	_ =	shalt  }
0x3f: {  	_ =	shalt  }
0x40: {  	_ =	shalt  }
0x41: {  	_ =	shalt  }
0x42: {  	_ =	shalt  }
0x43: {  	_ =	shalt  }
0x44: {  	_ =	shalt  }
0x45: {  	_ =	shalt  }
0x46: {  	_ =	shalt  }
0x47: {  	_ =	shalt  }
0x48: {  	_ =	shalt  }
0x49: {  	_ =	shalt  }
0x4a: {  	_ =	shalt  }
0x4b: {  	_ =	shalt  }
0x4c: {  	_ =	shalt  }
0x4d: {  	_ =	shalt  }
0x4e: {  	_ =	shalt  }
0x4f: {  	_ =	shalt  }
0x50: {  	_ =	shalt  }
0x51: {  	_ =	shalt  }
0x52: {  	_ =	shalt  }
0x53: {  	_ =	shalt  }
0x54: {  	_ =	shalt  }
0x55: {  	_ =	shalt  }
0x56: {  	_ =	shalt  }
0x57: {  	_ =	shalt  }
0x58: {  	_ =	shalt  }
0x59: {  	_ =	shalt  }
0x5a: {  	_ =	shalt  }
0x5b: {  	_ =	shalt  }
0x5c: {  	_ =	shalt  }
0x5d: {  	_ =	shalt  }
0x5e: {  	_ =	shalt  }
0x5f: {  	_ =	shalt  }
0x60: {  	_ =	shalt  }
0x61: {  	_ =	shalt  }
0x62: {  	_ =	shalt  }
0x63: {  	_ =	shalt  }
0x64: {  	_ =	shalt  }
0x65: {  	_ =	shalt  }
0x66: {  	_ =	shalt  }
0x67: {  	_ =	shalt  }
0x68: {  	_ =	shalt  }
0x69: {  	_ =	shalt  }
0x6a: {  	_ =	shalt  }
0x6b: {  	_ =	shalt  }
0x6c: {  	_ =	shalt  }
0x6d: {  	_ =	shalt  }
0x6e: {  	_ =	shalt  }
0x6f: {  	_ =	shalt  }
0x70: {  	_ =	shalt  }
0x71: {  	_ =	shalt  }
0x72: {  	_ =	shalt  }
0x73: {  	_ =	shalt  }
0x74: {  	_ =	shalt  }
0x75: {  	_ =	shalt  }
0x76: {  	_ =	shalt  }
0x77: {  	_ =	shalt  }
0x78: {  	_ =	shalt  }
0x79: {  	_ =	shalt  }
0x7a: {  	_ =	shalt  }
0x7b: {  	_ =	shalt  }
0x7c: {  	_ =	shalt  }
0x7d: {  	_ =	shalt  }
0x7e: {  	_ =	shalt  }
0x7f: {  	_ =	shalt  }
0x80: {  	_ =	shalt  }
0x81: {  	_ =	shalt  }
0x82: {  	_ =	shalt  }
0x83: {  	_ =	shalt  }
0x84: {  	_ =	shalt  }
0x85: {  	_ =	shalt  }
0x86: {  	_ =	shalt  }
0x87: {  	_ =	shalt  }
.Lfunc_end0:
.L_simem_size_0:
called_computation_lowered:
.L_overlay_start_0:
0x88: {  	s2 =	sld [smem:$0x3FD9]  }
0x89: {  	s3 =	sld [smem:$0x3FFE];
	_ =	sdelay $0x1  }
0x8a: {  	s1 =	srdreg.scid  }
0x8b: {  	s0 =	sand.u32 $0x1, s1  }
0x8c: {  	s17 =	sshll.u32 s0, $0xA;
	s2 =	sadd.s32 s3, s2  }
0x8d: {  	s2 =	sadd.s32 s2, s17  }
0x8e: {  	[smem:$0x3FBB] =	sst s2  }
0x8f: {  	_ = 	snop  }
0x90: {  	s2 =	sld [smem:$0x3FD0];
	(tm) =	ssettm $0x1  }
0x91: {  	s18 =	sld [smem:$0x3FFB];
	_ =	sdelay $0x3  }
0x92: {  	_ =	strace s18  }
0x93: {  	s3 =	sld [smem:$0x3FFC];
	_ =	sdelay $0x3  }
0x94: {  	_ =	strace s3  }
0x95: {  	s3 =	sld [smem:$0x3FFD];
	_ =	sdelay $0x3  }
0x96: {  	_ =	strace s3  }
0x97: {  	_ =	strace $0x8FFFFFFF  }
0x98: {  	s19 =	sld [smem:$0x3FDB];
	_ =	sdelay $0x1  }
0x99: {  	s4 =	simm.s32 $_scs_section_size  }
0x9a: {  	s5 =	simm.s32 $_size__tile_overlayer_lowered;
	s6 =	simm.s32 $_tile_overlayer_lowered  }
0x9b: {  	s22 =	simm.s32 $0x1BFF;
	s21 =	sshll.u32 s6, $0x1;
	s3 =	sadd.s32 s4, s19  }
0x9c: {  	s7 =	simm.s32 $0x0;
	s20 =	sshll.u32 s5, $0x1;
	s5 =	sadd.s32 s21, s3  }
0x9d: {  	[timem:s7], [sflag:s22] =	dma.local [hbm:s5], s20  }
0x9e: {  	_ =	swait.ge [sflag:s22], s20  }
0x9f: {  	s4 =	ssub.s32 $0x0, s20;
	[sflag:s22] =	ssyncset.done $0x0  }
0xa0: {  	[sflag:s22] =	ssyncadd.s32 s4;
	_ =	sdelay $0x1  }
0xa1: {  	s23 =	simm.s32 $0x1B8B  }
0xa2: {  	_ =	swait.ge [sflag:s23], $0x1  }
0xa3: {  	[sflag:s23] =	ssyncset.done $0x0  }
0xa4: {  	s25 =	simm.s32 $0x1B8E;
	s24 =	sld [smem:$0x3FFE];
	[sflag:s23] =	ssyncadd.s32 $0xFFFFFFFF  }
0xa5: {  	s26 =	simm.s32 $execute0_lowered;
	[smem:$0x3FD2] =	sst s25  }
0xa6: {  	s5 =	sshll.u32 s26, $0x1;
	_ =	strace $0x80000046;
	[dreg:$0x1] =	wrdreg $0xFFFFFFFF  }
0xa7: {  	s28 =	simm.s32 $_size_execute0_lowered;
	s3 =	sadd.s32 s3, s5;
	[dreg:$0x0] =	wrdreg $0x0  }
0xa8: {  	s5 =	sshll.u32 s28, $0x1;
	[dreg:$0x2] =	wrdreg s3  }
0xa9: {  	[dreg:$0x3] =	wrdreg s5  }
0xaa: {  	[dreg:$0x4] =	wrdreg $0xC0  }
0xab: {  	_ =	task [dreg:s7], $0x5FFFF  }
0xac: {  	[dreg:$0x1] =	wrdreg $0xFFFFFFFF  }
0xad: {  	[dreg:$0x0] =	wrdreg $0x60  }
0xae: {  	[dreg:$0x2] =	wrdreg s2  }
0xaf: {  	[dreg:$0x3] =	wrdreg s24  }
0xb0: {  	[dreg:$0x4] =	wrdreg $0x28A00  }
0xb1: {  	[dreg:$0x5] =	wrdreg $0x9  }
0xb2: {  	_ =	task.clear_ibuf [dreg:s7], $0x6FFFF;
	_ =	strace $0x90000046  }
0xb3: {  	s29 =	simm.s32 $0x9;
	_ =	strace $0x80000048  }
0xb4: {  	_ =	swait.ge [sflag:s29], $0x1  }
0xb5: {  	[sflag:s29] =	ssyncadd.s32 $0xFFFFFFFF  }
0xb6: {  	_ =	strace $0x90000048  }
0xb7: {  	_ =	sfence  }
0xb8: {  	s30 =	sld [smem:$0x0];
	_ =	sdelay $0x2  }
0xb9: {  	s31 =	sshll.u32 s1, $0xD;
	s1 =	sshrl.u32 s1, $0x2  }
0xba: {  	s3 =	sand.u32 $0x4000, s31;
	s1 =	sadd.s32 s1, s30  }
0xbb: {  	s0 =	sor.u32 s3, s0;
	s1 =	sshll.u32 s1, $0x11  }
0xbc: {  	s0 =	sor.u32 s1, s0  }
0xbd: {  	s0 =	sadd.s32 $0x8F2B, s0  }
0xbe: {  	[sflag:s0] =	ssyncadd.remote.s32 $0x1  }
0xbf: {  	_ =	sfence.sel $0xFFFF  }
0xc0: {  	[dreg:$0x0] =	wrdreg $0xFFFFFFFF;
	(pc) =	sbr.abs _section_cstart, $3  }
0xc1: {  	[dreg:$0x1] =	wrdreg $0xFFFFFFFF  }
0xc2: {  	_ =	task.clear_ibuf [dreg:s7], $0x2FFFF;
	_ =	strace $0x9FFFFFFF  }
0xc3: {  	(tm) =	ssettm $0x7FFFFFFF  }
tec
execute0_lowered:
.L_overlay_start_1:
0x0: {  	(tag) =	ssettag $0x1  }
0x1: {  	s1 =	rddreg [dreg:$0x0]  }
0x2: {  	s8 =	rddreg [dreg:$0x1]  }
0x3: {  	s2 =	rddreg [dreg:$0x2]  }
0x4: {  	s0 =	rddreg [dreg:$0x3]  }
0x5: {  	s3 =	simm.s32 $0x0;
	s4 =	srdreg.scid;
	s17 =	simm.s32 $0x1  }
0x6: {  	[smem:$0x7FF] =	sst s3;
	s5 =	sadd.s32 $0x187E00, s8;
	s9 =	sand.u32 $0x1, s4  }
0x7: {  	s4 =	stileid.u32;
	s7 =	sadd.s32 $0x30E800, s8;
	s10 =	smul.u32 $0x30D40, s9  }
0x8: {  	s6 =	sadd.s32 $0x327000, s8;
	_ =	strace $0x80000047;
	s12 =	smul.u32 $0x6400, s4  }
0x9: {  	s11 =	ssub.s32 $0x2, s9;
	s14 =	ssub.s32 $0x109, s4;
	s15 =	smul.u32 $0x320, s4  }
0xa: {  	s16 =	smul.u32 $0xC350, s9;
	s13 =	sshrl.u32 s11, $0x1;
	s10 =	sadd.s32 s10, s8  }
0xb: {  	s11 =	ssub.s32 s11, s13;
	s8 =	sshrl.u32 s14, $0x4;
	s12 =	sshrl.u32 s12, $0x2  }
0xc: {  	s13 =	simm.s32 $0x2;
	s14 =	simm.s32 $0x50;
	v0 =	vmov s16;
	s16 =	simm.s32 $0x5A0  }
0xd: {  	s31 =	sadd.s32 s15, s10;
	s9 =	smax.u32 s11, $0x1;
	s10 =	sadd.s32 s12, s2  }
0xe: {  	v1 =	vimm.f32 $0.0e+00;
	s12 =	simm.s32 $0xFA0;
	s15 =	simm.s32 $0xA0;
	s11 =	sadd.s32 $0x33F800, s31  }
.LBB2_1:
0xf: {  	s18 =	simm.s32 $0x80;
	s19 =	simm.s32 $0x0  }
.LBB2_2:
0x10: {  	p0 =	sne.s32 s18, $0x6380;
	[tilespmem:s19+$0xFA0] =	vst v1;
	s20 =	smov.u32 s18;
	s18 =	sadd.s32 $0x80, s18  }
.Ltmp0:
0x11: {  	[tilespmem:s19+$0xFB0] =	vst v1;
	(pc) =	sbr.rel @p0 .LBB2_2-.Ltmp0, $2  }
0x12: {  	_ =	sdelay $0x2  }
0x13: {  	s19 =	sshra.s32 s20, $0x2  }
0x14: {  	p0 =	sne.s32 s8, $0x1  }
.Ltmp1:
0x15: {  	[tilespmem:s19+$0xFA0] =	vst v1;
	(pc) =	sbr.rel @!p0 .LBB2_5-.Ltmp1, $4  }
0x16: {  	[tilespmem:s19+$0xFB0] =	vst v1  }
0x17: {  	[spmem:s10] =	stream.linear.scatter [tilespmem:s12], [sflag:$0x2], $0x1900, $0x38;
	[tilespmem:$0x1AF40] =	vst v63  }
0x18: {  	_ =	swait.ge [sflag:s13], $0x1900  }
0x19: {  	s18 =	sadd.s32 $0xFFFFFFFF, s8;
	s19 =	smov.u32 s10;
	[sflag:s13] =	ssyncset.done $0x0  }
.LBB2_4:
0x1a: {  	p1 =	sne.s32 s18, $0x1;
	[sflag:s13] =	ssyncadd.s32 $0xFFFFE700;
	s19 =	sadd.s32 $0x19000, s19  }
.Ltmp2:
0x1b: {  	s18 =	sadd.s32 $0xFFFFFFFF, s18;
	(pc) =	sbr.rel @p1 .LBB2_4-.Ltmp2, $4  }
0x1c: {  	_ = 	snop  }
0x1d: {  	[spmem:s19] =	stream.linear.scatter [tilespmem:s12], [sflag:$0x2], $0x1900, $0x38;
	[tilespmem:$0x1AF40] =	vst v63  }
0x1e: {  	_ =	swait.ge [sflag:s13], $0x1900  }
0x1f: {  	[sflag:s13] =	ssyncset.done $0x0  }
.LBB2_5:
0x20: {  	[sflag:s13] =	ssyncadd.s32 $0xFFFFE700  }
0x21: {  	s18 =	simm.s32 $0x0;
	s19 =	simm.s32 $0x0;
	[bflag:$0x0] =	sbarrier.arrive $0xFFFF  }
.LBB2_6:
0x22: {  	s20 =	sshll.u32 s19, $0x4  }
0x23: {  	s20 =	sor.u32 s4, s20  }
0x24: {  	s21 =	smul.u32 $0xA, s20;
	_ =	sdelay $0x1  }
0x25: {  	s22 =	sadd.s32 s6, s21  }
0x26: {  	[tilespmem:s18], [sflag:$0x2] =	stream.linear.gather [hbm4b:s22+s18], $0x50, $0x38;
	[tilespmem:$0x1AF40] =	vst v63  }
0x27: {  	_ =	swait.ge [sflag:s13], $0x50  }
0x28: {  	[sflag:s13] =	ssyncset.done $0x0  }
0x29: {  	s21 =	sadd.s32 s7, s21;
	[sflag:s13] =	ssyncadd.s32 $0xFFFFFFB0  }
0x2a: {  	[tilespmem:s14], [sflag:$0x2] =	stream.linear.gather [hbm4b:s21+s18], $0x50, $0x38;
	[tilespmem:$0x1AF40] =	vst v63  }
0x2b: {  	s20 =	smul.u32 $0xA0, s20;
	_ =	swait.ge [sflag:s13], $0x50  }
0x2c: {  	[sflag:s13] =	ssyncset.done $0x0  }
0x2d: {  	s20 =	sadd.s32 s5, s20;
	[sflag:s13] =	ssyncadd.s32 $0xFFFFFFB0  }
0x2e: {  	[tilespmem:s15], [sflag:$0x2] =	stream.linear.gather [hbm4b:s20+s18], $0x500, $0x38;
	[tilespmem:$0x1AF40] =	vst v63  }
0x2f: {  	_ =	swait.ge [sflag:s13], $0x500  }
0x30: {  	[sflag:s13] =	ssyncset.done $0x0  }
0x31: {  	[sflag:s13] =	ssyncadd.s32 $0xFFFFFB00  }
0x32: {  	v2 =	vld [tilespmem:$0x0]  }
0x33: {  	v3 =	vld [tilespmem:$0x10]  }
0x34: {  	v4 =	vld [tilespmem:$0x20]  }
0x35: {  	v5 =	vld [tilespmem:$0x30]  }
0x36: {  	v6 =	vld [tilespmem:$0x40]  }
0x37: {  	v2 =	vadd.s32 v0, v2  }
0x38: {  	[tilespmem:$0x0] =	vst v2;
	v2 =	vadd.s32 v0, v3  }
0x39: {  	[tilespmem:$0x10] =	vst v2;
	v2 =	vadd.s32 v0, v4  }
0x3a: {  	[tilespmem:$0x20] =	vst v2;
	v2 =	vadd.s32 v0, v5  }
0x3b: {  	[tilespmem:$0x30] =	vst v2;
	v2 =	vadd.s32 v0, v6  }
0x3c: {  	[tilespmem:$0x40] =	vst v2  }
0x3d: {  	[tilespmem:s16], [sflag:$0x1] =	stream.indirect.gather [hbm4b:s1+s14], $0x20, s18, s14, $0xb8;
	[tilespmem:$0x1AF40] =	vst v63  }
0x3e: {  	_ =	swait.ge [sflag:s17], $0xA00  }
0x3f: {  	[sflag:s17] =	ssyncset.done $0x0  }
0x40: {  	s20 =	simm.s32 $0x5B0;
	[sflag:s17] =	ssyncadd.s32 $0xFFFFF600  }
0x41: {  	s31 =	simm.s32 $0x0;
	v2 =	vld [tilespmem:s20+$0xFFFFFFF0]  }
0x42: {  	v4 =	vld [tilespmem:s31+$0xA0]  }
0x43: {  	v5 =	vld [tilespmem:s20+$0x0];
	_ =	sdelay $0x4  }
0x44: {  	s22 =	simm.s32 $0x5B0;
	s21 =	simm.s32 $0x40;
	v3 =	vmul.f32 v2, v4;
	v2 =	vmul.f32 v5, v4  }
.LBB2_7:
0x45: {  	p1 =	sne.s32 s21, $0x13C0  }
0x46: {  	[tilespmem:s20+$0xFFFFFFF0] =	vst v3;
	s22 =	sadd.s32 $0x20, s22;
	s23 =	smov.u32 s21;
	s21 =	sadd.s32 $0x40, s21  }
0x47: {  	s23 =	sshra.s32 s23, $0x2;
	v3 =	vld [tilespmem:s22+$0xFFFFFFF0];
	[tilespmem:s20+$0x0] =	vst v2;
	s20 =	smov.u32 s22  }
0x48: {  	v2 =	vld [tilespmem:s23+$0xA0]  }
0x49: {  	v4 =	vld [tilespmem:s22+$0x0]  }
.Ltmp3:
0x4a: {  	(pc) =	sbr.rel @p1 .LBB2_7-.Ltmp3, $3  }
0x4b: {  	_ =	sdelay $0x1  }
0x4c: {  	v3 =	vmul.f32 v3, v2  }
0x4d: {  	v2 =	vmul.f32 v4, v2  }
0x4e: {  	s19 =	sadd.s32 $0x1, s19  }
0x4f: {  	[tilespmem:s20+$0xFFFFFFF0] =	vst v3;
	p1 =	sne.s32 s19, $0x271  }
.Ltmp4:
0x50: {  	[tilespmem:s20+$0x0] =	vst v2;
	(pc) =	sbr.rel @p1 .LBB2_6-.Ltmp4, $4  }
0x51: {  	[spmem:s2] =	stream.indirect.scatter.add.f32 [tilespmem:s16], [sflag:$0x2], $0x20, s14, s14, $0xb8;
	[tilespmem:$0x1AF40] =	vst v63  }
0x52: {  	_ =	swait.ge [sflag:s13], $0xA00  }
0x53: {  	[sflag:s13] =	ssyncset.done $0x0  }
0x54: {  	[sflag:s13] =	ssyncadd.s32 $0xFFFFF600  }
.Ltmp5:
0x55: {  	(pc) =	sbr.rel @!p0 .LBB2_11-.Ltmp5, $4  }
0x56: {  	s18 =	sshll.u32 s4, $0x6;
	[bflag:$0x0] =	sbarrier.arrive $0xFFFF  }
0x57: {  	s19 =	sshrl.u32 s10, $0x3;
	s20 =	sadd.s32 $0x3200, s11;
	s18 =	sor.u32 $0x1C02, s18  }
0x58: {  	[hbm:s11], [sflag:s18] =	dma.local [spmem:s19], $0x320  }
0x59: {  	s21 =	smov.u32 s10;
	s19 =	sadd.s32 $0xFFFFFFFF, s8;
	_ =	swait.ge [sflag:s13], $0x320  }
.LBB2_10:
0x5a: {  	[sflag:s13] =	ssyncset.done $0x0;
	s21 =	sadd.s32 $0x19000, s21;
	p0 =	sne.s32 s19, $0x1  }
.Ltmp6:
0x5b: {  	s22 =	sshrl.u32 s21, $0x3;
	[sflag:s13] =	ssyncadd.s32 $0xFFFFFCE0;
	(pc) =	sbr.rel @p0 .LBB2_10-.Ltmp6, $3  }
0x5c: {  	[hbm:s20], [sflag:s18] =	dma.local [spmem:s22], $0x320  }
0x5d: {  	s19 =	sadd.s32 $0xFFFFFFFF, s19;
	_ =	sdelay $0x1  }
0x5e: {  	s20 =	sadd.s32 $0x3200, s20;
	_ =	swait.ge [sflag:s13], $0x320  }
.LBB2_11:
0x5f: {  	s3 =	sadd.s32 $0x1, s3  }
0x60: {  	p0 =	sne.s32 s3, s9  }
.Ltmp7:
0x61: {  	_ = 	snop;
	(pc) =	sbr.rel @p0 .LBB2_1-.Ltmp7, $3  }
0x62: {  	_ =	sdelay $0x1  }
0x63: {  	[sflag:s13] =	ssyncset.done $0x0  }
0x64: {  	[sflag:s13] =	ssyncadd.s32 $0xFFFFFCE0  }
0x65: {  	_ =	sfence.sel $0x180000  }
0x66: {  	[bflag:$0x0] =	sbarrier.arrive $0xFFFF  }
0x67: {  	p0 =	sne.s32 s4, $0x0;
	_ =	strace $0x90000047  }
0x68: {  	s0 =	sadd.s32 @!p0 $0x100000, s0;
	[bflag:$0x2] =	sbarrier.arrive $0xFFFF  }
0x69: {  	[sflag:s0] =	ssyncadd.tile.s32 @!p0 $0x1;
	_ =	shalt  }
.Lfunc_end2:
_tile_overlayer_lowered:
.L_overlay_start_2:
0x6a: {  	(tag) =	ssettag $0x2  }
0x6b: {  	s0 =	rddreg [dreg:$0x0];
	s2 =	stileid.u32  }
0x6c: {  	s1 =	rddreg [dreg:$0x1];
	p0 =	sne.s32 s2, $0x0  }
0x6d: {  	s3 =	rddreg [dreg:$0x2];
	[bflag:$0x3] =	sbarrier.arrive $0xFFFF;
	s2 =	simm.s32 @!p0 $0x1C02  }
0x6e: {  	[timem:s3], [sflag:s2] =	dma.local @!p0 [hbm:s0], s1  }
0x6f: {  	s0 =	simm.s32 @!p0 $0x2  }
0x70: {  	_ =	swait.ge @!p0 [sflag:s0], s1  }
0x71: {  	s1 =	ssub.s32 @!p0 $0x0, s1;
	[sflag:s0] =	ssyncset.done @!p0 $0x0  }
0x72: {  	[sflag:s0] =	ssyncadd.s32 @!p0 s1  }
0x73: {  	[bflag:$0x3] =	sbarrier.arrive $0xFFFF  }
0x74: {  	_ =	shalt  }

// kernel: kernel.14.cloned.1.call-start
scs
__scs_entry_jumppad:
0x0: {  	(pc) =	sbr.rel $0x88, $3  }
0x1: {  	(tag) =	ssettag $0x0;
	lr =	simm.s32 $0x1  }
0x2: {  	[smem:$0x3F94] =	sst lr;
	_ =	strace $0xD0000000  }
0x3: {  	_ = 	snop  }
0x4: {  	_ = 	snop  }
0x5: {  	_ = 	snop  }
0x6: {  	_ = 	snop  }
0x7: {  	_ = 	snop  }
__scs_overlays_trampoline_lowered:
0x8: {  	[smem:$0x3FA3] =	sst s0  }
0x9: {  	[smem:$0x3FA4] =	sst s1  }
0xa: {  	[smem:$0x3FA5] =	sst s2  }
0xb: {  	[smem:$0x3FA6] =	sst s3  }
0xc: {  	[smem:$0x3FA7] =	sst s4  }
0xd: {  	[smem:$0x3FA8] =	sst s5  }
0xe: {  	[smem:$0x3FA9] =	sst s6  }
0xf: {  	[smem:$0x3FAA] =	sst s7  }
0x10: {  	[smem:$0x3FAB] =	sst s8  }
0x11: {  	[smem:$0x3FAC] =	sst s9;
	s0 =	simm.s32 @!p0 $0x0  }
0x12: {  	s1 =	sld [smem:$0x3F92];
	s0 =	simm.s32 @p0 $0x1  }
0x13: {  	[smem:$0x3FAD] =	sst s0;
	s0 =	simm.s32 @!p1 $0x0  }
0x14: {  	s2 =	sld [smem:$0x3F91];
	s0 =	simm.s32 @p1 $0x1  }
0x15: {  	[smem:$0x3FAE] =	sst s0;
	s0 =	simm.s32 @!p2 $0x0  }
0x16: {  	s3 =	sld [smem:$0x3FDB];
	s0 =	simm.s32 @p2 $0x1  }
0x17: {  	s4 =	simm.s32 $0x1BF5;
	[smem:$0x3FB0] =	sst s0  }
0x18: {  	s0 =	sld [smem:$0x3F93];
	_ =	swait.ge [sflag:s4], $0x0  }
0x19: {  	s7 =	sld [smem:$0x3F94]  }
0x1a: {  	s8 =	sadd.s32 $0xFFFFE003, lr  }
0x1b: {  	s9 =	sadd.s32 $0xFFFFFEF7, lr;
	s5 =	simm.s32 $0xFFFFFFFF;
	p2 =	slt.u32 s8, $0xFFFFF086  }
0x1c: {  	p1 =	slt.u32 s9, $0xF7A;
	s5 =	simm.s32 @!p2 $0x0  }
0x1d: {  	s5 =	simm.s32 @p1 $0x1;
	p0 =	seq.s32 s7, s2  }
0x1e: {  	s7 =	smul.u32 @!p0 $0xF7A, s2;
	p2 =	seq.s32 @!p0 s5, $0x0  }
0x1f: {  	s9 =	smul.u32 $0xF7A, s1;
	s8 =	simm.s32 @!p0 $0x1BF5;
	p2 =	por !p2, p0  }
0x20: {  	[sflag:s8] =	ssyncset.s32 @!p0 $0xFFFFF086;
	s6 =	sadd.s32 @!p0 s3, s7;
	s7 =	simm.s32 @!p0 $0x108  }
0x21: {  	s3 =	sadd.s32 s3, s9;
	s6 =	sadd.s32 @!p0 $0x88, s6;
	s7 =	simm.s32 @p2 $0x1082  }
0x22: {  	[simem:s7], [sflag:s8] =	dma.local @!p0 [hbm:s6], $0xF7A  }
0x23: {  	s9 =	sor.u32 $0xD0000000, s2;
	s6 =	simm.s32 $0x108;
	_ =	swait.ge @!p0 [sflag:s8], $0x0  }
0x24: {  	s3 =	sadd.s32 $0x88, s3;
	s6 =	simm.s32 @!p1 $0x1082;
	[sflag:s4] =	ssyncset.s32 $0xFFFFF086  }
0x25: {  	[simem:s6], [sflag:s4] =	dma.local [hbm:s3], $0xF7A  }
0x26: {  	[smem:$0x3F94] =	sst s1;
	(tag) =	ssettag s2;
	_ =	strace s9  }
0x27: {  	s1 =	sld [smem:$0x3FA4]  }
0x28: {  	s2 =	sld [smem:$0x3FA5]  }
0x29: {  	s4 =	sld [smem:$0x3FA7]  }
0x2a: {  	p0 =	seq.s32 s5, $0x0;
	s5 =	sld [smem:$0x3FA8]  }
0x2b: {  	s6 =	sld [smem:$0x3FA9]  }
0x2c: {  	s7 =	sld [smem:$0x3FAA]  }
0x2d: {  	s3 =	simm.s32 $0x108;
	s8 =	sld [smem:$0x3FAB]  }
0x2e: {  	s3 =	simm.s32 @!p0 $0x1082;
	s9 =	sld [smem:$0x3FAC]  }
0x2f: {  	lr =	sadd.s32 s0, s3;
	s0 =	sld [smem:$0x3FA3]  }
0x30: {  	s3 =	sld [smem:$0x3FA6]  }
0x31: {  	[smem:$0x3FAF] =	sst s10  }
0x32: {  	s10 =	sld [smem:$0x3FAD];
	_ =	sdelay $0x3  }
0x33: {  	p0 =	seq.s32 s10, $0x1;
	s10 =	sld [smem:$0x3FAF];
	_ =	sdelay $0x3  }
0x34: {  	[smem:$0x3FAF] =	sst s10  }
0x35: {  	s10 =	sld [smem:$0x3FAE];
	_ =	sdelay $0x3  }
0x36: {  	p1 =	seq.s32 s10, $0x1;
	s10 =	sld [smem:$0x3FAF];
	_ =	sdelay $0x3  }
0x37: {  	[smem:$0x3FAF] =	sst s10  }
0x38: {  	s10 =	sld [smem:$0x3FB0]  }
0x39: {  	_ = 	snop;
	(pc) =	sbr.ind lr, $3  }
0x3a: {  	_ = 	snop  }
0x3b: {  	_ = 	snop  }
0x3c: {  	p2 =	seq.s32 s10, $0x1;
	s10 =	sld [smem:$0x3FAF]  }
0x3d: {  	_ =	shalt  }
0x3e: {  	_ =	shalt  }
0x3f: {  	_ =	shalt  }
0x40: {  	_ =	shalt  }
0x41: {  	_ =	shalt  }
0x42: {  	_ =	shalt  }
0x43: {  	_ =	shalt  }
0x44: {  	_ =	shalt  }
0x45: {  	_ =	shalt  }
0x46: {  	_ =	shalt  }
0x47: {  	_ =	shalt  }
0x48: {  	_ =	shalt  }
0x49: {  	_ =	shalt  }
0x4a: {  	_ =	shalt  }
0x4b: {  	_ =	shalt  }
0x4c: {  	_ =	shalt  }
0x4d: {  	_ =	shalt  }
0x4e: {  	_ =	shalt  }
0x4f: {  	_ =	shalt  }
0x50: {  	_ =	shalt  }
0x51: {  	_ =	shalt  }
0x52: {  	_ =	shalt  }
0x53: {  	_ =	shalt  }
0x54: {  	_ =	shalt  }
0x55: {  	_ =	shalt  }
0x56: {  	_ =	shalt  }
0x57: {  	_ =	shalt  }
0x58: {  	_ =	shalt  }
0x59: {  	_ =	shalt  }
0x5a: {  	_ =	shalt  }
0x5b: {  	_ =	shalt  }
0x5c: {  	_ =	shalt  }
0x5d: {  	_ =	shalt  }
0x5e: {  	_ =	shalt  }
0x5f: {  	_ =	shalt  }
0x60: {  	_ =	shalt  }
0x61: {  	_ =	shalt  }
0x62: {  	_ =	shalt  }
0x63: {  	_ =	shalt  }
0x64: {  	_ =	shalt  }
0x65: {  	_ =	shalt  }
0x66: {  	_ =	shalt  }
0x67: {  	_ =	shalt  }
0x68: {  	_ =	shalt  }
0x69: {  	_ =	shalt  }
0x6a: {  	_ =	shalt  }
0x6b: {  	_ =	shalt  }
0x6c: {  	_ =	shalt  }
0x6d: {  	_ =	shalt  }
0x6e: {  	_ =	shalt  }
0x6f: {  	_ =	shalt  }
0x70: {  	_ =	shalt  }
0x71: {  	_ =	shalt  }
0x72: {  	_ =	shalt  }
0x73: {  	_ =	shalt  }
0x74: {  	_ =	shalt  }
0x75: {  	_ =	shalt  }
0x76: {  	_ =	shalt  }
0x77: {  	_ =	shalt  }
0x78: {  	_ =	shalt  }
0x79: {  	_ =	shalt  }
0x7a: {  	_ =	shalt  }
0x7b: {  	_ =	shalt  }
0x7c: {  	_ =	shalt  }
0x7d: {  	_ =	shalt  }
0x7e: {  	_ =	shalt  }
0x7f: {  	_ =	shalt  }
0x80: {  	_ =	shalt  }
0x81: {  	_ =	shalt  }
0x82: {  	_ =	shalt  }
0x83: {  	_ =	shalt  }
0x84: {  	_ =	shalt  }
0x85: {  	_ =	shalt  }
0x86: {  	_ =	shalt  }
0x87: {  	_ =	shalt  }
.Lfunc_end0:
.L_simem_size_0:
called_computation.1_lowered:
.L_overlay_start_0:
0x88: {  	s2 =	sld [smem:$0x3FD9]  }
0x89: {  	s3 =	sld [smem:$0x3FFE];
	_ =	sdelay $0x1  }
0x8a: {  	s1 =	srdreg.scid  }
0x8b: {  	s0 =	sand.u32 $0x1, s1  }
0x8c: {  	s17 =	sshll.u32 s0, $0xA;
	s2 =	sadd.s32 s3, s2  }
0x8d: {  	s2 =	sadd.s32 s2, s17  }
0x8e: {  	[smem:$0x3FBB] =	sst s2  }
0x8f: {  	_ = 	snop  }
0x90: {  	s2 =	sld [smem:$0x3FD0];
	(tm) =	ssettm $0x1  }
0x91: {  	s18 =	sld [smem:$0x3FFB];
	_ =	sdelay $0x3  }
0x92: {  	_ =	strace s18  }
0x93: {  	s3 =	sld [smem:$0x3FFC];
	_ =	sdelay $0x3  }
0x94: {  	_ =	strace s3  }
0x95: {  	s3 =	sld [smem:$0x3FFD];
	_ =	sdelay $0x3  }
0x96: {  	_ =	strace s3  }
0x97: {  	_ =	strace $0x8FFFFFFF  }
0x98: {  	s19 =	sld [smem:$0x3FDB];
	_ =	sdelay $0x1  }
0x99: {  	s4 =	simm.s32 $_scs_section_size  }
0x9a: {  	s5 =	simm.s32 $_size__tile_overlayer_lowered;
	s6 =	simm.s32 $_tile_overlayer_lowered  }
0x9b: {  	s22 =	simm.s32 $0x1BFF;
	s21 =	sshll.u32 s6, $0x1;
	s3 =	sadd.s32 s4, s19  }
0x9c: {  	s7 =	simm.s32 $0x0;
	s20 =	sshll.u32 s5, $0x1;
	s5 =	sadd.s32 s21, s3  }
0x9d: {  	[timem:s7], [sflag:s22] =	dma.local [hbm:s5], s20  }
0x9e: {  	_ =	swait.ge [sflag:s22], s20  }
0x9f: {  	s4 =	ssub.s32 $0x0, s20;
	[sflag:s22] =	ssyncset.done $0x0  }
0xa0: {  	[sflag:s22] =	ssyncadd.s32 s4;
	_ =	sdelay $0x1  }
0xa1: {  	s23 =	simm.s32 $0x1B8B  }
0xa2: {  	_ =	swait.ge [sflag:s23], $0x1  }
0xa3: {  	[sflag:s23] =	ssyncset.done $0x0  }
0xa4: {  	s25 =	simm.s32 $0x1B8E;
	s24 =	sld [smem:$0x3FFE];
	[sflag:s23] =	ssyncadd.s32 $0xFFFFFFFF  }
0xa5: {  	s26 =	simm.s32 $execute0_lowered;
	[smem:$0x3FD2] =	sst s25  }
0xa6: {  	s5 =	sshll.u32 s26, $0x1;
	_ =	strace $0x80000049;
	[dreg:$0x1] =	wrdreg $0xFFFFFFFF  }
0xa7: {  	s28 =	simm.s32 $_size_execute0_lowered;
	s3 =	sadd.s32 s3, s5;
	[dreg:$0x0] =	wrdreg $0x0  }
0xa8: {  	s5 =	sshll.u32 s28, $0x1;
	[dreg:$0x2] =	wrdreg s3  }
0xa9: {  	[dreg:$0x3] =	wrdreg s5  }
0xaa: {  	[dreg:$0x4] =	wrdreg $0xC0  }
0xab: {  	_ =	task [dreg:s7], $0x5FFFF  }
0xac: {  	[dreg:$0x1] =	wrdreg $0xFFFFFFFF  }
0xad: {  	[dreg:$0x0] =	wrdreg $0x60  }
0xae: {  	[dreg:$0x2] =	wrdreg s24  }
0xaf: {  	[dreg:$0x3] =	wrdreg s2  }
0xb0: {  	[dreg:$0x4] =	wrdreg $0x38A00  }
0xb1: {  	[dreg:$0x5] =	wrdreg $0x9  }
0xb2: {  	_ =	task.clear_ibuf [dreg:s7], $0x6FFFF;
	_ =	strace $0x90000049  }
0xb3: {  	s29 =	simm.s32 $0x9;
	_ =	strace $0x8000004B  }
0xb4: {  	_ =	swait.ge [sflag:s29], $0x1  }
0xb5: {  	[sflag:s29] =	ssyncadd.s32 $0xFFFFFFFF  }
0xb6: {  	_ =	strace $0x9000004B  }
0xb7: {  	_ =	sfence  }
0xb8: {  	s30 =	sld [smem:$0x0];
	_ =	sdelay $0x2  }
0xb9: {  	s31 =	sshll.u32 s1, $0xD;
	s1 =	sshrl.u32 s1, $0x2  }
0xba: {  	s3 =	sand.u32 $0x4000, s31;
	s1 =	sadd.s32 s1, s30  }
0xbb: {  	s0 =	sor.u32 s3, s0;
	s1 =	sshll.u32 s1, $0x11  }
0xbc: {  	s0 =	sor.u32 s1, s0  }
0xbd: {  	s0 =	sadd.s32 $0x8F2B, s0  }
0xbe: {  	[sflag:s0] =	ssyncadd.remote.s32 $0x1  }
0xbf: {  	_ =	sfence.sel $0xFFFF  }
0xc0: {  	[dreg:$0x0] =	wrdreg $0xFFFFFFFF;
	(pc) =	sbr.abs _section_cstart, $3  }
0xc1: {  	[dreg:$0x1] =	wrdreg $0xFFFFFFFF  }
0xc2: {  	_ =	task.clear_ibuf [dreg:s7], $0x2FFFF;
	_ =	strace $0x9FFFFFFF  }
0xc3: {  	(tm) =	ssettm $0x7FFFFFFF  }
tec
execute0_lowered:
.L_overlay_start_1:
0x0: {  	(tag) =	ssettag $0x1  }
0x1: {  	s5 =	rddreg [dreg:$0x0]  }
0x2: {  	s9 =	rddreg [dreg:$0x1]  }
0x3: {  	s2 =	rddreg [dreg:$0x2]  }
0x4: {  	s0 =	rddreg [dreg:$0x3]  }
0x5: {  	s3 =	simm.s32 $0x0;
	s1 =	stileid.u32;
	s4 =	srdreg.scid  }
0x6: {  	s14 =	simm.s32 $0x50;
	s16 =	simm.s32 $0x1;
	s6 =	smul.u32 $0xA, s1  }
0x7: {  	s17 =	simm.s32 $0x0;
	[smem:$0x7FF] =	sst s3;
	s11 =	smul.u32 $0xB800, s1  }
0x8: {  	s7 =	sand.u32 $0x1, s4;
	s4 =	sadd.s32 $0x33F800, s5;
	s13 =	smul.u32 $0x5C0, s1  }
0x9: {  	s29 =	ssub.s32 $0x20, s1;
	s30 =	ssub.s32 $0x280, s1;
	s15 =	smul.u32 $0xC350, s7  }
0xa: {  	_ =	strace $0x8000004A;
	s8 =	ssub.s32 $0x2, s7;
	s12 =	smul.u32 $0x61C0, s7  }
0xb: {  	s10 =	sadd.s32 s6, s5;
	s28 =	sshrl.u32 s8, $0x1;
	s5 =	sshrl.u32 s29, $0x4  }
0xc: {  	s6 =	sshrl.u32 s30, $0x4;
	s11 =	sshrl.u32 s11, $0x2;
	s8 =	ssub.s32 s8, s28  }
0xd: {  	s31 =	sadd.s32 s12, s9;
	s9 =	sadd.s32 $0x3A2E00, s10;
	s10 =	sadd.s32 $0x3A1400, s10  }
0xe: {  	s12 =	simm.s32 $0xAA0;
	v0 =	vmov s15;
	s15 =	simm.s32 $0xA0;
	s7 =	smax.u32 s8, $0x1  }
0xf: {  	v1 =	vimm.f32 $0.0e+00;
	s8 =	sadd.s32 s11, s2;
	s11 =	sadd.s32 s13, s31;
	s13 =	simm.s32 $0x2  }
.LBB2_1:
0x10: {  	s18 =	simm.s32 $0x80;
	s19 =	simm.s32 $0x0  }
.LBB2_2:
0x11: {  	p0 =	sne.s32 s18, $0xB780;
	[tilespmem:s19+$0xAA0] =	vst v1;
	s20 =	smov.u32 s18;
	s18 =	sadd.s32 $0x80, s18  }
.Ltmp0:
0x12: {  	[tilespmem:s19+$0xAB0] =	vst v1;
	(pc) =	sbr.rel @p0 .LBB2_2-.Ltmp0, $2  }
0x13: {  	_ =	sdelay $0x2  }
0x14: {  	s19 =	sshra.s32 s20, $0x2  }
0x15: {  	p0 =	sne.s32 s5, $0x1  }
.Ltmp1:
0x16: {  	[tilespmem:s19+$0xAA0] =	vst v1;
	(pc) =	sbr.rel @!p0 .LBB2_5-.Ltmp1, $4  }
0x17: {  	[tilespmem:s19+$0xAB0] =	vst v1  }
0x18: {  	[spmem:s8] =	stream.linear.scatter [tilespmem:s12], [sflag:$0x2], $0x2E00, $0x38;
	[tilespmem:$0x6980] =	vst v63  }
0x19: {  	_ =	swait.ge [sflag:s13], $0x2E00  }
0x1a: {  	s18 =	sadd.s32 $0xFFFFFFFF, s5;
	s19 =	smov.u32 s8;
	[sflag:s13] =	ssyncset.done $0x0  }
.LBB2_4:
0x1b: {  	p1 =	sne.s32 s18, $0x1;
	[sflag:s13] =	ssyncadd.s32 $0xFFFFD200;
	s19 =	sadd.s32 $0x2E000, s19  }
.Ltmp2:
0x1c: {  	s18 =	sadd.s32 $0xFFFFFFFF, s18;
	(pc) =	sbr.rel @p1 .LBB2_4-.Ltmp2, $4  }
0x1d: {  	_ = 	snop  }
0x1e: {  	[spmem:s19] =	stream.linear.scatter [tilespmem:s12], [sflag:$0x2], $0x2E00, $0x38;
	[tilespmem:$0x6980] =	vst v63  }
0x1f: {  	_ =	swait.ge [sflag:s13], $0x2E00  }
0x20: {  	[sflag:s13] =	ssyncset.done $0x0  }
.LBB2_5:
0x21: {  	[sflag:s13] =	ssyncadd.s32 $0xFFFFD200  }
0x22: {  	[bflag:$0x0] =	sbarrier.arrive $0xFFFF  }
0x23: {  	[tilespmem:s3], [sflag:$0x2] =	stream.linear.gather [hbm4b:s9+s3], $0x50, $0x38;
	[tilespmem:$0x6980] =	vst v63  }
0x24: {  	_ =	swait.ge [sflag:s13], $0x50  }
0x25: {  	[sflag:s13] =	ssyncset.done $0x0  }
0x26: {  	[sflag:s13] =	ssyncadd.s32 $0xFFFFFFB0  }
0x27: {  	[tilespmem:s14], [sflag:$0x2] =	stream.linear.gather [hbm4b:s10+s3], $0x50, $0x38;
	[tilespmem:$0x6980] =	vst v63  }
0x28: {  	_ =	swait.ge [sflag:s13], $0x50  }
0x29: {  	[sflag:s13] =	ssyncset.done $0x0  }
0x2a: {  	[sflag:s13] =	ssyncadd.s32 $0xFFFFFFB0  }
0x2b: {  	v2 =	vld [tilespmem:$0x40]  }
0x2c: {  	v3 =	vld [tilespmem:$0x20]  }
0x2d: {  	v4 =	vld [tilespmem:$0x30]  }
0x2e: {  	v5 =	vld [tilespmem:$0x10]  }
0x2f: {  	v6 =	vld [tilespmem:$0x0]  }
0x30: {  	v2 =	vadd.s32 v0, v2  }
0x31: {  	v3 =	vadd.s32 v0, v3;
	[tilespmem:$0x40] =	vst v2  }
0x32: {  	[tilespmem:$0x20] =	vst v3;
	v2 =	vadd.s32 v0, v4  }
0x33: {  	p1 =	sne.s32 s6, $0x1;
	v3 =	vadd.s32 v0, v5;
	[tilespmem:$0x30] =	vst v2  }
.Ltmp3:
0x34: {  	v2 =	vadd.s32 v0, v6;
	[tilespmem:$0x10] =	vst v3;
	(pc) =	sbr.rel @!p1 .LBB2_7-.Ltmp3, $4  }
0x35: {  	[tilespmem:$0x0] =	vst v2  }
0x36: {  	[tilespmem:s15], [sflag:$0x1] =	stream.indirect.gather [hbm4b:s4+s14], $0x20, s3, s14, $0xb8;
	[tilespmem:$0x6980] =	vst v63  }
0x37: {  	s18 =	sadd.s32 $0xFFFFFFFF, s6;
	_ =	swait.ge [sflag:s16], $0xA00  }
0x38: {  	s19 =	smov.u32 s9;
	s20 =	smov.u32 s10;
	[sflag:s16] =	ssyncset.done $0x0  }
.LBB2_6:
0x39: {  	[sflag:s16] =	ssyncadd.s32 $0xFFFFF600;
	s19 =	sadd.s32 $0xA0, s19;
	s20 =	sadd.s32 $0xA0, s20  }
0x3a: {  	[spmem:s2] =	stream.indirect.scatter.add.f32 [tilespmem:s15], [sflag:$0x2], $0x20, s14, s14, $0xb8;
	[tilespmem:$0x6980] =	vst v63  }
0x3b: {  	p1 =	sne.s32 s18, $0x1;
	s18 =	sadd.s32 $0xFFFFFFFF, s18;
	_ =	swait.ge [sflag:s13], $0xA00  }
0x3c: {  	[sflag:s13] =	ssyncset.done $0x0  }
0x3d: {  	[sflag:s13] =	ssyncadd.s32 $0xFFFFF600  }
0x3e: {  	[tilespmem:s3], [sflag:$0x2] =	stream.linear.gather [hbm4b:s19+s3], $0x50, $0x38;
	[tilespmem:$0x6980] =	vst v63  }
0x3f: {  	_ =	swait.ge [sflag:s13], $0x50  }
0x40: {  	[sflag:s13] =	ssyncset.done $0x0  }
0x41: {  	[sflag:s13] =	ssyncadd.s32 $0xFFFFFFB0  }
0x42: {  	[tilespmem:s14], [sflag:$0x2] =	stream.linear.gather [hbm4b:s20+s3], $0x50, $0x38;
	[tilespmem:$0x6980] =	vst v63  }
0x43: {  	_ =	swait.ge [sflag:s13], $0x50  }
0x44: {  	[sflag:s13] =	ssyncset.done $0x0  }
0x45: {  	[sflag:s13] =	ssyncadd.s32 $0xFFFFFFB0  }
0x46: {  	v2 =	vld [tilespmem:$0x40]  }
0x47: {  	v3 =	vld [tilespmem:$0x20]  }
0x48: {  	v4 =	vld [tilespmem:$0x30]  }
0x49: {  	v5 =	vld [tilespmem:$0x10]  }
0x4a: {  	v6 =	vld [tilespmem:$0x0]  }
0x4b: {  	v2 =	vadd.s32 v0, v2  }
0x4c: {  	v3 =	vadd.s32 v0, v3;
	[tilespmem:$0x40] =	vst v2  }
0x4d: {  	[tilespmem:$0x20] =	vst v3;
	v2 =	vadd.s32 v0, v4  }
0x4e: {  	v3 =	vadd.s32 v0, v5;
	[tilespmem:$0x30] =	vst v2  }
.Ltmp4:
0x4f: {  	v2 =	vadd.s32 v0, v6;
	[tilespmem:$0x10] =	vst v3;
	(pc) =	sbr.rel @p1 .LBB2_6-.Ltmp4, $4  }
0x50: {  	[tilespmem:$0x0] =	vst v2  }
0x51: {  	[tilespmem:s15], [sflag:$0x1] =	stream.indirect.gather [hbm4b:s4+s14], $0x20, s3, s14, $0xb8;
	[tilespmem:$0x6980] =	vst v63  }
0x52: {  	_ =	swait.ge [sflag:s16], $0xA00  }
0x53: {  	[sflag:s16] =	ssyncset.done $0x0  }
.LBB2_7:
0x54: {  	[sflag:s16] =	ssyncadd.s32 $0xFFFFF600  }
0x55: {  	[spmem:s2] =	stream.indirect.scatter.add.f32 [tilespmem:s15], [sflag:$0x2], $0x20, s14, s14, $0xb8;
	[tilespmem:$0x6980] =	vst v63  }
0x56: {  	_ =	swait.ge [sflag:s13], $0xA00  }
.Ltmp5:
0x57: {  	[sflag:s13] =	ssyncset.done $0x0;
	(pc) =	sbr.rel @!p0 .LBB2_9-.Ltmp5, $4  }
0x58: {  	s18 =	sshll.u32 s1, $0x6;
	s19 =	sshrl.u32 s8, $0x3;
	[sflag:s13] =	ssyncadd.s32 $0xFFFFF600  }
0x59: {  	s20 =	sadd.s32 $0x5C00, s11;
	s18 =	sor.u32 $0x1C02, s18;
	[bflag:$0x0] =	sbarrier.arrive $0xFFFF  }
0x5a: {  	[hbm:s11], [sflag:s18] =	dma.local [spmem:s19], $0x5C0  }
0x5b: {  	s21 =	smov.u32 s8;
	s19 =	sadd.s32 $0xFFFFFFFF, s5;
	_ =	swait.ge [sflag:s13], $0x5C0  }
.LBB2_8:
0x5c: {  	[sflag:s13] =	ssyncset.done $0x0;
	s21 =	sadd.s32 $0x2E000, s21;
	p0 =	sne.s32 s19, $0x1  }
.Ltmp6:
0x5d: {  	s22 =	sshrl.u32 s21, $0x3;
	[sflag:s13] =	ssyncadd.s32 $0xFFFFFA40;
	(pc) =	sbr.rel @p0 .LBB2_8-.Ltmp6, $3  }
0x5e: {  	[hbm:s20], [sflag:s18] =	dma.local [spmem:s22], $0x5C0  }
0x5f: {  	s19 =	sadd.s32 $0xFFFFFFFF, s19;
	_ =	sdelay $0x1  }
0x60: {  	s20 =	sadd.s32 $0x5C00, s20;
	_ =	swait.ge [sflag:s13], $0x5C0  }
.LBB2_9:
0x61: {  	s17 =	sadd.s32 $0x1, s17  }
0x62: {  	p0 =	sne.s32 s17, s7  }
.Ltmp7:
0x63: {  	_ = 	snop;
	(pc) =	sbr.rel @p0 .LBB2_1-.Ltmp7, $3  }
0x64: {  	_ =	sdelay $0x1  }
0x65: {  	[sflag:s13] =	ssyncset.done $0x0  }
0x66: {  	[sflag:s13] =	ssyncadd.s32 $0xFFFFFA40  }
0x67: {  	_ =	sfence.sel $0x180000  }
0x68: {  	[bflag:$0x0] =	sbarrier.arrive $0xFFFF  }
0x69: {  	p0 =	sne.s32 s1, $0x0;
	_ =	strace $0x9000004A  }
0x6a: {  	s0 =	sadd.s32 @!p0 $0x100000, s0;
	[bflag:$0x2] =	sbarrier.arrive $0xFFFF  }
0x6b: {  	[sflag:s0] =	ssyncadd.tile.s32 @!p0 $0x1;
	_ =	shalt  }
.Lfunc_end2:
_tile_overlayer_lowered:
.L_overlay_start_2:
0x6c: {  	(tag) =	ssettag $0x2  }
0x6d: {  	s0 =	rddreg [dreg:$0x0];
	s2 =	stileid.u32  }
0x6e: {  	s1 =	rddreg [dreg:$0x1];
	p0 =	sne.s32 s2, $0x0  }
0x6f: {  	s3 =	rddreg [dreg:$0x2];
	[bflag:$0x3] =	sbarrier.arrive $0xFFFF;
	s2 =	simm.s32 @!p0 $0x1C02  }
0x70: {  	[timem:s3], [sflag:s2] =	dma.local @!p0 [hbm:s0], s1  }
0x71: {  	s0 =	simm.s32 @!p0 $0x2  }
0x72: {  	_ =	swait.ge @!p0 [sflag:s0], s1  }
0x73: {  	s1 =	ssub.s32 @!p0 $0x0, s1;
	[sflag:s0] =	ssyncset.done @!p0 $0x0  }
0x74: {  	[sflag:s0] =	ssyncadd.s32 @!p0 s1  }
0x75: {  	[bflag:$0x3] =	sbarrier.arrive $0xFFFF  }
0x76: {  	_ =	shalt  }

// kernel: kernel.17.cloned.1.call-start
scs
__scs_entry_jumppad:
0x0: {  	(pc) =	sbr.rel $0x88, $3  }
0x1: {  	(tag) =	ssettag $0x0;
	lr =	simm.s32 $0x1  }
0x2: {  	[smem:$0x3F94] =	sst lr;
	_ =	strace $0xD0000000  }
0x3: {  	_ = 	snop  }
0x4: {  	_ = 	snop  }
0x5: {  	_ = 	snop  }
0x6: {  	_ = 	snop  }
0x7: {  	_ = 	snop  }
__scs_overlays_trampoline_lowered:
0x8: {  	[smem:$0x3FA3] =	sst s0  }
0x9: {  	[smem:$0x3FA4] =	sst s1  }
0xa: {  	[smem:$0x3FA5] =	sst s2  }
0xb: {  	[smem:$0x3FA6] =	sst s3  }
0xc: {  	[smem:$0x3FA7] =	sst s4  }
0xd: {  	[smem:$0x3FA8] =	sst s5  }
0xe: {  	[smem:$0x3FA9] =	sst s6  }
0xf: {  	[smem:$0x3FAA] =	sst s7  }
0x10: {  	[smem:$0x3FAB] =	sst s8  }
0x11: {  	[smem:$0x3FAC] =	sst s9;
	s0 =	simm.s32 @!p0 $0x0  }
0x12: {  	s1 =	sld [smem:$0x3F92];
	s0 =	simm.s32 @p0 $0x1  }
0x13: {  	[smem:$0x3FAD] =	sst s0;
	s0 =	simm.s32 @!p1 $0x0  }
0x14: {  	s2 =	sld [smem:$0x3F91];
	s0 =	simm.s32 @p1 $0x1  }
0x15: {  	[smem:$0x3FAE] =	sst s0;
	s0 =	simm.s32 @!p2 $0x0  }
0x16: {  	s3 =	sld [smem:$0x3FDB];
	s0 =	simm.s32 @p2 $0x1  }
0x17: {  	s4 =	simm.s32 $0x1BF5;
	[smem:$0x3FB0] =	sst s0  }
0x18: {  	s0 =	sld [smem:$0x3F93];
	_ =	swait.ge [sflag:s4], $0x0  }
0x19: {  	s7 =	sld [smem:$0x3F94]  }
0x1a: {  	s8 =	sadd.s32 $0xFFFFE003, lr  }
0x1b: {  	s9 =	sadd.s32 $0xFFFFFEF7, lr;
	s5 =	simm.s32 $0xFFFFFFFF;
	p2 =	slt.u32 s8, $0xFFFFF086  }
0x1c: {  	p1 =	slt.u32 s9, $0xF7A;
	s5 =	simm.s32 @!p2 $0x0  }
0x1d: {  	s5 =	simm.s32 @p1 $0x1;
	p0 =	seq.s32 s7, s2  }
0x1e: {  	s7 =	smul.u32 @!p0 $0xF7A, s2;
	p2 =	seq.s32 @!p0 s5, $0x0  }
0x1f: {  	s9 =	smul.u32 $0xF7A, s1;
	s8 =	simm.s32 @!p0 $0x1BF5;
	p2 =	por !p2, p0  }
0x20: {  	[sflag:s8] =	ssyncset.s32 @!p0 $0xFFFFF086;
	s6 =	sadd.s32 @!p0 s3, s7;
	s7 =	simm.s32 @!p0 $0x108  }
0x21: {  	s3 =	sadd.s32 s3, s9;
	s6 =	sadd.s32 @!p0 $0x88, s6;
	s7 =	simm.s32 @p2 $0x1082  }
0x22: {  	[simem:s7], [sflag:s8] =	dma.local @!p0 [hbm:s6], $0xF7A  }
0x23: {  	s9 =	sor.u32 $0xD0000000, s2;
	s6 =	simm.s32 $0x108;
	_ =	swait.ge @!p0 [sflag:s8], $0x0  }
0x24: {  	s3 =	sadd.s32 $0x88, s3;
	s6 =	simm.s32 @!p1 $0x1082;
	[sflag:s4] =	ssyncset.s32 $0xFFFFF086  }
0x25: {  	[simem:s6], [sflag:s4] =	dma.local [hbm:s3], $0xF7A  }
0x26: {  	[smem:$0x3F94] =	sst s1;
	(tag) =	ssettag s2;
	_ =	strace s9  }
0x27: {  	s1 =	sld [smem:$0x3FA4]  }
0x28: {  	s2 =	sld [smem:$0x3FA5]  }
0x29: {  	s4 =	sld [smem:$0x3FA7]  }
0x2a: {  	p0 =	seq.s32 s5, $0x0;
	s5 =	sld [smem:$0x3FA8]  }
0x2b: {  	s6 =	sld [smem:$0x3FA9]  }
0x2c: {  	s7 =	sld [smem:$0x3FAA]  }
0x2d: {  	s3 =	simm.s32 $0x108;
	s8 =	sld [smem:$0x3FAB]  }
0x2e: {  	s3 =	simm.s32 @!p0 $0x1082;
	s9 =	sld [smem:$0x3FAC]  }
0x2f: {  	lr =	sadd.s32 s0, s3;
	s0 =	sld [smem:$0x3FA3]  }
0x30: {  	s3 =	sld [smem:$0x3FA6]  }
0x31: {  	[smem:$0x3FAF] =	sst s10  }
0x32: {  	s10 =	sld [smem:$0x3FAD];
	_ =	sdelay $0x3  }
0x33: {  	p0 =	seq.s32 s10, $0x1;
	s10 =	sld [smem:$0x3FAF];
	_ =	sdelay $0x3  }
0x34: {  	[smem:$0x3FAF] =	sst s10  }
0x35: {  	s10 =	sld [smem:$0x3FAE];
	_ =	sdelay $0x3  }
0x36: {  	p1 =	seq.s32 s10, $0x1;
	s10 =	sld [smem:$0x3FAF];
	_ =	sdelay $0x3  }
0x37: {  	[smem:$0x3FAF] =	sst s10  }
0x38: {  	s10 =	sld [smem:$0x3FB0]  }
0x39: {  	_ = 	snop;
	(pc) =	sbr.ind lr, $3  }
0x3a: {  	_ = 	snop  }
0x3b: {  	_ = 	snop  }
0x3c: {  	p2 =	seq.s32 s10, $0x1;
	s10 =	sld [smem:$0x3FAF]  }
0x3d: {  	_ =	shalt  }
0x3e: {  	_ =	shalt  }
0x3f: {  	_ =	shalt  }
0x40: {  	_ =	shalt  }
0x41: {  	_ =	shalt  }
0x42: {  	_ =	shalt  }
0x43: {  	_ =	shalt  }
0x44: {  	_ =	shalt  }
0x45: {  	_ =	shalt  }
0x46: {  	_ =	shalt  }
0x47: {  	_ =	shalt  }
0x48: {  	_ =	shalt  }
0x49: {  	_ =	shalt  }
0x4a: {  	_ =	shalt  }
0x4b: {  	_ =	shalt  }
0x4c: {  	_ =	shalt  }
0x4d: {  	_ =	shalt  }
0x4e: {  	_ =	shalt  }
0x4f: {  	_ =	shalt  }
0x50: {  	_ =	shalt  }
0x51: {  	_ =	shalt  }
0x52: {  	_ =	shalt  }
0x53: {  	_ =	shalt  }
0x54: {  	_ =	shalt  }
0x55: {  	_ =	shalt  }
0x56: {  	_ =	shalt  }
0x57: {  	_ =	shalt  }
0x58: {  	_ =	shalt  }
0x59: {  	_ =	shalt  }
0x5a: {  	_ =	shalt  }
0x5b: {  	_ =	shalt  }
0x5c: {  	_ =	shalt  }
0x5d: {  	_ =	shalt  }
0x5e: {  	_ =	shalt  }
0x5f: {  	_ =	shalt  }
0x60: {  	_ =	shalt  }
0x61: {  	_ =	shalt  }
0x62: {  	_ =	shalt  }
0x63: {  	_ =	shalt  }
0x64: {  	_ =	shalt  }
0x65: {  	_ =	shalt  }
0x66: {  	_ =	shalt  }
0x67: {  	_ =	shalt  }
0x68: {  	_ =	shalt  }
0x69: {  	_ =	shalt  }
0x6a: {  	_ =	shalt  }
0x6b: {  	_ =	shalt  }
0x6c: {  	_ =	shalt  }
0x6d: {  	_ =	shalt  }
0x6e: {  	_ =	shalt  }
0x6f: {  	_ =	shalt  }
0x70: {  	_ =	shalt  }
0x71: {  	_ =	shalt  }
0x72: {  	_ =	shalt  }
0x73: {  	_ =	shalt  }
0x74: {  	_ =	shalt  }
0x75: {  	_ =	shalt  }
0x76: {  	_ =	shalt  }
0x77: {  	_ =	shalt  }
0x78: {  	_ =	shalt  }
0x79: {  	_ =	shalt  }
0x7a: {  	_ =	shalt  }
0x7b: {  	_ =	shalt  }
0x7c: {  	_ =	shalt  }
0x7d: {  	_ =	shalt  }
0x7e: {  	_ =	shalt  }
0x7f: {  	_ =	shalt  }
0x80: {  	_ =	shalt  }
0x81: {  	_ =	shalt  }
0x82: {  	_ =	shalt  }
0x83: {  	_ =	shalt  }
0x84: {  	_ =	shalt  }
0x85: {  	_ =	shalt  }
0x86: {  	_ =	shalt  }
0x87: {  	_ =	shalt  }
.Lfunc_end0:
.L_simem_size_0:
called_computation.2_lowered:
.L_overlay_start_0:
0x88: {  	s2 =	sld [smem:$0x3FD9]  }
0x89: {  	s3 =	sld [smem:$0x3FFE];
	_ =	sdelay $0x1  }
0x8a: {  	s1 =	srdreg.scid  }
0x8b: {  	s0 =	sand.u32 $0x1, s1  }
0x8c: {  	s17 =	sshll.u32 s0, $0xA;
	s2 =	sadd.s32 s3, s2  }
0x8d: {  	s2 =	sadd.s32 s2, s17  }
0x8e: {  	[smem:$0x3FBB] =	sst s2  }
0x8f: {  	_ = 	snop  }
0x90: {  	s2 =	sld [smem:$0x3FD0];
	(tm) =	ssettm $0x1  }
0x91: {  	s18 =	sld [smem:$0x3FFB];
	_ =	sdelay $0x3  }
0x92: {  	_ =	strace s18  }
0x93: {  	s3 =	sld [smem:$0x3FFC];
	_ =	sdelay $0x3  }
0x94: {  	_ =	strace s3  }
0x95: {  	s3 =	sld [smem:$0x3FFD];
	_ =	sdelay $0x3  }
0x96: {  	_ =	strace s3  }
0x97: {  	_ =	strace $0x8FFFFFFF  }
0x98: {  	s19 =	sld [smem:$0x3FDB];
	_ =	sdelay $0x1  }
0x99: {  	s4 =	simm.s32 $_scs_section_size  }
0x9a: {  	s5 =	simm.s32 $_size__tile_overlayer_lowered;
	s6 =	simm.s32 $_tile_overlayer_lowered  }
0x9b: {  	s22 =	simm.s32 $0x1BFF;
	s21 =	sshll.u32 s6, $0x1;
	s3 =	sadd.s32 s4, s19  }
0x9c: {  	s7 =	simm.s32 $0x0;
	s20 =	sshll.u32 s5, $0x1;
	s5 =	sadd.s32 s21, s3  }
0x9d: {  	[timem:s7], [sflag:s22] =	dma.local [hbm:s5], s20  }
0x9e: {  	_ =	swait.ge [sflag:s22], s20  }
0x9f: {  	s4 =	ssub.s32 $0x0, s20;
	[sflag:s22] =	ssyncset.done $0x0  }
0xa0: {  	[sflag:s22] =	ssyncadd.s32 s4;
	_ =	sdelay $0x1  }
0xa1: {  	s23 =	simm.s32 $0x1B8B  }
0xa2: {  	_ =	swait.ge [sflag:s23], $0x1  }
0xa3: {  	[sflag:s23] =	ssyncset.done $0x0  }
0xa4: {  	s25 =	simm.s32 $0x1B8E;
	s24 =	sld [smem:$0x3FFE];
	[sflag:s23] =	ssyncadd.s32 $0xFFFFFFFF  }
0xa5: {  	s26 =	simm.s32 $execute0_lowered;
	[smem:$0x3FD2] =	sst s25  }
0xa6: {  	s5 =	sshll.u32 s26, $0x1;
	_ =	strace $0x8000004C;
	[dreg:$0x1] =	wrdreg $0xFFFFFFFF  }
0xa7: {  	s28 =	simm.s32 $_size_execute0_lowered;
	s3 =	sadd.s32 s3, s5;
	[dreg:$0x0] =	wrdreg $0x0  }
0xa8: {  	s5 =	sshll.u32 s28, $0x1;
	[dreg:$0x2] =	wrdreg s3  }
0xa9: {  	[dreg:$0x3] =	wrdreg s5  }
0xaa: {  	[dreg:$0x4] =	wrdreg $0xC0  }
0xab: {  	_ =	task [dreg:s7], $0x5FFFF  }
0xac: {  	[dreg:$0x1] =	wrdreg $0xFFFFFFFF  }
0xad: {  	[dreg:$0x0] =	wrdreg $0x60  }
0xae: {  	[dreg:$0x2] =	wrdreg s24  }
0xaf: {  	[dreg:$0x3] =	wrdreg s2  }
0xb0: {  	[dreg:$0x4] =	wrdreg $0x26A00  }
0xb1: {  	[dreg:$0x5] =	wrdreg $0x9  }
0xb2: {  	_ =	task.clear_ibuf [dreg:s7], $0x6FFFF;
	_ =	strace $0x9000004C  }
0xb3: {  	s29 =	simm.s32 $0x9;
	_ =	strace $0x8000004E  }
0xb4: {  	_ =	swait.ge [sflag:s29], $0x1  }
0xb5: {  	[sflag:s29] =	ssyncadd.s32 $0xFFFFFFFF  }
0xb6: {  	_ =	strace $0x9000004E  }
0xb7: {  	_ =	sfence  }
0xb8: {  	s30 =	sld [smem:$0x0];
	_ =	sdelay $0x2  }
0xb9: {  	s31 =	sshll.u32 s1, $0xD;
	s1 =	sshrl.u32 s1, $0x2  }
0xba: {  	s3 =	sand.u32 $0x4000, s31;
	s1 =	sadd.s32 s1, s30  }
0xbb: {  	s0 =	sor.u32 s3, s0;
	s1 =	sshll.u32 s1, $0x11  }
0xbc: {  	s0 =	sor.u32 s1, s0  }
0xbd: {  	s0 =	sadd.s32 $0x8F2B, s0  }
0xbe: {  	[sflag:s0] =	ssyncadd.remote.s32 $0x1  }
0xbf: {  	_ =	sfence.sel $0xFFFF  }
0xc0: {  	[dreg:$0x0] =	wrdreg $0xFFFFFFFF;
	(pc) =	sbr.abs _section_cstart, $3  }
0xc1: {  	[dreg:$0x1] =	wrdreg $0xFFFFFFFF  }
0xc2: {  	_ =	task.clear_ibuf [dreg:s7], $0x2FFFF;
	_ =	strace $0x9FFFFFFF  }
0xc3: {  	(tm) =	ssettm $0x7FFFFFFF  }
tec
execute0_lowered:
.L_overlay_start_1:
0x0: {  	(tag) =	ssettag $0x1  }
0x1: {  	s8 =	rddreg [dreg:$0x0]  }
0x2: {  	s13 =	rddreg [dreg:$0x1]  }
0x3: {  	s2 =	rddreg [dreg:$0x2]  }
0x4: {  	s0 =	rddreg [dreg:$0x3];
	s1 =	stileid.u32  }
0x5: {  	s3 =	simm.s32 $0x0;
	s4 =	srdreg.scid;
	s9 =	smul.u32 $0xA, s1  }
0x6: {  	s21 =	simm.s32 $0xA0;
	[smem:$0x7FF] =	sst s3;
	s16 =	smul.u32 $0x5C00, s1  }
0x7: {  	s10 =	sand.u32 $0x1, s4;
	s4 =	sadd.s32 $0xD000, s8;
	s18 =	smul.u32 $0x2E0, s1  }
0x8: {  	s5 =	sadd.s32 $0x1400, s8;
	s6 =	sadd.s32 $0x7400, s8;
	s31 =	smul.u32 $0x140, s1  }
0x9: {  	s7 =	sadd.s32 $0x33F800, s8;
	s26 =	ssub.s32 $0x20, s1;
	s11 =	smul.u32 $0x30E0, s10  }
0xa: {  	s28 =	ssub.s32 $0x5E, s1;
	s29 =	ssub.s32 $0x937, s1;
	s19 =	smul.u32 $0xC350, s10  }
0xb: {  	_ =	strace $0x8000004D;
	s24 =	ssub.s32 $0x2, s10;
	s20 =	smul.u32 $0x186A, s10  }
0xc: {  	s17 =	smul.u32 $0x62C0, s10;
	s10 =	sshrl.u32 s29, $0x4;
	s14 =	sadd.s32 s9, s8  }
0xd: {  	s25 =	sshrl.u32 s24, $0x1;
	s9 =	sshrl.u32 s28, $0x4;
	s30 =	sshrl.u32 s16, $0x2  }
0xe: {  	s16 =	simm.s32 $0xFA0;
	s15 =	sadd.s32 s11, s8;
	s12 =	ssub.s32 s24, s25  }
0xf: {  	s8 =	sshrl.u32 s26, $0x4;
	s17 =	sadd.s32 s17, s13;
	s13 =	sadd.s32 $0x7000, s14  }
0x10: {  	v0 =	vmov s19;
	v1 =	vmov s20;
	s19 =	simm.s32 $0x5A0;
	s20 =	simm.s32 $0x1;
	s11 =	smax.u32 s12, $0x1  }
0x11: {  	s12 =	sadd.s32 s30, s2;
	s15 =	sadd.s32 s18, s15;
	s14 =	sadd.s32 s31, s17  }
0x12: {  	v2 =	vimm.f32 $0.0e+00;
	s17 =	simm.s32 $0x2;
	s18 =	simm.s32 $0x50;
	s15 =	sadd.s32 $0x13200, s15  }
.LBB2_1:
0x13: {  	s22 =	simm.s32 $0x40;
	s23 =	simm.s32 $0x0  }
.LBB2_2:
0x14: {  	p0 =	sne.s32 s22, $0x5BC0;
	[tilespmem:s23+$0xFA0] =	vst v2;
	s23 =	smov.u32 s22;
	s22 =	sadd.s32 $0x40, s22  }
.Ltmp0:
0x15: {  	(pc) =	sbr.rel @p0 .LBB2_2-.Ltmp0, $2  }
0x16: {  	_ =	sdelay $0x2  }
0x17: {  	s23 =	sshra.s32 s23, $0x2  }
0x18: {  	p0 =	sne.s32 s8, $0x1  }
.Ltmp1:
0x19: {  	_ = 	snop;
	(pc) =	sbr.rel @!p0 .LBB2_5-.Ltmp1, $4  }
0x1a: {  	[tilespmem:s23+$0xFA0] =	vst v2  }
0x1b: {  	[spmem:s12] =	stream.linear.scatter [tilespmem:s16], [sflag:$0x2], $0x1700, $0x38;
	[tilespmem:$0x3F10] =	vst v63  }
0x1c: {  	_ =	swait.ge [sflag:s17], $0x1700  }
0x1d: {  	s22 =	sadd.s32 $0xFFFFFFFF, s8;
	s23 =	smov.u32 s12;
	[sflag:s17] =	ssyncset.done $0x0  }
.LBB2_4:
0x1e: {  	p1 =	sne.s32 s22, $0x1;
	[sflag:s17] =	ssyncadd.s32 $0xFFFFE900;
	s23 =	sadd.s32 $0x17000, s23  }
.Ltmp2:
0x1f: {  	s22 =	sadd.s32 $0xFFFFFFFF, s22;
	(pc) =	sbr.rel @p1 .LBB2_4-.Ltmp2, $4  }
0x20: {  	_ = 	snop  }
0x21: {  	[spmem:s23] =	stream.linear.scatter [tilespmem:s16], [sflag:$0x2], $0x1700, $0x38;
	[tilespmem:$0x3F10] =	vst v63  }
0x22: {  	_ =	swait.ge [sflag:s17], $0x1700  }
0x23: {  	[sflag:s17] =	ssyncset.done $0x0  }
.LBB2_5:
0x24: {  	[sflag:s17] =	ssyncadd.s32 $0xFFFFE900  }
0x25: {  	s22 =	simm.s32 $0x0;
	[bflag:$0x0] =	sbarrier.arrive $0xFFFF  }
0x26: {  	[tilespmem:s22], [sflag:$0x2] =	stream.linear.gather [hbm4b:s13+s22], $0x50, $0x38;
	[tilespmem:$0x3F10] =	vst v63  }
0x27: {  	_ =	swait.ge [sflag:s17], $0x50  }
0x28: {  	[sflag:s17] =	ssyncset.done $0x0  }
0x29: {  	[sflag:s17] =	ssyncadd.s32 $0xFFFFFFB0  }
0x2a: {  	v3 =	vld [tilespmem:$0x40]  }
0x2b: {  	v4 =	vld [tilespmem:$0x20]  }
0x2c: {  	v6 =	vld [tilespmem:$0x10]  }
0x2d: {  	v5 =	vld [tilespmem:$0x30]  }
0x2e: {  	v7 =	vld [tilespmem:$0x0]  }
0x2f: {  	v3 =	vadd.s32 v0, v3  }
0x30: {  	v4 =	vadd.s32 v0, v4;
	[tilespmem:$0x40] =	vst v3  }
0x31: {  	v63 =	vadd.s32 v0, v6;
	[tilespmem:$0x20] =	vst v4  }
0x32: {  	p1 =	sne.s32 s9, $0x1;
	v3 =	vadd.s32 v0, v5;
	[tilespmem:$0x10] =	vst v63  }
.Ltmp3:
0x33: {  	[tilespmem:$0x30] =	vst v3;
	v3 =	vadd.s32 v0, v7;
	(pc) =	sbr.rel @!p1 .LBB2_6-.Ltmp3, $4  }
0x34: {  	[tilespmem:$0x0] =	vst v3  }
0x35: {  	[tilespmem:s19], [sflag:$0x1] =	stream.indirect.gather [hbm4b:s7+s18], $0x20, s22, s18, $0xb8;
	[tilespmem:$0x3F10] =	vst v63  }
0x36: {  	s23 =	sadd.s32 $0xFFFFFFFF, s9;
	s24 =	smov.u32 s13;
	_ =	swait.ge [sflag:s20], $0xA00  }
0x37: {  	s25 =	smov.u32 s14;
	s26 =	smov.u32 s14;
	[sflag:s20] =	ssyncset.done $0x0  }
.LBB2_7:
0x38: {  	[sflag:s20] =	ssyncadd.s32 $0xFFFFF600;
	s24 =	sadd.s32 $0xA0, s24;
	s25 =	sadd.s32 $0x1400, s25  }
0x39: {  	[hbm4b:s26+s22] =	stream.linear.scatter [tilespmem:s19], [sflag:$0x2], $0xA00, $0x38;
	[tilespmem:$0x3F10] =	vst v63  }
0x3a: {  	p1 =	sne.s32 s23, $0x1;
	s23 =	sadd.s32 $0xFFFFFFFF, s23;
	_ =	swait.ge [sflag:s17], $0xA00  }
0x3b: {  	s26 =	smov.u32 s25;
	[sflag:s17] =	ssyncset.done $0x0  }
0x3c: {  	[sflag:s17] =	ssyncadd.s32 $0xFFFFF600  }
0x3d: {  	[tilespmem:s22], [sflag:$0x2] =	stream.linear.gather [hbm4b:s24+s22], $0x50, $0x38;
	[tilespmem:$0x3F10] =	vst v63  }
0x3e: {  	_ =	swait.ge [sflag:s17], $0x50  }
0x3f: {  	[sflag:s17] =	ssyncset.done $0x0  }
0x40: {  	[sflag:s17] =	ssyncadd.s32 $0xFFFFFFB0  }
0x41: {  	v3 =	vld [tilespmem:$0x40]  }
0x42: {  	v4 =	vld [tilespmem:$0x20]  }
0x43: {  	v5 =	vld [tilespmem:$0x30]  }
0x44: {  	v6 =	vld [tilespmem:$0x10]  }
0x45: {  	v7 =	vld [tilespmem:$0x0]  }
0x46: {  	v3 =	vadd.s32 v0, v3  }
0x47: {  	v4 =	vadd.s32 v0, v4;
	[tilespmem:$0x40] =	vst v3  }
0x48: {  	[tilespmem:$0x20] =	vst v4;
	v3 =	vadd.s32 v0, v5  }
0x49: {  	v4 =	vadd.s32 v0, v6;
	[tilespmem:$0x30] =	vst v3  }
.Ltmp4:
0x4a: {  	v3 =	vadd.s32 v0, v7;
	[tilespmem:$0x10] =	vst v4;
	(pc) =	sbr.rel @p1 .LBB2_7-.Ltmp4, $4  }
0x4b: {  	[tilespmem:$0x0] =	vst v3  }
0x4c: {  	[tilespmem:s19], [sflag:$0x1] =	stream.indirect.gather [hbm4b:s7+s18], $0x20, s22, s18, $0xb8;
	[tilespmem:$0x3F10] =	vst v63  }
0x4d: {  	_ =	swait.ge [sflag:s20], $0xA00  }
0x4e: {  	[sflag:s20] =	ssyncset.done $0x0  }
.LBB2_8:
0x4f: {  	[sflag:s20] =	ssyncadd.s32 $0xFFFFF600  }
0x50: {  	[hbm4b:s26+s22] =	stream.linear.scatter [tilespmem:s19], [sflag:$0x2], $0xA00, $0x38;
	[tilespmem:$0x3F10] =	vst v63  }
0x51: {  	_ =	swait.ge [sflag:s17], $0xA00  }
0x52: {  	[sflag:s17] =	ssyncset.done $0x0  }
0x53: {  	s23 =	smov.u32 s22;
	[sflag:s17] =	ssyncadd.s32 $0xFFFFF600  }
.LBB2_9:
0x54: {  	s24 =	sshll.u32 s23, $0x4  }
0x55: {  	s24 =	sor.u32 s1, s24  }
0x56: {  	s24 =	smul.u32 $0xA, s24;
	_ =	sdelay $0x1  }
0x57: {  	s25 =	sadd.s32 s5, s24  }
0x58: {  	[tilespmem:s22], [sflag:$0x2] =	stream.linear.gather [hbm4b:s25+s22], $0x50, $0x38;
	[tilespmem:$0x3F10] =	vst v63  }
0x59: {  	_ =	swait.ge [sflag:s17], $0x50  }
0x5a: {  	[sflag:s17] =	ssyncset.done $0x0  }
0x5b: {  	s24 =	sadd.s32 s6, s24;
	[sflag:s17] =	ssyncadd.s32 $0xFFFFFFB0  }
0x5c: {  	[tilespmem:s18], [sflag:$0x2] =	stream.linear.gather [hbm4b:s24+s22], $0x50, $0x38;
	[tilespmem:$0x3F10] =	vst v63  }
0x5d: {  	_ =	swait.ge [sflag:s17], $0x50  }
0x5e: {  	[sflag:s17] =	ssyncset.done $0x0  }
0x5f: {  	[sflag:s17] =	ssyncadd.s32 $0xFFFFFFB0  }
0x60: {  	v3 =	vld [tilespmem:$0x0]  }
0x61: {  	v4 =	vld [tilespmem:$0x10]  }
0x62: {  	v5 =	vld [tilespmem:$0x20]  }
0x63: {  	v6 =	vld [tilespmem:$0x30]  }
0x64: {  	v7 =	vld [tilespmem:$0x40]  }
0x65: {  	v3 =	vadd.s32 v1, v3  }
0x66: {  	[tilespmem:$0x0] =	vst v3;
	v3 =	vadd.s32 v1, v4  }
0x67: {  	[tilespmem:$0x10] =	vst v3;
	v3 =	vadd.s32 v1, v5  }
0x68: {  	[tilespmem:$0x20] =	vst v3;
	v3 =	vadd.s32 v1, v6  }
0x69: {  	p1 =	sne.s32 s22, $0x13C0;
	[tilespmem:$0x30] =	vst v3;
	v3 =	vadd.s32 v1, v7  }
.Ltmp5:
0x6a: {  	[tilespmem:$0x40] =	vst v3;
	(pc) =	sbr.rel @!p1 .LBB2_11-.Ltmp5, $4  }
0x6b: {  	[tilespmem:s21], [sflag:$0x1] =	stream.indirect.gather [hbm4b:s4+s18], $0x10, s22, s18, $0xb8;
	[tilespmem:$0x3F10] =	vst v63  }
0x6c: {  	_ =	swait.ge [sflag:s20], $0x500  }
0x6d: {  	[sflag:s20] =	ssyncset.done $0x0  }
0x6e: {  	s25 =	sadd.s32 $0x40, s22;
	s24 =	sshra.s32 s22, $0x2;
	[sflag:s20] =	ssyncadd.s32 $0xFFFFFB00  }
.LBB2_10:
0x6f: {  	p1 =	sne.s32 s25, $0x13C0;
	v3 =	vld [tilespmem:s24+$0xA0];
	_ =	sdelay $0x1  }
.Ltmp6:
0x70: {  	(pc) =	sbr.rel @p1 .LBB2_10-.Ltmp6, $3  }
0x71: {  	_ =	sdelay $0x1  }
0x72: {  	v3 =	vmax.f32 v3, $0.0e+00  }
0x73: {  	[tilespmem:s24+$0xA0] =	vst v3;
	s24 =	sshra.s32 s25, $0x2;
	s25 =	sadd.s32 $0x40, s25  }
.LBB2_11:
0x74: {  	v3 =	vld [tilespmem:s24+$0xA0];
	_ =	sdelay $0x3  }
0x75: {  	s23 =	sadd.s32 $0x1, s23  }
0x76: {  	p1 =	sne.s32 s23, s10;
	v3 =	vmax.f32 v3, $0.0e+00  }
.Ltmp7:
0x77: {  	[tilespmem:s24+$0xA0] =	vst v3;
	(pc) =	sbr.rel @p1 .LBB2_9-.Ltmp7, $4  }
0x78: {  	[spmem:s2] =	stream.indirect.scatter.add.f32 [tilespmem:s21], [sflag:$0x2], $0x10, s18, s18, $0xb8;
	[tilespmem:$0x3F10] =	vst v63  }
0x79: {  	_ =	swait.ge [sflag:s17], $0x500  }
0x7a: {  	[sflag:s17] =	ssyncset.done $0x0  }
0x7b: {  	[sflag:s17] =	ssyncadd.s32 $0xFFFFFB00  }
.Ltmp8:
0x7c: {  	(pc) =	sbr.rel @!p0 .LBB2_14-.Ltmp8, $4  }
0x7d: {  	s22 =	sshll.u32 s1, $0x6;
	[bflag:$0x0] =	sbarrier.arrive $0xFFFF  }
0x7e: {  	s23 =	sshrl.u32 s12, $0x3;
	s24 =	sadd.s32 $0x2E00, s15;
	s22 =	sor.u32 $0x1C02, s22  }
0x7f: {  	[hbm:s15], [sflag:s22] =	dma.local [spmem:s23], $0x2E0  }
0x80: {  	s25 =	smov.u32 s12;
	s23 =	sadd.s32 $0xFFFFFFFF, s8;
	_ =	swait.ge [sflag:s17], $0x2E0  }
.LBB2_13:
0x81: {  	[sflag:s17] =	ssyncset.done $0x0;
	s25 =	sadd.s32 $0x17000, s25;
	p0 =	sne.s32 s23, $0x1  }
.Ltmp9:
0x82: {  	s26 =	sshrl.u32 s25, $0x3;
	[sflag:s17] =	ssyncadd.s32 $0xFFFFFD20;
	(pc) =	sbr.rel @p0 .LBB2_13-.Ltmp9, $3  }
0x83: {  	[hbm:s24], [sflag:s22] =	dma.local [spmem:s26], $0x2E0  }
0x84: {  	s23 =	sadd.s32 $0xFFFFFFFF, s23;
	_ =	sdelay $0x1  }
0x85: {  	s24 =	sadd.s32 $0x2E00, s24;
	_ =	swait.ge [sflag:s17], $0x2E0  }
.LBB2_14:
0x86: {  	s3 =	sadd.s32 $0x1, s3  }
0x87: {  	p0 =	sne.s32 s3, s11  }
.Ltmp10:
0x88: {  	_ = 	snop;
	(pc) =	sbr.rel @p0 .LBB2_1-.Ltmp10, $4  }
.Ltmp11:
0x89: {  	_ = 	snop;
	(pc) =	sbr.rel @!p0 .LBB2_15-.Ltmp11, $4  }
0x8a: {  	_ = 	snop  }
0x8b: {  	[sflag:s17] =	ssyncset.done $0x0  }
0x8c: {  	[sflag:s17] =	ssyncadd.s32 $0xFFFFFD20  }
0x8d: {  	_ = 	snop  }
.LBB2_6:
.Ltmp12:
0x8e: {  	(pc) =	sbr.rel .LBB2_8-.Ltmp12, $2  }
0x8f: {  	_ =	sdelay $0x2  }
0x90: {  	s26 =	smov.u32 s14  }
.LBB2_15:
0x91: {  	_ =	sfence.sel $0x180000  }
0x92: {  	[bflag:$0x0] =	sbarrier.arrive $0xFFFF  }
0x93: {  	p0 =	sne.s32 s1, $0x0;
	_ =	strace $0x9000004D  }
0x94: {  	s0 =	sadd.s32 @!p0 $0x100000, s0;
	[bflag:$0x2] =	sbarrier.arrive $0xFFFF  }
0x95: {  	[sflag:s0] =	ssyncadd.tile.s32 @!p0 $0x1;
	_ =	shalt  }
.Lfunc_end2:
_tile_overlayer_lowered:
.L_overlay_start_2:
0x96: {  	(tag) =	ssettag $0x2  }
0x97: {  	s0 =	rddreg [dreg:$0x0];
	s2 =	stileid.u32  }
0x98: {  	s1 =	rddreg [dreg:$0x1];
	p0 =	sne.s32 s2, $0x0  }
0x99: {  	s3 =	rddreg [dreg:$0x2];
	[bflag:$0x3] =	sbarrier.arrive $0xFFFF;
	s2 =	simm.s32 @!p0 $0x1C02  }
0x9a: {  	[timem:s3], [sflag:s2] =	dma.local @!p0 [hbm:s0], s1  }
0x9b: {  	s0 =	simm.s32 @!p0 $0x2  }
0x9c: {  	_ =	swait.ge @!p0 [sflag:s0], s1  }
0x9d: {  	s1 =	ssub.s32 @!p0 $0x0, s1;
	[sflag:s0] =	ssyncset.done @!p0 $0x0  }
0x9e: {  	[sflag:s0] =	ssyncadd.s32 @!p0 s1  }
0x9f: {  	[bflag:$0x3] =	sbarrier.arrive $0xFFFF  }
0xa0: {  	_ =	shalt  }

// kernel: kernel.20.cloned.1.call-start
scs
__scs_entry_jumppad:
0x0: {  	(pc) =	sbr.rel $0x88, $3  }
0x1: {  	(tag) =	ssettag $0x0;
	lr =	simm.s32 $0x1  }
0x2: {  	[smem:$0x3F94] =	sst lr;
	_ =	strace $0xD0000000  }
0x3: {  	_ = 	snop  }
0x4: {  	_ = 	snop  }
0x5: {  	_ = 	snop  }
0x6: {  	_ = 	snop  }
0x7: {  	_ = 	snop  }
__scs_overlays_trampoline_lowered:
0x8: {  	[smem:$0x3FA3] =	sst s0  }
0x9: {  	[smem:$0x3FA4] =	sst s1  }
0xa: {  	[smem:$0x3FA5] =	sst s2  }
0xb: {  	[smem:$0x3FA6] =	sst s3  }
0xc: {  	[smem:$0x3FA7] =	sst s4  }
0xd: {  	[smem:$0x3FA8] =	sst s5  }
0xe: {  	[smem:$0x3FA9] =	sst s6  }
0xf: {  	[smem:$0x3FAA] =	sst s7  }
0x10: {  	[smem:$0x3FAB] =	sst s8  }
0x11: {  	[smem:$0x3FAC] =	sst s9;
	s0 =	simm.s32 @!p0 $0x0  }
0x12: {  	s1 =	sld [smem:$0x3F92];
	s0 =	simm.s32 @p0 $0x1  }
0x13: {  	[smem:$0x3FAD] =	sst s0;
	s0 =	simm.s32 @!p1 $0x0  }
0x14: {  	s2 =	sld [smem:$0x3F91];
	s0 =	simm.s32 @p1 $0x1  }
0x15: {  	[smem:$0x3FAE] =	sst s0;
	s0 =	simm.s32 @!p2 $0x0  }
0x16: {  	s3 =	sld [smem:$0x3FDB];
	s0 =	simm.s32 @p2 $0x1  }
0x17: {  	s4 =	simm.s32 $0x1BF5;
	[smem:$0x3FB0] =	sst s0  }
0x18: {  	s0 =	sld [smem:$0x3F93];
	_ =	swait.ge [sflag:s4], $0x0  }
0x19: {  	s7 =	sld [smem:$0x3F94]  }
0x1a: {  	s8 =	sadd.s32 $0xFFFFE003, lr  }
0x1b: {  	s9 =	sadd.s32 $0xFFFFFEF7, lr;
	s5 =	simm.s32 $0xFFFFFFFF;
	p2 =	slt.u32 s8, $0xFFFFF086  }
0x1c: {  	p1 =	slt.u32 s9, $0xF7A;
	s5 =	simm.s32 @!p2 $0x0  }
0x1d: {  	s5 =	simm.s32 @p1 $0x1;
	p0 =	seq.s32 s7, s2  }
0x1e: {  	s7 =	smul.u32 @!p0 $0xF7A, s2;
	p2 =	seq.s32 @!p0 s5, $0x0  }
0x1f: {  	s9 =	smul.u32 $0xF7A, s1;
	s8 =	simm.s32 @!p0 $0x1BF5;
	p2 =	por !p2, p0  }
0x20: {  	[sflag:s8] =	ssyncset.s32 @!p0 $0xFFFFF086;
	s6 =	sadd.s32 @!p0 s3, s7;
	s7 =	simm.s32 @!p0 $0x108  }
0x21: {  	s3 =	sadd.s32 s3, s9;
	s6 =	sadd.s32 @!p0 $0x88, s6;
	s7 =	simm.s32 @p2 $0x1082  }
0x22: {  	[simem:s7], [sflag:s8] =	dma.local @!p0 [hbm:s6], $0xF7A  }
0x23: {  	s9 =	sor.u32 $0xD0000000, s2;
	s6 =	simm.s32 $0x108;
	_ =	swait.ge @!p0 [sflag:s8], $0x0  }
0x24: {  	s3 =	sadd.s32 $0x88, s3;
	s6 =	simm.s32 @!p1 $0x1082;
	[sflag:s4] =	ssyncset.s32 $0xFFFFF086  }
0x25: {  	[simem:s6], [sflag:s4] =	dma.local [hbm:s3], $0xF7A  }
0x26: {  	[smem:$0x3F94] =	sst s1;
	(tag) =	ssettag s2;
	_ =	strace s9  }
0x27: {  	s1 =	sld [smem:$0x3FA4]  }
0x28: {  	s2 =	sld [smem:$0x3FA5]  }
0x29: {  	s4 =	sld [smem:$0x3FA7]  }
0x2a: {  	p0 =	seq.s32 s5, $0x0;
	s5 =	sld [smem:$0x3FA8]  }
0x2b: {  	s6 =	sld [smem:$0x3FA9]  }
0x2c: {  	s7 =	sld [smem:$0x3FAA]  }
0x2d: {  	s3 =	simm.s32 $0x108;
	s8 =	sld [smem:$0x3FAB]  }
0x2e: {  	s3 =	simm.s32 @!p0 $0x1082;
	s9 =	sld [smem:$0x3FAC]  }
0x2f: {  	lr =	sadd.s32 s0, s3;
	s0 =	sld [smem:$0x3FA3]  }
0x30: {  	s3 =	sld [smem:$0x3FA6]  }
0x31: {  	[smem:$0x3FAF] =	sst s10  }
0x32: {  	s10 =	sld [smem:$0x3FAD];
	_ =	sdelay $0x3  }
0x33: {  	p0 =	seq.s32 s10, $0x1;
	s10 =	sld [smem:$0x3FAF];
	_ =	sdelay $0x3  }
0x34: {  	[smem:$0x3FAF] =	sst s10  }
0x35: {  	s10 =	sld [smem:$0x3FAE];
	_ =	sdelay $0x3  }
0x36: {  	p1 =	seq.s32 s10, $0x1;
	s10 =	sld [smem:$0x3FAF];
	_ =	sdelay $0x3  }
0x37: {  	[smem:$0x3FAF] =	sst s10  }
0x38: {  	s10 =	sld [smem:$0x3FB0]  }
0x39: {  	_ = 	snop;
	(pc) =	sbr.ind lr, $3  }
0x3a: {  	_ = 	snop  }
0x3b: {  	_ = 	snop  }
0x3c: {  	p2 =	seq.s32 s10, $0x1;
	s10 =	sld [smem:$0x3FAF]  }
0x3d: {  	_ =	shalt  }
0x3e: {  	_ =	shalt  }
0x3f: {  	_ =	shalt  }
0x40: {  	_ =	shalt  }
0x41: {  	_ =	shalt  }
0x42: {  	_ =	shalt  }
0x43: {  	_ =	shalt  }
0x44: {  	_ =	shalt  }
0x45: {  	_ =	shalt  }
0x46: {  	_ =	shalt  }
0x47: {  	_ =	shalt  }
0x48: {  	_ =	shalt  }
0x49: {  	_ =	shalt  }
0x4a: {  	_ =	shalt  }
0x4b: {  	_ =	shalt  }
0x4c: {  	_ =	shalt  }
0x4d: {  	_ =	shalt  }
0x4e: {  	_ =	shalt  }
0x4f: {  	_ =	shalt  }
0x50: {  	_ =	shalt  }
0x51: {  	_ =	shalt  }
0x52: {  	_ =	shalt  }
0x53: {  	_ =	shalt  }
0x54: {  	_ =	shalt  }
0x55: {  	_ =	shalt  }
0x56: {  	_ =	shalt  }
0x57: {  	_ =	shalt  }
0x58: {  	_ =	shalt  }
0x59: {  	_ =	shalt  }
0x5a: {  	_ =	shalt  }
0x5b: {  	_ =	shalt  }
0x5c: {  	_ =	shalt  }
0x5d: {  	_ =	shalt  }
0x5e: {  	_ =	shalt  }
0x5f: {  	_ =	shalt  }
0x60: {  	_ =	shalt  }
0x61: {  	_ =	shalt  }
0x62: {  	_ =	shalt  }
0x63: {  	_ =	shalt  }
0x64: {  	_ =	shalt  }
0x65: {  	_ =	shalt  }
0x66: {  	_ =	shalt  }
0x67: {  	_ =	shalt  }
0x68: {  	_ =	shalt  }
0x69: {  	_ =	shalt  }
0x6a: {  	_ =	shalt  }
0x6b: {  	_ =	shalt  }
0x6c: {  	_ =	shalt  }
0x6d: {  	_ =	shalt  }
0x6e: {  	_ =	shalt  }
0x6f: {  	_ =	shalt  }
0x70: {  	_ =	shalt  }
0x71: {  	_ =	shalt  }
0x72: {  	_ =	shalt  }
0x73: {  	_ =	shalt  }
0x74: {  	_ =	shalt  }
0x75: {  	_ =	shalt  }
0x76: {  	_ =	shalt  }
0x77: {  	_ =	shalt  }
0x78: {  	_ =	shalt  }
0x79: {  	_ =	shalt  }
0x7a: {  	_ =	shalt  }
0x7b: {  	_ =	shalt  }
0x7c: {  	_ =	shalt  }
0x7d: {  	_ =	shalt  }
0x7e: {  	_ =	shalt  }
0x7f: {  	_ =	shalt  }
0x80: {  	_ =	shalt  }
0x81: {  	_ =	shalt  }
0x82: {  	_ =	shalt  }
0x83: {  	_ =	shalt  }
0x84: {  	_ =	shalt  }
0x85: {  	_ =	shalt  }
0x86: {  	_ =	shalt  }
0x87: {  	_ =	shalt  }
.Lfunc_end0:
.L_simem_size_0:
called_computation.3_lowered:
.L_overlay_start_0:
0x88: {  	s2 =	sld [smem:$0x3FD9]  }
0x89: {  	s3 =	sld [smem:$0x3FFE];
	_ =	sdelay $0x1  }
0x8a: {  	s1 =	srdreg.scid  }
0x8b: {  	s0 =	sand.u32 $0x1, s1  }
0x8c: {  	s17 =	sshll.u32 s0, $0xA;
	s2 =	sadd.s32 s3, s2  }
0x8d: {  	s2 =	sadd.s32 s2, s17  }
0x8e: {  	[smem:$0x3FBB] =	sst s2  }
0x8f: {  	_ = 	snop  }
0x90: {  	s2 =	sld [smem:$0x3FD0];
	(tm) =	ssettm $0x1  }
0x91: {  	s18 =	sld [smem:$0x3FFB];
	_ =	sdelay $0x3  }
0x92: {  	_ =	strace s18  }
0x93: {  	s3 =	sld [smem:$0x3FFC];
	_ =	sdelay $0x3  }
0x94: {  	_ =	strace s3  }
0x95: {  	s3 =	sld [smem:$0x3FFD];
	_ =	sdelay $0x3  }
0x96: {  	_ =	strace s3  }
0x97: {  	_ =	strace $0x8FFFFFFF  }
0x98: {  	s19 =	sld [smem:$0x3FDB];
	_ =	sdelay $0x1  }
0x99: {  	s4 =	simm.s32 $_scs_section_size  }
0x9a: {  	s5 =	simm.s32 $_size__tile_overlayer_lowered;
	s6 =	simm.s32 $_tile_overlayer_lowered  }
0x9b: {  	s22 =	simm.s32 $0x1BFF;
	s21 =	sshll.u32 s6, $0x1;
	s3 =	sadd.s32 s4, s19  }
0x9c: {  	s7 =	simm.s32 $0x0;
	s20 =	sshll.u32 s5, $0x1;
	s5 =	sadd.s32 s21, s3  }
0x9d: {  	[timem:s7], [sflag:s22] =	dma.local [hbm:s5], s20  }
0x9e: {  	_ =	swait.ge [sflag:s22], s20  }
0x9f: {  	s4 =	ssub.s32 $0x0, s20;
	[sflag:s22] =	ssyncset.done $0x0  }
0xa0: {  	[sflag:s22] =	ssyncadd.s32 s4;
	_ =	sdelay $0x1  }
0xa1: {  	s23 =	simm.s32 $0x1B8B  }
0xa2: {  	_ =	swait.ge [sflag:s23], $0x1  }
0xa3: {  	[sflag:s23] =	ssyncset.done $0x0  }
0xa4: {  	s25 =	simm.s32 $0x1B8E;
	s24 =	sld [smem:$0x3FFE];
	[sflag:s23] =	ssyncadd.s32 $0xFFFFFFFF  }
0xa5: {  	s26 =	simm.s32 $execute0_lowered;
	[smem:$0x3FD2] =	sst s25  }
0xa6: {  	s5 =	sshll.u32 s26, $0x1;
	_ =	strace $0x8000004F;
	[dreg:$0x1] =	wrdreg $0xFFFFFFFF  }
0xa7: {  	s28 =	simm.s32 $_size_execute0_lowered;
	s3 =	sadd.s32 s3, s5;
	[dreg:$0x0] =	wrdreg $0x0  }
0xa8: {  	s5 =	sshll.u32 s28, $0x1;
	[dreg:$0x2] =	wrdreg s3  }
0xa9: {  	[dreg:$0x3] =	wrdreg s5  }
0xaa: {  	[dreg:$0x4] =	wrdreg $0xC0  }
0xab: {  	_ =	task [dreg:s7], $0x5FFFF  }
0xac: {  	[dreg:$0x1] =	wrdreg $0xFFFFFFFF  }
0xad: {  	[dreg:$0x0] =	wrdreg $0x60  }
0xae: {  	[dreg:$0x2] =	wrdreg s24  }
0xaf: {  	[dreg:$0x3] =	wrdreg s2  }
0xb0: {  	[dreg:$0x4] =	wrdreg $0x41A00  }
0xb1: {  	[dreg:$0x5] =	wrdreg $0x9  }
0xb2: {  	_ =	task.clear_ibuf [dreg:s7], $0x6FFFF;
	_ =	strace $0x9000004F  }
0xb3: {  	s29 =	simm.s32 $0x9;
	_ =	strace $0x80000051  }
0xb4: {  	_ =	swait.ge [sflag:s29], $0x1  }
0xb5: {  	[sflag:s29] =	ssyncadd.s32 $0xFFFFFFFF  }
0xb6: {  	_ =	strace $0x90000051  }
0xb7: {  	_ =	sfence  }
0xb8: {  	s30 =	sld [smem:$0x0];
	_ =	sdelay $0x2  }
0xb9: {  	s31 =	sshll.u32 s1, $0xD;
	s1 =	sshrl.u32 s1, $0x2  }
0xba: {  	s3 =	sand.u32 $0x4000, s31;
	s1 =	sadd.s32 s1, s30  }
0xbb: {  	s0 =	sor.u32 s3, s0;
	s1 =	sshll.u32 s1, $0x11  }
0xbc: {  	s0 =	sor.u32 s1, s0  }
0xbd: {  	s0 =	sadd.s32 $0x8F2B, s0  }
0xbe: {  	[sflag:s0] =	ssyncadd.remote.s32 $0x1  }
0xbf: {  	_ =	sfence.sel $0xFFFF  }
0xc0: {  	[dreg:$0x0] =	wrdreg $0xFFFFFFFF;
	(pc) =	sbr.abs _section_cstart, $3  }
0xc1: {  	[dreg:$0x1] =	wrdreg $0xFFFFFFFF  }
0xc2: {  	_ =	task.clear_ibuf [dreg:s7], $0x2FFFF;
	_ =	strace $0x9FFFFFFF  }
0xc3: {  	(tm) =	ssettm $0x7FFFFFFF  }
tec
execute0_lowered:
.L_overlay_start_1:
0x0: {  	(tag) =	ssettag $0x1  }
0x1: {  	s8 =	rddreg [dreg:$0x0]  }
0x2: {  	s1 =	rddreg [dreg:$0x1]  }
0x3: {  	s3 =	rddreg [dreg:$0x2]  }
0x4: {  	s0 =	rddreg [dreg:$0x3]  }
0x5: {  	s4 =	simm.s32 $0x0;
	s2 =	stileid.u32;
	s5 =	srdreg.scid  }
0x6: {  	s18 =	simm.s32 $0x2;
	s19 =	simm.s32 $0x28A0;
	s9 =	smul.u32 $0xA, s2  }
0x7: {  	s20 =	simm.s32 $0x5A0;
	s21 =	simm.s32 $0x50;
	s29 =	smul.u32 $0x6400, s2  }
0x8: {  	s23 =	simm.s32 $0x1;
	[smem:$0x7FF] =	sst s4;
	s16 =	smul.u32 $0x320, s2  }
0x9: {  	s10 =	sand.u32 $0x1, s5;
	s5 =	sadd.s32 $0x187E00, s8;
	s17 =	smul.u32 $0x140, s2  }
0xa: {  	s6 =	sadd.s32 $0x327000, s8;
	s7 =	sadd.s32 $0x30E800, s8;
	s11 =	smul.u32 $0x62C0, s10  }
0xb: {  	s28 =	ssub.s32 $0x109, s2;
	s30 =	ssub.s32 $0x5E, s2;
	s12 =	smul.u32 $0x30D40, s10  }
0xc: {  	_ =	strace $0x80000050;
	s24 =	ssub.s32 $0x2, s10;
	s22 =	smul.u32 $0xC350, s10  }
0xd: {  	s14 =	sadd.s32 s9, s8;
	s25 =	sshrl.u32 s24, $0x1;
	s9 =	sshrl.u32 s30, $0x4  }
0xe: {  	s13 =	sadd.s32 s11, s8;
	s15 =	sadd.s32 s12, s8;
	s26 =	ssub.s32 s24, s25  }
0xf: {  	s8 =	sshrl.u32 s28, $0x4;
	s11 =	sshrl.u32 s29, $0x2;
	s12 =	sadd.s32 s12, s1  }
0x10: {  	s14 =	sadd.s32 $0x19400, s14;
	v0 =	vmov s22;
	s22 =	simm.s32 $0xA0;
	s24 =	simm.s32 $0x0  }
0x11: {  	s10 =	smax.u32 s26, $0x1;
	s11 =	sadd.s32 s11, s3;
	s12 =	sadd.s32 s16, s12  }
0x12: {  	s16 =	sadd.s32 s16, s15;
	s31 =	sadd.s32 s17, s13;
	s17 =	simm.s32 $0xFA0  }
0x13: {  	v1 =	vimm.f32 $0.0e+00;
	s13 =	sadd.s32 $0x33F800, s16;
	s15 =	sadd.s32 $0x1400, s31;
	s16 =	sadd.s32 $0x19800, s16  }
.LBB2_1:
0x14: {  	s25 =	simm.s32 $0x80;
	s26 =	simm.s32 $0x0  }
.LBB2_2:
0x15: {  	p0 =	sne.s32 s25, $0x6380;
	[tilespmem:s26+$0xFA0] =	vst v1;
	s28 =	smov.u32 s25;
	s25 =	sadd.s32 $0x80, s25  }
.Ltmp0:
0x16: {  	[tilespmem:s26+$0xFB0] =	vst v1;
	(pc) =	sbr.rel @p0 .LBB2_2-.Ltmp0, $2  }
0x17: {  	_ =	sdelay $0x2  }
0x18: {  	s26 =	sshra.s32 s28, $0x2  }
0x19: {  	p0 =	sne.s32 s8, $0x1  }
.Ltmp1:
0x1a: {  	[tilespmem:s26+$0xFA0] =	vst v1;
	(pc) =	sbr.rel @!p0 .LBB2_5-.Ltmp1, $4  }
0x1b: {  	[tilespmem:s26+$0xFB0] =	vst v1  }
0x1c: {  	[spmem:s11] =	stream.linear.scatter [tilespmem:s17], [sflag:$0x2], $0x1900, $0x38;
	[tilespmem:$0x1C840] =	vst v63  }
0x1d: {  	_ =	swait.ge [sflag:s18], $0x1900  }
0x1e: {  	s25 =	sadd.s32 $0xFFFFFFFF, s8;
	s26 =	smov.u32 s11;
	[sflag:s18] =	ssyncset.done $0x0  }
.LBB2_4:
0x1f: {  	p1 =	sne.s32 s25, $0x1;
	[sflag:s18] =	ssyncadd.s32 $0xFFFFE700;
	s26 =	sadd.s32 $0x19000, s26  }
.Ltmp2:
0x20: {  	s25 =	sadd.s32 $0xFFFFFFFF, s25;
	(pc) =	sbr.rel @p1 .LBB2_4-.Ltmp2, $4  }
0x21: {  	_ = 	snop  }
0x22: {  	[spmem:s26] =	stream.linear.scatter [tilespmem:s17], [sflag:$0x2], $0x1900, $0x38;
	[tilespmem:$0x1C840] =	vst v63  }
0x23: {  	_ =	swait.ge [sflag:s18], $0x1900  }
0x24: {  	[sflag:s18] =	ssyncset.done $0x0  }
.LBB2_5:
0x25: {  	[sflag:s18] =	ssyncadd.s32 $0xFFFFE700  }
0x26: {  	[tilespmem:s19], [sflag:$0x2] =	stream.linear.gather [hbm4b:s13+s4], $0x1900, $0x38;
	[tilespmem:$0x1C840] =	vst v63  }
0x27: {  	_ =	swait.ge [sflag:s18], $0x1900  }
.Ltmp3:
0x28: {  	[sflag:s18] =	ssyncset.done $0x0;
	(pc) =	sbr.rel @!p0 .LBB2_7-.Ltmp3, $4  }
0x29: {  	[sflag:s18] =	ssyncadd.s32 $0xFFFFE700  }
0x2a: {  	[hbm4b:s12+s4] =	stream.linear.scatter [tilespmem:s19], [sflag:$0x2], $0x1900, $0x38;
	[tilespmem:$0x1C840] =	vst v63  }
0x2b: {  	s25 =	sadd.s32 $0xFFFFFFFF, s8;
	_ =	swait.ge [sflag:s18], $0x1900  }
0x2c: {  	s26 =	smov.u32 s12;
	s28 =	smov.u32 s13;
	[sflag:s18] =	ssyncset.done $0x0  }
.LBB2_6:
0x2d: {  	[sflag:s18] =	ssyncadd.s32 $0xFFFFE700;
	s26 =	sadd.s32 $0x3200, s26;
	s28 =	sadd.s32 $0x3200, s28  }
0x2e: {  	[tilespmem:s19], [sflag:$0x2] =	stream.linear.gather [hbm4b:s28+s4], $0x1900, $0x38;
	[tilespmem:$0x1C840] =	vst v63  }
0x2f: {  	p1 =	sne.s32 s25, $0x1;
	s25 =	sadd.s32 $0xFFFFFFFF, s25;
	_ =	swait.ge [sflag:s18], $0x1900  }
.Ltmp4:
0x30: {  	[sflag:s18] =	ssyncset.done $0x0;
	(pc) =	sbr.rel @p1 .LBB2_6-.Ltmp4, $4  }
0x31: {  	[sflag:s18] =	ssyncadd.s32 $0xFFFFE700  }
0x32: {  	[hbm4b:s26+s4] =	stream.linear.scatter [tilespmem:s19], [sflag:$0x2], $0x1900, $0x38;
	[tilespmem:$0x1C840] =	vst v63  }
0x33: {  	_ =	swait.ge [sflag:s18], $0x1900  }
0x34: {  	[sflag:s18] =	ssyncset.done $0x0  }
.LBB2_7:
0x35: {  	[sflag:s18] =	ssyncadd.s32 $0xFFFFE700  }
0x36: {  	[bflag:$0x0] =	sbarrier.arrive $0xFFFF  }
0x37: {  	[tilespmem:s4], [sflag:$0x2] =	stream.linear.gather [hbm4b:s14+s4], $0x50, $0x38;
	[tilespmem:$0x1C840] =	vst v63  }
0x38: {  	_ =	swait.ge [sflag:s18], $0x50  }
0x39: {  	[sflag:s18] =	ssyncset.done $0x0  }
0x3a: {  	[sflag:s18] =	ssyncadd.s32 $0xFFFFFFB0  }
0x3b: {  	v2 =	vld [tilespmem:$0x40]  }
0x3c: {  	v3 =	vld [tilespmem:$0x20]  }
0x3d: {  	v4 =	vld [tilespmem:$0x30]  }
0x3e: {  	v5 =	vld [tilespmem:$0x10]  }
0x3f: {  	v6 =	vld [tilespmem:$0x0]  }
0x40: {  	vm0 =	vlt.s32 v2, $0xC350;
	v2 =	vadd.s32 v0, v2  }
0x41: {  	vm1 =	vlt.s32 v3, $0xC350;
	v3 =	vadd.s32 v0, v3;
	v2 =	vnsel vm0, $0x186A0, v2  }
0x42: {  	vm13 =	vlt.s32 v4, $0xC350;
	v4 =	vadd.s32 v0, v4;
	v3 =	vnsel vm1, $0x186A0, v3;
	[tilespmem:$0x40] =	vst v2  }
0x43: {  	p1 =	sne.s32 s9, $0x1;
	vm14 =	vlt.s32 v5, $0xC350;
	v2 =	vadd.s32 v0, v5;
	[tilespmem:$0x20] =	vst v3;
	v3 =	vnsel vm13, $0x186A0, v4  }
.Ltmp5:
0x44: {  	vm15 =	vlt.s32 v6, $0xC350;
	v63 =	vadd.s32 v0, v6;
	v2 =	vnsel vm14, $0x186A0, v2;
	[tilespmem:$0x30] =	vst v3;
	(pc) =	sbr.rel @!p1 .LBB2_9-.Ltmp5, $4  }
0x45: {  	v3 =	vnsel vm15, $0x186A0, v63;
	[tilespmem:$0x10] =	vst v2  }
0x46: {  	s25 =	sadd.s32 $0xFFFFFFFF, s9;
	[tilespmem:$0x0] =	vst v3  }
0x47: {  	[tilespmem:s20], [sflag:$0x2] =	stream.linear.gather [hbm4b:s15+s4], $0xA00, $0x38;
	[tilespmem:$0x1C840] =	vst v63  }
0x48: {  	s26 =	smov.u32 s14;
	s28 =	smov.u32 s15;
	_ =	swait.ge [sflag:s18], $0xA00  }
.LBB2_8:
0x49: {  	[sflag:s18] =	ssyncset.done $0x0;
	s26 =	sadd.s32 $0xA0, s26;
	s28 =	sadd.s32 $0x1400, s28  }
0x4a: {  	p1 =	sne.s32 s25, $0x1;
	s25 =	sadd.s32 $0xFFFFFFFF, s25;
	[sflag:s18] =	ssyncadd.s32 $0xFFFFF600  }
0x4b: {  	[hbm4b:s1+s21] =	stream.indirect.scatter [tilespmem:s20], [sflag:$0x2], $0x20, s4, s21, $0xb8;
	[tilespmem:$0x1C840] =	vst v63  }
0x4c: {  	_ =	swait.ge [sflag:s18], $0xA00  }
0x4d: {  	[sflag:s18] =	ssyncset.done $0x0  }
0x4e: {  	[sflag:s18] =	ssyncadd.s32 $0xFFFFF600  }
0x4f: {  	[tilespmem:s4], [sflag:$0x2] =	stream.linear.gather [hbm4b:s26+s4], $0x50, $0x38;
	[tilespmem:$0x1C840] =	vst v63  }
0x50: {  	_ =	swait.ge [sflag:s18], $0x50  }
0x51: {  	[sflag:s18] =	ssyncset.done $0x0  }
0x52: {  	[sflag:s18] =	ssyncadd.s32 $0xFFFFFFB0  }
0x53: {  	v2 =	vld [tilespmem:$0x40]  }
0x54: {  	v3 =	vld [tilespmem:$0x20]  }
0x55: {  	v4 =	vld [tilespmem:$0x30]  }
0x56: {  	v5 =	vld [tilespmem:$0x10]  }
0x57: {  	v6 =	vld [tilespmem:$0x0]  }
0x58: {  	vm0 =	vlt.s32 v2, $0xC350;
	v2 =	vadd.s32 v0, v2  }
0x59: {  	vm1 =	vlt.s32 v3, $0xC350;
	v3 =	vadd.s32 v0, v3;
	v2 =	vnsel vm0, $0x186A0, v2  }
0x5a: {  	v3 =	vnsel vm1, $0x186A0, v3;
	vm0 =	vlt.s32 v4, $0xC350;
	v4 =	vadd.s32 v0, v4;
	[tilespmem:$0x40] =	vst v2  }
0x5b: {  	vm1 =	vlt.s32 v5, $0xC350;
	v2 =	vadd.s32 v0, v5;
	[tilespmem:$0x20] =	vst v3;
	v3 =	vnsel vm0, $0x186A0, v4  }
.Ltmp6:
0x5c: {  	vm0 =	vlt.s32 v6, $0xC350;
	v4 =	vadd.s32 v0, v6;
	v2 =	vnsel vm1, $0x186A0, v2;
	[tilespmem:$0x30] =	vst v3;
	(pc) =	sbr.rel @p1 .LBB2_8-.Ltmp6, $4  }
0x5d: {  	v3 =	vnsel vm0, $0x186A0, v4;
	[tilespmem:$0x10] =	vst v2  }
0x5e: {  	[tilespmem:$0x0] =	vst v3  }
0x5f: {  	[tilespmem:s20], [sflag:$0x2] =	stream.linear.gather [hbm4b:s28+s4], $0xA00, $0x38;
	[tilespmem:$0x1C840] =	vst v63  }
0x60: {  	_ =	swait.ge [sflag:s18], $0xA00  }
.LBB2_9:
0x61: {  	[sflag:s18] =	ssyncset.done $0x0  }
0x62: {  	[sflag:s18] =	ssyncadd.s32 $0xFFFFF600  }
0x63: {  	[hbm4b:s1+s21] =	stream.indirect.scatter [tilespmem:s20], [sflag:$0x2], $0x20, s4, s21, $0xb8;
	[tilespmem:$0x1C840] =	vst v63  }
0x64: {  	_ =	swait.ge [sflag:s18], $0xA00  }
0x65: {  	[sflag:s18] =	ssyncset.done $0x0  }
0x66: {  	[sflag:s18] =	ssyncadd.s32 $0xFFFFF600  }
0x67: {  	s25 =	simm.s32 $0x0;
	s26 =	simm.s32 $0x0;
	[bflag:$0x0] =	sbarrier.arrive $0xFFFF  }
.LBB2_10:
0x68: {  	s28 =	sshll.u32 s26, $0x4  }
0x69: {  	s28 =	sor.u32 s2, s28  }
0x6a: {  	s29 =	smul.u32 $0xA, s28;
	_ =	sdelay $0x1  }
0x6b: {  	s30 =	sadd.s32 s6, s29  }
0x6c: {  	[tilespmem:s25], [sflag:$0x2] =	stream.linear.gather [hbm4b:s30+s25], $0x50, $0x38;
	[tilespmem:$0x1C840] =	vst v63  }
0x6d: {  	_ =	swait.ge [sflag:s18], $0x50  }
0x6e: {  	[sflag:s18] =	ssyncset.done $0x0  }
0x6f: {  	s29 =	sadd.s32 s7, s29;
	[sflag:s18] =	ssyncadd.s32 $0xFFFFFFB0  }
0x70: {  	[tilespmem:s21], [sflag:$0x2] =	stream.linear.gather [hbm4b:s29+s25], $0x50, $0x38;
	[tilespmem:$0x1C840] =	vst v63  }
0x71: {  	s28 =	smul.u32 $0xA0, s28;
	_ =	swait.ge [sflag:s18], $0x50  }
0x72: {  	[sflag:s18] =	ssyncset.done $0x0  }
0x73: {  	s28 =	sadd.s32 s5, s28;
	[sflag:s18] =	ssyncadd.s32 $0xFFFFFFB0  }
0x74: {  	[tilespmem:s22], [sflag:$0x2] =	stream.linear.gather [hbm4b:s28+s25], $0x500, $0x38;
	[tilespmem:$0x1C840] =	vst v63  }
0x75: {  	_ =	swait.ge [sflag:s18], $0x500  }
0x76: {  	[sflag:s18] =	ssyncset.done $0x0  }
0x77: {  	[sflag:s18] =	ssyncadd.s32 $0xFFFFFB00  }
0x78: {  	v2 =	vld [tilespmem:$0x0]  }
0x79: {  	v3 =	vld [tilespmem:$0x10]  }
0x7a: {  	v4 =	vld [tilespmem:$0x20]  }
0x7b: {  	v5 =	vld [tilespmem:$0x30]  }
0x7c: {  	v6 =	vld [tilespmem:$0x40]  }
0x7d: {  	v2 =	vadd.s32 v0, v2  }
0x7e: {  	[tilespmem:$0x0] =	vst v2;
	v2 =	vadd.s32 v0, v3  }
0x7f: {  	[tilespmem:$0x10] =	vst v2;
	v2 =	vadd.s32 v0, v4  }
0x80: {  	[tilespmem:$0x20] =	vst v2;
	v2 =	vadd.s32 v0, v5  }
0x81: {  	[tilespmem:$0x30] =	vst v2;
	v2 =	vadd.s32 v0, v6  }
0x82: {  	[tilespmem:$0x40] =	vst v2  }
0x83: {  	[tilespmem:s20], [sflag:$0x1] =	stream.indirect.gather [hbm4b:s1+s21], $0x20, s25, s21, $0xb8;
	[tilespmem:$0x1C840] =	vst v63  }
0x84: {  	_ =	swait.ge [sflag:s23], $0xA00  }
0x85: {  	[sflag:s23] =	ssyncset.done $0x0  }
0x86: {  	s28 =	simm.s32 $0x5B0;
	[sflag:s23] =	ssyncadd.s32 $0xFFFFF600  }
0x87: {  	s29 =	simm.s32 $0x0;
	v2 =	vld [tilespmem:s28+$0xFFFFFFF0]  }
0x88: {  	v4 =	vld [tilespmem:s29+$0xA0]  }
0x89: {  	v5 =	vld [tilespmem:s28+$0x0];
	_ =	sdelay $0x4  }
0x8a: {  	s30 =	simm.s32 $0x5B0;
	s29 =	simm.s32 $0x40;
	v3 =	vmul.f32 v2, v4;
	v2 =	vmul.f32 v5, v4  }
.LBB2_11:
0x8b: {  	p1 =	sne.s32 s29, $0x13C0  }
0x8c: {  	[tilespmem:s28+$0xFFFFFFF0] =	vst v3;
	s30 =	sadd.s32 $0x20, s30;
	s31 =	smov.u32 s29;
	s29 =	sadd.s32 $0x40, s29  }
0x8d: {  	s31 =	sshra.s32 s31, $0x2;
	v3 =	vld [tilespmem:s30+$0xFFFFFFF0];
	[tilespmem:s28+$0x0] =	vst v2;
	s28 =	smov.u32 s30  }
0x8e: {  	v2 =	vld [tilespmem:s31+$0xA0]  }
0x8f: {  	v4 =	vld [tilespmem:s30+$0x0]  }
.Ltmp7:
0x90: {  	(pc) =	sbr.rel @p1 .LBB2_11-.Ltmp7, $3  }
0x91: {  	_ =	sdelay $0x1  }
0x92: {  	v3 =	vmul.f32 v3, v2  }
0x93: {  	v2 =	vmul.f32 v4, v2  }
0x94: {  	s26 =	sadd.s32 $0x1, s26  }
0x95: {  	[tilespmem:s28+$0xFFFFFFF0] =	vst v3;
	p1 =	sne.s32 s26, $0x271  }
.Ltmp8:
0x96: {  	[tilespmem:s28+$0x0] =	vst v2;
	(pc) =	sbr.rel @p1 .LBB2_10-.Ltmp8, $4  }
0x97: {  	[spmem:s3] =	stream.indirect.scatter.add.f32 [tilespmem:s20], [sflag:$0x2], $0x20, s21, s21, $0xb8;
	[tilespmem:$0x1C840] =	vst v63  }
0x98: {  	_ =	swait.ge [sflag:s18], $0xA00  }
0x99: {  	[sflag:s18] =	ssyncset.done $0x0  }
0x9a: {  	[sflag:s18] =	ssyncadd.s32 $0xFFFFF600  }
.Ltmp9:
0x9b: {  	(pc) =	sbr.rel @!p0 .LBB2_15-.Ltmp9, $4  }
0x9c: {  	s25 =	sshll.u32 s2, $0x6;
	[bflag:$0x0] =	sbarrier.arrive $0xFFFF  }
0x9d: {  	s26 =	sshrl.u32 s11, $0x3;
	s28 =	sadd.s32 $0x3200, s16;
	s25 =	sor.u32 $0x1C02, s25  }
0x9e: {  	[hbm:s16], [sflag:s25] =	dma.local [spmem:s26], $0x320  }
0x9f: {  	s29 =	smov.u32 s11;
	s26 =	sadd.s32 $0xFFFFFFFF, s8;
	_ =	swait.ge [sflag:s18], $0x320  }
.LBB2_14:
0xa0: {  	[sflag:s18] =	ssyncset.done $0x0;
	s29 =	sadd.s32 $0x19000, s29;
	p0 =	sne.s32 s26, $0x1  }
.Ltmp10:
0xa1: {  	s30 =	sshrl.u32 s29, $0x3;
	[sflag:s18] =	ssyncadd.s32 $0xFFFFFCE0;
	(pc) =	sbr.rel @p0 .LBB2_14-.Ltmp10, $3  }
0xa2: {  	[hbm:s28], [sflag:s25] =	dma.local [spmem:s30], $0x320  }
0xa3: {  	s26 =	sadd.s32 $0xFFFFFFFF, s26;
	_ =	sdelay $0x1  }
0xa4: {  	s28 =	sadd.s32 $0x3200, s28;
	_ =	swait.ge [sflag:s18], $0x320  }
.LBB2_15:
0xa5: {  	s24 =	sadd.s32 $0x1, s24  }
0xa6: {  	p0 =	sne.s32 s24, s10  }
.Ltmp11:
0xa7: {  	_ = 	snop;
	(pc) =	sbr.rel @p0 .LBB2_1-.Ltmp11, $3  }
0xa8: {  	_ =	sdelay $0x1  }
0xa9: {  	[sflag:s18] =	ssyncset.done $0x0  }
0xaa: {  	[sflag:s18] =	ssyncadd.s32 $0xFFFFFCE0  }
0xab: {  	_ =	sfence.sel $0x180000  }
0xac: {  	[bflag:$0x0] =	sbarrier.arrive $0xFFFF  }
0xad: {  	p0 =	sne.s32 s2, $0x0;
	_ =	strace $0x90000050  }
0xae: {  	s0 =	sadd.s32 @!p0 $0x100000, s0;
	[bflag:$0x2] =	sbarrier.arrive $0xFFFF  }
0xaf: {  	[sflag:s0] =	ssyncadd.tile.s32 @!p0 $0x1;
	_ =	shalt  }
.Lfunc_end2:
_tile_overlayer_lowered:
.L_overlay_start_2:
0xb0: {  	(tag) =	ssettag $0x2  }
0xb1: {  	s0 =	rddreg [dreg:$0x0];
	s2 =	stileid.u32  }
0xb2: {  	s1 =	rddreg [dreg:$0x1];
	p0 =	sne.s32 s2, $0x0  }
0xb3: {  	s3 =	rddreg [dreg:$0x2];
	[bflag:$0x3] =	sbarrier.arrive $0xFFFF;
	s2 =	simm.s32 @!p0 $0x1C02  }
0xb4: {  	[timem:s3], [sflag:s2] =	dma.local @!p0 [hbm:s0], s1  }
0xb5: {  	s0 =	simm.s32 @!p0 $0x2  }
0xb6: {  	_ =	swait.ge @!p0 [sflag:s0], s1  }
0xb7: {  	s1 =	ssub.s32 @!p0 $0x0, s1;
	[sflag:s0] =	ssyncset.done @!p0 $0x0  }
0xb8: {  	[sflag:s0] =	ssyncadd.s32 @!p0 s1  }
0xb9: {  	[bflag:$0x3] =	sbarrier.arrive $0xFFFF  }
0xba: {  	_ =	shalt  }

</sc_bundles>
